<compile_context>
chip_gen: v7x
topology: tpu7x:2x2x1
jax: 0.10.2.dev20260603
libtpu: 0.0.44.dev20260713+nightly
codegen_flags: <defaults>
</compile_context>

<pallas_src>
import functools

import jax
import jax.numpy as jnp
from jax import lax
from jax.experimental import pallas as pl
from jax.experimental.pallas import tpu as pltpu
from jax.experimental.pallas import tpu_sc as plsc

B, S, VOCAB, HIDDEN = 16, 8, 100000, 128
MASK_ID = 103
K = 5
ROWS = B * S
NWORKERS = 32
RPW = ROWS // NWORKERS
L = 16
VEC = VOCAB // L
LN2 = 0.6931471805599453
SQRT2 = 1.4142135623730951


def _vlog(x):
    bits = lax.bitcast_convert_type(x, jnp.int32)
    e = lax.shift_right_arithmetic(bits, 23) - 127
    m = lax.bitcast_convert_type(
        (bits & jnp.int32(0x007FFFFF)) | jnp.int32(0x3F800000),
        jnp.float32)
    big = m > SQRT2
    m = jnp.where(big, m * 0.5, m)
    ef = (e + big.astype(jnp.int32)).astype(jnp.float32)
    s = (m - 1.0) / (m + 1.0)
    s2 = s * s
    p = 1.0 + s2 * (1.0 / 3.0 + s2 * (0.2 + s2 * (1.0 / 7.0)))
    return ef * LN2 + 2.0 * s * p


@functools.partial(
    pl.kernel,
    mesh=plsc.VectorSubcoreMesh(core_axis_name="c", subcore_axis_name="s"),
    out_type=jax.ShapeDtypeStruct((ROWS, HIDDEN), jnp.float32),
    compiler_params=pltpu.CompilerParams(needs_layout_passes=False),
    scratch_types=[
        pltpu.VMEM((ROWS + L,), jnp.int32),
        pltpu.VMEM((L,), jnp.float32),
        pltpu.VMEM((L, HIDDEN), jnp.float32),
        pltpu.VMEM((L, HIDDEN), jnp.float32),
        pltpu.VMEM((VOCAB,), jnp.float32),
        pltpu.VMEM((HIDDEN,), jnp.float32),
        pltpu.SemaphoreType.DMA,
    ],
)
def _sc_soft_mask(xt_hbm, probs_hbm, emb_hbm, om_hbm, out_hbm,
                  xt_v, om_v, ebuf, fbuf, row_v, orow_v, sem):
    wid = lax.axis_index("c") * 16 + lax.axis_index("s")
    base = wid * RPW
    pltpu.sync_copy(xt_hbm, xt_v.at[pl.ds(0, ROWS)])
    pltpu.sync_copy(om_hbm, om_v)
    lanes = lax.iota(jnp.int32, L)
    xvec = xt_v[pl.ds(base, L)]
    xs = [xvec[j] for j in range(RPW)]
    idxv = jnp.full((L,), MASK_ID, jnp.int32)
    for j in range(RPW):
        idxv = jnp.where(lanes == j, xs[j], idxv)
    pltpu.async_copy(emb_hbm.at[idxv], ebuf, sem).wait()
    omv = om_v[...]
    ros = omv[0]
    roa = omv[1]
    rob = omv[2]
    neg = jnp.full((L,), -jnp.inf, jnp.float32)
    zf = jnp.zeros((L,), jnp.float32)
    zi = jnp.zeros((L,), jnp.int32)

    for j in range(RPW):
        r = base + j
        masked = xs[j] == MASK_ID

        @pl.when(jnp.logical_not(masked))
        def _():
            pltpu.sync_copy(ebuf.at[j], out_hbm.at[r])

        @pl.when(masked)
        def _():
            pltpu.sync_copy(probs_hbm.at[r], row_v)

            def pass1(i, carry):
                acc, best, bidx = carry
                v = row_v[pl.ds(i * L, L)]
                acc = acc + v * _vlog(v + 1e-10)
                m = v > best
                best = jnp.where(m, v, best)
                bidx = jnp.where(m, lanes + i * L, bidx)
                return acc, best, bidx

            def passk(i, carry):
                best, bidx = carry
                v = row_v[pl.ds(i * L, L)]
                m = v > best
                best = jnp.where(m, v, best)
                bidx = jnp.where(m, lanes + i * L, bidx)
                return best, bidx

            acc, best, bidx = lax.fori_loop(0, VEC, pass1, (zf, neg, zi))
            gvals, gidxs = [], []
            for k in range(K):
                if k > 0:
                    best, bidx = lax.fori_loop(0, VEC, passk, (neg, zi))
                gm = jnp.max(best)
                gi = jnp.min(jnp.where(best == gm, bidx, jnp.int32(0x7FFFFFFF)))
                gvals.append(gm)
                gidxs.append(gi)
                if k < K - 1:
                    plsc.store_scatter(row_v, [jnp.full((L,), gi, jnp.int32)],
                                       neg, mask=lanes == 0)

            gidxv = jnp.full((L,), MASK_ID, jnp.int32)
            for k in range(K):
                gidxv = jnp.where(lanes == k, gidxs[k], gidxv)
            pltpu.async_copy(emb_hbm.at[gidxv], fbuf, sem).wait()

            sumwv = jnp.full((L,), gvals[0] + gvals[1] + gvals[2]
                             + gvals[3] + gvals[4], jnp.float32)
            invv = jnp.full((L,), 1.0, jnp.float32) / sumwv
            wv = [jnp.full((L,), gvals[k], jnp.float32) * invv for k in range(K)]
            sacc = jnp.sum(acc)
            inner = roa * (sacc - rob)
            innerv = jnp.full((L,), inner, jnp.float32)
            rosv = jnp.full((L,), ros, jnp.float32)
            lamv = rosv / (1.0 + jnp.exp(-innerv))
            for h in range(HIDDEN // L):
                sl = pl.ds(h * L, L)
                fb = wv[0] * fbuf[0, sl]
                fb = fb + wv[1] * fbuf[1, sl]
                fb = fb + wv[2] * fbuf[2, sl]
                fb = fb + wv[3] * fbuf[3, sl]
                fb = fb + wv[4] * fbuf[4, sl]
                orow_v[sl] = lamv * fb + (1.0 - lamv) * ebuf[RPW, sl]
            pltpu.sync_copy(orow_v, out_hbm.at[r])


def kernel(x_t, probs, embedding_weight, omega_s, omega_a, omega_b):
    xt = x_t.reshape(ROWS).astype(jnp.int32)
    p2 = probs.reshape(ROWS, VOCAB)
    ros = jax.nn.sigmoid(omega_s).astype(jnp.float32)
    roa = jnp.logaddexp(omega_a, 0.0).astype(jnp.float32)
    rob = omega_b.astype(jnp.float32)
    om = jnp.zeros((L,), jnp.float32).at[0].set(ros).at[1].set(roa).at[2].set(rob)
    out = _sc_soft_mask(xt, p2, embedding_weight, om)
    return out.reshape(B, S, HIDDEN)

# --- scband reference (transcript-rebuilt; emitter-appended) ---
"""Pipeline reference for scband-soft-masking-module-48395691491576 (READ-ONLY COPY).

The authoritative reference and input builder live on the scoring server;
editing this copy changes nothing except your own understanding.
"""

import jax, jax.numpy as jnp
import numpy as np

B, S, VOCAB, HIDDEN = 16, 8, 100000, 128
MASK_TOKEN_ID = 103
K = 5


def setup_inputs(seed: int = 0) -> dict:
    key = jax.random.key(seed)
    k1, k2, k3 = jax.random.split(key, 3)
    x_t = jax.random.randint(k1, (B, S), 0, VOCAB, dtype=jnp.int64 if jax.config.jax_enable_x64 else jnp.int32)
    u = jax.random.uniform(k2, (B, S, VOCAB), dtype=jnp.float32)
    probs = u / jnp.sum(u, axis=-1, keepdims=True)
    embedding_weight = jax.random.normal(k3, (VOCAB, HIDDEN), dtype=jnp.float32)
    omega_s = jnp.array(-1.0, dtype=jnp.float32)
    omega_a = jnp.array(0.0, dtype=jnp.float32)
    omega_b = jnp.array(0.0, dtype=jnp.float32)
    return {
        "x_t": x_t,
        "probs": probs,
        "embedding_weight": embedding_weight,
        "omega_s": omega_s,
        "omega_a": omega_a,
        "omega_b": omega_b,
    }


def _softplus(x):
    return jnp.logaddexp(x, 0.0)


def reference(x_t, probs, embedding_weight, omega_s, omega_a, omega_b):
    # is_mask: (B, S, 1)
    is_mask = (x_t == MASK_TOKEN_ID)[..., None].astype(jnp.float32)
    # mask embedding vector: (HIDDEN,)
    mask_vector = jnp.take(embedding_weight, MASK_TOKEN_ID, axis=0)

    # top-k feedback embeddings
    topk_probs, topk_indices = jax.lax.top_k(probs, K)  # (B, S, K)
    topk_probs_norm = topk_probs / jnp.sum(topk_probs, axis=-1, keepdims=True)
    topk_embeds = jnp.take(embedding_weight, topk_indices, axis=0)  # (B, S, K, HIDDEN)
    feedback_embeds = jnp.sum(topk_embeds * topk_probs_norm[..., None], axis=2)  # (B, S, HIDDEN)

    # lambda mixing coefficient
    log_probs = jnp.log(probs + 1e-10)
    entropy = -jnp.sum(probs * log_probs, axis=-1)  # (B, S)
    real_omega_s = jax.nn.sigmoid(omega_s)
    real_omega_a = _softplus(omega_a)
    real_omega_b = omega_b
    inner = real_omega_a * (-entropy - real_omega_b)
    lam = (real_omega_s * jax.nn.sigmoid(inner))[..., None]  # (B, S, 1)

    soft_mask_embeds = lam * feedback_embeds + (1.0 - lam) * mask_vector
    real_embeds = jnp.take(embedding_weight, x_t, axis=0)  # (B, S, HIDDEN)
    final_embeds = (1.0 - is_mask) * real_embeds + is_mask * soft_mask_embeds
    return final_embeds

if __name__ == "__main__":
    import jax
    _d = setup_inputs()
    print(jax.jit(kernel)(*tuple(_d.values())))

</pallas_src>

<mosaic_0001>
#map = affine_map<(d0, d1) -> (0)>
#map1 = affine_map<(d0, d1) -> (0, 0)>
module attributes {stable_mosaic.version = 14 : i64} {
  func.func @_sc_soft_mask(%arg0: i32, %arg1: i32, %arg2: memref<128xi32, #tpu.memory_space<hbm>>, %arg3: memref<128x100000xf32, #tpu.memory_space<hbm>>, %arg4: memref<100000x128xf32, #tpu.memory_space<hbm>>, %arg5: memref<16xf32, #tpu.memory_space<hbm>>, %arg6: memref<128x128xf32, #tpu.memory_space<hbm>>, %arg7: memref<144xi32, #tpu.memory_space<vmem>>, %arg8: memref<16xf32, #tpu.memory_space<vmem>>, %arg9: memref<16x128xf32, #tpu.memory_space<vmem>>, %arg10: memref<16x128xf32, #tpu.memory_space<vmem>>, %arg11: memref<100000xf32, #tpu.memory_space<vmem>>, %arg12: memref<128xf32, #tpu.memory_space<vmem>>, %arg13: memref<!tpu.dma_semaphore, #tpu.memory_space<semaphore_mem>>) attributes {dimension_semantics = [#tpu.dimension_semantics<core_parallel>, #tpu.dimension_semantics<subcore_parallel>], iteration_bounds = array<i64: 2, 16>, scalar_prefetch = 0 : i64, scratch_operands = 7 : i64, tpu.core_type = #tpu.core_type<sc_vector_subcore>, window_params = [{transform_indices = #map}, {transform_indices = #map1}, {transform_indices = #map1}, {transform_indices = #map}, {transform_indices = #map1}]} {
    %mul3A = arith.constant 16 : i32
    %mul3A_0 = arith.muli %arg0, %mul3A : i32
    %add3A = arith.addi %mul3A_0, %arg1 : i32
    %mul3A_1 = arith.constant 4 : i32
    %mul3A_2 = arith.muli %add3A, %mul3A_1 : i32
    "tpu.region"() ({
      %run_scoped3A = tpu.sem_alloc : memref<!tpu.dma_semaphore, #tpu.memory_space<semaphore_mem>>
      %dma_start3A_92 = arith.constant 0 : i32
      %dma_start3A_93 = tpu.memref_slice %arg7[%dma_start3A_92] : memref<144xi32, #tpu.memory_space<vmem>> -> memref<128xi32, #tpu.memory_space<vmem>>
      %dma_start3A_94 = arith.constant 0 : i32
      %dma_start3A_95 = tpu.memref_slice %arg7[%dma_start3A_94] : memref<144xi32, #tpu.memory_space<vmem>> -> memref<128xi32, #tpu.memory_space<vmem>>
      tpu.enqueue_dma source(%arg2 : memref<128xi32, #tpu.memory_space<hbm>>) target(%dma_start3A_95 : memref<128xi32, #tpu.memory_space<vmem>>) target_semaphore(%run_scoped3A : memref<!tpu.dma_semaphore, #tpu.memory_space<semaphore_mem>>)
      %dma_wait3A_96 = arith.constant 0 : i32
      %dma_wait3A_97 = tpu.memref_slice %arg7[%dma_wait3A_96] : memref<144xi32, #tpu.memory_space<vmem>> -> memref<128xi32, #tpu.memory_space<vmem>>
      %dma_wait3A_98 = arith.constant 0 : i32
      %dma_wait3A_99 = tpu.memref_slice %arg7[%dma_wait3A_98] : memref<144xi32, #tpu.memory_space<vmem>> -> memref<128xi32, #tpu.memory_space<vmem>>
      tpu.wait_dma2 semaphore(%run_scoped3A : memref<!tpu.dma_semaphore, #tpu.memory_space<semaphore_mem>>) src(%arg2 : memref<128xi32, #tpu.memory_space<hbm>>) dst(%dma_wait3A_99 : memref<128xi32, #tpu.memory_space<vmem>>)
      tpu.yield
    }) : () -> ()
    "tpu.region"() ({
      %run_scoped3A = tpu.sem_alloc : memref<!tpu.dma_semaphore, #tpu.memory_space<semaphore_mem>>
      tpu.enqueue_dma source(%arg5 : memref<16xf32, #tpu.memory_space<hbm>>) target(%arg8 : memref<16xf32, #tpu.memory_space<vmem>>) target_semaphore(%run_scoped3A : memref<!tpu.dma_semaphore, #tpu.memory_space<semaphore_mem>>)
      tpu.wait_dma2 semaphore(%run_scoped3A : memref<!tpu.dma_semaphore, #tpu.memory_space<semaphore_mem>>) src(%arg5 : memref<16xf32, #tpu.memory_space<hbm>>) dst(%arg8 : memref<16xf32, #tpu.memory_space<vmem>>)
      tpu.yield
    }) : () -> ()
    %iota3A = tpu.iota {dimensions = array<i32: 0>} : vector<16xi32>
    %get3A = arith.index_cast %mul3A_2 : i32 to index
    %get3A_3 = tpu.vector_load %arg7[%get3A] {strides = array<i32>} : memref<144xi32, #tpu.memory_space<vmem>>, vector<16xi32>,
    %slice3A = vector.extract_strided_slice %get3A_3 {offsets = [0], sizes = [1], strides = [1]} : vector<16xi32> to vector<1xi32>
    %squeeze3A = vector.extract %slice3A[0] : i32 from vector<1xi32>
    %slice3A_4 = vector.extract_strided_slice %get3A_3 {offsets = [1], sizes = [1], strides = [1]} : vector<16xi32> to vector<1xi32>
    %squeeze3A_5 = vector.extract %slice3A_4[0] : i32 from vector<1xi32>
    %slice3A_6 = vector.extract_strided_slice %get3A_3 {offsets = [2], sizes = [1], strides = [1]} : vector<16xi32> to vector<1xi32>
    %squeeze3A_7 = vector.extract %slice3A_6[0] : i32 from vector<1xi32>
    %slice3A_8 = vector.extract_strided_slice %get3A_3 {offsets = [3], sizes = [1], strides = [1]} : vector<16xi32> to vector<1xi32>
    %squeeze3A_9 = vector.extract %slice3A_8[0] : i32 from vector<1xi32>
    %broadcast_in_dim3A = arith.constant 103 : i32
    %broadcast_in_dim3A_10 = vector.broadcast %broadcast_in_dim3A : i32 to vector<16xi32>
    %eq3A = arith.constant 0 : i32
    %eq3A_11 = vector.broadcast %eq3A : i32 to vector<16xi32>
    %eq3A_12 = arith.cmpi eq, %iota3A, %eq3A_11 : vector<16xi32>
    %broadcast_in_dim3A_13 = vector.broadcast %squeeze3A : i32 to vector<16xi32>
    %select_n3A = arith.select %eq3A_12, %broadcast_in_dim3A_13, %broadcast_in_dim3A_10 : vector<16xi1>, vector<16xi32>
    %eq3A_14 = arith.constant 1 : i32
    %eq3A_15 = vector.broadcast %eq3A_14 : i32 to vector<16xi32>
    %eq3A_16 = arith.cmpi eq, %iota3A, %eq3A_15 : vector<16xi32>
    %broadcast_in_dim3A_17 = vector.broadcast %squeeze3A_5 : i32 to vector<16xi32>
    %select_n3A_18 = arith.select %eq3A_16, %broadcast_in_dim3A_17, %select_n3A : vector<16xi1>, vector<16xi32>
    %eq3A_19 = arith.constant 2 : i32
    %eq3A_20 = vector.broadcast %eq3A_19 : i32 to vector<16xi32>
    %eq3A_21 = arith.cmpi eq, %iota3A, %eq3A_20 : vector<16xi32>
    %broadcast_in_dim3A_22 = vector.broadcast %squeeze3A_7 : i32 to vector<16xi32>
    %select_n3A_23 = arith.select %eq3A_21, %broadcast_in_dim3A_22, %select_n3A_18 : vector<16xi1>, vector<16xi32>
    %eq3A_24 = arith.constant 3 : i32
    %eq3A_25 = vector.broadcast %eq3A_24 : i32 to vector<16xi32>
    %eq3A_26 = arith.cmpi eq, %iota3A, %eq3A_25 : vector<16xi32>
    %broadcast_in_dim3A_27 = vector.broadcast %squeeze3A_9 : i32 to vector<16xi32>
    %select_n3A_28 = arith.select %eq3A_26, %broadcast_in_dim3A_27, %select_n3A_23 : vector<16xi1>, vector<16xi32>
    %dma_start3A = arith.constant 0 : i32
    %dma_start3A_29 = arith.constant 0 : i32
    %dma_start3A_30 = tpu.memref_slice %arg4[%dma_start3A, %dma_start3A_29] : memref<100000x128xf32, #tpu.memory_space<hbm>> -> memref<100000x128xf32, #tpu.memory_space<hbm>>
    tpu.enqueue_indirect_dma source(%dma_start3A_30 : memref<100000x128xf32, #tpu.memory_space<hbm>>) target(%arg9 : memref<16x128xf32, #tpu.memory_space<vmem>>) offsets(%select_n3A_28 : vector<16xi32>) semaphore(%arg13 : memref<!tpu.dma_semaphore, #tpu.memory_space<semaphore_mem>>)
    %dma_wait3A = arith.constant 0 : i32
    %dma_wait3A_31 = arith.constant 0 : i32
    %dma_wait3A_32 = tpu.memref_slice %arg4[%dma_wait3A, %dma_wait3A_31] : memref<100000x128xf32, #tpu.memory_space<hbm>> -> memref<100000x128xf32, #tpu.memory_space<hbm>>
    tpu.wait_indirect_dma semaphore(%arg13 : memref<!tpu.dma_semaphore, #tpu.memory_space<semaphore_mem>>) src(%dma_wait3A_32 : memref<100000x128xf32, #tpu.memory_space<hbm>>) dst(%arg9 : memref<16x128xf32, #tpu.memory_space<vmem>>)
    %get3A_33 = arith.constant 0 : index
    %get3A_34 = tpu.vector_load %arg8[%get3A_33] {strides = array<i32>} : memref<16xf32, #tpu.memory_space<vmem>>, vector<16xf32>,
    %slice3A_35 = vector.extract_strided_slice %get3A_34 {offsets = [0], sizes = [1], strides = [1]} : vector<16xf32> to vector<1xf32>
    %squeeze3A_36 = vector.extract %slice3A_35[0] : f32 from vector<1xf32>
    %slice3A_37 = vector.extract_strided_slice %get3A_34 {offsets = [1], sizes = [1], strides = [1]} : vector<16xf32> to vector<1xf32>
    %squeeze3A_38 = vector.extract %slice3A_37[0] : f32 from vector<1xf32>
    %slice3A_39 = vector.extract_strided_slice %get3A_34 {offsets = [2], sizes = [1], strides = [1]} : vector<16xf32> to vector<1xf32>
    %squeeze3A_40 = vector.extract %slice3A_39[0] : f32 from vector<1xf32>
    %broadcast_in_dim3A_41 = arith.constant 0xFF800000 : f32
    %broadcast_in_dim3A_42 = vector.broadcast %broadcast_in_dim3A_41 : f32 to vector<16xf32>
    %broadcast_in_dim3A_43 = arith.constant 0.000000e+00 : f32
    %broadcast_in_dim3A_44 = vector.broadcast %broadcast_in_dim3A_43 : f32 to vector<16xf32>
    %broadcast_in_dim3A_45 = arith.constant 0 : i32
    %broadcast_in_dim3A_46 = vector.broadcast %broadcast_in_dim3A_45 : i32 to vector<16xi32>
    %add3A_47 = arith.constant 0 : i32
    %add3A_48 = arith.addi %mul3A_2, %add3A_47 : i32
    %eq3A_49 = arith.constant 103 : i32
    %eq3A_50 = arith.cmpi eq, %squeeze3A, %eq3A_49 : i32
    %not3A = arith.constant true
    %not3A_51 = arith.xori %eq3A_50, %not3A : i1
    %convert_element_type3A = arith.extui %not3A_51 : i1 to i32
    %cond3A = arith.constant 0 : i32
    %cond3A_52 = arith.cmpi ne, %convert_element_type3A, %cond3A : i32
    scf.if %cond3A_52 {
      %run_scoped3A = arith.constant 0 : i32
      "tpu.region"() ({
        %run_scoped3A_92 = tpu.sem_alloc : memref<!tpu.dma_semaphore, #tpu.memory_space<semaphore_mem>>
        %dma_start3A_93 = arith.constant 0 : i32
        %dma_start3A_94 = tpu.memref_slice %arg9[%run_scoped3A, %dma_start3A_93] : memref<16x128xf32, #tpu.memory_space<vmem>> -> memref<1x128xf32, #tpu.memory_space<vmem>>
        %dma_start3A_95 = tpu.memref_squeeze %dma_start3A_94 : memref<1x128xf32, #tpu.memory_space<vmem>> -> memref<128xf32, #tpu.memory_space<vmem>>
        %dma_start3A_96 = arith.constant 0 : i32
        %dma_start3A_97 = tpu.memref_slice %arg6[%add3A_48, %dma_start3A_96] : memref<128x128xf32, #tpu.memory_space<hbm>> -> memref<1x128xf32, #tpu.memory_space<hbm>>
        %dma_start3A_98 = tpu.memref_squeeze %dma_start3A_97 : memref<1x128xf32, #tpu.memory_space<hbm>> -> memref<128xf32, #tpu.memory_space<hbm>>
        %dma_start3A_99 = arith.constant 0 : i32
        %dma_start3A_100 = tpu.memref_slice %arg6[%add3A_48, %dma_start3A_99] : memref<128x128xf32, #tpu.memory_space<hbm>> -> memref<1x128xf32, #tpu.memory_space<hbm>>
        %dma_start3A_101 = tpu.memref_squeeze %dma_start3A_100 : memref<1x128xf32, #tpu.memory_space<hbm>> -> memref<128xf32, #tpu.memory_space<hbm>>
        %dma_start3A_102 = arith.constant 0 : i32
        %dma_start3A_103 = tpu.memref_slice %arg9[%run_scoped3A, %dma_start3A_102] : memref<16x128xf32, #tpu.memory_space<vmem>> -> memref<1x128xf32, #tpu.memory_space<vmem>>
        %dma_start3A_104 = tpu.memref_squeeze %dma_start3A_103 : memref<1x128xf32, #tpu.memory_space<vmem>> -> memref<128xf32, #tpu.memory_space<vmem>>
        tpu.enqueue_dma source(%dma_start3A_104 : memref<128xf32, #tpu.memory_space<vmem>>) target(%dma_start3A_101 : memref<128xf32, #tpu.memory_space<hbm>>) target_semaphore(%run_scoped3A_92 : memref<!tpu.dma_semaphore, #tpu.memory_space<semaphore_mem>>)
        %dma_wait3A_105 = arith.constant 0 : i32
        %dma_wait3A_106 = tpu.memref_slice %arg9[%run_scoped3A, %dma_wait3A_105] : memref<16x128xf32, #tpu.memory_space<vmem>> -> memref<1x128xf32, #tpu.memory_space<vmem>>
        %dma_wait3A_107 = tpu.memref_squeeze %dma_wait3A_106 : memref<1x128xf32, #tpu.memory_space<vmem>> -> memref<128xf32, #tpu.memory_space<vmem>>
        %dma_wait3A_108 = arith.constant 0 : i32
        %dma_wait3A_109 = tpu.memref_slice %arg6[%add3A_48, %dma_wait3A_108] : memref<128x128xf32, #tpu.memory_space<hbm>> -> memref<1x128xf32, #tpu.memory_space<hbm>>
        %dma_wait3A_110 = tpu.memref_squeeze %dma_wait3A_109 : memref<1x128xf32, #tpu.memory_space<hbm>> -> memref<128xf32, #tpu.memory_space<hbm>>
        %dma_wait3A_111 = arith.constant 0 : i32
        %dma_wait3A_112 = tpu.memref_slice %arg6[%add3A_48, %dma_wait3A_111] : memref<128x128xf32, #tpu.memory_space<hbm>> -> memref<1x128xf32, #tpu.memory_space<hbm>>
        %dma_wait3A_113 = tpu.memref_squeeze %dma_wait3A_112 : memref<1x128xf32, #tpu.memory_space<hbm>> -> memref<128xf32, #tpu.memory_space<hbm>>
        %dma_wait3A_114 = arith.constant 0 : i32
        %dma_wait3A_115 = tpu.memref_slice %arg9[%run_scoped3A, %dma_wait3A_114] : memref<16x128xf32, #tpu.memory_space<vmem>> -> memref<1x128xf32, #tpu.memory_space<vmem>>
        %dma_wait3A_116 = tpu.memref_squeeze %dma_wait3A_115 : memref<1x128xf32, #tpu.memory_space<vmem>> -> memref<128xf32, #tpu.memory_space<vmem>>
        tpu.wait_dma2 semaphore(%run_scoped3A_92 : memref<!tpu.dma_semaphore, #tpu.memory_space<semaphore_mem>>) src(%dma_wait3A_116 : memref<128xf32, #tpu.memory_space<vmem>>) dst(%dma_wait3A_113 : memref<128xf32, #tpu.memory_space<hbm>>)
        tpu.yield
      }) : () -> ()
    } else {
    }
    %convert_element_type3A_53 = arith.extui %eq3A_50 : i1 to i32
    %cond3A_54 = arith.constant 0 : i32
    %cond3A_55 = arith.cmpi ne, %convert_element_type3A_53, %cond3A_54 : i32
    scf.if %cond3A_55 {
      "tpu.region"() ({
        %run_scoped3A = tpu.sem_alloc : memref<!tpu.dma_semaphore, #tpu.memory_space<semaphore_mem>>
        %dma_start3A_608 = arith.constant 0 : i32
        %dma_start3A_609 = tpu.memref_slice %arg3[%add3A_48, %dma_start3A_608] : memref<128x100000xf32, #tpu.memory_space<hbm>> -> memref<1x100000xf32, #tpu.memory_space<hbm>>
        %dma_start3A_610 = tpu.memref_squeeze %dma_start3A_609 : memref<1x100000xf32, #tpu.memory_space<hbm>> -> memref<100000xf32, #tpu.memory_space<hbm>>
        %dma_start3A_611 = arith.constant 0 : i32
        %dma_start3A_612 = tpu.memref_slice %arg3[%add3A_48, %dma_start3A_611] : memref<128x100000xf32, #tpu.memory_space<hbm>> -> memref<1x100000xf32, #tpu.memory_space<hbm>>
        %dma_start3A_613 = tpu.memref_squeeze %dma_start3A_612 : memref<1x100000xf32, #tpu.memory_space<hbm>> -> memref<100000xf32, #tpu.memory_space<hbm>>
        tpu.enqueue_dma source(%dma_start3A_613 : memref<100000xf32, #tpu.memory_space<hbm>>) target(%arg11 : memref<100000xf32, #tpu.memory_space<vmem>>) target_semaphore(%run_scoped3A : memref<!tpu.dma_semaphore, #tpu.memory_space<semaphore_mem>>)
        %dma_wait3A_614 = arith.constant 0 : i32
        %dma_wait3A_615 = tpu.memref_slice %arg3[%add3A_48, %dma_wait3A_614] : memref<128x100000xf32, #tpu.memory_space<hbm>> -> memref<1x100000xf32, #tpu.memory_space<hbm>>
        %dma_wait3A_616 = tpu.memref_squeeze %dma_wait3A_615 : memref<1x100000xf32, #tpu.memory_space<hbm>> -> memref<100000xf32, #tpu.memory_space<hbm>>
        %dma_wait3A_617 = arith.constant 0 : i32
        %dma_wait3A_618 = tpu.memref_slice %arg3[%add3A_48, %dma_wait3A_617] : memref<128x100000xf32, #tpu.memory_space<hbm>> -> memref<1x100000xf32, #tpu.memory_space<hbm>>
        %dma_wait3A_619 = tpu.memref_squeeze %dma_wait3A_618 : memref<1x100000xf32, #tpu.memory_space<hbm>> -> memref<100000xf32, #tpu.memory_space<hbm>>
        tpu.wait_dma2 semaphore(%run_scoped3A : memref<!tpu.dma_semaphore, #tpu.memory_space<semaphore_mem>>) src(%dma_wait3A_619 : memref<100000xf32, #tpu.memory_space<hbm>>) dst(%arg11 : memref<100000xf32, #tpu.memory_space<vmem>>)
        tpu.yield
      }) : () -> ()
      %scan3A = arith.constant 0 : i32
      %scan3A_92 = arith.constant 6250 : i32
      %scan3A_93 = arith.addi %scan3A, %scan3A_92 : i32
      %scan3A_94 = arith.constant 1 : i32
      %scan3A_95:3 = scf.for %scan3A_608 = %scan3A to %scan3A_93 step %scan3A_94 iter_args(%scan3A_609 = %broadcast_in_dim3A_44, %scan3A_610 = %broadcast_in_dim3A_42, %scan3A_611 = %broadcast_in_dim3A_46) -> (vector<16xf32>, vector<16xf32>, vector<16xi32>)  : i32 {
        %mul3A_612 = arith.constant 16 : i32
        %mul3A_613 = arith.muli %scan3A_608, %mul3A_612 : i32
        %get3A_614 = arith.index_cast %mul3A_613 : i32 to index
        %get3A_615 = tpu.vector_load %arg11[%get3A_614] {strides = array<i32>} : memref<100000xf32, #tpu.memory_space<vmem>>, vector<16xf32>,
        %add3A_616 = arith.constant 1.000000e-10 : f32
        %add3A_617 = vector.broadcast %add3A_616 : f32 to vector<16xf32>
        %add3A_618 = arith.addf %get3A_615, %add3A_617 : vector<16xf32>
        %bitcast_convert_type3A = tpu.bitcast %add3A_618 : vector<16xf32> -> vector<16xi32>
        %shift_right_arithmetic3A = arith.constant 23 : i32
        %shift_right_arithmetic3A_619 = vector.broadcast %shift_right_arithmetic3A : i32 to vector<16xi32>
        %shift_right_arithmetic3A_620 = arith.shrsi %bitcast_convert_type3A, %shift_right_arithmetic3A_619 : vector<16xi32>
        %sub3A_621 = arith.constant 127 : i32
        %sub3A_622 = vector.broadcast %sub3A_621 : i32 to vector<16xi32>
        %sub3A_623 = arith.subi %shift_right_arithmetic3A_620, %sub3A_622 : vector<16xi32>
        %and3A = arith.constant 8388607 : i32
        %and3A_624 = vector.broadcast %and3A : i32 to vector<16xi32>
        %and3A_625 = arith.andi %bitcast_convert_type3A, %and3A_624 : vector<16xi32>
        %or3A = arith.constant 1065353216 : i32
        %or3A_626 = vector.broadcast %or3A : i32 to vector<16xi32>
        %or3A_627 = arith.ori %and3A_625, %or3A_626 : vector<16xi32>
        %bitcast_convert_type3A_628 = tpu.bitcast %or3A_627 : vector<16xi32> -> vector<16xf32>
        %gt3A = arith.constant 1.41421354 : f32
        %gt3A_629 = vector.broadcast %gt3A : f32 to vector<16xf32>
        %gt3A_630 = arith.cmpf ogt, %bitcast_convert_type3A_628, %gt3A_629 : vector<16xf32>
        %mul3A_631 = arith.constant 5.000000e-01 : f32
        %mul3A_632 = vector.broadcast %mul3A_631 : f32 to vector<16xf32>
        %mul3A_633 = arith.mulf %bitcast_convert_type3A_628, %mul3A_632 : vector<16xf32>
        %select_n3A_634 = arith.select %gt3A_630, %mul3A_633, %bitcast_convert_type3A_628 : vector<16xi1>, vector<16xf32>
        %convert_element_type3A_635 = arith.extui %gt3A_630 : vector<16xi1> to vector<16xi32>
        %add3A_636 = arith.addi %sub3A_623, %convert_element_type3A_635 : vector<16xi32>
        %convert_element_type3A_637 = arith.sitofp %add3A_636 : vector<16xi32> to vector<16xf32>
        %sub3A_638 = arith.constant 1.000000e+00 : f32
        %sub3A_639 = vector.broadcast %sub3A_638 : f32 to vector<16xf32>
        %sub3A_640 = arith.subf %select_n3A_634, %sub3A_639 : vector<16xf32>
        %add3A_641 = arith.constant 1.000000e+00 : f32
        %add3A_642 = vector.broadcast %add3A_641 : f32 to vector<16xf32>
        %add3A_643 = arith.addf %select_n3A_634, %add3A_642 : vector<16xf32>
        %div3A_644 = arith.divf %sub3A_640, %add3A_643 : vector<16xf32>
        %mul3A_645 = arith.mulf %div3A_644, %div3A_644 : vector<16xf32>
        %mul3A_646 = arith.constant 0.142857149 : f32
        %mul3A_647 = vector.broadcast %mul3A_646 : f32 to vector<16xf32>
        %mul3A_648 = arith.mulf %mul3A_645, %mul3A_647 : vector<16xf32>
        %add3A_649 = arith.constant 2.000000e-01 : f32
        %add3A_650 = vector.broadcast %add3A_649 : f32 to vector<16xf32>
        %add3A_651 = arith.addf %add3A_650, %mul3A_648 : vector<16xf32>
        %mul3A_652 = arith.mulf %mul3A_645, %add3A_651 : vector<16xf32>
        %add3A_653 = arith.constant 0.333333343 : f32
        %add3A_654 = vector.broadcast %add3A_653 : f32 to vector<16xf32>
        %add3A_655 = arith.addf %add3A_654, %mul3A_652 : vector<16xf32>
        %mul3A_656 = arith.mulf %mul3A_645, %add3A_655 : vector<16xf32>
        %add3A_657 = arith.constant 1.000000e+00 : f32
        %add3A_658 = vector.broadcast %add3A_657 : f32 to vector<16xf32>
        %add3A_659 = arith.addf %add3A_658, %mul3A_656 : vector<16xf32>
        %mul3A_660 = arith.constant 0.693147182 : f32
        %mul3A_661 = vector.broadcast %mul3A_660 : f32 to vector<16xf32>
        %mul3A_662 = arith.mulf %convert_element_type3A_637, %mul3A_661 : vector<16xf32>
        %mul3A_663 = arith.constant 2.000000e+00 : f32
        %mul3A_664 = vector.broadcast %mul3A_663 : f32 to vector<16xf32>
        %mul3A_665 = arith.mulf %mul3A_664, %div3A_644 : vector<16xf32>
        %mul3A_666 = arith.mulf %mul3A_665, %add3A_659 : vector<16xf32>
        %add3A_667 = arith.addf %mul3A_662, %mul3A_666 : vector<16xf32>
        %mul3A_668 = arith.mulf %get3A_615, %add3A_667 : vector<16xf32>
        %add3A_669 = arith.addf %scan3A_609, %mul3A_668 : vector<16xf32>
        %gt3A_670 = arith.cmpf ogt, %get3A_615, %scan3A_610 : vector<16xf32>
        %select_n3A_671 = arith.select %gt3A_670, %get3A_615, %scan3A_610 : vector<16xi1>, vector<16xf32>
        %mul3A_672 = arith.constant 16 : i32
        %mul3A_673 = arith.muli %scan3A_608, %mul3A_672 : i32
        %add3A_674 = vector.broadcast %mul3A_673 : i32 to vector<16xi32>
        %add3A_675 = arith.addi %iota3A, %add3A_674 : vector<16xi32>
        %select_n3A_676 = arith.select %gt3A_670, %add3A_675, %scan3A_611 : vector<16xi1>, vector<16xi32>
        scf.yield %add3A_669, %select_n3A_671, %select_n3A_676 : vector<16xf32>, vector<16xf32>, vector<16xi32>
      }
      %scan3A_96 = arith.constant 6250 : i32
      %reduce_max3A = arith.constant true
      %reduce_max3A_97 = vector.broadcast %reduce_max3A : i1 to vector<16xi1>
      %reduce_max3A_98 = tpu.scan <max>, %scan3A_95#1 masked %reduce_max3A_97 : vector<16xf32>, vector<16xi1> -> vector<16xf32>
      %reduce_max3A_99 = vector.extract %reduce_max3A_98[15] : f32 from vector<16xf32>
      %eq3A_100 = vector.broadcast %reduce_max3A_99 : f32 to vector<16xf32>
      %eq3A_101 = arith.cmpf oeq, %scan3A_95#1, %eq3A_100 : vector<16xf32>
      %jit3A = arith.constant 2147483647 : i32
      %broadcast_in_dim3A_102 = vector.broadcast %jit3A : i32 to vector<16xi32>
      %select_n3A_103 = arith.select %eq3A_101, %scan3A_95#2, %broadcast_in_dim3A_102 : vector<16xi1>, vector<16xi32>
      %reduce_min3A = arith.constant true
      %reduce_min3A_104 = vector.broadcast %reduce_min3A : i1 to vector<16xi1>
      %reduce_min3A_105 = arith.constant -2147483648 : i32
      %reduce_min3A_106 = vector.broadcast %reduce_min3A_105 : i32 to vector<16xi32>
      %reduce_min3A_107 = arith.xori %select_n3A_103, %reduce_min3A_106 : vector<16xi32>
      %reduce_min3A_108 = tpu.scan <min>, %reduce_min3A_107 masked %reduce_min3A_104 : vector<16xi32>, vector<16xi1> -> vector<16xi32>
      %reduce_min3A_109 = arith.xori %reduce_min3A_108, %reduce_min3A_106 : vector<16xi32>
      %reduce_min3A_110 = vector.extract %reduce_min3A_109[15] : i32 from vector<16xi32>
      %broadcast_in_dim3A_111 = vector.broadcast %reduce_min3A_110 : i32 to vector<16xi32>
      %eq3A_112 = arith.constant 0 : i32
      %eq3A_113 = vector.broadcast %eq3A_112 : i32 to vector<16xi32>
      %eq3A_114 = arith.cmpi eq, %iota3A, %eq3A_113 : vector<16xi32>
      tpu.vector_store_idx %arg11[%broadcast_in_dim3A_111], %broadcast_in_dim3A_42 masked %eq3A_114 : memref<100000xf32, #tpu.memory_space<vmem>>[vector<16xi32>], vector<16xf32>, vector<16xi1>
      %scan3A_115 = arith.constant 0 : i32
      %scan3A_116 = arith.constant 6250 : i32
      %scan3A_117 = arith.addi %scan3A_115, %scan3A_116 : i32
      %scan3A_118 = arith.constant 1 : i32
      %scan3A_119:2 = scf.for %scan3A_608 = %scan3A_115 to %scan3A_117 step %scan3A_118 iter_args(%scan3A_609 = %broadcast_in_dim3A_42, %scan3A_610 = %broadcast_in_dim3A_46) -> (vector<16xf32>, vector<16xi32>)  : i32 {
        %mul3A_611 = arith.constant 16 : i32
        %mul3A_612 = arith.muli %scan3A_608, %mul3A_611 : i32
        %get3A_613 = arith.index_cast %mul3A_612 : i32 to index
        %get3A_614 = tpu.vector_load %arg11[%get3A_613] {strides = array<i32>} : memref<100000xf32, #tpu.memory_space<vmem>>, vector<16xf32>,
        %gt3A = arith.cmpf ogt, %get3A_614, %scan3A_609 : vector<16xf32>
        %select_n3A_615 = arith.select %gt3A, %get3A_614, %scan3A_609 : vector<16xi1>, vector<16xf32>
        %mul3A_616 = arith.constant 16 : i32
        %mul3A_617 = arith.muli %scan3A_608, %mul3A_616 : i32
        %add3A_618 = vector.broadcast %mul3A_617 : i32 to vector<16xi32>
        %add3A_619 = arith.addi %iota3A, %add3A_618 : vector<16xi32>
        %select_n3A_620 = arith.select %gt3A, %add3A_619, %scan3A_610 : vector<16xi1>, vector<16xi32>
        scf.yield %select_n3A_615, %select_n3A_620 : vector<16xf32>, vector<16xi32>
      }
      %scan3A_120 = arith.constant 6250 : i32
      %reduce_max3A_121 = arith.constant true
      %reduce_max3A_122 = vector.broadcast %reduce_max3A_121 : i1 to vector<16xi1>
      %reduce_max3A_123 = tpu.scan <max>, %scan3A_119#0 masked %reduce_max3A_122 : vector<16xf32>, vector<16xi1> -> vector<16xf32>
      %reduce_max3A_124 = vector.extract %reduce_max3A_123[15] : f32 from vector<16xf32>
      %eq3A_125 = vector.broadcast %reduce_max3A_124 : f32 to vector<16xf32>
      %eq3A_126 = arith.cmpf oeq, %scan3A_119#0, %eq3A_125 : vector<16xf32>
      %jit3A_127 = arith.constant 2147483647 : i32
      %broadcast_in_dim3A_128 = vector.broadcast %jit3A_127 : i32 to vector<16xi32>
      %select_n3A_129 = arith.select %eq3A_126, %scan3A_119#1, %broadcast_in_dim3A_128 : vector<16xi1>, vector<16xi32>
      %reduce_min3A_130 = arith.constant true
      %reduce_min3A_131 = vector.broadcast %reduce_min3A_130 : i1 to vector<16xi1>
      %reduce_min3A_132 = arith.constant -2147483648 : i32
      %reduce_min3A_133 = vector.broadcast %reduce_min3A_132 : i32 to vector<16xi32>
      %reduce_min3A_134 = arith.xori %select_n3A_129, %reduce_min3A_133 : vector<16xi32>
      %reduce_min3A_135 = tpu.scan <min>, %reduce_min3A_134 masked %reduce_min3A_131 : vector<16xi32>, vector<16xi1> -> vector<16xi32>
      %reduce_min3A_136 = arith.xori %reduce_min3A_135, %reduce_min3A_133 : vector<16xi32>
      %reduce_min3A_137 = vector.extract %reduce_min3A_136[15] : i32 from vector<16xi32>
      %broadcast_in_dim3A_138 = vector.broadcast %reduce_min3A_137 : i32 to vector<16xi32>
      %eq3A_139 = arith.constant 0 : i32
      %eq3A_140 = vector.broadcast %eq3A_139 : i32 to vector<16xi32>
      %eq3A_141 = arith.cmpi eq, %iota3A, %eq3A_140 : vector<16xi32>
      tpu.vector_store_idx %arg11[%broadcast_in_dim3A_138], %broadcast_in_dim3A_42 masked %eq3A_141 : memref<100000xf32, #tpu.memory_space<vmem>>[vector<16xi32>], vector<16xf32>, vector<16xi1>
      %scan3A_142 = arith.constant 0 : i32
      %scan3A_143 = arith.constant 6250 : i32
      %scan3A_144 = arith.addi %scan3A_142, %scan3A_143 : i32
      %scan3A_145 = arith.constant 1 : i32
      %scan3A_146:2 = scf.for %scan3A_608 = %scan3A_142 to %scan3A_144 step %scan3A_145 iter_args(%scan3A_609 = %broadcast_in_dim3A_42, %scan3A_610 = %broadcast_in_dim3A_46) -> (vector<16xf32>, vector<16xi32>)  : i32 {
        %mul3A_611 = arith.constant 16 : i32
        %mul3A_612 = arith.muli %scan3A_608, %mul3A_611 : i32
        %get3A_613 = arith.index_cast %mul3A_612 : i32 to index
        %get3A_614 = tpu.vector_load %arg11[%get3A_613] {strides = array<i32>} : memref<100000xf32, #tpu.memory_space<vmem>>, vector<16xf32>,
        %gt3A = arith.cmpf ogt, %get3A_614, %scan3A_609 : vector<16xf32>
        %select_n3A_615 = arith.select %gt3A, %get3A_614, %scan3A_609 : vector<16xi1>, vector<16xf32>
        %mul3A_616 = arith.constant 16 : i32
        %mul3A_617 = arith.muli %scan3A_608, %mul3A_616 : i32
        %add3A_618 = vector.broadcast %mul3A_617 : i32 to vector<16xi32>
        %add3A_619 = arith.addi %iota3A, %add3A_618 : vector<16xi32>
        %select_n3A_620 = arith.select %gt3A, %add3A_619, %scan3A_610 : vector<16xi1>, vector<16xi32>
        scf.yield %select_n3A_615, %select_n3A_620 : vector<16xf32>, vector<16xi32>
      }
      %scan3A_147 = arith.constant 6250 : i32
      %reduce_max3A_148 = arith.constant true
      %reduce_max3A_149 = vector.broadcast %reduce_max3A_148 : i1 to vector<16xi1>
      %reduce_max3A_150 = tpu.scan <max>, %scan3A_146#0 masked %reduce_max3A_149 : vector<16xf32>, vector<16xi1> -> vector<16xf32>
      %reduce_max3A_151 = vector.extract %reduce_max3A_150[15] : f32 from vector<16xf32>
      %eq3A_152 = vector.broadcast %reduce_max3A_151 : f32 to vector<16xf32>
      %eq3A_153 = arith.cmpf oeq, %scan3A_146#0, %eq3A_152 : vector<16xf32>
      %jit3A_154 = arith.constant 2147483647 : i32
      %broadcast_in_dim3A_155 = vector.broadcast %jit3A_154 : i32 to vector<16xi32>
      %select_n3A_156 = arith.select %eq3A_153, %scan3A_146#1, %broadcast_in_dim3A_155 : vector<16xi1>, vector<16xi32>
      %reduce_min3A_157 = arith.constant true
      %reduce_min3A_158 = vector.broadcast %reduce_min3A_157 : i1 to vector<16xi1>
      %reduce_min3A_159 = arith.constant -2147483648 : i32
      %reduce_min3A_160 = vector.broadcast %reduce_min3A_159 : i32 to vector<16xi32>
      %reduce_min3A_161 = arith.xori %select_n3A_156, %reduce_min3A_160 : vector<16xi32>
      %reduce_min3A_162 = tpu.scan <min>, %reduce_min3A_161 masked %reduce_min3A_158 : vector<16xi32>, vector<16xi1> -> vector<16xi32>
      %reduce_min3A_163 = arith.xori %reduce_min3A_162, %reduce_min3A_160 : vector<16xi32>
      %reduce_min3A_164 = vector.extract %reduce_min3A_163[15] : i32 from vector<16xi32>
      %broadcast_in_dim3A_165 = vector.broadcast %reduce_min3A_164 : i32 to vector<16xi32>
      %eq3A_166 = arith.constant 0 : i32
      %eq3A_167 = vector.broadcast %eq3A_166 : i32 to vector<16xi32>
      %eq3A_168 = arith.cmpi eq, %iota3A, %eq3A_167 : vector<16xi32>
      tpu.vector_store_idx %arg11[%broadcast_in_dim3A_165], %broadcast_in_dim3A_42 masked %eq3A_168 : memref<100000xf32, #tpu.memory_space<vmem>>[vector<16xi32>], vector<16xf32>, vector<16xi1>
      %scan3A_169 = arith.constant 0 : i32
      %scan3A_170 = arith.constant 6250 : i32
      %scan3A_171 = arith.addi %scan3A_169, %scan3A_170 : i32
      %scan3A_172 = arith.constant 1 : i32
      %scan3A_173:2 = scf.for %scan3A_608 = %scan3A_169 to %scan3A_171 step %scan3A_172 iter_args(%scan3A_609 = %broadcast_in_dim3A_42, %scan3A_610 = %broadcast_in_dim3A_46) -> (vector<16xf32>, vector<16xi32>)  : i32 {
        %mul3A_611 = arith.constant 16 : i32
        %mul3A_612 = arith.muli %scan3A_608, %mul3A_611 : i32
        %get3A_613 = arith.index_cast %mul3A_612 : i32 to index
        %get3A_614 = tpu.vector_load %arg11[%get3A_613] {strides = array<i32>} : memref<100000xf32, #tpu.memory_space<vmem>>, vector<16xf32>,
        %gt3A = arith.cmpf ogt, %get3A_614, %scan3A_609 : vector<16xf32>
        %select_n3A_615 = arith.select %gt3A, %get3A_614, %scan3A_609 : vector<16xi1>, vector<16xf32>
        %mul3A_616 = arith.constant 16 : i32
        %mul3A_617 = arith.muli %scan3A_608, %mul3A_616 : i32
        %add3A_618 = vector.broadcast %mul3A_617 : i32 to vector<16xi32>
        %add3A_619 = arith.addi %iota3A, %add3A_618 : vector<16xi32>
        %select_n3A_620 = arith.select %gt3A, %add3A_619, %scan3A_610 : vector<16xi1>, vector<16xi32>
        scf.yield %select_n3A_615, %select_n3A_620 : vector<16xf32>, vector<16xi32>
      }
      %scan3A_174 = arith.constant 6250 : i32
      %reduce_max3A_175 = arith.constant true
      %reduce_max3A_176 = vector.broadcast %reduce_max3A_175 : i1 to vector<16xi1>
      %reduce_max3A_177 = tpu.scan <max>, %scan3A_173#0 masked %reduce_max3A_176 : vector<16xf32>, vector<16xi1> -> vector<16xf32>
      %reduce_max3A_178 = vector.extract %reduce_max3A_177[15] : f32 from vector<16xf32>
      %eq3A_179 = vector.broadcast %reduce_max3A_178 : f32 to vector<16xf32>
      %eq3A_180 = arith.cmpf oeq, %scan3A_173#0, %eq3A_179 : vector<16xf32>
      %jit3A_181 = arith.constant 2147483647 : i32
      %broadcast_in_dim3A_182 = vector.broadcast %jit3A_181 : i32 to vector<16xi32>
      %select_n3A_183 = arith.select %eq3A_180, %scan3A_173#1, %broadcast_in_dim3A_182 : vector<16xi1>, vector<16xi32>
      %reduce_min3A_184 = arith.constant true
      %reduce_min3A_185 = vector.broadcast %reduce_min3A_184 : i1 to vector<16xi1>
      %reduce_min3A_186 = arith.constant -2147483648 : i32
      %reduce_min3A_187 = vector.broadcast %reduce_min3A_186 : i32 to vector<16xi32>
      %reduce_min3A_188 = arith.xori %select_n3A_183, %reduce_min3A_187 : vector<16xi32>
      %reduce_min3A_189 = tpu.scan <min>, %reduce_min3A_188 masked %reduce_min3A_185 : vector<16xi32>, vector<16xi1> -> vector<16xi32>
      %reduce_min3A_190 = arith.xori %reduce_min3A_189, %reduce_min3A_187 : vector<16xi32>
      %reduce_min3A_191 = vector.extract %reduce_min3A_190[15] : i32 from vector<16xi32>
      %broadcast_in_dim3A_192 = vector.broadcast %reduce_min3A_191 : i32 to vector<16xi32>
      %eq3A_193 = arith.constant 0 : i32
      %eq3A_194 = vector.broadcast %eq3A_193 : i32 to vector<16xi32>
      %eq3A_195 = arith.cmpi eq, %iota3A, %eq3A_194 : vector<16xi32>
      tpu.vector_store_idx %arg11[%broadcast_in_dim3A_192], %broadcast_in_dim3A_42 masked %eq3A_195 : memref<100000xf32, #tpu.memory_space<vmem>>[vector<16xi32>], vector<16xf32>, vector<16xi1>
      %scan3A_196 = arith.constant 0 : i32
      %scan3A_197 = arith.constant 6250 : i32
      %scan3A_198 = arith.addi %scan3A_196, %scan3A_197 : i32
      %scan3A_199 = arith.constant 1 : i32
      %scan3A_200:2 = scf.for %scan3A_608 = %scan3A_196 to %scan3A_198 step %scan3A_199 iter_args(%scan3A_609 = %broadcast_in_dim3A_42, %scan3A_610 = %broadcast_in_dim3A_46) -> (vector<16xf32>, vector<16xi32>)  : i32 {
        %mul3A_611 = arith.constant 16 : i32
        %mul3A_612 = arith.muli %scan3A_608, %mul3A_611 : i32
        %get3A_613 = arith.index_cast %mul3A_612 : i32 to index
        %get3A_614 = tpu.vector_load %arg11[%get3A_613] {strides = array<i32>} : memref<100000xf32, #tpu.memory_space<vmem>>, vector<16xf32>,
        %gt3A = arith.cmpf ogt, %get3A_614, %scan3A_609 : vector<16xf32>
        %select_n3A_615 = arith.select %gt3A, %get3A_614, %scan3A_609 : vector<16xi1>, vector<16xf32>
        %mul3A_616 = arith.constant 16 : i32
        %mul3A_617 = arith.muli %scan3A_608, %mul3A_616 : i32
        %add3A_618 = vector.broadcast %mul3A_617 : i32 to vector<16xi32>
        %add3A_619 = arith.addi %iota3A, %add3A_618 : vector<16xi32>
        %select_n3A_620 = arith.select %gt3A, %add3A_619, %scan3A_610 : vector<16xi1>, vector<16xi32>
        scf.yield %select_n3A_615, %select_n3A_620 : vector<16xf32>, vector<16xi32>
      }
      %scan3A_201 = arith.constant 6250 : i32
      %reduce_max3A_202 = arith.constant true
      %reduce_max3A_203 = vector.broadcast %reduce_max3A_202 : i1 to vector<16xi1>
      %reduce_max3A_204 = tpu.scan <max>, %scan3A_200#0 masked %reduce_max3A_203 : vector<16xf32>, vector<16xi1> -> vector<16xf32>
      %reduce_max3A_205 = vector.extract %reduce_max3A_204[15] : f32 from vector<16xf32>
      %eq3A_206 = vector.broadcast %reduce_max3A_205 : f32 to vector<16xf32>
      %eq3A_207 = arith.cmpf oeq, %scan3A_200#0, %eq3A_206 : vector<16xf32>
      %jit3A_208 = arith.constant 2147483647 : i32
      %broadcast_in_dim3A_209 = vector.broadcast %jit3A_208 : i32 to vector<16xi32>
      %select_n3A_210 = arith.select %eq3A_207, %scan3A_200#1, %broadcast_in_dim3A_209 : vector<16xi1>, vector<16xi32>
      %reduce_min3A_211 = arith.constant true
      %reduce_min3A_212 = vector.broadcast %reduce_min3A_211 : i1 to vector<16xi1>
      %reduce_min3A_213 = arith.constant -2147483648 : i32
      %reduce_min3A_214 = vector.broadcast %reduce_min3A_213 : i32 to vector<16xi32>
      %reduce_min3A_215 = arith.xori %select_n3A_210, %reduce_min3A_214 : vector<16xi32>
      %reduce_min3A_216 = tpu.scan <min>, %reduce_min3A_215 masked %reduce_min3A_212 : vector<16xi32>, vector<16xi1> -> vector<16xi32>
      %reduce_min3A_217 = arith.xori %reduce_min3A_216, %reduce_min3A_214 : vector<16xi32>
      %reduce_min3A_218 = vector.extract %reduce_min3A_217[15] : i32 from vector<16xi32>
      %broadcast_in_dim3A_219 = arith.constant 103 : i32
      %broadcast_in_dim3A_220 = vector.broadcast %broadcast_in_dim3A_219 : i32 to vector<16xi32>
      %eq3A_221 = arith.constant 0 : i32
      %eq3A_222 = vector.broadcast %eq3A_221 : i32 to vector<16xi32>
      %eq3A_223 = arith.cmpi eq, %iota3A, %eq3A_222 : vector<16xi32>
      %broadcast_in_dim3A_224 = vector.broadcast %reduce_min3A_110 : i32 to vector<16xi32>
      %select_n3A_225 = arith.select %eq3A_223, %broadcast_in_dim3A_224, %broadcast_in_dim3A_220 : vector<16xi1>, vector<16xi32>
      %eq3A_226 = arith.constant 1 : i32
      %eq3A_227 = vector.broadcast %eq3A_226 : i32 to vector<16xi32>
      %eq3A_228 = arith.cmpi eq, %iota3A, %eq3A_227 : vector<16xi32>
      %broadcast_in_dim3A_229 = vector.broadcast %reduce_min3A_137 : i32 to vector<16xi32>
      %select_n3A_230 = arith.select %eq3A_228, %broadcast_in_dim3A_229, %select_n3A_225 : vector<16xi1>, vector<16xi32>
      %eq3A_231 = arith.constant 2 : i32
      %eq3A_232 = vector.broadcast %eq3A_231 : i32 to vector<16xi32>
      %eq3A_233 = arith.cmpi eq, %iota3A, %eq3A_232 : vector<16xi32>
      %broadcast_in_dim3A_234 = vector.broadcast %reduce_min3A_164 : i32 to vector<16xi32>
      %select_n3A_235 = arith.select %eq3A_233, %broadcast_in_dim3A_234, %select_n3A_230 : vector<16xi1>, vector<16xi32>
      %eq3A_236 = arith.constant 3 : i32
      %eq3A_237 = vector.broadcast %eq3A_236 : i32 to vector<16xi32>
      %eq3A_238 = arith.cmpi eq, %iota3A, %eq3A_237 : vector<16xi32>
      %broadcast_in_dim3A_239 = vector.broadcast %reduce_min3A_191 : i32 to vector<16xi32>
      %select_n3A_240 = arith.select %eq3A_238, %broadcast_in_dim3A_239, %select_n3A_235 : vector<16xi1>, vector<16xi32>
      %eq3A_241 = arith.constant 4 : i32
      %eq3A_242 = vector.broadcast %eq3A_241 : i32 to vector<16xi32>
      %eq3A_243 = arith.cmpi eq, %iota3A, %eq3A_242 : vector<16xi32>
      %broadcast_in_dim3A_244 = vector.broadcast %reduce_min3A_218 : i32 to vector<16xi32>
      %select_n3A_245 = arith.select %eq3A_243, %broadcast_in_dim3A_244, %select_n3A_240 : vector<16xi1>, vector<16xi32>
      %dma_start3A_246 = arith.constant 0 : i32
      %dma_start3A_247 = arith.constant 0 : i32
      %dma_start3A_248 = tpu.memref_slice %arg4[%dma_start3A_246, %dma_start3A_247] : memref<100000x128xf32, #tpu.memory_space<hbm>> -> memref<100000x128xf32, #tpu.memory_space<hbm>>
      tpu.enqueue_indirect_dma source(%dma_start3A_248 : memref<100000x128xf32, #tpu.memory_space<hbm>>) target(%arg10 : memref<16x128xf32, #tpu.memory_space<vmem>>) offsets(%select_n3A_245 : vector<16xi32>) semaphore(%arg13 : memref<!tpu.dma_semaphore, #tpu.memory_space<semaphore_mem>>)
      %dma_wait3A_249 = arith.constant 0 : i32
      %dma_wait3A_250 = arith.constant 0 : i32
      %dma_wait3A_251 = tpu.memref_slice %arg4[%dma_wait3A_249, %dma_wait3A_250] : memref<100000x128xf32, #tpu.memory_space<hbm>> -> memref<100000x128xf32, #tpu.memory_space<hbm>>
      tpu.wait_indirect_dma semaphore(%arg13 : memref<!tpu.dma_semaphore, #tpu.memory_space<semaphore_mem>>) src(%dma_wait3A_251 : memref<100000x128xf32, #tpu.memory_space<hbm>>) dst(%arg10 : memref<16x128xf32, #tpu.memory_space<vmem>>)
      %add3A_252 = arith.addf %reduce_max3A_99, %reduce_max3A_124 : f32
      %add3A_253 = arith.addf %add3A_252, %reduce_max3A_151 : f32
      %add3A_254 = arith.addf %add3A_253, %reduce_max3A_178 : f32
      %add3A_255 = arith.addf %add3A_254, %reduce_max3A_205 : f32
      %broadcast_in_dim3A_256 = vector.broadcast %add3A_255 : f32 to vector<16xf32>
      %broadcast_in_dim3A_257 = arith.constant 1.000000e+00 : f32
      %broadcast_in_dim3A_258 = vector.broadcast %broadcast_in_dim3A_257 : f32 to vector<16xf32>
      %div3A = arith.divf %broadcast_in_dim3A_258, %broadcast_in_dim3A_256 : vector<16xf32>
      %broadcast_in_dim3A_259 = vector.broadcast %reduce_max3A_99 : f32 to vector<16xf32>
      %mul3A_260 = arith.mulf %broadcast_in_dim3A_259, %div3A : vector<16xf32>
      %broadcast_in_dim3A_261 = vector.broadcast %reduce_max3A_124 : f32 to vector<16xf32>
      %mul3A_262 = arith.mulf %broadcast_in_dim3A_261, %div3A : vector<16xf32>
      %broadcast_in_dim3A_263 = vector.broadcast %reduce_max3A_151 : f32 to vector<16xf32>
      %mul3A_264 = arith.mulf %broadcast_in_dim3A_263, %div3A : vector<16xf32>
      %broadcast_in_dim3A_265 = vector.broadcast %reduce_max3A_178 : f32 to vector<16xf32>
      %mul3A_266 = arith.mulf %broadcast_in_dim3A_265, %div3A : vector<16xf32>
      %broadcast_in_dim3A_267 = vector.broadcast %reduce_max3A_205 : f32 to vector<16xf32>
      %mul3A_268 = arith.mulf %broadcast_in_dim3A_267, %div3A : vector<16xf32>
      %reduce_sum3A = arith.constant true
      %reduce_sum3A_269 = vector.broadcast %reduce_sum3A : i1 to vector<16xi1>
      %reduce_sum3A_270 = tpu.scan <sum>, %scan3A_95#0 masked %reduce_sum3A_269 : vector<16xf32>, vector<16xi1> -> vector<16xf32>
      %reduce_sum3A_271 = vector.extract %reduce_sum3A_270[15] : f32 from vector<16xf32>
      %sub3A = arith.subf %reduce_sum3A_271, %squeeze3A_40 : f32
      %mul3A_272 = arith.mulf %squeeze3A_38, %sub3A : f32
      %broadcast_in_dim3A_273 = vector.broadcast %mul3A_272 : f32 to vector<16xf32>
      %broadcast_in_dim3A_274 = vector.broadcast %squeeze3A_36 : f32 to vector<16xf32>
      %neg3A = arith.constant 0.000000e+00 : f32
      %neg3A_275 = vector.broadcast %neg3A : f32 to vector<16xf32>
      %neg3A_276 = arith.subf %neg3A_275, %broadcast_in_dim3A_273 : vector<16xf32>
      %exp3A = math.exp %neg3A_276 : vector<16xf32>
      %add3A_277 = arith.constant 1.000000e+00 : f32
      %add3A_278 = vector.broadcast %add3A_277 : f32 to vector<16xf32>
      %add3A_279 = arith.addf %add3A_278, %exp3A : vector<16xf32>
      %div3A_280 = arith.divf %broadcast_in_dim3A_274, %add3A_279 : vector<16xf32>
      %get3A_281 = arith.constant 0 : i32
      %get3A_282 = arith.index_cast %get3A_281 : i32 to index
      %get3A_283 = arith.constant 0 : index
      %get3A_284 = tpu.vector_load %arg10[%get3A_282, %get3A_283] {strides = array<i32>} : memref<16x128xf32, #tpu.memory_space<vmem>>, vector<16xf32>,
      %mul3A_285 = arith.mulf %mul3A_260, %get3A_284 : vector<16xf32>
      %get3A_286 = arith.constant 1 : i32
      %get3A_287 = arith.index_cast %get3A_286 : i32 to index
      %get3A_288 = arith.constant 0 : index
      %get3A_289 = tpu.vector_load %arg10[%get3A_287, %get3A_288] {strides = array<i32>} : memref<16x128xf32, #tpu.memory_space<vmem>>, vector<16xf32>,
      %mul3A_290 = arith.mulf %mul3A_262, %get3A_289 : vector<16xf32>
      %add3A_291 = arith.addf %mul3A_285, %mul3A_290 : vector<16xf32>
      %get3A_292 = arith.constant 2 : i32
      %get3A_293 = arith.index_cast %get3A_292 : i32 to index
      %get3A_294 = arith.constant 0 : index
      %get3A_295 = tpu.vector_load %arg10[%get3A_293, %get3A_294] {strides = array<i32>} : memref<16x128xf32, #tpu.memory_space<vmem>>, vector<16xf32>,
      %mul3A_296 = arith.mulf %mul3A_264, %get3A_295 : vector<16xf32>
      %add3A_297 = arith.addf %add3A_291, %mul3A_296 : vector<16xf32>
      %get3A_298 = arith.constant 3 : i32
      %get3A_299 = arith.index_cast %get3A_298 : i32 to index
      %get3A_300 = arith.constant 0 : index
      %get3A_301 = tpu.vector_load %arg10[%get3A_299, %get3A_300] {strides = array<i32>} : memref<16x128xf32, #tpu.memory_space<vmem>>, vector<16xf32>,
      %mul3A_302 = arith.mulf %mul3A_266, %get3A_301 : vector<16xf32>
      %add3A_303 = arith.addf %add3A_297, %mul3A_302 : vector<16xf32>
      %get3A_304 = arith.constant 4 : i32
      %get3A_305 = arith.index_cast %get3A_304 : i32 to index
      %get3A_306 = arith.constant 0 : index
      %get3A_307 = tpu.vector_load %arg10[%get3A_305, %get3A_306] {strides = array<i32>} : memref<16x128xf32, #tpu.memory_space<vmem>>, vector<16xf32>,
      %mul3A_308 = arith.mulf %mul3A_268, %get3A_307 : vector<16xf32>
      %add3A_309 = arith.addf %add3A_303, %mul3A_308 : vector<16xf32>
      %mul3A_310 = arith.mulf %div3A_280, %add3A_309 : vector<16xf32>
      %sub3A_311 = arith.constant 1.000000e+00 : f32
      %sub3A_312 = vector.broadcast %sub3A_311 : f32 to vector<16xf32>
      %sub3A_313 = arith.subf %sub3A_312, %div3A_280 : vector<16xf32>
      %get3A_314 = arith.constant 4 : i32
      %get3A_315 = arith.index_cast %get3A_314 : i32 to index
      %get3A_316 = arith.constant 0 : index
      %get3A_317 = tpu.vector_load %arg9[%get3A_315, %get3A_316] {strides = array<i32>} : memref<16x128xf32, #tpu.memory_space<vmem>>, vector<16xf32>,
      %mul3A_318 = arith.mulf %sub3A_313, %get3A_317 : vector<16xf32>
      %add3A_319 = arith.addf %mul3A_310, %mul3A_318 : vector<16xf32>
      %swap3A = arith.constant 0 : index
      %swap3A_320 = tpu.vector_load %arg12[%swap3A] {strides = array<i32>} : memref<128xf32, #tpu.memory_space<vmem>>, vector<16xf32>,
      tpu.vector_store %arg12[%swap3A], %add3A_319 {strides = array<i32>} : memref<128xf32, #tpu.memory_space<vmem>>, vector<16xf32>,
      %get3A_321 = arith.constant 0 : i32
      %get3A_322 = arith.index_cast %get3A_321 : i32 to index
      %get3A_323 = arith.constant 16 : index
      %get3A_324 = tpu.vector_load %arg10[%get3A_322, %get3A_323] {strides = array<i32>} : memref<16x128xf32, #tpu.memory_space<vmem>>, vector<16xf32>,
      %mul3A_325 = arith.mulf %mul3A_260, %get3A_324 : vector<16xf32>
      %get3A_326 = arith.constant 1 : i32
      %get3A_327 = arith.index_cast %get3A_326 : i32 to index
      %get3A_328 = arith.constant 16 : index
      %get3A_329 = tpu.vector_load %arg10[%get3A_327, %get3A_328] {strides = array<i32>} : memref<16x128xf32, #tpu.memory_space<vmem>>, vector<16xf32>,
      %mul3A_330 = arith.mulf %mul3A_262, %get3A_329 : vector<16xf32>
      %add3A_331 = arith.addf %mul3A_325, %mul3A_330 : vector<16xf32>
      %get3A_332 = arith.constant 2 : i32
      %get3A_333 = arith.index_cast %get3A_332 : i32 to index
      %get3A_334 = arith.constant 16 : index
      %get3A_335 = tpu.vector_load %arg10[%get3A_333, %get3A_334] {strides = array<i32>} : memref<16x128xf32, #tpu.memory_space<vmem>>, vector<16xf32>,
      %mul3A_336 = arith.mulf %mul3A_264, %get3A_335 : vector<16xf32>
      %add3A_337 = arith.addf %add3A_331, %mul3A_336 : vector<16xf32>
      %get3A_338 = arith.constant 3 : i32
      %get3A_339 = arith.index_cast %get3A_338 : i32 to index
      %get3A_340 = arith.constant 16 : index
      %get3A_341 = tpu.vector_load %arg10[%get3A_339, %get3A_340] {strides = array<i32>} : memref<16x128xf32, #tpu.memory_space<vmem>>, vector<16xf32>,
      %mul3A_342 = arith.mulf %mul3A_266, %get3A_341 : vector<16xf32>
      %add3A_343 = arith.addf %add3A_337, %mul3A_342 : vector<16xf32>
      %get3A_344 = arith.constant 4 : i32
      %get3A_345 = arith.index_cast %get3A_344 : i32 to index
      %get3A_346 = arith.constant 16 : index
      %get3A_347 = tpu.vector_load %arg10[%get3A_345, %get3A_346] {strides = array<i32>} : memref<16x128xf32, #tpu.memory_space<vmem>>, vector<16xf32>,
      %mul3A_348 = arith.mulf %mul3A_268, %get3A_347 : vector<16xf32>
      %add3A_349 = arith.addf %add3A_343, %mul3A_348 : vector<16xf32>
      %mul3A_350 = arith.mulf %div3A_280, %add3A_349 : vector<16xf32>
      %sub3A_351 = arith.constant 1.000000e+00 : f32
      %sub3A_352 = vector.broadcast %sub3A_351 : f32 to vector<16xf32>
      %sub3A_353 = arith.subf %sub3A_352, %div3A_280 : vector<16xf32>
      %get3A_354 = arith.constant 4 : i32
      %get3A_355 = arith.index_cast %get3A_354 : i32 to index
      %get3A_356 = arith.constant 16 : index
      %get3A_357 = tpu.vector_load %arg9[%get3A_355, %get3A_356] {strides = array<i32>} : memref<16x128xf32, #tpu.memory_space<vmem>>, vector<16xf32>,
      %mul3A_358 = arith.mulf %sub3A_353, %get3A_357 : vector<16xf32>
      %add3A_359 = arith.addf %mul3A_350, %mul3A_358 : vector<16xf32>
      %swap3A_360 = arith.constant 16 : index
      %swap3A_361 = tpu.vector_load %arg12[%swap3A_360] {strides = array<i32>} : memref<128xf32, #tpu.memory_space<vmem>>, vector<16xf32>,
      tpu.vector_store %arg12[%swap3A_360], %add3A_359 {strides = array<i32>} : memref<128xf32, #tpu.memory_space<vmem>>, vector<16xf32>,
      %get3A_362 = arith.constant 0 : i32
      %get3A_363 = arith.index_cast %get3A_362 : i32 to index
      %get3A_364 = arith.constant 32 : index
      %get3A_365 = tpu.vector_load %arg10[%get3A_363, %get3A_364] {strides = array<i32>} : memref<16x128xf32, #tpu.memory_space<vmem>>, vector<16xf32>,
      %mul3A_366 = arith.mulf %mul3A_260, %get3A_365 : vector<16xf32>
      %get3A_367 = arith.constant 1 : i32
      %get3A_368 = arith.index_cast %get3A_367 : i32 to index
      %get3A_369 = arith.constant 32 : index
      %get3A_370 = tpu.vector_load %arg10[%get3A_368, %get3A_369] {strides = array<i32>} : memref<16x128xf32, #tpu.memory_space<vmem>>, vector<16xf32>,
      %mul3A_371 = arith.mulf %mul3A_262, %get3A_370 : vector<16xf32>
      %add3A_372 = arith.addf %mul3A_366, %mul3A_371 : vector<16xf32>
      %get3A_373 = arith.constant 2 : i32
      %get3A_374 = arith.index_cast %get3A_373 : i32 to index
      %get3A_375 = arith.constant 32 : index
      %get3A_376 = tpu.vector_load %arg10[%get3A_374, %get3A_375] {strides = array<i32>} : memref<16x128xf32, #tpu.memory_space<vmem>>, vector<16xf32>,
      %mul3A_377 = arith.mulf %mul3A_264, %get3A_376 : vector<16xf32>
      %add3A_378 = arith.addf %add3A_372, %mul3A_377 : vector<16xf32>
      %get3A_379 = arith.constant 3 : i32
      %get3A_380 = arith.index_cast %get3A_379 : i32 to index
      %get3A_381 = arith.constant 32 : index
      %get3A_382 = tpu.vector_load %arg10[%get3A_380, %get3A_381] {strides = array<i32>} : memref<16x128xf32, #tpu.memory_space<vmem>>, vector<16xf32>,
      %mul3A_383 = arith.mulf %mul3A_266, %get3A_382 : vector<16xf32>
      %add3A_384 = arith.addf %add3A_378, %mul3A_383 : vector<16xf32>
      %get3A_385 = arith.constant 4 : i32
      %get3A_386 = arith.index_cast %get3A_385 : i32 to index
      %get3A_387 = arith.constant 32 : index
      %get3A_388 = tpu.vector_load %arg10[%get3A_386, %get3A_387] {strides = array<i32>} : memref<16x128xf32, #tpu.memory_space<vmem>>, vector<16xf32>,
      %mul3A_389 = arith.mulf %mul3A_268, %get3A_388 : vector<16xf32>
      %add3A_390 = arith.addf %add3A_384, %mul3A_389 : vector<16xf32>
      %mul3A_391 = arith.mulf %div3A_280, %add3A_390 : vector<16xf32>
      %sub3A_392 = arith.constant 1.000000e+00 : f32
      %sub3A_393 = vector.broadcast %sub3A_392 : f32 to vector<16xf32>
      %sub3A_394 = arith.subf %sub3A_393, %div3A_280 : vector<16xf32>
      %get3A_395 = arith.constant 4 : i32
      %get3A_396 = arith.index_cast %get3A_395 : i32 to index
      %get3A_397 = arith.constant 32 : index
      %get3A_398 = tpu.vector_load %arg9[%get3A_396, %get3A_397] {strides = array<i32>} : memref<16x128xf32, #tpu.memory_space<vmem>>, vector<16xf32>,
      %mul3A_399 = arith.mulf %sub3A_394, %get3A_398 : vector<16xf32>
      %add3A_400 = arith.addf %mul3A_391, %mul3A_399 : vector<16xf32>
      %swap3A_401 = arith.constant 32 : index
      %swap3A_402 = tpu.vector_load %arg12[%swap3A_401] {strides = array<i32>} : memref<128xf32, #tpu.memory_space<vmem>>, vector<16xf32>,
      tpu.vector_store %arg12[%swap3A_401], %add3A_400 {strides = array<i32>} : memref<128xf32, #tpu.memory_space<vmem>>, vector<16xf32>,
      %get3A_403 = arith.constant 0 : i32
      %get3A_404 = arith.index_cast %get3A_403 : i32 to index
      %get3A_405 = arith.constant 48 : index
      %get3A_406 = tpu.vector_load %arg10[%get3A_404, %get3A_405] {strides = array<i32>} : memref<16x128xf32, #tpu.memory_space<vmem>>, vector<16xf32>,
      %mul3A_407 = arith.mulf %mul3A_260, %get3A_406 : vector<16xf32>
      %get3A_408 = arith.constant 1 : i32
      %get3A_409 = arith.index_cast %get3A_408 : i32 to index
      %get3A_410 = arith.constant 48 : index
      %get3A_411 = tpu.vector_load %arg10[%get3A_409, %get3A_410] {strides = array<i32>} : memref<16x128xf32, #tpu.memory_space<vmem>>, vector<16xf32>,
      %mul3A_412 = arith.mulf %mul3A_262, %get3A_411 : vector<16xf32>
      %add3A_413 = arith.addf %mul3A_407, %mul3A_412 : vector<16xf32>
      %get3A_414 = arith.constant 2 : i32
      %get3A_415 = arith.index_cast %get3A_414 : i32 to index
      %get3A_416 = arith.constant 48 : index
      %get3A_417 = tpu.vector_load %arg10[%get3A_415, %get3A_416] {strides = array<i32>} : memref<16x128xf32, #tpu.memory_space<vmem>>, vector<16xf32>,
      %mul3A_418 = arith.mulf %mul3A_264, %get3A_417 : vector<16xf32>
      %add3A_419 = arith.addf %add3A_413, %mul3A_418 : vector<16xf32>
      %get3A_420 = arith.constant 3 : i32
      %get3A_421 = arith.index_cast %get3A_420 : i32 to index
      %get3A_422 = arith.constant 48 : index
      %get3A_423 = tpu.vector_load %arg10[%get3A_421, %get3A_422] {strides = array<i32>} : memref<16x128xf32, #tpu.memory_space<vmem>>, vector<16xf32>,
      %mul3A_424 = arith.mulf %mul3A_266, %get3A_423 : vector<16xf32>
      %add3A_425 = arith.addf %add3A_419, %mul3A_424 : vector<16xf32>
      %get3A_426 = arith.constant 4 : i32
      %get3A_427 = arith.index_cast %get3A_426 : i32 to index
      %get3A_428 = arith.constant 48 : index
      %get3A_429 = tpu.vector_load %arg10[%get3A_427, %get3A_428] {strides = array<i32>} : memref<16x128xf32, #tpu.memory_space<vmem>>, vector<16xf32>,
      %mul3A_430 = arith.mulf %mul3A_268, %get3A_429 : vector<16xf32>
      %add3A_431 = arith.addf %add3A_425, %mul3A_430 : vector<16xf32>
      %mul3A_432 = arith.mulf %div3A_280, %add3A_431 : vector<16xf32>
      %sub3A_433 = arith.constant 1.000000e+00 : f32
      %sub3A_434 = vector.broadcast %sub3A_433 : f32 to vector<16xf32>
      %sub3A_435 = arith.subf %sub3A_434, %div3A_280 : vector<16xf32>
      %get3A_436 = arith.constant 4 : i32
      %get3A_437 = arith.index_cast %get3A_436 : i32 to index
      %get3A_438 = arith.constant 48 : index
      %get3A_439 = tpu.vector_load %arg9[%get3A_437, %get3A_438] {strides = array<i32>} : memref<16x128xf32, #tpu.memory_space<vmem>>, vector<16xf32>,
      %mul3A_440 = arith.mulf %sub3A_435, %get3A_439 : vector<16xf32>
      %add3A_441 = arith.addf %mul3A_432, %mul3A_440 : vector<16xf32>
      %swap3A_442 = arith.constant 48 : index
      %swap3A_443 = tpu.vector_load %arg12[%swap3A_442] {strides = array<i32>} : memref<128xf32, #tpu.memory_space<vmem>>, vector<16xf32>,
      tpu.vector_store %arg12[%swap3A_442], %add3A_441 {strides = array<i32>} : memref<128xf32, #tpu.memory_space<vmem>>, vector<16xf32>,
      %get3A_444 = arith.constant 0 : i32
      %get3A_445 = arith.index_cast %get3A_444 : i32 to index
      %get3A_446 = arith.constant 64 : index
      %get3A_447 = tpu.vector_load %arg10[%get3A_445, %get3A_446] {strides = array<i32>} : memref<16x128xf32, #tpu.memory_space<vmem>>, vector<16xf32>,
      %mul3A_448 = arith.mulf %mul3A_260, %get3A_447 : vector<16xf32>
      %get3A_449 = arith.constant 1 : i32
      %get3A_450 = arith.index_cast %get3A_449 : i32 to index
      %get3A_451 = arith.constant 64 : index
      %get3A_452 = tpu.vector_load %arg10[%get3A_450, %get3A_451] {strides = array<i32>} : memref<16x128xf32, #tpu.memory_space<vmem>>, vector<16xf32>,
      %mul3A_453 = arith.mulf %mul3A_262, %get3A_452 : vector<16xf32>
      %add3A_454 = arith.addf %mul3A_448, %mul3A_453 : vector<16xf32>
      %get3A_455 = arith.constant 2 : i32
      %get3A_456 = arith.index_cast %get3A_455 : i32 to index
      %get3A_457 = arith.constant 64 : index
      %get3A_458 = tpu.vector_load %arg10[%get3A_456, %get3A_457] {strides = array<i32>} : memref<16x128xf32, #tpu.memory_space<vmem>>, vector<16xf32>,
      %mul3A_459 = arith.mulf %mul3A_264, %get3A_458 : vector<16xf32>
      %add3A_460 = arith.addf %add3A_454, %mul3A_459 : vector<16xf32>
      %get3A_461 = arith.constant 3 : i32
      %get3A_462 = arith.index_cast %get3A_461 : i32 to index
      %get3A_463 = arith.constant 64 : index
      %get3A_464 = tpu.vector_load %arg10[%get3A_462, %get3A_463] {strides = array<i32>} : memref<16x128xf32, #tpu.memory_space<vmem>>, vector<16xf32>,
      %mul3A_465 = arith.mulf %mul3A_266, %get3A_464 : vector<16xf32>
      %add3A_466 = arith.addf %add3A_460, %mul3A_465 : vector<16xf32>
      %get3A_467 = arith.constant 4 : i32
      %get3A_468 = arith.index_cast %get3A_467 : i32 to index
      %get3A_469 = arith.constant 64 : index
      %get3A_470 = tpu.vector_load %arg10[%get3A_468, %get3A_469] {strides = array<i32>} : memref<16x128xf32, #tpu.memory_space<vmem>>, vector<16xf32>,
      %mul3A_471 = arith.mulf %mul3A_268, %get3A_470 : vector<16xf32>
      %add3A_472 = arith.addf %add3A_466, %mul3A_471 : vector<16xf32>
      %mul3A_473 = arith.mulf %div3A_280, %add3A_472 : vector<16xf32>
      %sub3A_474 = arith.constant 1.000000e+00 : f32
      %sub3A_475 = vector.broadcast %sub3A_474 : f32 to vector<16xf32>
      %sub3A_476 = arith.subf %sub3A_475, %div3A_280 : vector<16xf32>
      %get3A_477 = arith.constant 4 : i32
      %get3A_478 = arith.index_cast %get3A_477 : i32 to index
      %get3A_479 = arith.constant 64 : index
      %get3A_480 = tpu.vector_load %arg9[%get3A_478, %get3A_479] {strides = array<i32>} : memref<16x128xf32, #tpu.memory_space<vmem>>, vector<16xf32>,
      %mul3A_481 = arith.mulf %sub3A_476, %get3A_480 : vector<16xf32>
      %add3A_482 = arith.addf %mul3A_473, %mul3A_481 : vector<16xf32>
      %swap3A_483 = arith.constant 64 : index
      %swap3A_484 = tpu.vector_load %arg12[%swap3A_483] {strides = array<i32>} : memref<128xf32, #tpu.memory_space<vmem>>, vector<16xf32>,
      tpu.vector_store %arg12[%swap3A_483], %add3A_482 {strides = array<i32>} : memref<128xf32, #tpu.memory_space<vmem>>, vector<16xf32>,
      %get3A_485 = arith.constant 0 : i32
      %get3A_486 = arith.index_cast %get3A_485 : i32 to index
      %get3A_487 = arith.constant 80 : index
      %get3A_488 = tpu.vector_load %arg10[%get3A_486, %get3A_487] {strides = array<i32>} : memref<16x128xf32, #tpu.memory_space<vmem>>, vector<16xf32>,
      %mul3A_489 = arith.mulf %mul3A_260, %get3A_488 : vector<16xf32>
      %get3A_490 = arith.constant 1 : i32
      %get3A_491 = arith.index_cast %get3A_490 : i32 to index
      %get3A_492 = arith.constant 80 : index
      %get3A_493 = tpu.vector_load %arg10[%get3A_491, %get3A_492] {strides = array<i32>} : memref<16x128xf32, #tpu.memory_space<vmem>>, vector<16xf32>,
      %mul3A_494 = arith.mulf %mul3A_262, %get3A_493 : vector<16xf32>
      %add3A_495 = arith.addf %mul3A_489, %mul3A_494 : vector<16xf32>
      %get3A_496 = arith.constant 2 : i32
      %get3A_497 = arith.index_cast %get3A_496 : i32 to index
      %get3A_498 = arith.constant 80 : index
      %get3A_499 = tpu.vector_load %arg10[%get3A_497, %get3A_498] {strides = array<i32>} : memref<16x128xf32, #tpu.memory_space<vmem>>, vector<16xf32>,
      %mul3A_500 = arith.mulf %mul3A_264, %get3A_499 : vector<16xf32>
      %add3A_501 = arith.addf %add3A_495, %mul3A_500 : vector<16xf32>
      %get3A_502 = arith.constant 3 : i32
      %get3A_503 = arith.index_cast %get3A_502 : i32 to index
      %get3A_504 = arith.constant 80 : index
      %get3A_505 = tpu.vector_load %arg10[%get3A_503, %get3A_504] {strides = array<i32>} : memref<16x128xf32, #tpu.memory_space<vmem>>, vector<16xf32>,
      %mul3A_506 = arith.mulf %mul3A_266, %get3A_505 : vector<16xf32>
      %add3A_507 = arith.addf %add3A_501, %mul3A_506 : vector<16xf32>
      %get3A_508 = arith.constant 4 : i32
      %get3A_509 = arith.index_cast %get3A_508 : i32 to index
      %get3A_510 = arith.constant 80 : index
      %get3A_511 = tpu.vector_load %arg10[%get3A_509, %get3A_510] {strides = array<i32>} : memref<16x128xf32, #tpu.memory_space<vmem>>, vector<16xf32>,
      %mul3A_512 = arith.mulf %mul3A_268, %get3A_511 : vector<16xf32>
      %add3A_513 = arith.addf %add3A_507, %mul3A_512 : vector<16xf32>
      %mul3A_514 = arith.mulf %div3A_280, %add3A_513 : vector<16xf32>
      %sub3A_515 = arith.constant 1.000000e+00 : f32
      %sub3A_516 = vector.broadcast %sub3A_515 : f32 to vector<16xf32>
      %sub3A_517 = arith.subf %sub3A_516, %div3A_280 : vector<16xf32>
      %get3A_518 = arith.constant 4 : i32
      %get3A_519 = arith.index_cast %get3A_518 : i32 to index
      %get3A_520 = arith.constant 80 : index
      %get3A_521 = tpu.vector_load %arg9[%get3A_519, %get3A_520] {strides = array<i32>} : memref<16x128xf32, #tpu.memory_space<vmem>>, vector<16xf32>,
      %mul3A_522 = arith.mulf %sub3A_517, %get3A_521 : vector<16xf32>
      %add3A_523 = arith.addf %mul3A_514, %mul3A_522 : vector<16xf32>
      %swap3A_524 = arith.constant 80 : index
      %swap3A_525 = tpu.vector_load %arg12[%swap3A_524] {strides = array<i32>} : memref<128xf32, #tpu.memory_space<vmem>>, vector<16xf32>,
      tpu.vector_store %arg12[%swap3A_524], %add3A_523 {strides = array<i32>} : memref<128xf32, #tpu.memory_space<vmem>>, vector<16xf32>,
      %get3A_526 = arith.constant 0 : i32
      %get3A_527 = arith.index_cast %get3A_526 : i32 to index
      %get3A_528 = arith.constant 96 : index
      %get3A_529 = tpu.vector_load %arg10[%get3A_527, %get3A_528] {strides = array<i32>} : memref<16x128xf32, #tpu.memory_space<vmem>>, vector<16xf32>,
      %mul3A_530 = arith.mulf %mul3A_260, %get3A_529 : vector<16xf32>
      %get3A_531 = arith.constant 1 : i32
      %get3A_532 = arith.index_cast %get3A_531 : i32 to index
      %get3A_533 = arith.constant 96 : index
      %get3A_534 = tpu.vector_load %arg10[%get3A_532, %get3A_533] {strides = array<i32>} : memref<16x128xf32, #tpu.memory_space<vmem>>, vector<16xf32>,
      %mul3A_535 = arith.mulf %mul3A_262, %get3A_534 : vector<16xf32>
      %add3A_536 = arith.addf %mul3A_530, %mul3A_535 : vector<16xf32>
      %get3A_537 = arith.constant 2 : i32
      %get3A_538 = arith.index_cast %get3A_537 : i32 to index
      %get3A_539 = arith.constant 96 : index
      %get3A_540 = tpu.vector_load %arg10[%get3A_538, %get3A_539] {strides = array<i32>} : memref<16x128xf32, #tpu.memory_space<vmem>>, vector<16xf32>,
      %mul3A_541 = arith.mulf %mul3A_264, %get3A_540 : vector<16xf32>
      %add3A_542 = arith.addf %add3A_536, %mul3A_541 : vector<16xf32>
      %get3A_543 = arith.constant 3 : i32
      %get3A_544 = arith.index_cast %get3A_543 : i32 to index
      %get3A_545 = arith.constant 96 : index
      %get3A_546 = tpu.vector_load %arg10[%get3A_544, %get3A_545] {strides = array<i32>} : memref<16x128xf32, #tpu.memory_space<vmem>>, vector<16xf32>,
      %mul3A_547 = arith.mulf %mul3A_266, %get3A_546 : vector<16xf32>
      %add3A_548 = arith.addf %add3A_542, %mul3A_547 : vector<16xf32>
      %get3A_549 = arith.constant 4 : i32
      %get3A_550 = arith.index_cast %get3A_549 : i32 to index
      %get3A_551 = arith.constant 96 : index
      %get3A_552 = tpu.vector_load %arg10[%get3A_550, %get3A_551] {strides = array<i32>} : memref<16x128xf32, #tpu.memory_space<vmem>>, vector<16xf32>,
      %mul3A_553 = arith.mulf %mul3A_268, %get3A_552 : vector<16xf32>
      %add3A_554 = arith.addf %add3A_548, %mul3A_553 : vector<16xf32>
      %mul3A_555 = arith.mulf %div3A_280, %add3A_554 : vector<16xf32>
      %sub3A_556 = arith.constant 1.000000e+00 : f32
      %sub3A_557 = vector.broadcast %sub3A_556 : f32 to vector<16xf32>
      %sub3A_558 = arith.subf %sub3A_557, %div3A_280 : vector<16xf32>
      %get3A_559 = arith.constant 4 : i32
      %get3A_560 = arith.index_cast %get3A_559 : i32 to index
      %get3A_561 = arith.constant 96 : index
      %get3A_562 = tpu.vector_load %arg9[%get3A_560, %get3A_561] {strides = array<i32>} : memref<16x128xf32, #tpu.memory_space<vmem>>, vector<16xf32>,
      %mul3A_563 = arith.mulf %sub3A_558, %get3A_562 : vector<16xf32>
      %add3A_564 = arith.addf %mul3A_555, %mul3A_563 : vector<16xf32>
      %swap3A_565 = arith.constant 96 : index
      %swap3A_566 = tpu.vector_load %arg12[%swap3A_565] {strides = array<i32>} : memref<128xf32, #tpu.memory_space<vmem>>, vector<16xf32>,
      tpu.vector_store %arg12[%swap3A_565], %add3A_564 {strides = array<i32>} : memref<128xf32, #tpu.memory_space<vmem>>, vector<16xf32>,
      %get3A_567 = arith.constant 0 : i32
      %get3A_568 = arith.index_cast %get3A_567 : i32 to index
      %get3A_569 = arith.constant 112 : index
      %get3A_570 = tpu.vector_load %arg10[%get3A_568, %get3A_569] {strides = array<i32>} : memref<16x128xf32, #tpu.memory_space<vmem>>, vector<16xf32>,
      %mul3A_571 = arith.mulf %mul3A_260, %get3A_570 : vector<16xf32>
      %get3A_572 = arith.constant 1 : i32
      %get3A_573 = arith.index_cast %get3A_572 : i32 to index
      %get3A_574 = arith.constant 112 : index
      %get3A_575 = tpu.vector_load %arg10[%get3A_573, %get3A_574] {strides = array<i32>} : memref<16x128xf32, #tpu.memory_space<vmem>>, vector<16xf32>,
      %mul3A_576 = arith.mulf %mul3A_262, %get3A_575 : vector<16xf32>
      %add3A_577 = arith.addf %mul3A_571, %mul3A_576 : vector<16xf32>
      %get3A_578 = arith.constant 2 : i32
      %get3A_579 = arith.index_cast %get3A_578 : i32 to index
      %get3A_580 = arith.constant 112 : index
      %get3A_581 = tpu.vector_load %arg10[%get3A_579, %get3A_580] {strides = array<i32>} : memref<16x128xf32, #tpu.memory_space<vmem>>, vector<16xf32>,
      %mul3A_582 = arith.mulf %mul3A_264, %get3A_581 : vector<16xf32>
      %add3A_583 = arith.addf %add3A_577, %mul3A_582 : vector<16xf32>
      %get3A_584 = arith.constant 3 : i32
      %get3A_585 = arith.index_cast %get3A_584 : i32 to index
      %get3A_586 = arith.constant 112 : index
      %get3A_587 = tpu.vector_load %arg10[%get3A_585, %get3A_586] {strides = array<i32>} : memref<16x128xf32, #tpu.memory_space<vmem>>, vector<16xf32>,
      %mul3A_588 = arith.mulf %mul3A_266, %get3A_587 : vector<16xf32>
      %add3A_589 = arith.addf %add3A_583, %mul3A_588 : vector<16xf32>
      %get3A_590 = arith.constant 4 : i32
      %get3A_591 = arith.index_cast %get3A_590 : i32 to index
      %get3A_592 = arith.constant 112 : index
      %get3A_593 = tpu.vector_load %arg10[%get3A_591, %get3A_592] {strides = array<i32>} : memref<16x128xf32, #tpu.memory_space<vmem>>, vector<16xf32>,
      %mul3A_594 = arith.mulf %mul3A_268, %get3A_593 : vector<16xf32>
      %add3A_595 = arith.addf %add3A_589, %mul3A_594 : vector<16xf32>
      %mul3A_596 = arith.mulf %div3A_280, %add3A_595 : vector<16xf32>
      %sub3A_597 = arith.constant 1.000000e+00 : f32
      %sub3A_598 = vector.broadcast %sub3A_597 : f32 to vector<16xf32>
      %sub3A_599 = arith.subf %sub3A_598, %div3A_280 : vector<16xf32>
      %get3A_600 = arith.constant 4 : i32
      %get3A_601 = arith.index_cast %get3A_600 : i32 to index
      %get3A_602 = arith.constant 112 : index
      %get3A_603 = tpu.vector_load %arg9[%get3A_601, %get3A_602] {strides = array<i32>} : memref<16x128xf32, #tpu.memory_space<vmem>>, vector<16xf32>,
      %mul3A_604 = arith.mulf %sub3A_599, %get3A_603 : vector<16xf32>
      %add3A_605 = arith.addf %mul3A_596, %mul3A_604 : vector<16xf32>
      %swap3A_606 = arith.constant 112 : index
      %swap3A_607 = tpu.vector_load %arg12[%swap3A_606] {strides = array<i32>} : memref<128xf32, #tpu.memory_space<vmem>>, vector<16xf32>,
      tpu.vector_store %arg12[%swap3A_606], %add3A_605 {strides = array<i32>} : memref<128xf32, #tpu.memory_space<vmem>>, vector<16xf32>,
      "tpu.region"() ({
        %run_scoped3A = tpu.sem_alloc : memref<!tpu.dma_semaphore, #tpu.memory_space<semaphore_mem>>
        %dma_start3A_608 = arith.constant 0 : i32
        %dma_start3A_609 = tpu.memref_slice %arg6[%add3A_48, %dma_start3A_608] : memref<128x128xf32, #tpu.memory_space<hbm>> -> memref<1x128xf32, #tpu.memory_space<hbm>>
        %dma_start3A_610 = tpu.memref_squeeze %dma_start3A_609 : memref<1x128xf32, #tpu.memory_space<hbm>> -> memref<128xf32, #tpu.memory_space<hbm>>
        %dma_start3A_611 = arith.constant 0 : i32
        %dma_start3A_612 = tpu.memref_slice %arg6[%add3A_48, %dma_start3A_611] : memref<128x128xf32, #tpu.memory_space<hbm>> -> memref<1x128xf32, #tpu.memory_space<hbm>>
        %dma_start3A_613 = tpu.memref_squeeze %dma_start3A_612 : memref<1x128xf32, #tpu.memory_space<hbm>> -> memref<128xf32, #tpu.memory_space<hbm>>
        tpu.enqueue_dma source(%arg12 : memref<128xf32, #tpu.memory_space<vmem>>) target(%dma_start3A_613 : memref<128xf32, #tpu.memory_space<hbm>>) target_semaphore(%run_scoped3A : memref<!tpu.dma_semaphore, #tpu.memory_space<semaphore_mem>>)
        %dma_wait3A_614 = arith.constant 0 : i32
        %dma_wait3A_615 = tpu.memref_slice %arg6[%add3A_48, %dma_wait3A_614] : memref<128x128xf32, #tpu.memory_space<hbm>> -> memref<1x128xf32, #tpu.memory_space<hbm>>
        %dma_wait3A_616 = tpu.memref_squeeze %dma_wait3A_615 : memref<1x128xf32, #tpu.memory_space<hbm>> -> memref<128xf32, #tpu.memory_space<hbm>>
        %dma_wait3A_617 = arith.constant 0 : i32
        %dma_wait3A_618 = tpu.memref_slice %arg6[%add3A_48, %dma_wait3A_617] : memref<128x128xf32, #tpu.memory_space<hbm>> -> memref<1x128xf32, #tpu.memory_space<hbm>>
        %dma_wait3A_619 = tpu.memref_squeeze %dma_wait3A_618 : memref<1x128xf32, #tpu.memory_space<hbm>> -> memref<128xf32, #tpu.memory_space<hbm>>
        tpu.wait_dma2 semaphore(%run_scoped3A : memref<!tpu.dma_semaphore, #tpu.memory_space<semaphore_mem>>) src(%arg12 : memref<128xf32, #tpu.memory_space<vmem>>) dst(%dma_wait3A_619 : memref<128xf32, #tpu.memory_space<hbm>>)
        tpu.yield
      }) : () -> ()
    } else {
    }
    %add3A_56 = arith.constant 1 : i32
    %add3A_57 = arith.addi %mul3A_2, %add3A_56 : i32
    %eq3A_58 = arith.constant 103 : i32
    %eq3A_59 = arith.cmpi eq, %squeeze3A_5, %eq3A_58 : i32
    %not3A_60 = arith.constant true
    %not3A_61 = arith.xori %eq3A_59, %not3A_60 : i1
    %convert_element_type3A_62 = arith.extui %not3A_61 : i1 to i32
    %cond3A_63 = arith.constant 0 : i32
    %cond3A_64 = arith.cmpi ne, %convert_element_type3A_62, %cond3A_63 : i32
    scf.if %cond3A_64 {
      %run_scoped3A = arith.constant 1 : i32
      "tpu.region"() ({
        %run_scoped3A_92 = tpu.sem_alloc : memref<!tpu.dma_semaphore, #tpu.memory_space<semaphore_mem>>
        %dma_start3A_93 = arith.constant 0 : i32
        %dma_start3A_94 = tpu.memref_slice %arg9[%run_scoped3A, %dma_start3A_93] : memref<16x128xf32, #tpu.memory_space<vmem>> -> memref<1x128xf32, #tpu.memory_space<vmem>>
        %dma_start3A_95 = tpu.memref_squeeze %dma_start3A_94 : memref<1x128xf32, #tpu.memory_space<vmem>> -> memref<128xf32, #tpu.memory_space<vmem>>
        %dma_start3A_96 = arith.constant 0 : i32
        %dma_start3A_97 = tpu.memref_slice %arg6[%add3A_57, %dma_start3A_96] : memref<128x128xf32, #tpu.memory_space<hbm>> -> memref<1x128xf32, #tpu.memory_space<hbm>>
        %dma_start3A_98 = tpu.memref_squeeze %dma_start3A_97 : memref<1x128xf32, #tpu.memory_space<hbm>> -> memref<128xf32, #tpu.memory_space<hbm>>
        %dma_start3A_99 = arith.constant 0 : i32
        %dma_start3A_100 = tpu.memref_slice %arg6[%add3A_57, %dma_start3A_99] : memref<128x128xf32, #tpu.memory_space<hbm>> -> memref<1x128xf32, #tpu.memory_space<hbm>>
        %dma_start3A_101 = tpu.memref_squeeze %dma_start3A_100 : memref<1x128xf32, #tpu.memory_space<hbm>> -> memref<128xf32, #tpu.memory_space<hbm>>
        %dma_start3A_102 = arith.constant 0 : i32
        %dma_start3A_103 = tpu.memref_slice %arg9[%run_scoped3A, %dma_start3A_102] : memref<16x128xf32, #tpu.memory_space<vmem>> -> memref<1x128xf32, #tpu.memory_space<vmem>>
        %dma_start3A_104 = tpu.memref_squeeze %dma_start3A_103 : memref<1x128xf32, #tpu.memory_space<vmem>> -> memref<128xf32, #tpu.memory_space<vmem>>
        tpu.enqueue_dma source(%dma_start3A_104 : memref<128xf32, #tpu.memory_space<vmem>>) target(%dma_start3A_101 : memref<128xf32, #tpu.memory_space<hbm>>) target_semaphore(%run_scoped3A_92 : memref<!tpu.dma_semaphore, #tpu.memory_space<semaphore_mem>>)
        %dma_wait3A_105 = arith.constant 0 : i32
        %dma_wait3A_106 = tpu.memref_slice %arg9[%run_scoped3A, %dma_wait3A_105] : memref<16x128xf32, #tpu.memory_space<vmem>> -> memref<1x128xf32, #tpu.memory_space<vmem>>
        %dma_wait3A_107 = tpu.memref_squeeze %dma_wait3A_106 : memref<1x128xf32, #tpu.memory_space<vmem>> -> memref<128xf32, #tpu.memory_space<vmem>>
        %dma_wait3A_108 = arith.constant 0 : i32
        %dma_wait3A_109 = tpu.memref_slice %arg6[%add3A_57, %dma_wait3A_108] : memref<128x128xf32, #tpu.memory_space<hbm>> -> memref<1x128xf32, #tpu.memory_space<hbm>>
        %dma_wait3A_110 = tpu.memref_squeeze %dma_wait3A_109 : memref<1x128xf32, #tpu.memory_space<hbm>> -> memref<128xf32, #tpu.memory_space<hbm>>
        %dma_wait3A_111 = arith.constant 0 : i32
        %dma_wait3A_112 = tpu.memref_slice %arg6[%add3A_57, %dma_wait3A_111] : memref<128x128xf32, #tpu.memory_space<hbm>> -> memref<1x128xf32, #tpu.memory_space<hbm>>
        %dma_wait3A_113 = tpu.memref_squeeze %dma_wait3A_112 : memref<1x128xf32, #tpu.memory_space<hbm>> -> memref<128xf32, #tpu.memory_space<hbm>>
        %dma_wait3A_114 = arith.constant 0 : i32
        %dma_wait3A_115 = tpu.memref_slice %arg9[%run_scoped3A, %dma_wait3A_114] : memref<16x128xf32, #tpu.memory_space<vmem>> -> memref<1x128xf32, #tpu.memory_space<vmem>>
        %dma_wait3A_116 = tpu.memref_squeeze %dma_wait3A_115 : memref<1x128xf32, #tpu.memory_space<vmem>> -> memref<128xf32, #tpu.memory_space<vmem>>
        tpu.wait_dma2 semaphore(%run_scoped3A_92 : memref<!tpu.dma_semaphore, #tpu.memory_space<semaphore_mem>>) src(%dma_wait3A_116 : memref<128xf32, #tpu.memory_space<vmem>>) dst(%dma_wait3A_113 : memref<128xf32, #tpu.memory_space<hbm>>)
        tpu.yield
      }) : () -> ()
    } else {
    }
    %convert_element_type3A_65 = arith.extui %eq3A_59 : i1 to i32
    %cond3A_66 = arith.constant 0 : i32
    %cond3A_67 = arith.cmpi ne, %convert_element_type3A_65, %cond3A_66 : i32
    scf.if %cond3A_67 {
      "tpu.region"() ({
        %run_scoped3A = tpu.sem_alloc : memref<!tpu.dma_semaphore, #tpu.memory_space<semaphore_mem>>
        %dma_start3A_608 = arith.constant 0 : i32
        %dma_start3A_609 = tpu.memref_slice %arg3[%add3A_57, %dma_start3A_608] : memref<128x100000xf32, #tpu.memory_space<hbm>> -> memref<1x100000xf32, #tpu.memory_space<hbm>>
        %dma_start3A_610 = tpu.memref_squeeze %dma_start3A_609 : memref<1x100000xf32, #tpu.memory_space<hbm>> -> memref<100000xf32, #tpu.memory_space<hbm>>
        %dma_start3A_611 = arith.constant 0 : i32
        %dma_start3A_612 = tpu.memref_slice %arg3[%add3A_57, %dma_start3A_611] : memref<128x100000xf32, #tpu.memory_space<hbm>> -> memref<1x100000xf32, #tpu.memory_space<hbm>>
        %dma_start3A_613 = tpu.memref_squeeze %dma_start3A_612 : memref<1x100000xf32, #tpu.memory_space<hbm>> -> memref<100000xf32, #tpu.memory_space<hbm>>
        tpu.enqueue_dma source(%dma_start3A_613 : memref<100000xf32, #tpu.memory_space<hbm>>) target(%arg11 : memref<100000xf32, #tpu.memory_space<vmem>>) target_semaphore(%run_scoped3A : memref<!tpu.dma_semaphore, #tpu.memory_space<semaphore_mem>>)
        %dma_wait3A_614 = arith.constant 0 : i32
        %dma_wait3A_615 = tpu.memref_slice %arg3[%add3A_57, %dma_wait3A_614] : memref<128x100000xf32, #tpu.memory_space<hbm>> -> memref<1x100000xf32, #tpu.memory_space<hbm>>
        %dma_wait3A_616 = tpu.memref_squeeze %dma_wait3A_615 : memref<1x100000xf32, #tpu.memory_space<hbm>> -> memref<100000xf32, #tpu.memory_space<hbm>>
        %dma_wait3A_617 = arith.constant 0 : i32
        %dma_wait3A_618 = tpu.memref_slice %arg3[%add3A_57, %dma_wait3A_617] : memref<128x100000xf32, #tpu.memory_space<hbm>> -> memref<1x100000xf32, #tpu.memory_space<hbm>>
        %dma_wait3A_619 = tpu.memref_squeeze %dma_wait3A_618 : memref<1x100000xf32, #tpu.memory_space<hbm>> -> memref<100000xf32, #tpu.memory_space<hbm>>
        tpu.wait_dma2 semaphore(%run_scoped3A : memref<!tpu.dma_semaphore, #tpu.memory_space<semaphore_mem>>) src(%dma_wait3A_619 : memref<100000xf32, #tpu.memory_space<hbm>>) dst(%arg11 : memref<100000xf32, #tpu.memory_space<vmem>>)
        tpu.yield
      }) : () -> ()
      %scan3A = arith.constant 0 : i32
      %scan3A_92 = arith.constant 6250 : i32
      %scan3A_93 = arith.addi %scan3A, %scan3A_92 : i32
      %scan3A_94 = arith.constant 1 : i32
      %scan3A_95:3 = scf.for %scan3A_608 = %scan3A to %scan3A_93 step %scan3A_94 iter_args(%scan3A_609 = %broadcast_in_dim3A_44, %scan3A_610 = %broadcast_in_dim3A_42, %scan3A_611 = %broadcast_in_dim3A_46) -> (vector<16xf32>, vector<16xf32>, vector<16xi32>)  : i32 {
        %mul3A_612 = arith.constant 16 : i32
        %mul3A_613 = arith.muli %scan3A_608, %mul3A_612 : i32
        %get3A_614 = arith.index_cast %mul3A_613 : i32 to index
        %get3A_615 = tpu.vector_load %arg11[%get3A_614] {strides = array<i32>} : memref<100000xf32, #tpu.memory_space<vmem>>, vector<16xf32>,
        %add3A_616 = arith.constant 1.000000e-10 : f32
        %add3A_617 = vector.broadcast %add3A_616 : f32 to vector<16xf32>
        %add3A_618 = arith.addf %get3A_615, %add3A_617 : vector<16xf32>
        %bitcast_convert_type3A = tpu.bitcast %add3A_618 : vector<16xf32> -> vector<16xi32>
        %shift_right_arithmetic3A = arith.constant 23 : i32
        %shift_right_arithmetic3A_619 = vector.broadcast %shift_right_arithmetic3A : i32 to vector<16xi32>
        %shift_right_arithmetic3A_620 = arith.shrsi %bitcast_convert_type3A, %shift_right_arithmetic3A_619 : vector<16xi32>
        %sub3A_621 = arith.constant 127 : i32
        %sub3A_622 = vector.broadcast %sub3A_621 : i32 to vector<16xi32>
        %sub3A_623 = arith.subi %shift_right_arithmetic3A_620, %sub3A_622 : vector<16xi32>
        %and3A = arith.constant 8388607 : i32
        %and3A_624 = vector.broadcast %and3A : i32 to vector<16xi32>
        %and3A_625 = arith.andi %bitcast_convert_type3A, %and3A_624 : vector<16xi32>
        %or3A = arith.constant 1065353216 : i32
        %or3A_626 = vector.broadcast %or3A : i32 to vector<16xi32>
        %or3A_627 = arith.ori %and3A_625, %or3A_626 : vector<16xi32>
        %bitcast_convert_type3A_628 = tpu.bitcast %or3A_627 : vector<16xi32> -> vector<16xf32>
        %gt3A = arith.constant 1.41421354 : f32
        %gt3A_629 = vector.broadcast %gt3A : f32 to vector<16xf32>
        %gt3A_630 = arith.cmpf ogt, %bitcast_convert_type3A_628, %gt3A_629 : vector<16xf32>
        %mul3A_631 = arith.constant 5.000000e-01 : f32
        %mul3A_632 = vector.broadcast %mul3A_631 : f32 to vector<16xf32>
        %mul3A_633 = arith.mulf %bitcast_convert_type3A_628, %mul3A_632 : vector<16xf32>
        %select_n3A_634 = arith.select %gt3A_630, %mul3A_633, %bitcast_convert_type3A_628 : vector<16xi1>, vector<16xf32>
        %convert_element_type3A_635 = arith.extui %gt3A_630 : vector<16xi1> to vector<16xi32>
        %add3A_636 = arith.addi %sub3A_623, %convert_element_type3A_635 : vector<16xi32>
        %convert_element_type3A_637 = arith.sitofp %add3A_636 : vector<16xi32> to vector<16xf32>
        %sub3A_638 = arith.constant 1.000000e+00 : f32
        %sub3A_639 = vector.broadcast %sub3A_638 : f32 to vector<16xf32>
        %sub3A_640 = arith.subf %select_n3A_634, %sub3A_639 : vector<16xf32>
        %add3A_641 = arith.constant 1.000000e+00 : f32
        %add3A_642 = vector.broadcast %add3A_641 : f32 to vector<16xf32>
        %add3A_643 = arith.addf %select_n3A_634, %add3A_642 : vector<16xf32>
        %div3A_644 = arith.divf %sub3A_640, %add3A_643 : vector<16xf32>
        %mul3A_645 = arith.mulf %div3A_644, %div3A_644 : vector<16xf32>
        %mul3A_646 = arith.constant 0.142857149 : f32
        %mul3A_647 = vector.broadcast %mul3A_646 : f32 to vector<16xf32>
        %mul3A_648 = arith.mulf %mul3A_645, %mul3A_647 : vector<16xf32>
        %add3A_649 = arith.constant 2.000000e-01 : f32
        %add3A_650 = vector.broadcast %add3A_649 : f32 to vector<16xf32>
        %add3A_651 = arith.addf %add3A_650, %mul3A_648 : vector<16xf32>
        %mul3A_652 = arith.mulf %mul3A_645, %add3A_651 : vector<16xf32>
        %add3A_653 = arith.constant 0.333333343 : f32
        %add3A_654 = vector.broadcast %add3A_653 : f32 to vector<16xf32>
        %add3A_655 = arith.addf %add3A_654, %mul3A_652 : vector<16xf32>
        %mul3A_656 = arith.mulf %mul3A_645, %add3A_655 : vector<16xf32>
        %add3A_657 = arith.constant 1.000000e+00 : f32
        %add3A_658 = vector.broadcast %add3A_657 : f32 to vector<16xf32>
        %add3A_659 = arith.addf %add3A_658, %mul3A_656 : vector<16xf32>
        %mul3A_660 = arith.constant 0.693147182 : f32
        %mul3A_661 = vector.broadcast %mul3A_660 : f32 to vector<16xf32>
        %mul3A_662 = arith.mulf %convert_element_type3A_637, %mul3A_661 : vector<16xf32>
        %mul3A_663 = arith.constant 2.000000e+00 : f32
        %mul3A_664 = vector.broadcast %mul3A_663 : f32 to vector<16xf32>
        %mul3A_665 = arith.mulf %mul3A_664, %div3A_644 : vector<16xf32>
        %mul3A_666 = arith.mulf %mul3A_665, %add3A_659 : vector<16xf32>
        %add3A_667 = arith.addf %mul3A_662, %mul3A_666 : vector<16xf32>
        %mul3A_668 = arith.mulf %get3A_615, %add3A_667 : vector<16xf32>
        %add3A_669 = arith.addf %scan3A_609, %mul3A_668 : vector<16xf32>
        %gt3A_670 = arith.cmpf ogt, %get3A_615, %scan3A_610 : vector<16xf32>
        %select_n3A_671 = arith.select %gt3A_670, %get3A_615, %scan3A_610 : vector<16xi1>, vector<16xf32>
        %mul3A_672 = arith.constant 16 : i32
        %mul3A_673 = arith.muli %scan3A_608, %mul3A_672 : i32
        %add3A_674 = vector.broadcast %mul3A_673 : i32 to vector<16xi32>
        %add3A_675 = arith.addi %iota3A, %add3A_674 : vector<16xi32>
        %select_n3A_676 = arith.select %gt3A_670, %add3A_675, %scan3A_611 : vector<16xi1>, vector<16xi32>
        scf.yield %add3A_669, %select_n3A_671, %select_n3A_676 : vector<16xf32>, vector<16xf32>, vector<16xi32>
      }
      %scan3A_96 = arith.constant 6250 : i32
      %reduce_max3A = arith.constant true
      %reduce_max3A_97 = vector.broadcast %reduce_max3A : i1 to vector<16xi1>
      %reduce_max3A_98 = tpu.scan <max>, %scan3A_95#1 masked %reduce_max3A_97 : vector<16xf32>, vector<16xi1> -> vector<16xf32>
      %reduce_max3A_99 = vector.extract %reduce_max3A_98[15] : f32 from vector<16xf32>
      %eq3A_100 = vector.broadcast %reduce_max3A_99 : f32 to vector<16xf32>
      %eq3A_101 = arith.cmpf oeq, %scan3A_95#1, %eq3A_100 : vector<16xf32>
      %jit3A = arith.constant 2147483647 : i32
      %broadcast_in_dim3A_102 = vector.broadcast %jit3A : i32 to vector<16xi32>
      %select_n3A_103 = arith.select %eq3A_101, %scan3A_95#2, %broadcast_in_dim3A_102 : vector<16xi1>, vector<16xi32>
      %reduce_min3A = arith.constant true
      %reduce_min3A_104 = vector.broadcast %reduce_min3A : i1 to vector<16xi1>
      %reduce_min3A_105 = arith.constant -2147483648 : i32
      %reduce_min3A_106 = vector.broadcast %reduce_min3A_105 : i32 to vector<16xi32>
      %reduce_min3A_107 = arith.xori %select_n3A_103, %reduce_min3A_106 : vector<16xi32>
      %reduce_min3A_108 = tpu.scan <min>, %reduce_min3A_107 masked %reduce_min3A_104 : vector<16xi32>, vector<16xi1> -> vector<16xi32>
      %reduce_min3A_109 = arith.xori %reduce_min3A_108, %reduce_min3A_106 : vector<16xi32>
      %reduce_min3A_110 = vector.extract %reduce_min3A_109[15] : i32 from vector<16xi32>
      %broadcast_in_dim3A_111 = vector.broadcast %reduce_min3A_110 : i32 to vector<16xi32>
      %eq3A_112 = arith.constant 0 : i32
      %eq3A_113 = vector.broadcast %eq3A_112 : i32 to vector<16xi32>
      %eq3A_114 = arith.cmpi eq, %iota3A, %eq3A_113 : vector<16xi32>
      tpu.vector_store_idx %arg11[%broadcast_in_dim3A_111], %broadcast_in_dim3A_42 masked %eq3A_114 : memref<100000xf32, #tpu.memory_space<vmem>>[vector<16xi32>], vector<16xf32>, vector<16xi1>
      %scan3A_115 = arith.constant 0 : i32
      %scan3A_116 = arith.constant 6250 : i32
      %scan3A_117 = arith.addi %scan3A_115, %scan3A_116 : i32
      %scan3A_118 = arith.constant 1 : i32
      %scan3A_119:2 = scf.for %scan3A_608 = %scan3A_115 to %scan3A_117 step %scan3A_118 iter_args(%scan3A_609 = %broadcast_in_dim3A_42, %scan3A_610 = %broadcast_in_dim3A_46) -> (vector<16xf32>, vector<16xi32>)  : i32 {
        %mul3A_611 = arith.constant 16 : i32
        %mul3A_612 = arith.muli %scan3A_608, %mul3A_611 : i32
        %get3A_613 = arith.index_cast %mul3A_612 : i32 to index
        %get3A_614 = tpu.vector_load %arg11[%get3A_613] {strides = array<i32>} : memref<100000xf32, #tpu.memory_space<vmem>>, vector<16xf32>,
        %gt3A = arith.cmpf ogt, %get3A_614, %scan3A_609 : vector<16xf32>
        %select_n3A_615 = arith.select %gt3A, %get3A_614, %scan3A_609 : vector<16xi1>, vector<16xf32>
        %mul3A_616 = arith.constant 16 : i32
        %mul3A_617 = arith.muli %scan3A_608, %mul3A_616 : i32
        %add3A_618 = vector.broadcast %mul3A_617 : i32 to vector<16xi32>
        %add3A_619 = arith.addi %iota3A, %add3A_618 : vector<16xi32>
        %select_n3A_620 = arith.select %gt3A, %add3A_619, %scan3A_610 : vector<16xi1>, vector<16xi32>
        scf.yield %select_n3A_615, %select_n3A_620 : vector<16xf32>, vector<16xi32>
      }
      %scan3A_120 = arith.constant 6250 : i32
      %reduce_max3A_121 = arith.constant true
      %reduce_max3A_122 = vector.broadcast %reduce_max3A_121 : i1 to vector<16xi1>
      %reduce_max3A_123 = tpu.scan <max>, %scan3A_119#0 masked %reduce_max3A_122 : vector<16xf32>, vector<16xi1> -> vector<16xf32>
      %reduce_max3A_124 = vector.extract %reduce_max3A_123[15] : f32 from vector<16xf32>
      %eq3A_125 = vector.broadcast %reduce_max3A_124 : f32 to vector<16xf32>
      %eq3A_126 = arith.cmpf oeq, %scan3A_119#0, %eq3A_125 : vector<16xf32>
      %jit3A_127 = arith.constant 2147483647 : i32
      %broadcast_in_dim3A_128 = vector.broadcast %jit3A_127 : i32 to vector<16xi32>
      %select_n3A_129 = arith.select %eq3A_126, %scan3A_119#1, %broadcast_in_dim3A_128 : vector<16xi1>, vector<16xi32>
      %reduce_min3A_130 = arith.constant true
      %reduce_min3A_131 = vector.broadcast %reduce_min3A_130 : i1 to vector<16xi1>
      %reduce_min3A_132 = arith.constant -2147483648 : i32
      %reduce_min3A_133 = vector.broadcast %reduce_min3A_132 : i32 to vector<16xi32>
      %reduce_min3A_134 = arith.xori %select_n3A_129, %reduce_min3A_133 : vector<16xi32>
      %reduce_min3A_135 = tpu.scan <min>, %reduce_min3A_134 masked %reduce_min3A_131 : vector<16xi32>, vector<16xi1> -> vector<16xi32>
      %reduce_min3A_136 = arith.xori %reduce_min3A_135, %reduce_min3A_133 : vector<16xi32>
      %reduce_min3A_137 = vector.extract %reduce_min3A_136[15] : i32 from vector<16xi32>
      %broadcast_in_dim3A_138 = vector.broadcast %reduce_min3A_137 : i32 to vector<16xi32>
      %eq3A_139 = arith.constant 0 : i32
      %eq3A_140 = vector.broadcast %eq3A_139 : i32 to vector<16xi32>
      %eq3A_141 = arith.cmpi eq, %iota3A, %eq3A_140 : vector<16xi32>
      tpu.vector_store_idx %arg11[%broadcast_in_dim3A_138], %broadcast_in_dim3A_42 masked %eq3A_141 : memref<100000xf32, #tpu.memory_space<vmem>>[vector<16xi32>], vector<16xf32>, vector<16xi1>
      %scan3A_142 = arith.constant 0 : i32
      %scan3A_143 = arith.constant 6250 : i32
      %scan3A_144 = arith.addi %scan3A_142, %scan3A_143 : i32
      %scan3A_145 = arith.constant 1 : i32
      %scan3A_146:2 = scf.for %scan3A_608 = %scan3A_142 to %scan3A_144 step %scan3A_145 iter_args(%scan3A_609 = %broadcast_in_dim3A_42, %scan3A_610 = %broadcast_in_dim3A_46) -> (vector<16xf32>, vector<16xi32>)  : i32 {
        %mul3A_611 = arith.constant 16 : i32
        %mul3A_612 = arith.muli %scan3A_608, %mul3A_611 : i32
        %get3A_613 = arith.index_cast %mul3A_612 : i32 to index
        %get3A_614 = tpu.vector_load %arg11[%get3A_613] {strides = array<i32>} : memref<100000xf32, #tpu.memory_space<vmem>>, vector<16xf32>,
        %gt3A = arith.cmpf ogt, %get3A_614, %scan3A_609 : vector<16xf32>
        %select_n3A_615 = arith.select %gt3A, %get3A_614, %scan3A_609 : vector<16xi1>, vector<16xf32>
        %mul3A_616 = arith.constant 16 : i32
        %mul3A_617 = arith.muli %scan3A_608, %mul3A_616 : i32
        %add3A_618 = vector.broadcast %mul3A_617 : i32 to vector<16xi32>
        %add3A_619 = arith.addi %iota3A, %add3A_618 : vector<16xi32>
        %select_n3A_620 = arith.select %gt3A, %add3A_619, %scan3A_610 : vector<16xi1>, vector<16xi32>
        scf.yield %select_n3A_615, %select_n3A_620 : vector<16xf32>, vector<16xi32>
      }
      %scan3A_147 = arith.constant 6250 : i32
      %reduce_max3A_148 = arith.constant true
      %reduce_max3A_149 = vector.broadcast %reduce_max3A_148 : i1 to vector<16xi1>
      %reduce_max3A_150 = tpu.scan <max>, %scan3A_146#0 masked %reduce_max3A_149 : vector<16xf32>, vector<16xi1> -> vector<16xf32>
      %reduce_max3A_151 = vector.extract %reduce_max3A_150[15] : f32 from vector<16xf32>
      %eq3A_152 = vector.broadcast %reduce_max3A_151 : f32 to vector<16xf32>
      %eq3A_153 = arith.cmpf oeq, %scan3A_146#0, %eq3A_152 : vector<16xf32>
      %jit3A_154 = arith.constant 2147483647 : i32
      %broadcast_in_dim3A_155 = vector.broadcast %jit3A_154 : i32 to vector<16xi32>
      %select_n3A_156 = arith.select %eq3A_153, %scan3A_146#1, %broadcast_in_dim3A_155 : vector<16xi1>, vector<16xi32>
      %reduce_min3A_157 = arith.constant true
      %reduce_min3A_158 = vector.broadcast %reduce_min3A_157 : i1 to vector<16xi1>
      %reduce_min3A_159 = arith.constant -2147483648 : i32
      %reduce_min3A_160 = vector.broadcast %reduce_min3A_159 : i32 to vector<16xi32>
      %reduce_min3A_161 = arith.xori %select_n3A_156, %reduce_min3A_160 : vector<16xi32>
      %reduce_min3A_162 = tpu.scan <min>, %reduce_min3A_161 masked %reduce_min3A_158 : vector<16xi32>, vector<16xi1> -> vector<16xi32>
      %reduce_min3A_163 = arith.xori %reduce_min3A_162, %reduce_min3A_160 : vector<16xi32>
      %reduce_min3A_164 = vector.extract %reduce_min3A_163[15] : i32 from vector<16xi32>
      %broadcast_in_dim3A_165 = vector.broadcast %reduce_min3A_164 : i32 to vector<16xi32>
      %eq3A_166 = arith.constant 0 : i32
      %eq3A_167 = vector.broadcast %eq3A_166 : i32 to vector<16xi32>
      %eq3A_168 = arith.cmpi eq, %iota3A, %eq3A_167 : vector<16xi32>
      tpu.vector_store_idx %arg11[%broadcast_in_dim3A_165], %broadcast_in_dim3A_42 masked %eq3A_168 : memref<100000xf32, #tpu.memory_space<vmem>>[vector<16xi32>], vector<16xf32>, vector<16xi1>
      %scan3A_169 = arith.constant 0 : i32
      %scan3A_170 = arith.constant 6250 : i32
      %scan3A_171 = arith.addi %scan3A_169, %scan3A_170 : i32
      %scan3A_172 = arith.constant 1 : i32
      %scan3A_173:2 = scf.for %scan3A_608 = %scan3A_169 to %scan3A_171 step %scan3A_172 iter_args(%scan3A_609 = %broadcast_in_dim3A_42, %scan3A_610 = %broadcast_in_dim3A_46) -> (vector<16xf32>, vector<16xi32>)  : i32 {
        %mul3A_611 = arith.constant 16 : i32
        %mul3A_612 = arith.muli %scan3A_608, %mul3A_611 : i32
        %get3A_613 = arith.index_cast %mul3A_612 : i32 to index
        %get3A_614 = tpu.vector_load %arg11[%get3A_613] {strides = array<i32>} : memref<100000xf32, #tpu.memory_space<vmem>>, vector<16xf32>,
        %gt3A = arith.cmpf ogt, %get3A_614, %scan3A_609 : vector<16xf32>
        %select_n3A_615 = arith.select %gt3A, %get3A_614, %scan3A_609 : vector<16xi1>, vector<16xf32>
        %mul3A_616 = arith.constant 16 : i32
        %mul3A_617 = arith.muli %scan3A_608, %mul3A_616 : i32
        %add3A_618 = vector.broadcast %mul3A_617 : i32 to vector<16xi32>
        %add3A_619 = arith.addi %iota3A, %add3A_618 : vector<16xi32>
        %select_n3A_620 = arith.select %gt3A, %add3A_619, %scan3A_610 : vector<16xi1>, vector<16xi32>
        scf.yield %select_n3A_615, %select_n3A_620 : vector<16xf32>, vector<16xi32>
      }
      %scan3A_174 = arith.constant 6250 : i32
      %reduce_max3A_175 = arith.constant true
      %reduce_max3A_176 = vector.broadcast %reduce_max3A_175 : i1 to vector<16xi1>
      %reduce_max3A_177 = tpu.scan <max>, %scan3A_173#0 masked %reduce_max3A_176 : vector<16xf32>, vector<16xi1> -> vector<16xf32>
      %reduce_max3A_178 = vector.extract %reduce_max3A_177[15] : f32 from vector<16xf32>
      %eq3A_179 = vector.broadcast %reduce_max3A_178 : f32 to vector<16xf32>
      %eq3A_180 = arith.cmpf oeq, %scan3A_173#0, %eq3A_179 : vector<16xf32>
      %jit3A_181 = arith.constant 2147483647 : i32
      %broadcast_in_dim3A_182 = vector.broadcast %jit3A_181 : i32 to vector<16xi32>
      %select_n3A_183 = arith.select %eq3A_180, %scan3A_173#1, %broadcast_in_dim3A_182 : vector<16xi1>, vector<16xi32>
      %reduce_min3A_184 = arith.constant true
      %reduce_min3A_185 = vector.broadcast %reduce_min3A_184 : i1 to vector<16xi1>
      %reduce_min3A_186 = arith.constant -2147483648 : i32
      %reduce_min3A_187 = vector.broadcast %reduce_min3A_186 : i32 to vector<16xi32>
      %reduce_min3A_188 = arith.xori %select_n3A_183, %reduce_min3A_187 : vector<16xi32>
      %reduce_min3A_189 = tpu.scan <min>, %reduce_min3A_188 masked %reduce_min3A_185 : vector<16xi32>, vector<16xi1> -> vector<16xi32>
      %reduce_min3A_190 = arith.xori %reduce_min3A_189, %reduce_min3A_187 : vector<16xi32>
      %reduce_min3A_191 = vector.extract %reduce_min3A_190[15] : i32 from vector<16xi32>
      %broadcast_in_dim3A_192 = vector.broadcast %reduce_min3A_191 : i32 to vector<16xi32>
      %eq3A_193 = arith.constant 0 : i32
      %eq3A_194 = vector.broadcast %eq3A_193 : i32 to vector<16xi32>
      %eq3A_195 = arith.cmpi eq, %iota3A, %eq3A_194 : vector<16xi32>
      tpu.vector_store_idx %arg11[%broadcast_in_dim3A_192], %broadcast_in_dim3A_42 masked %eq3A_195 : memref<100000xf32, #tpu.memory_space<vmem>>[vector<16xi32>], vector<16xf32>, vector<16xi1>
      %scan3A_196 = arith.constant 0 : i32
      %scan3A_197 = arith.constant 6250 : i32
      %scan3A_198 = arith.addi %scan3A_196, %scan3A_197 : i32
      %scan3A_199 = arith.constant 1 : i32
      %scan3A_200:2 = scf.for %scan3A_608 = %scan3A_196 to %scan3A_198 step %scan3A_199 iter_args(%scan3A_609 = %broadcast_in_dim3A_42, %scan3A_610 = %broadcast_in_dim3A_46) -> (vector<16xf32>, vector<16xi32>)  : i32 {
        %mul3A_611 = arith.constant 16 : i32
        %mul3A_612 = arith.muli %scan3A_608, %mul3A_611 : i32
        %get3A_613 = arith.index_cast %mul3A_612 : i32 to index
        %get3A_614 = tpu.vector_load %arg11[%get3A_613] {strides = array<i32>} : memref<100000xf32, #tpu.memory_space<vmem>>, vector<16xf32>,
        %gt3A = arith.cmpf ogt, %get3A_614, %scan3A_609 : vector<16xf32>
        %select_n3A_615 = arith.select %gt3A, %get3A_614, %scan3A_609 : vector<16xi1>, vector<16xf32>
        %mul3A_616 = arith.constant 16 : i32
        %mul3A_617 = arith.muli %scan3A_608, %mul3A_616 : i32
        %add3A_618 = vector.broadcast %mul3A_617 : i32 to vector<16xi32>
        %add3A_619 = arith.addi %iota3A, %add3A_618 : vector<16xi32>
        %select_n3A_620 = arith.select %gt3A, %add3A_619, %scan3A_610 : vector<16xi1>, vector<16xi32>
        scf.yield %select_n3A_615, %select_n3A_620 : vector<16xf32>, vector<16xi32>
      }
      %scan3A_201 = arith.constant 6250 : i32
      %reduce_max3A_202 = arith.constant true
      %reduce_max3A_203 = vector.broadcast %reduce_max3A_202 : i1 to vector<16xi1>
      %reduce_max3A_204 = tpu.scan <max>, %scan3A_200#0 masked %reduce_max3A_203 : vector<16xf32>, vector<16xi1> -> vector<16xf32>
      %reduce_max3A_205 = vector.extract %reduce_max3A_204[15] : f32 from vector<16xf32>
      %eq3A_206 = vector.broadcast %reduce_max3A_205 : f32 to vector<16xf32>
      %eq3A_207 = arith.cmpf oeq, %scan3A_200#0, %eq3A_206 : vector<16xf32>
      %jit3A_208 = arith.constant 2147483647 : i32
      %broadcast_in_dim3A_209 = vector.broadcast %jit3A_208 : i32 to vector<16xi32>
      %select_n3A_210 = arith.select %eq3A_207, %scan3A_200#1, %broadcast_in_dim3A_209 : vector<16xi1>, vector<16xi32>
      %reduce_min3A_211 = arith.constant true
      %reduce_min3A_212 = vector.broadcast %reduce_min3A_211 : i1 to vector<16xi1>
      %reduce_min3A_213 = arith.constant -2147483648 : i32
      %reduce_min3A_214 = vector.broadcast %reduce_min3A_213 : i32 to vector<16xi32>
      %reduce_min3A_215 = arith.xori %select_n3A_210, %reduce_min3A_214 : vector<16xi32>
      %reduce_min3A_216 = tpu.scan <min>, %reduce_min3A_215 masked %reduce_min3A_212 : vector<16xi32>, vector<16xi1> -> vector<16xi32>
      %reduce_min3A_217 = arith.xori %reduce_min3A_216, %reduce_min3A_214 : vector<16xi32>
      %reduce_min3A_218 = vector.extract %reduce_min3A_217[15] : i32 from vector<16xi32>
      %broadcast_in_dim3A_219 = arith.constant 103 : i32
      %broadcast_in_dim3A_220 = vector.broadcast %broadcast_in_dim3A_219 : i32 to vector<16xi32>
      %eq3A_221 = arith.constant 0 : i32
      %eq3A_222 = vector.broadcast %eq3A_221 : i32 to vector<16xi32>
      %eq3A_223 = arith.cmpi eq, %iota3A, %eq3A_222 : vector<16xi32>
      %broadcast_in_dim3A_224 = vector.broadcast %reduce_min3A_110 : i32 to vector<16xi32>
      %select_n3A_225 = arith.select %eq3A_223, %broadcast_in_dim3A_224, %broadcast_in_dim3A_220 : vector<16xi1>, vector<16xi32>
      %eq3A_226 = arith.constant 1 : i32
      %eq3A_227 = vector.broadcast %eq3A_226 : i32 to vector<16xi32>
      %eq3A_228 = arith.cmpi eq, %iota3A, %eq3A_227 : vector<16xi32>
      %broadcast_in_dim3A_229 = vector.broadcast %reduce_min3A_137 : i32 to vector<16xi32>
      %select_n3A_230 = arith.select %eq3A_228, %broadcast_in_dim3A_229, %select_n3A_225 : vector<16xi1>, vector<16xi32>
      %eq3A_231 = arith.constant 2 : i32
      %eq3A_232 = vector.broadcast %eq3A_231 : i32 to vector<16xi32>
      %eq3A_233 = arith.cmpi eq, %iota3A, %eq3A_232 : vector<16xi32>
      %broadcast_in_dim3A_234 = vector.broadcast %reduce_min3A_164 : i32 to vector<16xi32>
      %select_n3A_235 = arith.select %eq3A_233, %broadcast_in_dim3A_234, %select_n3A_230 : vector<16xi1>, vector<16xi32>
      %eq3A_236 = arith.constant 3 : i32
      %eq3A_237 = vector.broadcast %eq3A_236 : i32 to vector<16xi32>
      %eq3A_238 = arith.cmpi eq, %iota3A, %eq3A_237 : vector<16xi32>
      %broadcast_in_dim3A_239 = vector.broadcast %reduce_min3A_191 : i32 to vector<16xi32>
      %select_n3A_240 = arith.select %eq3A_238, %broadcast_in_dim3A_239, %select_n3A_235 : vector<16xi1>, vector<16xi32>
      %eq3A_241 = arith.constant 4 : i32
      %eq3A_242 = vector.broadcast %eq3A_241 : i32 to vector<16xi32>
      %eq3A_243 = arith.cmpi eq, %iota3A, %eq3A_242 : vector<16xi32>
      %broadcast_in_dim3A_244 = vector.broadcast %reduce_min3A_218 : i32 to vector<16xi32>
      %select_n3A_245 = arith.select %eq3A_243, %broadcast_in_dim3A_244, %select_n3A_240 : vector<16xi1>, vector<16xi32>
      %dma_start3A_246 = arith.constant 0 : i32
      %dma_start3A_247 = arith.constant 0 : i32
      %dma_start3A_248 = tpu.memref_slice %arg4[%dma_start3A_246, %dma_start3A_247] : memref<100000x128xf32, #tpu.memory_space<hbm>> -> memref<100000x128xf32, #tpu.memory_space<hbm>>
      tpu.enqueue_indirect_dma source(%dma_start3A_248 : memref<100000x128xf32, #tpu.memory_space<hbm>>) target(%arg10 : memref<16x128xf32, #tpu.memory_space<vmem>>) offsets(%select_n3A_245 : vector<16xi32>) semaphore(%arg13 : memref<!tpu.dma_semaphore, #tpu.memory_space<semaphore_mem>>)
      %dma_wait3A_249 = arith.constant 0 : i32
      %dma_wait3A_250 = arith.constant 0 : i32
      %dma_wait3A_251 = tpu.memref_slice %arg4[%dma_wait3A_249, %dma_wait3A_250] : memref<100000x128xf32, #tpu.memory_space<hbm>> -> memref<100000x128xf32, #tpu.memory_space<hbm>>
      tpu.wait_indirect_dma semaphore(%arg13 : memref<!tpu.dma_semaphore, #tpu.memory_space<semaphore_mem>>) src(%dma_wait3A_251 : memref<100000x128xf32, #tpu.memory_space<hbm>>) dst(%arg10 : memref<16x128xf32, #tpu.memory_space<vmem>>)
      %add3A_252 = arith.addf %reduce_max3A_99, %reduce_max3A_124 : f32
      %add3A_253 = arith.addf %add3A_252, %reduce_max3A_151 : f32
      %add3A_254 = arith.addf %add3A_253, %reduce_max3A_178 : f32
      %add3A_255 = arith.addf %add3A_254, %reduce_max3A_205 : f32
      %broadcast_in_dim3A_256 = vector.broadcast %add3A_255 : f32 to vector<16xf32>
      %broadcast_in_dim3A_257 = arith.constant 1.000000e+00 : f32
      %broadcast_in_dim3A_258 = vector.broadcast %broadcast_in_dim3A_257 : f32 to vector<16xf32>
      %div3A = arith.divf %broadcast_in_dim3A_258, %broadcast_in_dim3A_256 : vector<16xf32>
      %broadcast_in_dim3A_259 = vector.broadcast %reduce_max3A_99 : f32 to vector<16xf32>
      %mul3A_260 = arith.mulf %broadcast_in_dim3A_259, %div3A : vector<16xf32>
      %broadcast_in_dim3A_261 = vector.broadcast %reduce_max3A_124 : f32 to vector<16xf32>
      %mul3A_262 = arith.mulf %broadcast_in_dim3A_261, %div3A : vector<16xf32>
      %broadcast_in_dim3A_263 = vector.broadcast %reduce_max3A_151 : f32 to vector<16xf32>
      %mul3A_264 = arith.mulf %broadcast_in_dim3A_263, %div3A : vector<16xf32>
      %broadcast_in_dim3A_265 = vector.broadcast %reduce_max3A_178 : f32 to vector<16xf32>
      %mul3A_266 = arith.mulf %broadcast_in_dim3A_265, %div3A : vector<16xf32>
      %broadcast_in_dim3A_267 = vector.broadcast %reduce_max3A_205 : f32 to vector<16xf32>
      %mul3A_268 = arith.mulf %broadcast_in_dim3A_267, %div3A : vector<16xf32>
      %reduce_sum3A = arith.constant true
      %reduce_sum3A_269 = vector.broadcast %reduce_sum3A : i1 to vector<16xi1>
      %reduce_sum3A_270 = tpu.scan <sum>, %scan3A_95#0 masked %reduce_sum3A_269 : vector<16xf32>, vector<16xi1> -> vector<16xf32>
      %reduce_sum3A_271 = vector.extract %reduce_sum3A_270[15] : f32 from vector<16xf32>
      %sub3A = arith.subf %reduce_sum3A_271, %squeeze3A_40 : f32
      %mul3A_272 = arith.mulf %squeeze3A_38, %sub3A : f32
      %broadcast_in_dim3A_273 = vector.broadcast %mul3A_272 : f32 to vector<16xf32>
      %broadcast_in_dim3A_274 = vector.broadcast %squeeze3A_36 : f32 to vector<16xf32>
      %neg3A = arith.constant 0.000000e+00 : f32
      %neg3A_275 = vector.broadcast %neg3A : f32 to vector<16xf32>
      %neg3A_276 = arith.subf %neg3A_275, %broadcast_in_dim3A_273 : vector<16xf32>
      %exp3A = math.exp %neg3A_276 : vector<16xf32>
      %add3A_277 = arith.constant 1.000000e+00 : f32
      %add3A_278 = vector.broadcast %add3A_277 : f32 to vector<16xf32>
      %add3A_279 = arith.addf %add3A_278, %exp3A : vector<16xf32>
      %div3A_280 = arith.divf %broadcast_in_dim3A_274, %add3A_279 : vector<16xf32>
      %get3A_281 = arith.constant 0 : i32
      %get3A_282 = arith.index_cast %get3A_281 : i32 to index
      %get3A_283 = arith.constant 0 : index
      %get3A_284 = tpu.vector_load %arg10[%get3A_282, %get3A_283] {strides = array<i32>} : memref<16x128xf32, #tpu.memory_space<vmem>>, vector<16xf32>,
      %mul3A_285 = arith.mulf %mul3A_260, %get3A_284 : vector<16xf32>
      %get3A_286 = arith.constant 1 : i32
      %get3A_287 = arith.index_cast %get3A_286 : i32 to index
      %get3A_288 = arith.constant 0 : index
      %get3A_289 = tpu.vector_load %arg10[%get3A_287, %get3A_288] {strides = array<i32>} : memref<16x128xf32, #tpu.memory_space<vmem>>, vector<16xf32>,
      %mul3A_290 = arith.mulf %mul3A_262, %get3A_289 : vector<16xf32>
      %add3A_291 = arith.addf %mul3A_285, %mul3A_290 : vector<16xf32>
      %get3A_292 = arith.constant 2 : i32
      %get3A_293 = arith.index_cast %get3A_292 : i32 to index
      %get3A_294 = arith.constant 0 : index
      %get3A_295 = tpu.vector_load %arg10[%get3A_293, %get3A_294] {strides = array<i32>} : memref<16x128xf32, #tpu.memory_space<vmem>>, vector<16xf32>,
      %mul3A_296 = arith.mulf %mul3A_264, %get3A_295 : vector<16xf32>
      %add3A_297 = arith.addf %add3A_291, %mul3A_296 : vector<16xf32>
      %get3A_298 = arith.constant 3 : i32
      %get3A_299 = arith.index_cast %get3A_298 : i32 to index
      %get3A_300 = arith.constant 0 : index
      %get3A_301 = tpu.vector_load %arg10[%get3A_299, %get3A_300] {strides = array<i32>} : memref<16x128xf32, #tpu.memory_space<vmem>>, vector<16xf32>,
      %mul3A_302 = arith.mulf %mul3A_266, %get3A_301 : vector<16xf32>
      %add3A_303 = arith.addf %add3A_297, %mul3A_302 : vector<16xf32>
      %get3A_304 = arith.constant 4 : i32
      %get3A_305 = arith.index_cast %get3A_304 : i32 to index
      %get3A_306 = arith.constant 0 : index
      %get3A_307 = tpu.vector_load %arg10[%get3A_305, %get3A_306] {strides = array<i32>} : memref<16x128xf32, #tpu.memory_space<vmem>>, vector<16xf32>,
      %mul3A_308 = arith.mulf %mul3A_268, %get3A_307 : vector<16xf32>
      %add3A_309 = arith.addf %add3A_303, %mul3A_308 : vector<16xf32>
      %mul3A_310 = arith.mulf %div3A_280, %add3A_309 : vector<16xf32>
      %sub3A_311 = arith.constant 1.000000e+00 : f32
      %sub3A_312 = vector.broadcast %sub3A_311 : f32 to vector<16xf32>
      %sub3A_313 = arith.subf %sub3A_312, %div3A_280 : vector<16xf32>
      %get3A_314 = arith.constant 4 : i32
      %get3A_315 = arith.index_cast %get3A_314 : i32 to index
      %get3A_316 = arith.constant 0 : index
      %get3A_317 = tpu.vector_load %arg9[%get3A_315, %get3A_316] {strides = array<i32>} : memref<16x128xf32, #tpu.memory_space<vmem>>, vector<16xf32>,
      %mul3A_318 = arith.mulf %sub3A_313, %get3A_317 : vector<16xf32>
      %add3A_319 = arith.addf %mul3A_310, %mul3A_318 : vector<16xf32>
      %swap3A = arith.constant 0 : index
      %swap3A_320 = tpu.vector_load %arg12[%swap3A] {strides = array<i32>} : memref<128xf32, #tpu.memory_space<vmem>>, vector<16xf32>,
      tpu.vector_store %arg12[%swap3A], %add3A_319 {strides = array<i32>} : memref<128xf32, #tpu.memory_space<vmem>>, vector<16xf32>,
      %get3A_321 = arith.constant 0 : i32
      %get3A_322 = arith.index_cast %get3A_321 : i32 to index
      %get3A_323 = arith.constant 16 : index
      %get3A_324 = tpu.vector_load %arg10[%get3A_322, %get3A_323] {strides = array<i32>} : memref<16x128xf32, #tpu.memory_space<vmem>>, vector<16xf32>,
      %mul3A_325 = arith.mulf %mul3A_260, %get3A_324 : vector<16xf32>
      %get3A_326 = arith.constant 1 : i32
      %get3A_327 = arith.index_cast %get3A_326 : i32 to index
      %get3A_328 = arith.constant 16 : index
      %get3A_329 = tpu.vector_load %arg10[%get3A_327, %get3A_328] {strides = array<i32>} : memref<16x128xf32, #tpu.memory_space<vmem>>, vector<16xf32>,
      %mul3A_330 = arith.mulf %mul3A_262, %get3A_329 : vector<16xf32>
      %add3A_331 = arith.addf %mul3A_325, %mul3A_330 : vector<16xf32>
      %get3A_332 = arith.constant 2 : i32
      %get3A_333 = arith.index_cast %get3A_332 : i32 to index
      %get3A_334 = arith.constant 16 : index
      %get3A_335 = tpu.vector_load %arg10[%get3A_333, %get3A_334] {strides = array<i32>} : memref<16x128xf32, #tpu.memory_space<vmem>>, vector<16xf32>,
      %mul3A_336 = arith.mulf %mul3A_264, %get3A_335 : vector<16xf32>
      %add3A_337 = arith.addf %add3A_331, %mul3A_336 : vector<16xf32>
      %get3A_338 = arith.constant 3 : i32
      %get3A_339 = arith.index_cast %get3A_338 : i32 to index
      %get3A_340 = arith.constant 16 : index
      %get3A_341 = tpu.vector_load %arg10[%get3A_339, %get3A_340] {strides = array<i32>} : memref<16x128xf32, #tpu.memory_space<vmem>>, vector<16xf32>,
      %mul3A_342 = arith.mulf %mul3A_266, %get3A_341 : vector<16xf32>
      %add3A_343 = arith.addf %add3A_337, %mul3A_342 : vector<16xf32>
      %get3A_344 = arith.constant 4 : i32
      %get3A_345 = arith.index_cast %get3A_344 : i32 to index
      %get3A_346 = arith.constant 16 : index
      %get3A_347 = tpu.vector_load %arg10[%get3A_345, %get3A_346] {strides = array<i32>} : memref<16x128xf32, #tpu.memory_space<vmem>>, vector<16xf32>,
      %mul3A_348 = arith.mulf %mul3A_268, %get3A_347 : vector<16xf32>
      %add3A_349 = arith.addf %add3A_343, %mul3A_348 : vector<16xf32>
      %mul3A_350 = arith.mulf %div3A_280, %add3A_349 : vector<16xf32>
      %sub3A_351 = arith.constant 1.000000e+00 : f32
      %sub3A_352 = vector.broadcast %sub3A_351 : f32 to vector<16xf32>
      %sub3A_353 = arith.subf %sub3A_352, %div3A_280 : vector<16xf32>
      %get3A_354 = arith.constant 4 : i32
      %get3A_355 = arith.index_cast %get3A_354 : i32 to index
      %get3A_356 = arith.constant 16 : index
      %get3A_357 = tpu.vector_load %arg9[%get3A_355, %get3A_356] {strides = array<i32>} : memref<16x128xf32, #tpu.memory_space<vmem>>, vector<16xf32>,
      %mul3A_358 = arith.mulf %sub3A_353, %get3A_357 : vector<16xf32>
      %add3A_359 = arith.addf %mul3A_350, %mul3A_358 : vector<16xf32>
      %swap3A_360 = arith.constant 16 : index
      %swap3A_361 = tpu.vector_load %arg12[%swap3A_360] {strides = array<i32>} : memref<128xf32, #tpu.memory_space<vmem>>, vector<16xf32>,
      tpu.vector_store %arg12[%swap3A_360], %add3A_359 {strides = array<i32>} : memref<128xf32, #tpu.memory_space<vmem>>, vector<16xf32>,
      %get3A_362 = arith.constant 0 : i32
      %get3A_363 = arith.index_cast %get3A_362 : i32 to index
      %get3A_364 = arith.constant 32 : index
      %get3A_365 = tpu.vector_load %arg10[%get3A_363, %get3A_364] {strides = array<i32>} : memref<16x128xf32, #tpu.memory_space<vmem>>, vector<16xf32>,
      %mul3A_366 = arith.mulf %mul3A_260, %get3A_365 : vector<16xf32>
      %get3A_367 = arith.constant 1 : i32
      %get3A_368 = arith.index_cast %get3A_367 : i32 to index
      %get3A_369 = arith.constant 32 : index
      %get3A_370 = tpu.vector_load %arg10[%get3A_368, %get3A_369] {strides = array<i32>} : memref<16x128xf32, #tpu.memory_space<vmem>>, vector<16xf32>,
      %mul3A_371 = arith.mulf %mul3A_262, %get3A_370 : vector<16xf32>
      %add3A_372 = arith.addf %mul3A_366, %mul3A_371 : vector<16xf32>
      %get3A_373 = arith.constant 2 : i32
      %get3A_374 = arith.index_cast %get3A_373 : i32 to index
      %get3A_375 = arith.constant 32 : index
      %get3A_376 = tpu.vector_load %arg10[%get3A_374, %get3A_375] {strides = array<i32>} : memref<16x128xf32, #tpu.memory_space<vmem>>, vector<16xf32>,
      %mul3A_377 = arith.mulf %mul3A_264, %get3A_376 : vector<16xf32>
      %add3A_378 = arith.addf %add3A_372, %mul3A_377 : vector<16xf32>
      %get3A_379 = arith.constant 3 : i32
      %get3A_380 = arith.index_cast %get3A_379 : i32 to index
      %get3A_381 = arith.constant 32 : index
      %get3A_382 = tpu.vector_load %arg10[%get3A_380, %get3A_381] {strides = array<i32>} : memref<16x128xf32, #tpu.memory_space<vmem>>, vector<16xf32>,
      %mul3A_383 = arith.mulf %mul3A_266, %get3A_382 : vector<16xf32>
      %add3A_384 = arith.addf %add3A_378, %mul3A_383 : vector<16xf32>
      %get3A_385 = arith.constant 4 : i32
      %get3A_386 = arith.index_cast %get3A_385 : i32 to index
      %get3A_387 = arith.constant 32 : index
      %get3A_388 = tpu.vector_load %arg10[%get3A_386, %get3A_387] {strides = array<i32>} : memref<16x128xf32, #tpu.memory_space<vmem>>, vector<16xf32>,
      %mul3A_389 = arith.mulf %mul3A_268, %get3A_388 : vector<16xf32>
      %add3A_390 = arith.addf %add3A_384, %mul3A_389 : vector<16xf32>
      %mul3A_391 = arith.mulf %div3A_280, %add3A_390 : vector<16xf32>
      %sub3A_392 = arith.constant 1.000000e+00 : f32
      %sub3A_393 = vector.broadcast %sub3A_392 : f32 to vector<16xf32>
      %sub3A_394 = arith.subf %sub3A_393, %div3A_280 : vector<16xf32>
      %get3A_395 = arith.constant 4 : i32
      %get3A_396 = arith.index_cast %get3A_395 : i32 to index
      %get3A_397 = arith.constant 32 : index
      %get3A_398 = tpu.vector_load %arg9[%get3A_396, %get3A_397] {strides = array<i32>} : memref<16x128xf32, #tpu.memory_space<vmem>>, vector<16xf32>,
      %mul3A_399 = arith.mulf %sub3A_394, %get3A_398 : vector<16xf32>
      %add3A_400 = arith.addf %mul3A_391, %mul3A_399 : vector<16xf32>
      %swap3A_401 = arith.constant 32 : index
      %swap3A_402 = tpu.vector_load %arg12[%swap3A_401] {strides = array<i32>} : memref<128xf32, #tpu.memory_space<vmem>>, vector<16xf32>,
      tpu.vector_store %arg12[%swap3A_401], %add3A_400 {strides = array<i32>} : memref<128xf32, #tpu.memory_space<vmem>>, vector<16xf32>,
      %get3A_403 = arith.constant 0 : i32
      %get3A_404 = arith.index_cast %get3A_403 : i32 to index
      %get3A_405 = arith.constant 48 : index
      %get3A_406 = tpu.vector_load %arg10[%get3A_404, %get3A_405] {strides = array<i32>} : memref<16x128xf32, #tpu.memory_space<vmem>>, vector<16xf32>,
      %mul3A_407 = arith.mulf %mul3A_260, %get3A_406 : vector<16xf32>
      %get3A_408 = arith.constant 1 : i32
      %get3A_409 = arith.index_cast %get3A_408 : i32 to index
      %get3A_410 = arith.constant 48 : index
      %get3A_411 = tpu.vector_load %arg10[%get3A_409, %get3A_410] {strides = array<i32>} : memref<16x128xf32, #tpu.memory_space<vmem>>, vector<16xf32>,
      %mul3A_412 = arith.mulf %mul3A_262, %get3A_411 : vector<16xf32>
      %add3A_413 = arith.addf %mul3A_407, %mul3A_412 : vector<16xf32>
      %get3A_414 = arith.constant 2 : i32
      %get3A_415 = arith.index_cast %get3A_414 : i32 to index
      %get3A_416 = arith.constant 48 : index
      %get3A_417 = tpu.vector_load %arg10[%get3A_415, %get3A_416] {strides = array<i32>} : memref<16x128xf32, #tpu.memory_space<vmem>>, vector<16xf32>,
      %mul3A_418 = arith.mulf %mul3A_264, %get3A_417 : vector<16xf32>
      %add3A_419 = arith.addf %add3A_413, %mul3A_418 : vector<16xf32>
      %get3A_420 = arith.constant 3 : i32
      %get3A_421 = arith.index_cast %get3A_420 : i32 to index
      %get3A_422 = arith.constant 48 : index
      %get3A_423 = tpu.vector_load %arg10[%get3A_421, %get3A_422] {strides = array<i32>} : memref<16x128xf32, #tpu.memory_space<vmem>>, vector<16xf32>,
      %mul3A_424 = arith.mulf %mul3A_266, %get3A_423 : vector<16xf32>
      %add3A_425 = arith.addf %add3A_419, %mul3A_424 : vector<16xf32>
      %get3A_426 = arith.constant 4 : i32
      %get3A_427 = arith.index_cast %get3A_426 : i32 to index
      %get3A_428 = arith.constant 48 : index
      %get3A_429 = tpu.vector_load %arg10[%get3A_427, %get3A_428] {strides = array<i32>} : memref<16x128xf32, #tpu.memory_space<vmem>>, vector<16xf32>,
      %mul3A_430 = arith.mulf %mul3A_268, %get3A_429 : vector<16xf32>
      %add3A_431 = arith.addf %add3A_425, %mul3A_430 : vector<16xf32>
      %mul3A_432 = arith.mulf %div3A_280, %add3A_431 : vector<16xf32>
      %sub3A_433 = arith.constant 1.000000e+00 : f32
      %sub3A_434 = vector.broadcast %sub3A_433 : f32 to vector<16xf32>
      %sub3A_435 = arith.subf %sub3A_434, %div3A_280 : vector<16xf32>
      %get3A_436 = arith.constant 4 : i32
      %get3A_437 = arith.index_cast %get3A_436 : i32 to index
      %get3A_438 = arith.constant 48 : index
      %get3A_439 = tpu.vector_load %arg9[%get3A_437, %get3A_438] {strides = array<i32>} : memref<16x128xf32, #tpu.memory_space<vmem>>, vector<16xf32>,
      %mul3A_440 = arith.mulf %sub3A_435, %get3A_439 : vector<16xf32>
      %add3A_441 = arith.addf %mul3A_432, %mul3A_440 : vector<16xf32>
      %swap3A_442 = arith.constant 48 : index
      %swap3A_443 = tpu.vector_load %arg12[%swap3A_442] {strides = array<i32>} : memref<128xf32, #tpu.memory_space<vmem>>, vector<16xf32>,
      tpu.vector_store %arg12[%swap3A_442], %add3A_441 {strides = array<i32>} : memref<128xf32, #tpu.memory_space<vmem>>, vector<16xf32>,
      %get3A_444 = arith.constant 0 : i32
      %get3A_445 = arith.index_cast %get3A_444 : i32 to index
      %get3A_446 = arith.constant 64 : index
      %get3A_447 = tpu.vector_load %arg10[%get3A_445, %get3A_446] {strides = array<i32>} : memref<16x128xf32, #tpu.memory_space<vmem>>, vector<16xf32>,
      %mul3A_448 = arith.mulf %mul3A_260, %get3A_447 : vector<16xf32>
      %get3A_449 = arith.constant 1 : i32
      %get3A_450 = arith.index_cast %get3A_449 : i32 to index
      %get3A_451 = arith.constant 64 : index
      %get3A_452 = tpu.vector_load %arg10[%get3A_450, %get3A_451] {strides = array<i32>} : memref<16x128xf32, #tpu.memory_space<vmem>>, vector<16xf32>,
      %mul3A_453 = arith.mulf %mul3A_262, %get3A_452 : vector<16xf32>
      %add3A_454 = arith.addf %mul3A_448, %mul3A_453 : vector<16xf32>
      %get3A_455 = arith.constant 2 : i32
      %get3A_456 = arith.index_cast %get3A_455 : i32 to index
      %get3A_457 = arith.constant 64 : index
      %get3A_458 = tpu.vector_load %arg10[%get3A_456, %get3A_457] {strides = array<i32>} : memref<16x128xf32, #tpu.memory_space<vmem>>, vector<16xf32>,
      %mul3A_459 = arith.mulf %mul3A_264, %get3A_458 : vector<16xf32>
      %add3A_460 = arith.addf %add3A_454, %mul3A_459 : vector<16xf32>
      %get3A_461 = arith.constant 3 : i32
      %get3A_462 = arith.index_cast %get3A_461 : i32 to index
      %get3A_463 = arith.constant 64 : index
      %get3A_464 = tpu.vector_load %arg10[%get3A_462, %get3A_463] {strides = array<i32>} : memref<16x128xf32, #tpu.memory_space<vmem>>, vector<16xf32>,
      %mul3A_465 = arith.mulf %mul3A_266, %get3A_464 : vector<16xf32>
      %add3A_466 = arith.addf %add3A_460, %mul3A_465 : vector<16xf32>
      %get3A_467 = arith.constant 4 : i32
      %get3A_468 = arith.index_cast %get3A_467 : i32 to index
      %get3A_469 = arith.constant 64 : index
      %get3A_470 = tpu.vector_load %arg10[%get3A_468, %get3A_469] {strides = array<i32>} : memref<16x128xf32, #tpu.memory_space<vmem>>, vector<16xf32>,
      %mul3A_471 = arith.mulf %mul3A_268, %get3A_470 : vector<16xf32>
      %add3A_472 = arith.addf %add3A_466, %mul3A_471 : vector<16xf32>
      %mul3A_473 = arith.mulf %div3A_280, %add3A_472 : vector<16xf32>
      %sub3A_474 = arith.constant 1.000000e+00 : f32
      %sub3A_475 = vector.broadcast %sub3A_474 : f32 to vector<16xf32>
      %sub3A_476 = arith.subf %sub3A_475, %div3A_280 : vector<16xf32>
      %get3A_477 = arith.constant 4 : i32
      %get3A_478 = arith.index_cast %get3A_477 : i32 to index
      %get3A_479 = arith.constant 64 : index
      %get3A_480 = tpu.vector_load %arg9[%get3A_478, %get3A_479] {strides = array<i32>} : memref<16x128xf32, #tpu.memory_space<vmem>>, vector<16xf32>,
      %mul3A_481 = arith.mulf %sub3A_476, %get3A_480 : vector<16xf32>
      %add3A_482 = arith.addf %mul3A_473, %mul3A_481 : vector<16xf32>
      %swap3A_483 = arith.constant 64 : index
      %swap3A_484 = tpu.vector_load %arg12[%swap3A_483] {strides = array<i32>} : memref<128xf32, #tpu.memory_space<vmem>>, vector<16xf32>,
      tpu.vector_store %arg12[%swap3A_483], %add3A_482 {strides = array<i32>} : memref<128xf32, #tpu.memory_space<vmem>>, vector<16xf32>,
      %get3A_485 = arith.constant 0 : i32
      %get3A_486 = arith.index_cast %get3A_485 : i32 to index
      %get3A_487 = arith.constant 80 : index
      %get3A_488 = tpu.vector_load %arg10[%get3A_486, %get3A_487] {strides = array<i32>} : memref<16x128xf32, #tpu.memory_space<vmem>>, vector<16xf32>,
      %mul3A_489 = arith.mulf %mul3A_260, %get3A_488 : vector<16xf32>
      %get3A_490 = arith.constant 1 : i32
      %get3A_491 = arith.index_cast %get3A_490 : i32 to index
      %get3A_492 = arith.constant 80 : index
      %get3A_493 = tpu.vector_load %arg10[%get3A_491, %get3A_492] {strides = array<i32>} : memref<16x128xf32, #tpu.memory_space<vmem>>, vector<16xf32>,
      %mul3A_494 = arith.mulf %mul3A_262, %get3A_493 : vector<16xf32>
      %add3A_495 = arith.addf %mul3A_489, %mul3A_494 : vector<16xf32>
      %get3A_496 = arith.constant 2 : i32
      %get3A_497 = arith.index_cast %get3A_496 : i32 to index
      %get3A_498 = arith.constant 80 : index
      %get3A_499 = tpu.vector_load %arg10[%get3A_497, %get3A_498] {strides = array<i32>} : memref<16x128xf32, #tpu.memory_space<vmem>>, vector<16xf32>,
      %mul3A_500 = arith.mulf %mul3A_264, %get3A_499 : vector<16xf32>
      %add3A_501 = arith.addf %add3A_495, %mul3A_500 : vector<16xf32>
      %get3A_502 = arith.constant 3 : i32
      %get3A_503 = arith.index_cast %get3A_502 : i32 to index
      %get3A_504 = arith.constant 80 : index
      %get3A_505 = tpu.vector_load %arg10[%get3A_503, %get3A_504] {strides = array<i32>} : memref<16x128xf32, #tpu.memory_space<vmem>>, vector<16xf32>,
      %mul3A_506 = arith.mulf %mul3A_266, %get3A_505 : vector<16xf32>
      %add3A_507 = arith.addf %add3A_501, %mul3A_506 : vector<16xf32>
      %get3A_508 = arith.constant 4 : i32
      %get3A_509 = arith.index_cast %get3A_508 : i32 to index
      %get3A_510 = arith.constant 80 : index
      %get3A_511 = tpu.vector_load %arg10[%get3A_509, %get3A_510] {strides = array<i32>} : memref<16x128xf32, #tpu.memory_space<vmem>>, vector<16xf32>,
      %mul3A_512 = arith.mulf %mul3A_268, %get3A_511 : vector<16xf32>
      %add3A_513 = arith.addf %add3A_507, %mul3A_512 : vector<16xf32>
      %mul3A_514 = arith.mulf %div3A_280, %add3A_513 : vector<16xf32>
      %sub3A_515 = arith.constant 1.000000e+00 : f32
      %sub3A_516 = vector.broadcast %sub3A_515 : f32 to vector<16xf32>
      %sub3A_517 = arith.subf %sub3A_516, %div3A_280 : vector<16xf32>
      %get3A_518 = arith.constant 4 : i32
      %get3A_519 = arith.index_cast %get3A_518 : i32 to index
      %get3A_520 = arith.constant 80 : index
      %get3A_521 = tpu.vector_load %arg9[%get3A_519, %get3A_520] {strides = array<i32>} : memref<16x128xf32, #tpu.memory_space<vmem>>, vector<16xf32>,
      %mul3A_522 = arith.mulf %sub3A_517, %get3A_521 : vector<16xf32>
      %add3A_523 = arith.addf %mul3A_514, %mul3A_522 : vector<16xf32>
      %swap3A_524 = arith.constant 80 : index
      %swap3A_525 = tpu.vector_load %arg12[%swap3A_524] {strides = array<i32>} : memref<128xf32, #tpu.memory_space<vmem>>, vector<16xf32>,
      tpu.vector_store %arg12[%swap3A_524], %add3A_523 {strides = array<i32>} : memref<128xf32, #tpu.memory_space<vmem>>, vector<16xf32>,
      %get3A_526 = arith.constant 0 : i32
      %get3A_527 = arith.index_cast %get3A_526 : i32 to index
      %get3A_528 = arith.constant 96 : index
      %get3A_529 = tpu.vector_load %arg10[%get3A_527, %get3A_528] {strides = array<i32>} : memref<16x128xf32, #tpu.memory_space<vmem>>, vector<16xf32>,
      %mul3A_530 = arith.mulf %mul3A_260, %get3A_529 : vector<16xf32>
      %get3A_531 = arith.constant 1 : i32
      %get3A_532 = arith.index_cast %get3A_531 : i32 to index
      %get3A_533 = arith.constant 96 : index
      %get3A_534 = tpu.vector_load %arg10[%get3A_532, %get3A_533] {strides = array<i32>} : memref<16x128xf32, #tpu.memory_space<vmem>>, vector<16xf32>,
      %mul3A_535 = arith.mulf %mul3A_262, %get3A_534 : vector<16xf32>
      %add3A_536 = arith.addf %mul3A_530, %mul3A_535 : vector<16xf32>
      %get3A_537 = arith.constant 2 : i32
      %get3A_538 = arith.index_cast %get3A_537 : i32 to index
      %get3A_539 = arith.constant 96 : index
      %get3A_540 = tpu.vector_load %arg10[%get3A_538, %get3A_539] {strides = array<i32>} : memref<16x128xf32, #tpu.memory_space<vmem>>, vector<16xf32>,
      %mul3A_541 = arith.mulf %mul3A_264, %get3A_540 : vector<16xf32>
      %add3A_542 = arith.addf %add3A_536, %mul3A_541 : vector<16xf32>
      %get3A_543 = arith.constant 3 : i32
      %get3A_544 = arith.index_cast %get3A_543 : i32 to index
      %get3A_545 = arith.constant 96 : index
      %get3A_546 = tpu.vector_load %arg10[%get3A_544, %get3A_545] {strides = array<i32>} : memref<16x128xf32, #tpu.memory_space<vmem>>, vector<16xf32>,
      %mul3A_547 = arith.mulf %mul3A_266, %get3A_546 : vector<16xf32>
      %add3A_548 = arith.addf %add3A_542, %mul3A_547 : vector<16xf32>
      %get3A_549 = arith.constant 4 : i32
      %get3A_550 = arith.index_cast %get3A_549 : i32 to index
      %get3A_551 = arith.constant 96 : index
      %get3A_552 = tpu.vector_load %arg10[%get3A_550, %get3A_551] {strides = array<i32>} : memref<16x128xf32, #tpu.memory_space<vmem>>, vector<16xf32>,
      %mul3A_553 = arith.mulf %mul3A_268, %get3A_552 : vector<16xf32>
      %add3A_554 = arith.addf %add3A_548, %mul3A_553 : vector<16xf32>
      %mul3A_555 = arith.mulf %div3A_280, %add3A_554 : vector<16xf32>
      %sub3A_556 = arith.constant 1.000000e+00 : f32
      %sub3A_557 = vector.broadcast %sub3A_556 : f32 to vector<16xf32>
      %sub3A_558 = arith.subf %sub3A_557, %div3A_280 : vector<16xf32>
      %get3A_559 = arith.constant 4 : i32
      %get3A_560 = arith.index_cast %get3A_559 : i32 to index
      %get3A_561 = arith.constant 96 : index
      %get3A_562 = tpu.vector_load %arg9[%get3A_560, %get3A_561] {strides = array<i32>} : memref<16x128xf32, #tpu.memory_space<vmem>>, vector<16xf32>,
      %mul3A_563 = arith.mulf %sub3A_558, %get3A_562 : vector<16xf32>
      %add3A_564 = arith.addf %mul3A_555, %mul3A_563 : vector<16xf32>
      %swap3A_565 = arith.constant 96 : index
      %swap3A_566 = tpu.vector_load %arg12[%swap3A_565] {strides = array<i32>} : memref<128xf32, #tpu.memory_space<vmem>>, vector<16xf32>,
      tpu.vector_store %arg12[%swap3A_565], %add3A_564 {strides = array<i32>} : memref<128xf32, #tpu.memory_space<vmem>>, vector<16xf32>,
      %get3A_567 = arith.constant 0 : i32
      %get3A_568 = arith.index_cast %get3A_567 : i32 to index
      %get3A_569 = arith.constant 112 : index
      %get3A_570 = tpu.vector_load %arg10[%get3A_568, %get3A_569] {strides = array<i32>} : memref<16x128xf32, #tpu.memory_space<vmem>>, vector<16xf32>,
      %mul3A_571 = arith.mulf %mul3A_260, %get3A_570 : vector<16xf32>
      %get3A_572 = arith.constant 1 : i32
      %get3A_573 = arith.index_cast %get3A_572 : i32 to index
      %get3A_574 = arith.constant 112 : index
      %get3A_575 = tpu.vector_load %arg10[%get3A_573, %get3A_574] {strides = array<i32>} : memref<16x128xf32, #tpu.memory_space<vmem>>, vector<16xf32>,
      %mul3A_576 = arith.mulf %mul3A_262, %get3A_575 : vector<16xf32>
      %add3A_577 = arith.addf %mul3A_571, %mul3A_576 : vector<16xf32>
      %get3A_578 = arith.constant 2 : i32
      %get3A_579 = arith.index_cast %get3A_578 : i32 to index
      %get3A_580 = arith.constant 112 : index
      %get3A_581 = tpu.vector_load %arg10[%get3A_579, %get3A_580] {strides = array<i32>} : memref<16x128xf32, #tpu.memory_space<vmem>>, vector<16xf32>,
      %mul3A_582 = arith.mulf %mul3A_264, %get3A_581 : vector<16xf32>
      %add3A_583 = arith.addf %add3A_577, %mul3A_582 : vector<16xf32>
      %get3A_584 = arith.constant 3 : i32
      %get3A_585 = arith.index_cast %get3A_584 : i32 to index
      %get3A_586 = arith.constant 112 : index
      %get3A_587 = tpu.vector_load %arg10[%get3A_585, %get3A_586] {strides = array<i32>} : memref<16x128xf32, #tpu.memory_space<vmem>>, vector<16xf32>,
      %mul3A_588 = arith.mulf %mul3A_266, %get3A_587 : vector<16xf32>
      %add3A_589 = arith.addf %add3A_583, %mul3A_588 : vector<16xf32>
      %get3A_590 = arith.constant 4 : i32
      %get3A_591 = arith.index_cast %get3A_590 : i32 to index
      %get3A_592 = arith.constant 112 : index
      %get3A_593 = tpu.vector_load %arg10[%get3A_591, %get3A_592] {strides = array<i32>} : memref<16x128xf32, #tpu.memory_space<vmem>>, vector<16xf32>,
      %mul3A_594 = arith.mulf %mul3A_268, %get3A_593 : vector<16xf32>
      %add3A_595 = arith.addf %add3A_589, %mul3A_594 : vector<16xf32>
      %mul3A_596 = arith.mulf %div3A_280, %add3A_595 : vector<16xf32>
      %sub3A_597 = arith.constant 1.000000e+00 : f32
      %sub3A_598 = vector.broadcast %sub3A_597 : f32 to vector<16xf32>
      %sub3A_599 = arith.subf %sub3A_598, %div3A_280 : vector<16xf32>
      %get3A_600 = arith.constant 4 : i32
      %get3A_601 = arith.index_cast %get3A_600 : i32 to index
      %get3A_602 = arith.constant 112 : index
      %get3A_603 = tpu.vector_load %arg9[%get3A_601, %get3A_602] {strides = array<i32>} : memref<16x128xf32, #tpu.memory_space<vmem>>, vector<16xf32>,
      %mul3A_604 = arith.mulf %sub3A_599, %get3A_603 : vector<16xf32>
      %add3A_605 = arith.addf %mul3A_596, %mul3A_604 : vector<16xf32>
      %swap3A_606 = arith.constant 112 : index
      %swap3A_607 = tpu.vector_load %arg12[%swap3A_606] {strides = array<i32>} : memref<128xf32, #tpu.memory_space<vmem>>, vector<16xf32>,
      tpu.vector_store %arg12[%swap3A_606], %add3A_605 {strides = array<i32>} : memref<128xf32, #tpu.memory_space<vmem>>, vector<16xf32>,
      "tpu.region"() ({
        %run_scoped3A = tpu.sem_alloc : memref<!tpu.dma_semaphore, #tpu.memory_space<semaphore_mem>>
        %dma_start3A_608 = arith.constant 0 : i32
        %dma_start3A_609 = tpu.memref_slice %arg6[%add3A_57, %dma_start3A_608] : memref<128x128xf32, #tpu.memory_space<hbm>> -> memref<1x128xf32, #tpu.memory_space<hbm>>
        %dma_start3A_610 = tpu.memref_squeeze %dma_start3A_609 : memref<1x128xf32, #tpu.memory_space<hbm>> -> memref<128xf32, #tpu.memory_space<hbm>>
        %dma_start3A_611 = arith.constant 0 : i32
        %dma_start3A_612 = tpu.memref_slice %arg6[%add3A_57, %dma_start3A_611] : memref<128x128xf32, #tpu.memory_space<hbm>> -> memref<1x128xf32, #tpu.memory_space<hbm>>
        %dma_start3A_613 = tpu.memref_squeeze %dma_start3A_612 : memref<1x128xf32, #tpu.memory_space<hbm>> -> memref<128xf32, #tpu.memory_space<hbm>>
        tpu.enqueue_dma source(%arg12 : memref<128xf32, #tpu.memory_space<vmem>>) target(%dma_start3A_613 : memref<128xf32, #tpu.memory_space<hbm>>) target_semaphore(%run_scoped3A : memref<!tpu.dma_semaphore, #tpu.memory_space<semaphore_mem>>)
        %dma_wait3A_614 = arith.constant 0 : i32
        %dma_wait3A_615 = tpu.memref_slice %arg6[%add3A_57, %dma_wait3A_614] : memref<128x128xf32, #tpu.memory_space<hbm>> -> memref<1x128xf32, #tpu.memory_space<hbm>>
        %dma_wait3A_616 = tpu.memref_squeeze %dma_wait3A_615 : memref<1x128xf32, #tpu.memory_space<hbm>> -> memref<128xf32, #tpu.memory_space<hbm>>
        %dma_wait3A_617 = arith.constant 0 : i32
        %dma_wait3A_618 = tpu.memref_slice %arg6[%add3A_57, %dma_wait3A_617] : memref<128x128xf32, #tpu.memory_space<hbm>> -> memref<1x128xf32, #tpu.memory_space<hbm>>
        %dma_wait3A_619 = tpu.memref_squeeze %dma_wait3A_618 : memref<1x128xf32, #tpu.memory_space<hbm>> -> memref<128xf32, #tpu.memory_space<hbm>>
        tpu.wait_dma2 semaphore(%run_scoped3A : memref<!tpu.dma_semaphore, #tpu.memory_space<semaphore_mem>>) src(%arg12 : memref<128xf32, #tpu.memory_space<vmem>>) dst(%dma_wait3A_619 : memref<128xf32, #tpu.memory_space<hbm>>)
        tpu.yield
      }) : () -> ()
    } else {
    }
    %add3A_68 = arith.constant 2 : i32
    %add3A_69 = arith.addi %mul3A_2, %add3A_68 : i32
    %eq3A_70 = arith.constant 103 : i32
    %eq3A_71 = arith.cmpi eq, %squeeze3A_7, %eq3A_70 : i32
    %not3A_72 = arith.constant true
    %not3A_73 = arith.xori %eq3A_71, %not3A_72 : i1
    %convert_element_type3A_74 = arith.extui %not3A_73 : i1 to i32
    %cond3A_75 = arith.constant 0 : i32
    %cond3A_76 = arith.cmpi ne, %convert_element_type3A_74, %cond3A_75 : i32
    scf.if %cond3A_76 {
      %run_scoped3A = arith.constant 2 : i32
      "tpu.region"() ({
        %run_scoped3A_92 = tpu.sem_alloc : memref<!tpu.dma_semaphore, #tpu.memory_space<semaphore_mem>>
        %dma_start3A_93 = arith.constant 0 : i32
        %dma_start3A_94 = tpu.memref_slice %arg9[%run_scoped3A, %dma_start3A_93] : memref<16x128xf32, #tpu.memory_space<vmem>> -> memref<1x128xf32, #tpu.memory_space<vmem>>
        %dma_start3A_95 = tpu.memref_squeeze %dma_start3A_94 : memref<1x128xf32, #tpu.memory_space<vmem>> -> memref<128xf32, #tpu.memory_space<vmem>>
        %dma_start3A_96 = arith.constant 0 : i32
        %dma_start3A_97 = tpu.memref_slice %arg6[%add3A_69, %dma_start3A_96] : memref<128x128xf32, #tpu.memory_space<hbm>> -> memref<1x128xf32, #tpu.memory_space<hbm>>
        %dma_start3A_98 = tpu.memref_squeeze %dma_start3A_97 : memref<1x128xf32, #tpu.memory_space<hbm>> -> memref<128xf32, #tpu.memory_space<hbm>>
        %dma_start3A_99 = arith.constant 0 : i32
        %dma_start3A_100 = tpu.memref_slice %arg6[%add3A_69, %dma_start3A_99] : memref<128x128xf32, #tpu.memory_space<hbm>> -> memref<1x128xf32, #tpu.memory_space<hbm>>
        %dma_start3A_101 = tpu.memref_squeeze %dma_start3A_100 : memref<1x128xf32, #tpu.memory_space<hbm>> -> memref<128xf32, #tpu.memory_space<hbm>>
        %dma_start3A_102 = arith.constant 0 : i32
        %dma_start3A_103 = tpu.memref_slice %arg9[%run_scoped3A, %dma_start3A_102] : memref<16x128xf32, #tpu.memory_space<vmem>> -> memref<1x128xf32, #tpu.memory_space<vmem>>
        %dma_start3A_104 = tpu.memref_squeeze %dma_start3A_103 : memref<1x128xf32, #tpu.memory_space<vmem>> -> memref<128xf32, #tpu.memory_space<vmem>>
        tpu.enqueue_dma source(%dma_start3A_104 : memref<128xf32, #tpu.memory_space<vmem>>) target(%dma_start3A_101 : memref<128xf32, #tpu.memory_space<hbm>>) target_semaphore(%run_scoped3A_92 : memref<!tpu.dma_semaphore, #tpu.memory_space<semaphore_mem>>)
        %dma_wait3A_105 = arith.constant 0 : i32
        %dma_wait3A_106 = tpu.memref_slice %arg9[%run_scoped3A, %dma_wait3A_105] : memref<16x128xf32, #tpu.memory_space<vmem>> -> memref<1x128xf32, #tpu.memory_space<vmem>>
        %dma_wait3A_107 = tpu.memref_squeeze %dma_wait3A_106 : memref<1x128xf32, #tpu.memory_space<vmem>> -> memref<128xf32, #tpu.memory_space<vmem>>
        %dma_wait3A_108 = arith.constant 0 : i32
        %dma_wait3A_109 = tpu.memref_slice %arg6[%add3A_69, %dma_wait3A_108] : memref<128x128xf32, #tpu.memory_space<hbm>> -> memref<1x128xf32, #tpu.memory_space<hbm>>
        %dma_wait3A_110 = tpu.memref_squeeze %dma_wait3A_109 : memref<1x128xf32, #tpu.memory_space<hbm>> -> memref<128xf32, #tpu.memory_space<hbm>>
        %dma_wait3A_111 = arith.constant 0 : i32
        %dma_wait3A_112 = tpu.memref_slice %arg6[%add3A_69, %dma_wait3A_111] : memref<128x128xf32, #tpu.memory_space<hbm>> -> memref<1x128xf32, #tpu.memory_space<hbm>>
        %dma_wait3A_113 = tpu.memref_squeeze %dma_wait3A_112 : memref<1x128xf32, #tpu.memory_space<hbm>> -> memref<128xf32, #tpu.memory_space<hbm>>
        %dma_wait3A_114 = arith.constant 0 : i32
        %dma_wait3A_115 = tpu.memref_slice %arg9[%run_scoped3A, %dma_wait3A_114] : memref<16x128xf32, #tpu.memory_space<vmem>> -> memref<1x128xf32, #tpu.memory_space<vmem>>
        %dma_wait3A_116 = tpu.memref_squeeze %dma_wait3A_115 : memref<1x128xf32, #tpu.memory_space<vmem>> -> memref<128xf32, #tpu.memory_space<vmem>>
        tpu.wait_dma2 semaphore(%run_scoped3A_92 : memref<!tpu.dma_semaphore, #tpu.memory_space<semaphore_mem>>) src(%dma_wait3A_116 : memref<128xf32, #tpu.memory_space<vmem>>) dst(%dma_wait3A_113 : memref<128xf32, #tpu.memory_space<hbm>>)
        tpu.yield
      }) : () -> ()
    } else {
    }
    %convert_element_type3A_77 = arith.extui %eq3A_71 : i1 to i32
    %cond3A_78 = arith.constant 0 : i32
    %cond3A_79 = arith.cmpi ne, %convert_element_type3A_77, %cond3A_78 : i32
    scf.if %cond3A_79 {
      "tpu.region"() ({
        %run_scoped3A = tpu.sem_alloc : memref<!tpu.dma_semaphore, #tpu.memory_space<semaphore_mem>>
        %dma_start3A_608 = arith.constant 0 : i32
        %dma_start3A_609 = tpu.memref_slice %arg3[%add3A_69, %dma_start3A_608] : memref<128x100000xf32, #tpu.memory_space<hbm>> -> memref<1x100000xf32, #tpu.memory_space<hbm>>
        %dma_start3A_610 = tpu.memref_squeeze %dma_start3A_609 : memref<1x100000xf32, #tpu.memory_space<hbm>> -> memref<100000xf32, #tpu.memory_space<hbm>>
        %dma_start3A_611 = arith.constant 0 : i32
        %dma_start3A_612 = tpu.memref_slice %arg3[%add3A_69, %dma_start3A_611] : memref<128x100000xf32, #tpu.memory_space<hbm>> -> memref<1x100000xf32, #tpu.memory_space<hbm>>
        %dma_start3A_613 = tpu.memref_squeeze %dma_start3A_612 : memref<1x100000xf32, #tpu.memory_space<hbm>> -> memref<100000xf32, #tpu.memory_space<hbm>>
        tpu.enqueue_dma source(%dma_start3A_613 : memref<100000xf32, #tpu.memory_space<hbm>>) target(%arg11 : memref<100000xf32, #tpu.memory_space<vmem>>) target_semaphore(%run_scoped3A : memref<!tpu.dma_semaphore, #tpu.memory_space<semaphore_mem>>)
        %dma_wait3A_614 = arith.constant 0 : i32
        %dma_wait3A_615 = tpu.memref_slice %arg3[%add3A_69, %dma_wait3A_614] : memref<128x100000xf32, #tpu.memory_space<hbm>> -> memref<1x100000xf32, #tpu.memory_space<hbm>>
        %dma_wait3A_616 = tpu.memref_squeeze %dma_wait3A_615 : memref<1x100000xf32, #tpu.memory_space<hbm>> -> memref<100000xf32, #tpu.memory_space<hbm>>
        %dma_wait3A_617 = arith.constant 0 : i32
        %dma_wait3A_618 = tpu.memref_slice %arg3[%add3A_69, %dma_wait3A_617] : memref<128x100000xf32, #tpu.memory_space<hbm>> -> memref<1x100000xf32, #tpu.memory_space<hbm>>
        %dma_wait3A_619 = tpu.memref_squeeze %dma_wait3A_618 : memref<1x100000xf32, #tpu.memory_space<hbm>> -> memref<100000xf32, #tpu.memory_space<hbm>>
        tpu.wait_dma2 semaphore(%run_scoped3A : memref<!tpu.dma_semaphore, #tpu.memory_space<semaphore_mem>>) src(%dma_wait3A_619 : memref<100000xf32, #tpu.memory_space<hbm>>) dst(%arg11 : memref<100000xf32, #tpu.memory_space<vmem>>)
        tpu.yield
      }) : () -> ()
      %scan3A = arith.constant 0 : i32
      %scan3A_92 = arith.constant 6250 : i32
      %scan3A_93 = arith.addi %scan3A, %scan3A_92 : i32
      %scan3A_94 = arith.constant 1 : i32
      %scan3A_95:3 = scf.for %scan3A_608 = %scan3A to %scan3A_93 step %scan3A_94 iter_args(%scan3A_609 = %broadcast_in_dim3A_44, %scan3A_610 = %broadcast_in_dim3A_42, %scan3A_611 = %broadcast_in_dim3A_46) -> (vector<16xf32>, vector<16xf32>, vector<16xi32>)  : i32 {
        %mul3A_612 = arith.constant 16 : i32
        %mul3A_613 = arith.muli %scan3A_608, %mul3A_612 : i32
        %get3A_614 = arith.index_cast %mul3A_613 : i32 to index
        %get3A_615 = tpu.vector_load %arg11[%get3A_614] {strides = array<i32>} : memref<100000xf32, #tpu.memory_space<vmem>>, vector<16xf32>,
        %add3A_616 = arith.constant 1.000000e-10 : f32
        %add3A_617 = vector.broadcast %add3A_616 : f32 to vector<16xf32>
        %add3A_618 = arith.addf %get3A_615, %add3A_617 : vector<16xf32>
        %bitcast_convert_type3A = tpu.bitcast %add3A_618 : vector<16xf32> -> vector<16xi32>
        %shift_right_arithmetic3A = arith.constant 23 : i32
        %shift_right_arithmetic3A_619 = vector.broadcast %shift_right_arithmetic3A : i32 to vector<16xi32>
        %shift_right_arithmetic3A_620 = arith.shrsi %bitcast_convert_type3A, %shift_right_arithmetic3A_619 : vector<16xi32>
        %sub3A_621 = arith.constant 127 : i32
        %sub3A_622 = vector.broadcast %sub3A_621 : i32 to vector<16xi32>
        %sub3A_623 = arith.subi %shift_right_arithmetic3A_620, %sub3A_622 : vector<16xi32>
        %and3A = arith.constant 8388607 : i32
        %and3A_624 = vector.broadcast %and3A : i32 to vector<16xi32>
        %and3A_625 = arith.andi %bitcast_convert_type3A, %and3A_624 : vector<16xi32>
        %or3A = arith.constant 1065353216 : i32
        %or3A_626 = vector.broadcast %or3A : i32 to vector<16xi32>
        %or3A_627 = arith.ori %and3A_625, %or3A_626 : vector<16xi32>
        %bitcast_convert_type3A_628 = tpu.bitcast %or3A_627 : vector<16xi32> -> vector<16xf32>
        %gt3A = arith.constant 1.41421354 : f32
        %gt3A_629 = vector.broadcast %gt3A : f32 to vector<16xf32>
        %gt3A_630 = arith.cmpf ogt, %bitcast_convert_type3A_628, %gt3A_629 : vector<16xf32>
        %mul3A_631 = arith.constant 5.000000e-01 : f32
        %mul3A_632 = vector.broadcast %mul3A_631 : f32 to vector<16xf32>
        %mul3A_633 = arith.mulf %bitcast_convert_type3A_628, %mul3A_632 : vector<16xf32>
        %select_n3A_634 = arith.select %gt3A_630, %mul3A_633, %bitcast_convert_type3A_628 : vector<16xi1>, vector<16xf32>
        %convert_element_type3A_635 = arith.extui %gt3A_630 : vector<16xi1> to vector<16xi32>
        %add3A_636 = arith.addi %sub3A_623, %convert_element_type3A_635 : vector<16xi32>
        %convert_element_type3A_637 = arith.sitofp %add3A_636 : vector<16xi32> to vector<16xf32>
        %sub3A_638 = arith.constant 1.000000e+00 : f32
        %sub3A_639 = vector.broadcast %sub3A_638 : f32 to vector<16xf32>
        %sub3A_640 = arith.subf %select_n3A_634, %sub3A_639 : vector<16xf32>
        %add3A_641 = arith.constant 1.000000e+00 : f32
        %add3A_642 = vector.broadcast %add3A_641 : f32 to vector<16xf32>
        %add3A_643 = arith.addf %select_n3A_634, %add3A_642 : vector<16xf32>
        %div3A_644 = arith.divf %sub3A_640, %add3A_643 : vector<16xf32>
        %mul3A_645 = arith.mulf %div3A_644, %div3A_644 : vector<16xf32>
        %mul3A_646 = arith.constant 0.142857149 : f32
        %mul3A_647 = vector.broadcast %mul3A_646 : f32 to vector<16xf32>
        %mul3A_648 = arith.mulf %mul3A_645, %mul3A_647 : vector<16xf32>
        %add3A_649 = arith.constant 2.000000e-01 : f32
        %add3A_650 = vector.broadcast %add3A_649 : f32 to vector<16xf32>
        %add3A_651 = arith.addf %add3A_650, %mul3A_648 : vector<16xf32>
        %mul3A_652 = arith.mulf %mul3A_645, %add3A_651 : vector<16xf32>
        %add3A_653 = arith.constant 0.333333343 : f32
        %add3A_654 = vector.broadcast %add3A_653 : f32 to vector<16xf32>
        %add3A_655 = arith.addf %add3A_654, %mul3A_652 : vector<16xf32>
        %mul3A_656 = arith.mulf %mul3A_645, %add3A_655 : vector<16xf32>
        %add3A_657 = arith.constant 1.000000e+00 : f32
        %add3A_658 = vector.broadcast %add3A_657 : f32 to vector<16xf32>
        %add3A_659 = arith.addf %add3A_658, %mul3A_656 : vector<16xf32>
        %mul3A_660 = arith.constant 0.693147182 : f32
        %mul3A_661 = vector.broadcast %mul3A_660 : f32 to vector<16xf32>
        %mul3A_662 = arith.mulf %convert_element_type3A_637, %mul3A_661 : vector<16xf32>
        %mul3A_663 = arith.constant 2.000000e+00 : f32
        %mul3A_664 = vector.broadcast %mul3A_663 : f32 to vector<16xf32>
        %mul3A_665 = arith.mulf %mul3A_664, %div3A_644 : vector<16xf32>
        %mul3A_666 = arith.mulf %mul3A_665, %add3A_659 : vector<16xf32>
        %add3A_667 = arith.addf %mul3A_662, %mul3A_666 : vector<16xf32>
        %mul3A_668 = arith.mulf %get3A_615, %add3A_667 : vector<16xf32>
        %add3A_669 = arith.addf %scan3A_609, %mul3A_668 : vector<16xf32>
        %gt3A_670 = arith.cmpf ogt, %get3A_615, %scan3A_610 : vector<16xf32>
        %select_n3A_671 = arith.select %gt3A_670, %get3A_615, %scan3A_610 : vector<16xi1>, vector<16xf32>
        %mul3A_672 = arith.constant 16 : i32
        %mul3A_673 = arith.muli %scan3A_608, %mul3A_672 : i32
        %add3A_674 = vector.broadcast %mul3A_673 : i32 to vector<16xi32>
        %add3A_675 = arith.addi %iota3A, %add3A_674 : vector<16xi32>
        %select_n3A_676 = arith.select %gt3A_670, %add3A_675, %scan3A_611 : vector<16xi1>, vector<16xi32>
        scf.yield %add3A_669, %select_n3A_671, %select_n3A_676 : vector<16xf32>, vector<16xf32>, vector<16xi32>
      }
      %scan3A_96 = arith.constant 6250 : i32
      %reduce_max3A = arith.constant true
      %reduce_max3A_97 = vector.broadcast %reduce_max3A : i1 to vector<16xi1>
      %reduce_max3A_98 = tpu.scan <max>, %scan3A_95#1 masked %reduce_max3A_97 : vector<16xf32>, vector<16xi1> -> vector<16xf32>
      %reduce_max3A_99 = vector.extract %reduce_max3A_98[15] : f32 from vector<16xf32>
      %eq3A_100 = vector.broadcast %reduce_max3A_99 : f32 to vector<16xf32>
      %eq3A_101 = arith.cmpf oeq, %scan3A_95#1, %eq3A_100 : vector<16xf32>
      %jit3A = arith.constant 2147483647 : i32
      %broadcast_in_dim3A_102 = vector.broadcast %jit3A : i32 to vector<16xi32>
      %select_n3A_103 = arith.select %eq3A_101, %scan3A_95#2, %broadcast_in_dim3A_102 : vector<16xi1>, vector<16xi32>
      %reduce_min3A = arith.constant true
      %reduce_min3A_104 = vector.broadcast %reduce_min3A : i1 to vector<16xi1>
      %reduce_min3A_105 = arith.constant -2147483648 : i32
      %reduce_min3A_106 = vector.broadcast %reduce_min3A_105 : i32 to vector<16xi32>
      %reduce_min3A_107 = arith.xori %select_n3A_103, %reduce_min3A_106 : vector<16xi32>
      %reduce_min3A_108 = tpu.scan <min>, %reduce_min3A_107 masked %reduce_min3A_104 : vector<16xi32>, vector<16xi1> -> vector<16xi32>
      %reduce_min3A_109 = arith.xori %reduce_min3A_108, %reduce_min3A_106 : vector<16xi32>
      %reduce_min3A_110 = vector.extract %reduce_min3A_109[15] : i32 from vector<16xi32>
      %broadcast_in_dim3A_111 = vector.broadcast %reduce_min3A_110 : i32 to vector<16xi32>
      %eq3A_112 = arith.constant 0 : i32
      %eq3A_113 = vector.broadcast %eq3A_112 : i32 to vector<16xi32>
      %eq3A_114 = arith.cmpi eq, %iota3A, %eq3A_113 : vector<16xi32>
      tpu.vector_store_idx %arg11[%broadcast_in_dim3A_111], %broadcast_in_dim3A_42 masked %eq3A_114 : memref<100000xf32, #tpu.memory_space<vmem>>[vector<16xi32>], vector<16xf32>, vector<16xi1>
      %scan3A_115 = arith.constant 0 : i32
      %scan3A_116 = arith.constant 6250 : i32
      %scan3A_117 = arith.addi %scan3A_115, %scan3A_116 : i32
      %scan3A_118 = arith.constant 1 : i32
      %scan3A_119:2 = scf.for %scan3A_608 = %scan3A_115 to %scan3A_117 step %scan3A_118 iter_args(%scan3A_609 = %broadcast_in_dim3A_42, %scan3A_610 = %broadcast_in_dim3A_46) -> (vector<16xf32>, vector<16xi32>)  : i32 {
        %mul3A_611 = arith.constant 16 : i32
        %mul3A_612 = arith.muli %scan3A_608, %mul3A_611 : i32
        %get3A_613 = arith.index_cast %mul3A_612 : i32 to index
        %get3A_614 = tpu.vector_load %arg11[%get3A_613] {strides = array<i32>} : memref<100000xf32, #tpu.memory_space<vmem>>, vector<16xf32>,
        %gt3A = arith.cmpf ogt, %get3A_614, %scan3A_609 : vector<16xf32>
        %select_n3A_615 = arith.select %gt3A, %get3A_614, %scan3A_609 : vector<16xi1>, vector<16xf32>
        %mul3A_616 = arith.constant 16 : i32
        %mul3A_617 = arith.muli %scan3A_608, %mul3A_616 : i32
        %add3A_618 = vector.broadcast %mul3A_617 : i32 to vector<16xi32>
        %add3A_619 = arith.addi %iota3A, %add3A_618 : vector<16xi32>
        %select_n3A_620 = arith.select %gt3A, %add3A_619, %scan3A_610 : vector<16xi1>, vector<16xi32>
        scf.yield %select_n3A_615, %select_n3A_620 : vector<16xf32>, vector<16xi32>
      }
      %scan3A_120 = arith.constant 6250 : i32
      %reduce_max3A_121 = arith.constant true
      %reduce_max3A_122 = vector.broadcast %reduce_max3A_121 : i1 to vector<16xi1>
      %reduce_max3A_123 = tpu.scan <max>, %scan3A_119#0 masked %reduce_max3A_122 : vector<16xf32>, vector<16xi1> -> vector<16xf32>
      %reduce_max3A_124 = vector.extract %reduce_max3A_123[15] : f32 from vector<16xf32>
      %eq3A_125 = vector.broadcast %reduce_max3A_124 : f32 to vector<16xf32>
      %eq3A_126 = arith.cmpf oeq, %scan3A_119#0, %eq3A_125 : vector<16xf32>
      %jit3A_127 = arith.constant 2147483647 : i32
      %broadcast_in_dim3A_128 = vector.broadcast %jit3A_127 : i32 to vector<16xi32>
      %select_n3A_129 = arith.select %eq3A_126, %scan3A_119#1, %broadcast_in_dim3A_128 : vector<16xi1>, vector<16xi32>
      %reduce_min3A_130 = arith.constant true
      %reduce_min3A_131 = vector.broadcast %reduce_min3A_130 : i1 to vector<16xi1>
      %reduce_min3A_132 = arith.constant -2147483648 : i32
      %reduce_min3A_133 = vector.broadcast %reduce_min3A_132 : i32 to vector<16xi32>
      %reduce_min3A_134 = arith.xori %select_n3A_129, %reduce_min3A_133 : vector<16xi32>
      %reduce_min3A_135 = tpu.scan <min>, %reduce_min3A_134 masked %reduce_min3A_131 : vector<16xi32>, vector<16xi1> -> vector<16xi32>
      %reduce_min3A_136 = arith.xori %reduce_min3A_135, %reduce_min3A_133 : vector<16xi32>
      %reduce_min3A_137 = vector.extract %reduce_min3A_136[15] : i32 from vector<16xi32>
      %broadcast_in_dim3A_138 = vector.broadcast %reduce_min3A_137 : i32 to vector<16xi32>
      %eq3A_139 = arith.constant 0 : i32
      %eq3A_140 = vector.broadcast %eq3A_139 : i32 to vector<16xi32>
      %eq3A_141 = arith.cmpi eq, %iota3A, %eq3A_140 : vector<16xi32>
      tpu.vector_store_idx %arg11[%broadcast_in_dim3A_138], %broadcast_in_dim3A_42 masked %eq3A_141 : memref<100000xf32, #tpu.memory_space<vmem>>[vector<16xi32>], vector<16xf32>, vector<16xi1>
      %scan3A_142 = arith.constant 0 : i32
      %scan3A_143 = arith.constant 6250 : i32
      %scan3A_144 = arith.addi %scan3A_142, %scan3A_143 : i32
      %scan3A_145 = arith.constant 1 : i32
      %scan3A_146:2 = scf.for %scan3A_608 = %scan3A_142 to %scan3A_144 step %scan3A_145 iter_args(%scan3A_609 = %broadcast_in_dim3A_42, %scan3A_610 = %broadcast_in_dim3A_46) -> (vector<16xf32>, vector<16xi32>)  : i32 {
        %mul3A_611 = arith.constant 16 : i32
        %mul3A_612 = arith.muli %scan3A_608, %mul3A_611 : i32
        %get3A_613 = arith.index_cast %mul3A_612 : i32 to index
        %get3A_614 = tpu.vector_load %arg11[%get3A_613] {strides = array<i32>} : memref<100000xf32, #tpu.memory_space<vmem>>, vector<16xf32>,
        %gt3A = arith.cmpf ogt, %get3A_614, %scan3A_609 : vector<16xf32>
        %select_n3A_615 = arith.select %gt3A, %get3A_614, %scan3A_609 : vector<16xi1>, vector<16xf32>
        %mul3A_616 = arith.constant 16 : i32
        %mul3A_617 = arith.muli %scan3A_608, %mul3A_616 : i32
        %add3A_618 = vector.broadcast %mul3A_617 : i32 to vector<16xi32>
        %add3A_619 = arith.addi %iota3A, %add3A_618 : vector<16xi32>
        %select_n3A_620 = arith.select %gt3A, %add3A_619, %scan3A_610 : vector<16xi1>, vector<16xi32>
        scf.yield %select_n3A_615, %select_n3A_620 : vector<16xf32>, vector<16xi32>
      }
      %scan3A_147 = arith.constant 6250 : i32
      %reduce_max3A_148 = arith.constant true
      %reduce_max3A_149 = vector.broadcast %reduce_max3A_148 : i1 to vector<16xi1>
      %reduce_max3A_150 = tpu.scan <max>, %scan3A_146#0 masked %reduce_max3A_149 : vector<16xf32>, vector<16xi1> -> vector<16xf32>
      %reduce_max3A_151 = vector.extract %reduce_max3A_150[15] : f32 from vector<16xf32>
      %eq3A_152 = vector.broadcast %reduce_max3A_151 : f32 to vector<16xf32>
      %eq3A_153 = arith.cmpf oeq, %scan3A_146#0, %eq3A_152 : vector<16xf32>
      %jit3A_154 = arith.constant 2147483647 : i32
      %broadcast_in_dim3A_155 = vector.broadcast %jit3A_154 : i32 to vector<16xi32>
      %select_n3A_156 = arith.select %eq3A_153, %scan3A_146#1, %broadcast_in_dim3A_155 : vector<16xi1>, vector<16xi32>
      %reduce_min3A_157 = arith.constant true
      %reduce_min3A_158 = vector.broadcast %reduce_min3A_157 : i1 to vector<16xi1>
      %reduce_min3A_159 = arith.constant -2147483648 : i32
      %reduce_min3A_160 = vector.broadcast %reduce_min3A_159 : i32 to vector<16xi32>
      %reduce_min3A_161 = arith.xori %select_n3A_156, %reduce_min3A_160 : vector<16xi32>
      %reduce_min3A_162 = tpu.scan <min>, %reduce_min3A_161 masked %reduce_min3A_158 : vector<16xi32>, vector<16xi1> -> vector<16xi32>
      %reduce_min3A_163 = arith.xori %reduce_min3A_162, %reduce_min3A_160 : vector<16xi32>
      %reduce_min3A_164 = vector.extract %reduce_min3A_163[15] : i32 from vector<16xi32>
      %broadcast_in_dim3A_165 = vector.broadcast %reduce_min3A_164 : i32 to vector<16xi32>
      %eq3A_166 = arith.constant 0 : i32
      %eq3A_167 = vector.broadcast %eq3A_166 : i32 to vector<16xi32>
      %eq3A_168 = arith.cmpi eq, %iota3A, %eq3A_167 : vector<16xi32>
      tpu.vector_store_idx %arg11[%broadcast_in_dim3A_165], %broadcast_in_dim3A_42 masked %eq3A_168 : memref<100000xf32, #tpu.memory_space<vmem>>[vector<16xi32>], vector<16xf32>, vector<16xi1>
      %scan3A_169 = arith.constant 0 : i32
      %scan3A_170 = arith.constant 6250 : i32
      %scan3A_171 = arith.addi %scan3A_169, %scan3A_170 : i32
      %scan3A_172 = arith.constant 1 : i32
      %scan3A_173:2 = scf.for %scan3A_608 = %scan3A_169 to %scan3A_171 step %scan3A_172 iter_args(%scan3A_609 = %broadcast_in_dim3A_42, %scan3A_610 = %broadcast_in_dim3A_46) -> (vector<16xf32>, vector<16xi32>)  : i32 {
        %mul3A_611 = arith.constant 16 : i32
        %mul3A_612 = arith.muli %scan3A_608, %mul3A_611 : i32
        %get3A_613 = arith.index_cast %mul3A_612 : i32 to index
        %get3A_614 = tpu.vector_load %arg11[%get3A_613] {strides = array<i32>} : memref<100000xf32, #tpu.memory_space<vmem>>, vector<16xf32>,
        %gt3A = arith.cmpf ogt, %get3A_614, %scan3A_609 : vector<16xf32>
        %select_n3A_615 = arith.select %gt3A, %get3A_614, %scan3A_609 : vector<16xi1>, vector<16xf32>
        %mul3A_616 = arith.constant 16 : i32
        %mul3A_617 = arith.muli %scan3A_608, %mul3A_616 : i32
        %add3A_618 = vector.broadcast %mul3A_617 : i32 to vector<16xi32>
        %add3A_619 = arith.addi %iota3A, %add3A_618 : vector<16xi32>
        %select_n3A_620 = arith.select %gt3A, %add3A_619, %scan3A_610 : vector<16xi1>, vector<16xi32>
        scf.yield %select_n3A_615, %select_n3A_620 : vector<16xf32>, vector<16xi32>
      }
      %scan3A_174 = arith.constant 6250 : i32
      %reduce_max3A_175 = arith.constant true
      %reduce_max3A_176 = vector.broadcast %reduce_max3A_175 : i1 to vector<16xi1>
      %reduce_max3A_177 = tpu.scan <max>, %scan3A_173#0 masked %reduce_max3A_176 : vector<16xf32>, vector<16xi1> -> vector<16xf32>
      %reduce_max3A_178 = vector.extract %reduce_max3A_177[15] : f32 from vector<16xf32>
      %eq3A_179 = vector.broadcast %reduce_max3A_178 : f32 to vector<16xf32>
      %eq3A_180 = arith.cmpf oeq, %scan3A_173#0, %eq3A_179 : vector<16xf32>
      %jit3A_181 = arith.constant 2147483647 : i32
      %broadcast_in_dim3A_182 = vector.broadcast %jit3A_181 : i32 to vector<16xi32>
      %select_n3A_183 = arith.select %eq3A_180, %scan3A_173#1, %broadcast_in_dim3A_182 : vector<16xi1>, vector<16xi32>
      %reduce_min3A_184 = arith.constant true
      %reduce_min3A_185 = vector.broadcast %reduce_min3A_184 : i1 to vector<16xi1>
      %reduce_min3A_186 = arith.constant -2147483648 : i32
      %reduce_min3A_187 = vector.broadcast %reduce_min3A_186 : i32 to vector<16xi32>
      %reduce_min3A_188 = arith.xori %select_n3A_183, %reduce_min3A_187 : vector<16xi32>
      %reduce_min3A_189 = tpu.scan <min>, %reduce_min3A_188 masked %reduce_min3A_185 : vector<16xi32>, vector<16xi1> -> vector<16xi32>
      %reduce_min3A_190 = arith.xori %reduce_min3A_189, %reduce_min3A_187 : vector<16xi32>
      %reduce_min3A_191 = vector.extract %reduce_min3A_190[15] : i32 from vector<16xi32>
      %broadcast_in_dim3A_192 = vector.broadcast %reduce_min3A_191 : i32 to vector<16xi32>
      %eq3A_193 = arith.constant 0 : i32
      %eq3A_194 = vector.broadcast %eq3A_193 : i32 to vector<16xi32>
      %eq3A_195 = arith.cmpi eq, %iota3A, %eq3A_194 : vector<16xi32>
      tpu.vector_store_idx %arg11[%broadcast_in_dim3A_192], %broadcast_in_dim3A_42 masked %eq3A_195 : memref<100000xf32, #tpu.memory_space<vmem>>[vector<16xi32>], vector<16xf32>, vector<16xi1>
      %scan3A_196 = arith.constant 0 : i32
      %scan3A_197 = arith.constant 6250 : i32
      %scan3A_198 = arith.addi %scan3A_196, %scan3A_197 : i32
      %scan3A_199 = arith.constant 1 : i32
      %scan3A_200:2 = scf.for %scan3A_608 = %scan3A_196 to %scan3A_198 step %scan3A_199 iter_args(%scan3A_609 = %broadcast_in_dim3A_42, %scan3A_610 = %broadcast_in_dim3A_46) -> (vector<16xf32>, vector<16xi32>)  : i32 {
        %mul3A_611 = arith.constant 16 : i32
        %mul3A_612 = arith.muli %scan3A_608, %mul3A_611 : i32
        %get3A_613 = arith.index_cast %mul3A_612 : i32 to index
        %get3A_614 = tpu.vector_load %arg11[%get3A_613] {strides = array<i32>} : memref<100000xf32, #tpu.memory_space<vmem>>, vector<16xf32>,
        %gt3A = arith.cmpf ogt, %get3A_614, %scan3A_609 : vector<16xf32>
        %select_n3A_615 = arith.select %gt3A, %get3A_614, %scan3A_609 : vector<16xi1>, vector<16xf32>
        %mul3A_616 = arith.constant 16 : i32
        %mul3A_617 = arith.muli %scan3A_608, %mul3A_616 : i32
        %add3A_618 = vector.broadcast %mul3A_617 : i32 to vector<16xi32>
        %add3A_619 = arith.addi %iota3A, %add3A_618 : vector<16xi32>
        %select_n3A_620 = arith.select %gt3A, %add3A_619, %scan3A_610 : vector<16xi1>, vector<16xi32>
        scf.yield %select_n3A_615, %select_n3A_620 : vector<16xf32>, vector<16xi32>
      }
      %scan3A_201 = arith.constant 6250 : i32
      %reduce_max3A_202 = arith.constant true
      %reduce_max3A_203 = vector.broadcast %reduce_max3A_202 : i1 to vector<16xi1>
      %reduce_max3A_204 = tpu.scan <max>, %scan3A_200#0 masked %reduce_max3A_203 : vector<16xf32>, vector<16xi1> -> vector<16xf32>
      %reduce_max3A_205 = vector.extract %reduce_max3A_204[15] : f32 from vector<16xf32>
      %eq3A_206 = vector.broadcast %reduce_max3A_205 : f32 to vector<16xf32>
      %eq3A_207 = arith.cmpf oeq, %scan3A_200#0, %eq3A_206 : vector<16xf32>
      %jit3A_208 = arith.constant 2147483647 : i32
      %broadcast_in_dim3A_209 = vector.broadcast %jit3A_208 : i32 to vector<16xi32>
      %select_n3A_210 = arith.select %eq3A_207, %scan3A_200#1, %broadcast_in_dim3A_209 : vector<16xi1>, vector<16xi32>
      %reduce_min3A_211 = arith.constant true
      %reduce_min3A_212 = vector.broadcast %reduce_min3A_211 : i1 to vector<16xi1>
      %reduce_min3A_213 = arith.constant -2147483648 : i32
      %reduce_min3A_214 = vector.broadcast %reduce_min3A_213 : i32 to vector<16xi32>
      %reduce_min3A_215 = arith.xori %select_n3A_210, %reduce_min3A_214 : vector<16xi32>
      %reduce_min3A_216 = tpu.scan <min>, %reduce_min3A_215 masked %reduce_min3A_212 : vector<16xi32>, vector<16xi1> -> vector<16xi32>
      %reduce_min3A_217 = arith.xori %reduce_min3A_216, %reduce_min3A_214 : vector<16xi32>
      %reduce_min3A_218 = vector.extract %reduce_min3A_217[15] : i32 from vector<16xi32>
      %broadcast_in_dim3A_219 = arith.constant 103 : i32
      %broadcast_in_dim3A_220 = vector.broadcast %broadcast_in_dim3A_219 : i32 to vector<16xi32>
      %eq3A_221 = arith.constant 0 : i32
      %eq3A_222 = vector.broadcast %eq3A_221 : i32 to vector<16xi32>
      %eq3A_223 = arith.cmpi eq, %iota3A, %eq3A_222 : vector<16xi32>
      %broadcast_in_dim3A_224 = vector.broadcast %reduce_min3A_110 : i32 to vector<16xi32>
      %select_n3A_225 = arith.select %eq3A_223, %broadcast_in_dim3A_224, %broadcast_in_dim3A_220 : vector<16xi1>, vector<16xi32>
      %eq3A_226 = arith.constant 1 : i32
      %eq3A_227 = vector.broadcast %eq3A_226 : i32 to vector<16xi32>
      %eq3A_228 = arith.cmpi eq, %iota3A, %eq3A_227 : vector<16xi32>
      %broadcast_in_dim3A_229 = vector.broadcast %reduce_min3A_137 : i32 to vector<16xi32>
      %select_n3A_230 = arith.select %eq3A_228, %broadcast_in_dim3A_229, %select_n3A_225 : vector<16xi1>, vector<16xi32>
      %eq3A_231 = arith.constant 2 : i32
      %eq3A_232 = vector.broadcast %eq3A_231 : i32 to vector<16xi32>
      %eq3A_233 = arith.cmpi eq, %iota3A, %eq3A_232 : vector<16xi32>
      %broadcast_in_dim3A_234 = vector.broadcast %reduce_min3A_164 : i32 to vector<16xi32>
      %select_n3A_235 = arith.select %eq3A_233, %broadcast_in_dim3A_234, %select_n3A_230 : vector<16xi1>, vector<16xi32>
      %eq3A_236 = arith.constant 3 : i32
      %eq3A_237 = vector.broadcast %eq3A_236 : i32 to vector<16xi32>
      %eq3A_238 = arith.cmpi eq, %iota3A, %eq3A_237 : vector<16xi32>
      %broadcast_in_dim3A_239 = vector.broadcast %reduce_min3A_191 : i32 to vector<16xi32>
      %select_n3A_240 = arith.select %eq3A_238, %broadcast_in_dim3A_239, %select_n3A_235 : vector<16xi1>, vector<16xi32>
      %eq3A_241 = arith.constant 4 : i32
      %eq3A_242 = vector.broadcast %eq3A_241 : i32 to vector<16xi32>
      %eq3A_243 = arith.cmpi eq, %iota3A, %eq3A_242 : vector<16xi32>
      %broadcast_in_dim3A_244 = vector.broadcast %reduce_min3A_218 : i32 to vector<16xi32>
      %select_n3A_245 = arith.select %eq3A_243, %broadcast_in_dim3A_244, %select_n3A_240 : vector<16xi1>, vector<16xi32>
      %dma_start3A_246 = arith.constant 0 : i32
      %dma_start3A_247 = arith.constant 0 : i32
      %dma_start3A_248 = tpu.memref_slice %arg4[%dma_start3A_246, %dma_start3A_247] : memref<100000x128xf32, #tpu.memory_space<hbm>> -> memref<100000x128xf32, #tpu.memory_space<hbm>>
      tpu.enqueue_indirect_dma source(%dma_start3A_248 : memref<100000x128xf32, #tpu.memory_space<hbm>>) target(%arg10 : memref<16x128xf32, #tpu.memory_space<vmem>>) offsets(%select_n3A_245 : vector<16xi32>) semaphore(%arg13 : memref<!tpu.dma_semaphore, #tpu.memory_space<semaphore_mem>>)
      %dma_wait3A_249 = arith.constant 0 : i32
      %dma_wait3A_250 = arith.constant 0 : i32
      %dma_wait3A_251 = tpu.memref_slice %arg4[%dma_wait3A_249, %dma_wait3A_250] : memref<100000x128xf32, #tpu.memory_space<hbm>> -> memref<100000x128xf32, #tpu.memory_space<hbm>>
      tpu.wait_indirect_dma semaphore(%arg13 : memref<!tpu.dma_semaphore, #tpu.memory_space<semaphore_mem>>) src(%dma_wait3A_251 : memref<100000x128xf32, #tpu.memory_space<hbm>>) dst(%arg10 : memref<16x128xf32, #tpu.memory_space<vmem>>)
      %add3A_252 = arith.addf %reduce_max3A_99, %reduce_max3A_124 : f32
      %add3A_253 = arith.addf %add3A_252, %reduce_max3A_151 : f32
      %add3A_254 = arith.addf %add3A_253, %reduce_max3A_178 : f32
      %add3A_255 = arith.addf %add3A_254, %reduce_max3A_205 : f32
      %broadcast_in_dim3A_256 = vector.broadcast %add3A_255 : f32 to vector<16xf32>
      %broadcast_in_dim3A_257 = arith.constant 1.000000e+00 : f32
      %broadcast_in_dim3A_258 = vector.broadcast %broadcast_in_dim3A_257 : f32 to vector<16xf32>
      %div3A = arith.divf %broadcast_in_dim3A_258, %broadcast_in_dim3A_256 : vector<16xf32>
      %broadcast_in_dim3A_259 = vector.broadcast %reduce_max3A_99 : f32 to vector<16xf32>
      %mul3A_260 = arith.mulf %broadcast_in_dim3A_259, %div3A : vector<16xf32>
      %broadcast_in_dim3A_261 = vector.broadcast %reduce_max3A_124 : f32 to vector<16xf32>
      %mul3A_262 = arith.mulf %broadcast_in_dim3A_261, %div3A : vector<16xf32>
      %broadcast_in_dim3A_263 = vector.broadcast %reduce_max3A_151 : f32 to vector<16xf32>
      %mul3A_264 = arith.mulf %broadcast_in_dim3A_263, %div3A : vector<16xf32>
      %broadcast_in_dim3A_265 = vector.broadcast %reduce_max3A_178 : f32 to vector<16xf32>
      %mul3A_266 = arith.mulf %broadcast_in_dim3A_265, %div3A : vector<16xf32>
      %broadcast_in_dim3A_267 = vector.broadcast %reduce_max3A_205 : f32 to vector<16xf32>
      %mul3A_268 = arith.mulf %broadcast_in_dim3A_267, %div3A : vector<16xf32>
      %reduce_sum3A = arith.constant true
      %reduce_sum3A_269 = vector.broadcast %reduce_sum3A : i1 to vector<16xi1>
      %reduce_sum3A_270 = tpu.scan <sum>, %scan3A_95#0 masked %reduce_sum3A_269 : vector<16xf32>, vector<16xi1> -> vector<16xf32>
      %reduce_sum3A_271 = vector.extract %reduce_sum3A_270[15] : f32 from vector<16xf32>
      %sub3A = arith.subf %reduce_sum3A_271, %squeeze3A_40 : f32
      %mul3A_272 = arith.mulf %squeeze3A_38, %sub3A : f32
      %broadcast_in_dim3A_273 = vector.broadcast %mul3A_272 : f32 to vector<16xf32>
      %broadcast_in_dim3A_274 = vector.broadcast %squeeze3A_36 : f32 to vector<16xf32>
      %neg3A = arith.constant 0.000000e+00 : f32
      %neg3A_275 = vector.broadcast %neg3A : f32 to vector<16xf32>
      %neg3A_276 = arith.subf %neg3A_275, %broadcast_in_dim3A_273 : vector<16xf32>
      %exp3A = math.exp %neg3A_276 : vector<16xf32>
      %add3A_277 = arith.constant 1.000000e+00 : f32
      %add3A_278 = vector.broadcast %add3A_277 : f32 to vector<16xf32>
      %add3A_279 = arith.addf %add3A_278, %exp3A : vector<16xf32>
      %div3A_280 = arith.divf %broadcast_in_dim3A_274, %add3A_279 : vector<16xf32>
      %get3A_281 = arith.constant 0 : i32
      %get3A_282 = arith.index_cast %get3A_281 : i32 to index
      %get3A_283 = arith.constant 0 : index
      %get3A_284 = tpu.vector_load %arg10[%get3A_282, %get3A_283] {strides = array<i32>} : memref<16x128xf32, #tpu.memory_space<vmem>>, vector<16xf32>,
      %mul3A_285 = arith.mulf %mul3A_260, %get3A_284 : vector<16xf32>
      %get3A_286 = arith.constant 1 : i32
      %get3A_287 = arith.index_cast %get3A_286 : i32 to index
      %get3A_288 = arith.constant 0 : index
      %get3A_289 = tpu.vector_load %arg10[%get3A_287, %get3A_288] {strides = array<i32>} : memref<16x128xf32, #tpu.memory_space<vmem>>, vector<16xf32>,
      %mul3A_290 = arith.mulf %mul3A_262, %get3A_289 : vector<16xf32>
      %add3A_291 = arith.addf %mul3A_285, %mul3A_290 : vector<16xf32>
      %get3A_292 = arith.constant 2 : i32
      %get3A_293 = arith.index_cast %get3A_292 : i32 to index
      %get3A_294 = arith.constant 0 : index
      %get3A_295 = tpu.vector_load %arg10[%get3A_293, %get3A_294] {strides = array<i32>} : memref<16x128xf32, #tpu.memory_space<vmem>>, vector<16xf32>,
      %mul3A_296 = arith.mulf %mul3A_264, %get3A_295 : vector<16xf32>
      %add3A_297 = arith.addf %add3A_291, %mul3A_296 : vector<16xf32>
      %get3A_298 = arith.constant 3 : i32
      %get3A_299 = arith.index_cast %get3A_298 : i32 to index
      %get3A_300 = arith.constant 0 : index
      %get3A_301 = tpu.vector_load %arg10[%get3A_299, %get3A_300] {strides = array<i32>} : memref<16x128xf32, #tpu.memory_space<vmem>>, vector<16xf32>,
      %mul3A_302 = arith.mulf %mul3A_266, %get3A_301 : vector<16xf32>
      %add3A_303 = arith.addf %add3A_297, %mul3A_302 : vector<16xf32>
      %get3A_304 = arith.constant 4 : i32
      %get3A_305 = arith.index_cast %get3A_304 : i32 to index
      %get3A_306 = arith.constant 0 : index
      %get3A_307 = tpu.vector_load %arg10[%get3A_305, %get3A_306] {strides = array<i32>} : memref<16x128xf32, #tpu.memory_space<vmem>>, vector<16xf32>,
      %mul3A_308 = arith.mulf %mul3A_268, %get3A_307 : vector<16xf32>
      %add3A_309 = arith.addf %add3A_303, %mul3A_308 : vector<16xf32>
      %mul3A_310 = arith.mulf %div3A_280, %add3A_309 : vector<16xf32>
      %sub3A_311 = arith.constant 1.000000e+00 : f32
      %sub3A_312 = vector.broadcast %sub3A_311 : f32 to vector<16xf32>
      %sub3A_313 = arith.subf %sub3A_312, %div3A_280 : vector<16xf32>
      %get3A_314 = arith.constant 4 : i32
      %get3A_315 = arith.index_cast %get3A_314 : i32 to index
      %get3A_316 = arith.constant 0 : index
      %get3A_317 = tpu.vector_load %arg9[%get3A_315, %get3A_316] {strides = array<i32>} : memref<16x128xf32, #tpu.memory_space<vmem>>, vector<16xf32>,
      %mul3A_318 = arith.mulf %sub3A_313, %get3A_317 : vector<16xf32>
      %add3A_319 = arith.addf %mul3A_310, %mul3A_318 : vector<16xf32>
      %swap3A = arith.constant 0 : index
      %swap3A_320 = tpu.vector_load %arg12[%swap3A] {strides = array<i32>} : memref<128xf32, #tpu.memory_space<vmem>>, vector<16xf32>,
      tpu.vector_store %arg12[%swap3A], %add3A_319 {strides = array<i32>} : memref<128xf32, #tpu.memory_space<vmem>>, vector<16xf32>,
      %get3A_321 = arith.constant 0 : i32
      %get3A_322 = arith.index_cast %get3A_321 : i32 to index
      %get3A_323 = arith.constant 16 : index
      %get3A_324 = tpu.vector_load %arg10[%get3A_322, %get3A_323] {strides = array<i32>} : memref<16x128xf32, #tpu.memory_space<vmem>>, vector<16xf32>,
      %mul3A_325 = arith.mulf %mul3A_260, %get3A_324 : vector<16xf32>
      %get3A_326 = arith.constant 1 : i32
      %get3A_327 = arith.index_cast %get3A_326 : i32 to index
      %get3A_328 = arith.constant 16 : index
      %get3A_329 = tpu.vector_load %arg10[%get3A_327, %get3A_328] {strides = array<i32>} : memref<16x128xf32, #tpu.memory_space<vmem>>, vector<16xf32>,
      %mul3A_330 = arith.mulf %mul3A_262, %get3A_329 : vector<16xf32>
      %add3A_331 = arith.addf %mul3A_325, %mul3A_330 : vector<16xf32>
      %get3A_332 = arith.constant 2 : i32
      %get3A_333 = arith.index_cast %get3A_332 : i32 to index
      %get3A_334 = arith.constant 16 : index
      %get3A_335 = tpu.vector_load %arg10[%get3A_333, %get3A_334] {strides = array<i32>} : memref<16x128xf32, #tpu.memory_space<vmem>>, vector<16xf32>,
      %mul3A_336 = arith.mulf %mul3A_264, %get3A_335 : vector<16xf32>
      %add3A_337 = arith.addf %add3A_331, %mul3A_336 : vector<16xf32>
      %get3A_338 = arith.constant 3 : i32
      %get3A_339 = arith.index_cast %get3A_338 : i32 to index
      %get3A_340 = arith.constant 16 : index
      %get3A_341 = tpu.vector_load %arg10[%get3A_339, %get3A_340] {strides = array<i32>} : memref<16x128xf32, #tpu.memory_space<vmem>>, vector<16xf32>,
      %mul3A_342 = arith.mulf %mul3A_266, %get3A_341 : vector<16xf32>
      %add3A_343 = arith.addf %add3A_337, %mul3A_342 : vector<16xf32>
      %get3A_344 = arith.constant 4 : i32
      %get3A_345 = arith.index_cast %get3A_344 : i32 to index
      %get3A_346 = arith.constant 16 : index
      %get3A_347 = tpu.vector_load %arg10[%get3A_345, %get3A_346] {strides = array<i32>} : memref<16x128xf32, #tpu.memory_space<vmem>>, vector<16xf32>,
      %mul3A_348 = arith.mulf %mul3A_268, %get3A_347 : vector<16xf32>
      %add3A_349 = arith.addf %add3A_343, %mul3A_348 : vector<16xf32>
      %mul3A_350 = arith.mulf %div3A_280, %add3A_349 : vector<16xf32>
      %sub3A_351 = arith.constant 1.000000e+00 : f32
      %sub3A_352 = vector.broadcast %sub3A_351 : f32 to vector<16xf32>
      %sub3A_353 = arith.subf %sub3A_352, %div3A_280 : vector<16xf32>
      %get3A_354 = arith.constant 4 : i32
      %get3A_355 = arith.index_cast %get3A_354 : i32 to index
      %get3A_356 = arith.constant 16 : index
      %get3A_357 = tpu.vector_load %arg9[%get3A_355, %get3A_356] {strides = array<i32>} : memref<16x128xf32, #tpu.memory_space<vmem>>, vector<16xf32>,
      %mul3A_358 = arith.mulf %sub3A_353, %get3A_357 : vector<16xf32>
      %add3A_359 = arith.addf %mul3A_350, %mul3A_358 : vector<16xf32>
      %swap3A_360 = arith.constant 16 : index
      %swap3A_361 = tpu.vector_load %arg12[%swap3A_360] {strides = array<i32>} : memref<128xf32, #tpu.memory_space<vmem>>, vector<16xf32>,
      tpu.vector_store %arg12[%swap3A_360], %add3A_359 {strides = array<i32>} : memref<128xf32, #tpu.memory_space<vmem>>, vector<16xf32>,
      %get3A_362 = arith.constant 0 : i32
      %get3A_363 = arith.index_cast %get3A_362 : i32 to index
      %get3A_364 = arith.constant 32 : index
      %get3A_365 = tpu.vector_load %arg10[%get3A_363, %get3A_364] {strides = array<i32>} : memref<16x128xf32, #tpu.memory_space<vmem>>, vector<16xf32>,
      %mul3A_366 = arith.mulf %mul3A_260, %get3A_365 : vector<16xf32>
      %get3A_367 = arith.constant 1 : i32
      %get3A_368 = arith.index_cast %get3A_367 : i32 to index
      %get3A_369 = arith.constant 32 : index
      %get3A_370 = tpu.vector_load %arg10[%get3A_368, %get3A_369] {strides = array<i32>} : memref<16x128xf32, #tpu.memory_space<vmem>>, vector<16xf32>,
      %mul3A_371 = arith.mulf %mul3A_262, %get3A_370 : vector<16xf32>
      %add3A_372 = arith.addf %mul3A_366, %mul3A_371 : vector<16xf32>
      %get3A_373 = arith.constant 2 : i32
      %get3A_374 = arith.index_cast %get3A_373 : i32 to index
      %get3A_375 = arith.constant 32 : index
      %get3A_376 = tpu.vector_load %arg10[%get3A_374, %get3A_375] {strides = array<i32>} : memref<16x128xf32, #tpu.memory_space<vmem>>, vector<16xf32>,
      %mul3A_377 = arith.mulf %mul3A_264, %get3A_376 : vector<16xf32>
      %add3A_378 = arith.addf %add3A_372, %mul3A_377 : vector<16xf32>
      %get3A_379 = arith.constant 3 : i32
      %get3A_380 = arith.index_cast %get3A_379 : i32 to index
      %get3A_381 = arith.constant 32 : index
      %get3A_382 = tpu.vector_load %arg10[%get3A_380, %get3A_381] {strides = array<i32>} : memref<16x128xf32, #tpu.memory_space<vmem>>, vector<16xf32>,
      %mul3A_383 = arith.mulf %mul3A_266, %get3A_382 : vector<16xf32>
      %add3A_384 = arith.addf %add3A_378, %mul3A_383 : vector<16xf32>
      %get3A_385 = arith.constant 4 : i32
      %get3A_386 = arith.index_cast %get3A_385 : i32 to index
      %get3A_387 = arith.constant 32 : index
      %get3A_388 = tpu.vector_load %arg10[%get3A_386, %get3A_387] {strides = array<i32>} : memref<16x128xf32, #tpu.memory_space<vmem>>, vector<16xf32>,
      %mul3A_389 = arith.mulf %mul3A_268, %get3A_388 : vector<16xf32>
      %add3A_390 = arith.addf %add3A_384, %mul3A_389 : vector<16xf32>
      %mul3A_391 = arith.mulf %div3A_280, %add3A_390 : vector<16xf32>
      %sub3A_392 = arith.constant 1.000000e+00 : f32
      %sub3A_393 = vector.broadcast %sub3A_392 : f32 to vector<16xf32>
      %sub3A_394 = arith.subf %sub3A_393, %div3A_280 : vector<16xf32>
      %get3A_395 = arith.constant 4 : i32
      %get3A_396 = arith.index_cast %get3A_395 : i32 to index
      %get3A_397 = arith.constant 32 : index
      %get3A_398 = tpu.vector_load %arg9[%get3A_396, %get3A_397] {strides = array<i32>} : memref<16x128xf32, #tpu.memory_space<vmem>>, vector<16xf32>,
      %mul3A_399 = arith.mulf %sub3A_394, %get3A_398 : vector<16xf32>
      %add3A_400 = arith.addf %mul3A_391, %mul3A_399 : vector<16xf32>
      %swap3A_401 = arith.constant 32 : index
      %swap3A_402 = tpu.vector_load %arg12[%swap3A_401] {strides = array<i32>} : memref<128xf32, #tpu.memory_space<vmem>>, vector<16xf32>,
      tpu.vector_store %arg12[%swap3A_401], %add3A_400 {strides = array<i32>} : memref<128xf32, #tpu.memory_space<vmem>>, vector<16xf32>,
      %get3A_403 = arith.constant 0 : i32
      %get3A_404 = arith.index_cast %get3A_403 : i32 to index
      %get3A_405 = arith.constant 48 : index
      %get3A_406 = tpu.vector_load %arg10[%get3A_404, %get3A_405] {strides = array<i32>} : memref<16x128xf32, #tpu.memory_space<vmem>>, vector<16xf32>,
      %mul3A_407 = arith.mulf %mul3A_260, %get3A_406 : vector<16xf32>
      %get3A_408 = arith.constant 1 : i32
      %get3A_409 = arith.index_cast %get3A_408 : i32 to index
      %get3A_410 = arith.constant 48 : index
      %get3A_411 = tpu.vector_load %arg10[%get3A_409, %get3A_410] {strides = array<i32>} : memref<16x128xf32, #tpu.memory_space<vmem>>, vector<16xf32>,
      %mul3A_412 = arith.mulf %mul3A_262, %get3A_411 : vector<16xf32>
      %add3A_413 = arith.addf %mul3A_407, %mul3A_412 : vector<16xf32>
      %get3A_414 = arith.constant 2 : i32
      %get3A_415 = arith.index_cast %get3A_414 : i32 to index
      %get3A_416 = arith.constant 48 : index
      %get3A_417 = tpu.vector_load %arg10[%get3A_415, %get3A_416] {strides = array<i32>} : memref<16x128xf32, #tpu.memory_space<vmem>>, vector<16xf32>,
      %mul3A_418 = arith.mulf %mul3A_264, %get3A_417 : vector<16xf32>
      %add3A_419 = arith.addf %add3A_413, %mul3A_418 : vector<16xf32>
      %get3A_420 = arith.constant 3 : i32
      %get3A_421 = arith.index_cast %get3A_420 : i32 to index
      %get3A_422 = arith.constant 48 : index
      %get3A_423 = tpu.vector_load %arg10[%get3A_421, %get3A_422] {strides = array<i32>} : memref<16x128xf32, #tpu.memory_space<vmem>>, vector<16xf32>,
      %mul3A_424 = arith.mulf %mul3A_266, %get3A_423 : vector<16xf32>
      %add3A_425 = arith.addf %add3A_419, %mul3A_424 : vector<16xf32>
      %get3A_426 = arith.constant 4 : i32
      %get3A_427 = arith.index_cast %get3A_426 : i32 to index
      %get3A_428 = arith.constant 48 : index
      %get3A_429 = tpu.vector_load %arg10[%get3A_427, %get3A_428] {strides = array<i32>} : memref<16x128xf32, #tpu.memory_space<vmem>>, vector<16xf32>,
      %mul3A_430 = arith.mulf %mul3A_268, %get3A_429 : vector<16xf32>
      %add3A_431 = arith.addf %add3A_425, %mul3A_430 : vector<16xf32>
      %mul3A_432 = arith.mulf %div3A_280, %add3A_431 : vector<16xf32>
      %sub3A_433 = arith.constant 1.000000e+00 : f32
      %sub3A_434 = vector.broadcast %sub3A_433 : f32 to vector<16xf32>
      %sub3A_435 = arith.subf %sub3A_434, %div3A_280 : vector<16xf32>
      %get3A_436 = arith.constant 4 : i32
      %get3A_437 = arith.index_cast %get3A_436 : i32 to index
      %get3A_438 = arith.constant 48 : index
      %get3A_439 = tpu.vector_load %arg9[%get3A_437, %get3A_438] {strides = array<i32>} : memref<16x128xf32, #tpu.memory_space<vmem>>, vector<16xf32>,
      %mul3A_440 = arith.mulf %sub3A_435, %get3A_439 : vector<16xf32>
      %add3A_441 = arith.addf %mul3A_432, %mul3A_440 : vector<16xf32>
      %swap3A_442 = arith.constant 48 : index
      %swap3A_443 = tpu.vector_load %arg12[%swap3A_442] {strides = array<i32>} : memref<128xf32, #tpu.memory_space<vmem>>, vector<16xf32>,
      tpu.vector_store %arg12[%swap3A_442], %add3A_441 {strides = array<i32>} : memref<128xf32, #tpu.memory_space<vmem>>, vector<16xf32>,
      %get3A_444 = arith.constant 0 : i32
      %get3A_445 = arith.index_cast %get3A_444 : i32 to index
      %get3A_446 = arith.constant 64 : index
      %get3A_447 = tpu.vector_load %arg10[%get3A_445, %get3A_446] {strides = array<i32>} : memref<16x128xf32, #tpu.memory_space<vmem>>, vector<16xf32>,
      %mul3A_448 = arith.mulf %mul3A_260, %get3A_447 : vector<16xf32>
      %get3A_449 = arith.constant 1 : i32
      %get3A_450 = arith.index_cast %get3A_449 : i32 to index
      %get3A_451 = arith.constant 64 : index
      %get3A_452 = tpu.vector_load %arg10[%get3A_450, %get3A_451] {strides = array<i32>} : memref<16x128xf32, #tpu.memory_space<vmem>>, vector<16xf32>,
      %mul3A_453 = arith.mulf %mul3A_262, %get3A_452 : vector<16xf32>
      %add3A_454 = arith.addf %mul3A_448, %mul3A_453 : vector<16xf32>
      %get3A_455 = arith.constant 2 : i32
      %get3A_456 = arith.index_cast %get3A_455 : i32 to index
      %get3A_457 = arith.constant 64 : index
      %get3A_458 = tpu.vector_load %arg10[%get3A_456, %get3A_457] {strides = array<i32>} : memref<16x128xf32, #tpu.memory_space<vmem>>, vector<16xf32>,
      %mul3A_459 = arith.mulf %mul3A_264, %get3A_458 : vector<16xf32>
      %add3A_460 = arith.addf %add3A_454, %mul3A_459 : vector<16xf32>
      %get3A_461 = arith.constant 3 : i32
      %get3A_462 = arith.index_cast %get3A_461 : i32 to index
      %get3A_463 = arith.constant 64 : index
      %get3A_464 = tpu.vector_load %arg10[%get3A_462, %get3A_463] {strides = array<i32>} : memref<16x128xf32, #tpu.memory_space<vmem>>, vector<16xf32>,
      %mul3A_465 = arith.mulf %mul3A_266, %get3A_464 : vector<16xf32>
      %add3A_466 = arith.addf %add3A_460, %mul3A_465 : vector<16xf32>
      %get3A_467 = arith.constant 4 : i32
      %get3A_468 = arith.index_cast %get3A_467 : i32 to index
      %get3A_469 = arith.constant 64 : index
      %get3A_470 = tpu.vector_load %arg10[%get3A_468, %get3A_469] {strides = array<i32>} : memref<16x128xf32, #tpu.memory_space<vmem>>, vector<16xf32>,
      %mul3A_471 = arith.mulf %mul3A_268, %get3A_470 : vector<16xf32>
      %add3A_472 = arith.addf %add3A_466, %mul3A_471 : vector<16xf32>
      %mul3A_473 = arith.mulf %div3A_280, %add3A_472 : vector<16xf32>
      %sub3A_474 = arith.constant 1.000000e+00 : f32
      %sub3A_475 = vector.broadcast %sub3A_474 : f32 to vector<16xf32>
      %sub3A_476 = arith.subf %sub3A_475, %div3A_280 : vector<16xf32>
      %get3A_477 = arith.constant 4 : i32
      %get3A_478 = arith.index_cast %get3A_477 : i32 to index
      %get3A_479 = arith.constant 64 : index
      %get3A_480 = tpu.vector_load %arg9[%get3A_478, %get3A_479] {strides = array<i32>} : memref<16x128xf32, #tpu.memory_space<vmem>>, vector<16xf32>,
      %mul3A_481 = arith.mulf %sub3A_476, %get3A_480 : vector<16xf32>
      %add3A_482 = arith.addf %mul3A_473, %mul3A_481 : vector<16xf32>
      %swap3A_483 = arith.constant 64 : index
      %swap3A_484 = tpu.vector_load %arg12[%swap3A_483] {strides = array<i32>} : memref<128xf32, #tpu.memory_space<vmem>>, vector<16xf32>,
      tpu.vector_store %arg12[%swap3A_483], %add3A_482 {strides = array<i32>} : memref<128xf32, #tpu.memory_space<vmem>>, vector<16xf32>,
      %get3A_485 = arith.constant 0 : i32
      %get3A_486 = arith.index_cast %get3A_485 : i32 to index
      %get3A_487 = arith.constant 80 : index
      %get3A_488 = tpu.vector_load %arg10[%get3A_486, %get3A_487] {strides = array<i32>} : memref<16x128xf32, #tpu.memory_space<vmem>>, vector<16xf32>,
      %mul3A_489 = arith.mulf %mul3A_260, %get3A_488 : vector<16xf32>
      %get3A_490 = arith.constant 1 : i32
      %get3A_491 = arith.index_cast %get3A_490 : i32 to index
      %get3A_492 = arith.constant 80 : index
      %get3A_493 = tpu.vector_load %arg10[%get3A_491, %get3A_492] {strides = array<i32>} : memref<16x128xf32, #tpu.memory_space<vmem>>, vector<16xf32>,
      %mul3A_494 = arith.mulf %mul3A_262, %get3A_493 : vector<16xf32>
      %add3A_495 = arith.addf %mul3A_489, %mul3A_494 : vector<16xf32>
      %get3A_496 = arith.constant 2 : i32
      %get3A_497 = arith.index_cast %get3A_496 : i32 to index
      %get3A_498 = arith.constant 80 : index
      %get3A_499 = tpu.vector_load %arg10[%get3A_497, %get3A_498] {strides = array<i32>} : memref<16x128xf32, #tpu.memory_space<vmem>>, vector<16xf32>,
      %mul3A_500 = arith.mulf %mul3A_264, %get3A_499 : vector<16xf32>
      %add3A_501 = arith.addf %add3A_495, %mul3A_500 : vector<16xf32>
      %get3A_502 = arith.constant 3 : i32
      %get3A_503 = arith.index_cast %get3A_502 : i32 to index
      %get3A_504 = arith.constant 80 : index
      %get3A_505 = tpu.vector_load %arg10[%get3A_503, %get3A_504] {strides = array<i32>} : memref<16x128xf32, #tpu.memory_space<vmem>>, vector<16xf32>,
      %mul3A_506 = arith.mulf %mul3A_266, %get3A_505 : vector<16xf32>
      %add3A_507 = arith.addf %add3A_501, %mul3A_506 : vector<16xf32>
      %get3A_508 = arith.constant 4 : i32
      %get3A_509 = arith.index_cast %get3A_508 : i32 to index
      %get3A_510 = arith.constant 80 : index
      %get3A_511 = tpu.vector_load %arg10[%get3A_509, %get3A_510] {strides = array<i32>} : memref<16x128xf32, #tpu.memory_space<vmem>>, vector<16xf32>,
      %mul3A_512 = arith.mulf %mul3A_268, %get3A_511 : vector<16xf32>
      %add3A_513 = arith.addf %add3A_507, %mul3A_512 : vector<16xf32>
      %mul3A_514 = arith.mulf %div3A_280, %add3A_513 : vector<16xf32>
      %sub3A_515 = arith.constant 1.000000e+00 : f32
      %sub3A_516 = vector.broadcast %sub3A_515 : f32 to vector<16xf32>
      %sub3A_517 = arith.subf %sub3A_516, %div3A_280 : vector<16xf32>
      %get3A_518 = arith.constant 4 : i32
      %get3A_519 = arith.index_cast %get3A_518 : i32 to index
      %get3A_520 = arith.constant 80 : index
      %get3A_521 = tpu.vector_load %arg9[%get3A_519, %get3A_520] {strides = array<i32>} : memref<16x128xf32, #tpu.memory_space<vmem>>, vector<16xf32>,
      %mul3A_522 = arith.mulf %sub3A_517, %get3A_521 : vector<16xf32>
      %add3A_523 = arith.addf %mul3A_514, %mul3A_522 : vector<16xf32>
      %swap3A_524 = arith.constant 80 : index
      %swap3A_525 = tpu.vector_load %arg12[%swap3A_524] {strides = array<i32>} : memref<128xf32, #tpu.memory_space<vmem>>, vector<16xf32>,
      tpu.vector_store %arg12[%swap3A_524], %add3A_523 {strides = array<i32>} : memref<128xf32, #tpu.memory_space<vmem>>, vector<16xf32>,
      %get3A_526 = arith.constant 0 : i32
      %get3A_527 = arith.index_cast %get3A_526 : i32 to index
      %get3A_528 = arith.constant 96 : index
      %get3A_529 = tpu.vector_load %arg10[%get3A_527, %get3A_528] {strides = array<i32>} : memref<16x128xf32, #tpu.memory_space<vmem>>, vector<16xf32>,
      %mul3A_530 = arith.mulf %mul3A_260, %get3A_529 : vector<16xf32>
      %get3A_531 = arith.constant 1 : i32
      %get3A_532 = arith.index_cast %get3A_531 : i32 to index
      %get3A_533 = arith.constant 96 : index
      %get3A_534 = tpu.vector_load %arg10[%get3A_532, %get3A_533] {strides = array<i32>} : memref<16x128xf32, #tpu.memory_space<vmem>>, vector<16xf32>,
      %mul3A_535 = arith.mulf %mul3A_262, %get3A_534 : vector<16xf32>
      %add3A_536 = arith.addf %mul3A_530, %mul3A_535 : vector<16xf32>
      %get3A_537 = arith.constant 2 : i32
      %get3A_538 = arith.index_cast %get3A_537 : i32 to index
      %get3A_539 = arith.constant 96 : index
      %get3A_540 = tpu.vector_load %arg10[%get3A_538, %get3A_539] {strides = array<i32>} : memref<16x128xf32, #tpu.memory_space<vmem>>, vector<16xf32>,
      %mul3A_541 = arith.mulf %mul3A_264, %get3A_540 : vector<16xf32>
      %add3A_542 = arith.addf %add3A_536, %mul3A_541 : vector<16xf32>
      %get3A_543 = arith.constant 3 : i32
      %get3A_544 = arith.index_cast %get3A_543 : i32 to index
      %get3A_545 = arith.constant 96 : index
      %get3A_546 = tpu.vector_load %arg10[%get3A_544, %get3A_545] {strides = array<i32>} : memref<16x128xf32, #tpu.memory_space<vmem>>, vector<16xf32>,
      %mul3A_547 = arith.mulf %mul3A_266, %get3A_546 : vector<16xf32>
      %add3A_548 = arith.addf %add3A_542, %mul3A_547 : vector<16xf32>
      %get3A_549 = arith.constant 4 : i32
      %get3A_550 = arith.index_cast %get3A_549 : i32 to index
      %get3A_551 = arith.constant 96 : index
      %get3A_552 = tpu.vector_load %arg10[%get3A_550, %get3A_551] {strides = array<i32>} : memref<16x128xf32, #tpu.memory_space<vmem>>, vector<16xf32>,
      %mul3A_553 = arith.mulf %mul3A_268, %get3A_552 : vector<16xf32>
      %add3A_554 = arith.addf %add3A_548, %mul3A_553 : vector<16xf32>
      %mul3A_555 = arith.mulf %div3A_280, %add3A_554 : vector<16xf32>
      %sub3A_556 = arith.constant 1.000000e+00 : f32
      %sub3A_557 = vector.broadcast %sub3A_556 : f32 to vector<16xf32>
      %sub3A_558 = arith.subf %sub3A_557, %div3A_280 : vector<16xf32>
      %get3A_559 = arith.constant 4 : i32
      %get3A_560 = arith.index_cast %get3A_559 : i32 to index
      %get3A_561 = arith.constant 96 : index
      %get3A_562 = tpu.vector_load %arg9[%get3A_560, %get3A_561] {strides = array<i32>} : memref<16x128xf32, #tpu.memory_space<vmem>>, vector<16xf32>,
      %mul3A_563 = arith.mulf %sub3A_558, %get3A_562 : vector<16xf32>
      %add3A_564 = arith.addf %mul3A_555, %mul3A_563 : vector<16xf32>
      %swap3A_565 = arith.constant 96 : index
      %swap3A_566 = tpu.vector_load %arg12[%swap3A_565] {strides = array<i32>} : memref<128xf32, #tpu.memory_space<vmem>>, vector<16xf32>,
      tpu.vector_store %arg12[%swap3A_565], %add3A_564 {strides = array<i32>} : memref<128xf32, #tpu.memory_space<vmem>>, vector<16xf32>,
      %get3A_567 = arith.constant 0 : i32
      %get3A_568 = arith.index_cast %get3A_567 : i32 to index
      %get3A_569 = arith.constant 112 : index
      %get3A_570 = tpu.vector_load %arg10[%get3A_568, %get3A_569] {strides = array<i32>} : memref<16x128xf32, #tpu.memory_space<vmem>>, vector<16xf32>,
      %mul3A_571 = arith.mulf %mul3A_260, %get3A_570 : vector<16xf32>
      %get3A_572 = arith.constant 1 : i32
      %get3A_573 = arith.index_cast %get3A_572 : i32 to index
      %get3A_574 = arith.constant 112 : index
      %get3A_575 = tpu.vector_load %arg10[%get3A_573, %get3A_574] {strides = array<i32>} : memref<16x128xf32, #tpu.memory_space<vmem>>, vector<16xf32>,
      %mul3A_576 = arith.mulf %mul3A_262, %get3A_575 : vector<16xf32>
      %add3A_577 = arith.addf %mul3A_571, %mul3A_576 : vector<16xf32>
      %get3A_578 = arith.constant 2 : i32
      %get3A_579 = arith.index_cast %get3A_578 : i32 to index
      %get3A_580 = arith.constant 112 : index
      %get3A_581 = tpu.vector_load %arg10[%get3A_579, %get3A_580] {strides = array<i32>} : memref<16x128xf32, #tpu.memory_space<vmem>>, vector<16xf32>,
      %mul3A_582 = arith.mulf %mul3A_264, %get3A_581 : vector<16xf32>
      %add3A_583 = arith.addf %add3A_577, %mul3A_582 : vector<16xf32>
      %get3A_584 = arith.constant 3 : i32
      %get3A_585 = arith.index_cast %get3A_584 : i32 to index
      %get3A_586 = arith.constant 112 : index
      %get3A_587 = tpu.vector_load %arg10[%get3A_585, %get3A_586] {strides = array<i32>} : memref<16x128xf32, #tpu.memory_space<vmem>>, vector<16xf32>,
      %mul3A_588 = arith.mulf %mul3A_266, %get3A_587 : vector<16xf32>
      %add3A_589 = arith.addf %add3A_583, %mul3A_588 : vector<16xf32>
      %get3A_590 = arith.constant 4 : i32
      %get3A_591 = arith.index_cast %get3A_590 : i32 to index
      %get3A_592 = arith.constant 112 : index
      %get3A_593 = tpu.vector_load %arg10[%get3A_591, %get3A_592] {strides = array<i32>} : memref<16x128xf32, #tpu.memory_space<vmem>>, vector<16xf32>,
      %mul3A_594 = arith.mulf %mul3A_268, %get3A_593 : vector<16xf32>
      %add3A_595 = arith.addf %add3A_589, %mul3A_594 : vector<16xf32>
      %mul3A_596 = arith.mulf %div3A_280, %add3A_595 : vector<16xf32>
      %sub3A_597 = arith.constant 1.000000e+00 : f32
      %sub3A_598 = vector.broadcast %sub3A_597 : f32 to vector<16xf32>
      %sub3A_599 = arith.subf %sub3A_598, %div3A_280 : vector<16xf32>
      %get3A_600 = arith.constant 4 : i32
      %get3A_601 = arith.index_cast %get3A_600 : i32 to index
      %get3A_602 = arith.constant 112 : index
      %get3A_603 = tpu.vector_load %arg9[%get3A_601, %get3A_602] {strides = array<i32>} : memref<16x128xf32, #tpu.memory_space<vmem>>, vector<16xf32>,
      %mul3A_604 = arith.mulf %sub3A_599, %get3A_603 : vector<16xf32>
      %add3A_605 = arith.addf %mul3A_596, %mul3A_604 : vector<16xf32>
      %swap3A_606 = arith.constant 112 : index
      %swap3A_607 = tpu.vector_load %arg12[%swap3A_606] {strides = array<i32>} : memref<128xf32, #tpu.memory_space<vmem>>, vector<16xf32>,
      tpu.vector_store %arg12[%swap3A_606], %add3A_605 {strides = array<i32>} : memref<128xf32, #tpu.memory_space<vmem>>, vector<16xf32>,
      "tpu.region"() ({
        %run_scoped3A = tpu.sem_alloc : memref<!tpu.dma_semaphore, #tpu.memory_space<semaphore_mem>>
        %dma_start3A_608 = arith.constant 0 : i32
        %dma_start3A_609 = tpu.memref_slice %arg6[%add3A_69, %dma_start3A_608] : memref<128x128xf32, #tpu.memory_space<hbm>> -> memref<1x128xf32, #tpu.memory_space<hbm>>
        %dma_start3A_610 = tpu.memref_squeeze %dma_start3A_609 : memref<1x128xf32, #tpu.memory_space<hbm>> -> memref<128xf32, #tpu.memory_space<hbm>>
        %dma_start3A_611 = arith.constant 0 : i32
        %dma_start3A_612 = tpu.memref_slice %arg6[%add3A_69, %dma_start3A_611] : memref<128x128xf32, #tpu.memory_space<hbm>> -> memref<1x128xf32, #tpu.memory_space<hbm>>
        %dma_start3A_613 = tpu.memref_squeeze %dma_start3A_612 : memref<1x128xf32, #tpu.memory_space<hbm>> -> memref<128xf32, #tpu.memory_space<hbm>>
        tpu.enqueue_dma source(%arg12 : memref<128xf32, #tpu.memory_space<vmem>>) target(%dma_start3A_613 : memref<128xf32, #tpu.memory_space<hbm>>) target_semaphore(%run_scoped3A : memref<!tpu.dma_semaphore, #tpu.memory_space<semaphore_mem>>)
        %dma_wait3A_614 = arith.constant 0 : i32
        %dma_wait3A_615 = tpu.memref_slice %arg6[%add3A_69, %dma_wait3A_614] : memref<128x128xf32, #tpu.memory_space<hbm>> -> memref<1x128xf32, #tpu.memory_space<hbm>>
        %dma_wait3A_616 = tpu.memref_squeeze %dma_wait3A_615 : memref<1x128xf32, #tpu.memory_space<hbm>> -> memref<128xf32, #tpu.memory_space<hbm>>
        %dma_wait3A_617 = arith.constant 0 : i32
        %dma_wait3A_618 = tpu.memref_slice %arg6[%add3A_69, %dma_wait3A_617] : memref<128x128xf32, #tpu.memory_space<hbm>> -> memref<1x128xf32, #tpu.memory_space<hbm>>
        %dma_wait3A_619 = tpu.memref_squeeze %dma_wait3A_618 : memref<1x128xf32, #tpu.memory_space<hbm>> -> memref<128xf32, #tpu.memory_space<hbm>>
        tpu.wait_dma2 semaphore(%run_scoped3A : memref<!tpu.dma_semaphore, #tpu.memory_space<semaphore_mem>>) src(%arg12 : memref<128xf32, #tpu.memory_space<vmem>>) dst(%dma_wait3A_619 : memref<128xf32, #tpu.memory_space<hbm>>)
        tpu.yield
      }) : () -> ()
    } else {
    }
    %add3A_80 = arith.constant 3 : i32
    %add3A_81 = arith.addi %mul3A_2, %add3A_80 : i32
    %eq3A_82 = arith.constant 103 : i32
    %eq3A_83 = arith.cmpi eq, %squeeze3A_9, %eq3A_82 : i32
    %not3A_84 = arith.constant true
    %not3A_85 = arith.xori %eq3A_83, %not3A_84 : i1
    %convert_element_type3A_86 = arith.extui %not3A_85 : i1 to i32
    %cond3A_87 = arith.constant 0 : i32
    %cond3A_88 = arith.cmpi ne, %convert_element_type3A_86, %cond3A_87 : i32
    scf.if %cond3A_88 {
      %run_scoped3A = arith.constant 3 : i32
      "tpu.region"() ({
        %run_scoped3A_92 = tpu.sem_alloc : memref<!tpu.dma_semaphore, #tpu.memory_space<semaphore_mem>>
        %dma_start3A_93 = arith.constant 0 : i32
        %dma_start3A_94 = tpu.memref_slice %arg9[%run_scoped3A, %dma_start3A_93] : memref<16x128xf32, #tpu.memory_space<vmem>> -> memref<1x128xf32, #tpu.memory_space<vmem>>
        %dma_start3A_95 = tpu.memref_squeeze %dma_start3A_94 : memref<1x128xf32, #tpu.memory_space<vmem>> -> memref<128xf32, #tpu.memory_space<vmem>>
        %dma_start3A_96 = arith.constant 0 : i32
        %dma_start3A_97 = tpu.memref_slice %arg6[%add3A_81, %dma_start3A_96] : memref<128x128xf32, #tpu.memory_space<hbm>> -> memref<1x128xf32, #tpu.memory_space<hbm>>
        %dma_start3A_98 = tpu.memref_squeeze %dma_start3A_97 : memref<1x128xf32, #tpu.memory_space<hbm>> -> memref<128xf32, #tpu.memory_space<hbm>>
        %dma_start3A_99 = arith.constant 0 : i32
        %dma_start3A_100 = tpu.memref_slice %arg6[%add3A_81, %dma_start3A_99] : memref<128x128xf32, #tpu.memory_space<hbm>> -> memref<1x128xf32, #tpu.memory_space<hbm>>
        %dma_start3A_101 = tpu.memref_squeeze %dma_start3A_100 : memref<1x128xf32, #tpu.memory_space<hbm>> -> memref<128xf32, #tpu.memory_space<hbm>>
        %dma_start3A_102 = arith.constant 0 : i32
        %dma_start3A_103 = tpu.memref_slice %arg9[%run_scoped3A, %dma_start3A_102] : memref<16x128xf32, #tpu.memory_space<vmem>> -> memref<1x128xf32, #tpu.memory_space<vmem>>
        %dma_start3A_104 = tpu.memref_squeeze %dma_start3A_103 : memref<1x128xf32, #tpu.memory_space<vmem>> -> memref<128xf32, #tpu.memory_space<vmem>>
        tpu.enqueue_dma source(%dma_start3A_104 : memref<128xf32, #tpu.memory_space<vmem>>) target(%dma_start3A_101 : memref<128xf32, #tpu.memory_space<hbm>>) target_semaphore(%run_scoped3A_92 : memref<!tpu.dma_semaphore, #tpu.memory_space<semaphore_mem>>)
        %dma_wait3A_105 = arith.constant 0 : i32
        %dma_wait3A_106 = tpu.memref_slice %arg9[%run_scoped3A, %dma_wait3A_105] : memref<16x128xf32, #tpu.memory_space<vmem>> -> memref<1x128xf32, #tpu.memory_space<vmem>>
        %dma_wait3A_107 = tpu.memref_squeeze %dma_wait3A_106 : memref<1x128xf32, #tpu.memory_space<vmem>> -> memref<128xf32, #tpu.memory_space<vmem>>
        %dma_wait3A_108 = arith.constant 0 : i32
        %dma_wait3A_109 = tpu.memref_slice %arg6[%add3A_81, %dma_wait3A_108] : memref<128x128xf32, #tpu.memory_space<hbm>> -> memref<1x128xf32, #tpu.memory_space<hbm>>
        %dma_wait3A_110 = tpu.memref_squeeze %dma_wait3A_109 : memref<1x128xf32, #tpu.memory_space<hbm>> -> memref<128xf32, #tpu.memory_space<hbm>>
        %dma_wait3A_111 = arith.constant 0 : i32
        %dma_wait3A_112 = tpu.memref_slice %arg6[%add3A_81, %dma_wait3A_111] : memref<128x128xf32, #tpu.memory_space<hbm>> -> memref<1x128xf32, #tpu.memory_space<hbm>>
        %dma_wait3A_113 = tpu.memref_squeeze %dma_wait3A_112 : memref<1x128xf32, #tpu.memory_space<hbm>> -> memref<128xf32, #tpu.memory_space<hbm>>
        %dma_wait3A_114 = arith.constant 0 : i32
        %dma_wait3A_115 = tpu.memref_slice %arg9[%run_scoped3A, %dma_wait3A_114] : memref<16x128xf32, #tpu.memory_space<vmem>> -> memref<1x128xf32, #tpu.memory_space<vmem>>
        %dma_wait3A_116 = tpu.memref_squeeze %dma_wait3A_115 : memref<1x128xf32, #tpu.memory_space<vmem>> -> memref<128xf32, #tpu.memory_space<vmem>>
        tpu.wait_dma2 semaphore(%run_scoped3A_92 : memref<!tpu.dma_semaphore, #tpu.memory_space<semaphore_mem>>) src(%dma_wait3A_116 : memref<128xf32, #tpu.memory_space<vmem>>) dst(%dma_wait3A_113 : memref<128xf32, #tpu.memory_space<hbm>>)
        tpu.yield
      }) : () -> ()
    } else {
    }
    %convert_element_type3A_89 = arith.extui %eq3A_83 : i1 to i32
    %cond3A_90 = arith.constant 0 : i32
    %cond3A_91 = arith.cmpi ne, %convert_element_type3A_89, %cond3A_90 : i32
    scf.if %cond3A_91 {
      "tpu.region"() ({
        %run_scoped3A = tpu.sem_alloc : memref<!tpu.dma_semaphore, #tpu.memory_space<semaphore_mem>>
        %dma_start3A_608 = arith.constant 0 : i32
        %dma_start3A_609 = tpu.memref_slice %arg3[%add3A_81, %dma_start3A_608] : memref<128x100000xf32, #tpu.memory_space<hbm>> -> memref<1x100000xf32, #tpu.memory_space<hbm>>
        %dma_start3A_610 = tpu.memref_squeeze %dma_start3A_609 : memref<1x100000xf32, #tpu.memory_space<hbm>> -> memref<100000xf32, #tpu.memory_space<hbm>>
        %dma_start3A_611 = arith.constant 0 : i32
        %dma_start3A_612 = tpu.memref_slice %arg3[%add3A_81, %dma_start3A_611] : memref<128x100000xf32, #tpu.memory_space<hbm>> -> memref<1x100000xf32, #tpu.memory_space<hbm>>
        %dma_start3A_613 = tpu.memref_squeeze %dma_start3A_612 : memref<1x100000xf32, #tpu.memory_space<hbm>> -> memref<100000xf32, #tpu.memory_space<hbm>>
        tpu.enqueue_dma source(%dma_start3A_613 : memref<100000xf32, #tpu.memory_space<hbm>>) target(%arg11 : memref<100000xf32, #tpu.memory_space<vmem>>) target_semaphore(%run_scoped3A : memref<!tpu.dma_semaphore, #tpu.memory_space<semaphore_mem>>)
        %dma_wait3A_614 = arith.constant 0 : i32
        %dma_wait3A_615 = tpu.memref_slice %arg3[%add3A_81, %dma_wait3A_614] : memref<128x100000xf32, #tpu.memory_space<hbm>> -> memref<1x100000xf32, #tpu.memory_space<hbm>>
        %dma_wait3A_616 = tpu.memref_squeeze %dma_wait3A_615 : memref<1x100000xf32, #tpu.memory_space<hbm>> -> memref<100000xf32, #tpu.memory_space<hbm>>
        %dma_wait3A_617 = arith.constant 0 : i32
        %dma_wait3A_618 = tpu.memref_slice %arg3[%add3A_81, %dma_wait3A_617] : memref<128x100000xf32, #tpu.memory_space<hbm>> -> memref<1x100000xf32, #tpu.memory_space<hbm>>
        %dma_wait3A_619 = tpu.memref_squeeze %dma_wait3A_618 : memref<1x100000xf32, #tpu.memory_space<hbm>> -> memref<100000xf32, #tpu.memory_space<hbm>>
        tpu.wait_dma2 semaphore(%run_scoped3A : memref<!tpu.dma_semaphore, #tpu.memory_space<semaphore_mem>>) src(%dma_wait3A_619 : memref<100000xf32, #tpu.memory_space<hbm>>) dst(%arg11 : memref<100000xf32, #tpu.memory_space<vmem>>)
        tpu.yield
      }) : () -> ()
      %scan3A = arith.constant 0 : i32
      %scan3A_92 = arith.constant 6250 : i32
      %scan3A_93 = arith.addi %scan3A, %scan3A_92 : i32
      %scan3A_94 = arith.constant 1 : i32
      %scan3A_95:3 = scf.for %scan3A_608 = %scan3A to %scan3A_93 step %scan3A_94 iter_args(%scan3A_609 = %broadcast_in_dim3A_44, %scan3A_610 = %broadcast_in_dim3A_42, %scan3A_611 = %broadcast_in_dim3A_46) -> (vector<16xf32>, vector<16xf32>, vector<16xi32>)  : i32 {
        %mul3A_612 = arith.constant 16 : i32
        %mul3A_613 = arith.muli %scan3A_608, %mul3A_612 : i32
        %get3A_614 = arith.index_cast %mul3A_613 : i32 to index
        %get3A_615 = tpu.vector_load %arg11[%get3A_614] {strides = array<i32>} : memref<100000xf32, #tpu.memory_space<vmem>>, vector<16xf32>,
        %add3A_616 = arith.constant 1.000000e-10 : f32
        %add3A_617 = vector.broadcast %add3A_616 : f32 to vector<16xf32>
        %add3A_618 = arith.addf %get3A_615, %add3A_617 : vector<16xf32>
        %bitcast_convert_type3A = tpu.bitcast %add3A_618 : vector<16xf32> -> vector<16xi32>
        %shift_right_arithmetic3A = arith.constant 23 : i32
        %shift_right_arithmetic3A_619 = vector.broadcast %shift_right_arithmetic3A : i32 to vector<16xi32>
        %shift_right_arithmetic3A_620 = arith.shrsi %bitcast_convert_type3A, %shift_right_arithmetic3A_619 : vector<16xi32>
        %sub3A_621 = arith.constant 127 : i32
        %sub3A_622 = vector.broadcast %sub3A_621 : i32 to vector<16xi32>
        %sub3A_623 = arith.subi %shift_right_arithmetic3A_620, %sub3A_622 : vector<16xi32>
        %and3A = arith.constant 8388607 : i32
        %and3A_624 = vector.broadcast %and3A : i32 to vector<16xi32>
        %and3A_625 = arith.andi %bitcast_convert_type3A, %and3A_624 : vector<16xi32>
        %or3A = arith.constant 1065353216 : i32
        %or3A_626 = vector.broadcast %or3A : i32 to vector<16xi32>
        %or3A_627 = arith.ori %and3A_625, %or3A_626 : vector<16xi32>
        %bitcast_convert_type3A_628 = tpu.bitcast %or3A_627 : vector<16xi32> -> vector<16xf32>
        %gt3A = arith.constant 1.41421354 : f32
        %gt3A_629 = vector.broadcast %gt3A : f32 to vector<16xf32>
        %gt3A_630 = arith.cmpf ogt, %bitcast_convert_type3A_628, %gt3A_629 : vector<16xf32>
        %mul3A_631 = arith.constant 5.000000e-01 : f32
        %mul3A_632 = vector.broadcast %mul3A_631 : f32 to vector<16xf32>
        %mul3A_633 = arith.mulf %bitcast_convert_type3A_628, %mul3A_632 : vector<16xf32>
        %select_n3A_634 = arith.select %gt3A_630, %mul3A_633, %bitcast_convert_type3A_628 : vector<16xi1>, vector<16xf32>
        %convert_element_type3A_635 = arith.extui %gt3A_630 : vector<16xi1> to vector<16xi32>
        %add3A_636 = arith.addi %sub3A_623, %convert_element_type3A_635 : vector<16xi32>
        %convert_element_type3A_637 = arith.sitofp %add3A_636 : vector<16xi32> to vector<16xf32>
        %sub3A_638 = arith.constant 1.000000e+00 : f32
        %sub3A_639 = vector.broadcast %sub3A_638 : f32 to vector<16xf32>
        %sub3A_640 = arith.subf %select_n3A_634, %sub3A_639 : vector<16xf32>
        %add3A_641 = arith.constant 1.000000e+00 : f32
        %add3A_642 = vector.broadcast %add3A_641 : f32 to vector<16xf32>
        %add3A_643 = arith.addf %select_n3A_634, %add3A_642 : vector<16xf32>
        %div3A_644 = arith.divf %sub3A_640, %add3A_643 : vector<16xf32>
        %mul3A_645 = arith.mulf %div3A_644, %div3A_644 : vector<16xf32>
        %mul3A_646 = arith.constant 0.142857149 : f32
        %mul3A_647 = vector.broadcast %mul3A_646 : f32 to vector<16xf32>
        %mul3A_648 = arith.mulf %mul3A_645, %mul3A_647 : vector<16xf32>
        %add3A_649 = arith.constant 2.000000e-01 : f32
        %add3A_650 = vector.broadcast %add3A_649 : f32 to vector<16xf32>
        %add3A_651 = arith.addf %add3A_650, %mul3A_648 : vector<16xf32>
        %mul3A_652 = arith.mulf %mul3A_645, %add3A_651 : vector<16xf32>
        %add3A_653 = arith.constant 0.333333343 : f32
        %add3A_654 = vector.broadcast %add3A_653 : f32 to vector<16xf32>
        %add3A_655 = arith.addf %add3A_654, %mul3A_652 : vector<16xf32>
        %mul3A_656 = arith.mulf %mul3A_645, %add3A_655 : vector<16xf32>
        %add3A_657 = arith.constant 1.000000e+00 : f32
        %add3A_658 = vector.broadcast %add3A_657 : f32 to vector<16xf32>
        %add3A_659 = arith.addf %add3A_658, %mul3A_656 : vector<16xf32>
        %mul3A_660 = arith.constant 0.693147182 : f32
        %mul3A_661 = vector.broadcast %mul3A_660 : f32 to vector<16xf32>
        %mul3A_662 = arith.mulf %convert_element_type3A_637, %mul3A_661 : vector<16xf32>
        %mul3A_663 = arith.constant 2.000000e+00 : f32
        %mul3A_664 = vector.broadcast %mul3A_663 : f32 to vector<16xf32>
        %mul3A_665 = arith.mulf %mul3A_664, %div3A_644 : vector<16xf32>
        %mul3A_666 = arith.mulf %mul3A_665, %add3A_659 : vector<16xf32>
        %add3A_667 = arith.addf %mul3A_662, %mul3A_666 : vector<16xf32>
        %mul3A_668 = arith.mulf %get3A_615, %add3A_667 : vector<16xf32>
        %add3A_669 = arith.addf %scan3A_609, %mul3A_668 : vector<16xf32>
        %gt3A_670 = arith.cmpf ogt, %get3A_615, %scan3A_610 : vector<16xf32>
        %select_n3A_671 = arith.select %gt3A_670, %get3A_615, %scan3A_610 : vector<16xi1>, vector<16xf32>
        %mul3A_672 = arith.constant 16 : i32
        %mul3A_673 = arith.muli %scan3A_608, %mul3A_672 : i32
        %add3A_674 = vector.broadcast %mul3A_673 : i32 to vector<16xi32>
        %add3A_675 = arith.addi %iota3A, %add3A_674 : vector<16xi32>
        %select_n3A_676 = arith.select %gt3A_670, %add3A_675, %scan3A_611 : vector<16xi1>, vector<16xi32>
        scf.yield %add3A_669, %select_n3A_671, %select_n3A_676 : vector<16xf32>, vector<16xf32>, vector<16xi32>
      }
      %scan3A_96 = arith.constant 6250 : i32
      %reduce_max3A = arith.constant true
      %reduce_max3A_97 = vector.broadcast %reduce_max3A : i1 to vector<16xi1>
      %reduce_max3A_98 = tpu.scan <max>, %scan3A_95#1 masked %reduce_max3A_97 : vector<16xf32>, vector<16xi1> -> vector<16xf32>
      %reduce_max3A_99 = vector.extract %reduce_max3A_98[15] : f32 from vector<16xf32>
      %eq3A_100 = vector.broadcast %reduce_max3A_99 : f32 to vector<16xf32>
      %eq3A_101 = arith.cmpf oeq, %scan3A_95#1, %eq3A_100 : vector<16xf32>
      %jit3A = arith.constant 2147483647 : i32
      %broadcast_in_dim3A_102 = vector.broadcast %jit3A : i32 to vector<16xi32>
      %select_n3A_103 = arith.select %eq3A_101, %scan3A_95#2, %broadcast_in_dim3A_102 : vector<16xi1>, vector<16xi32>
      %reduce_min3A = arith.constant true
      %reduce_min3A_104 = vector.broadcast %reduce_min3A : i1 to vector<16xi1>
      %reduce_min3A_105 = arith.constant -2147483648 : i32
      %reduce_min3A_106 = vector.broadcast %reduce_min3A_105 : i32 to vector<16xi32>
      %reduce_min3A_107 = arith.xori %select_n3A_103, %reduce_min3A_106 : vector<16xi32>
      %reduce_min3A_108 = tpu.scan <min>, %reduce_min3A_107 masked %reduce_min3A_104 : vector<16xi32>, vector<16xi1> -> vector<16xi32>
      %reduce_min3A_109 = arith.xori %reduce_min3A_108, %reduce_min3A_106 : vector<16xi32>
      %reduce_min3A_110 = vector.extract %reduce_min3A_109[15] : i32 from vector<16xi32>
      %broadcast_in_dim3A_111 = vector.broadcast %reduce_min3A_110 : i32 to vector<16xi32>
      %eq3A_112 = arith.constant 0 : i32
      %eq3A_113 = vector.broadcast %eq3A_112 : i32 to vector<16xi32>
      %eq3A_114 = arith.cmpi eq, %iota3A, %eq3A_113 : vector<16xi32>
      tpu.vector_store_idx %arg11[%broadcast_in_dim3A_111], %broadcast_in_dim3A_42 masked %eq3A_114 : memref<100000xf32, #tpu.memory_space<vmem>>[vector<16xi32>], vector<16xf32>, vector<16xi1>
      %scan3A_115 = arith.constant 0 : i32
      %scan3A_116 = arith.constant 6250 : i32
      %scan3A_117 = arith.addi %scan3A_115, %scan3A_116 : i32
      %scan3A_118 = arith.constant 1 : i32
      %scan3A_119:2 = scf.for %scan3A_608 = %scan3A_115 to %scan3A_117 step %scan3A_118 iter_args(%scan3A_609 = %broadcast_in_dim3A_42, %scan3A_610 = %broadcast_in_dim3A_46) -> (vector<16xf32>, vector<16xi32>)  : i32 {
        %mul3A_611 = arith.constant 16 : i32
        %mul3A_612 = arith.muli %scan3A_608, %mul3A_611 : i32
        %get3A_613 = arith.index_cast %mul3A_612 : i32 to index
        %get3A_614 = tpu.vector_load %arg11[%get3A_613] {strides = array<i32>} : memref<100000xf32, #tpu.memory_space<vmem>>, vector<16xf32>,
        %gt3A = arith.cmpf ogt, %get3A_614, %scan3A_609 : vector<16xf32>
        %select_n3A_615 = arith.select %gt3A, %get3A_614, %scan3A_609 : vector<16xi1>, vector<16xf32>
        %mul3A_616 = arith.constant 16 : i32
        %mul3A_617 = arith.muli %scan3A_608, %mul3A_616 : i32
        %add3A_618 = vector.broadcast %mul3A_617 : i32 to vector<16xi32>
        %add3A_619 = arith.addi %iota3A, %add3A_618 : vector<16xi32>
        %select_n3A_620 = arith.select %gt3A, %add3A_619, %scan3A_610 : vector<16xi1>, vector<16xi32>
        scf.yield %select_n3A_615, %select_n3A_620 : vector<16xf32>, vector<16xi32>
      }
      %scan3A_120 = arith.constant 6250 : i32
      %reduce_max3A_121 = arith.constant true
      %reduce_max3A_122 = vector.broadcast %reduce_max3A_121 : i1 to vector<16xi1>
      %reduce_max3A_123 = tpu.scan <max>, %scan3A_119#0 masked %reduce_max3A_122 : vector<16xf32>, vector<16xi1> -> vector<16xf32>
      %reduce_max3A_124 = vector.extract %reduce_max3A_123[15] : f32 from vector<16xf32>
      %eq3A_125 = vector.broadcast %reduce_max3A_124 : f32 to vector<16xf32>
      %eq3A_126 = arith.cmpf oeq, %scan3A_119#0, %eq3A_125 : vector<16xf32>
      %jit3A_127 = arith.constant 2147483647 : i32
      %broadcast_in_dim3A_128 = vector.broadcast %jit3A_127 : i32 to vector<16xi32>
      %select_n3A_129 = arith.select %eq3A_126, %scan3A_119#1, %broadcast_in_dim3A_128 : vector<16xi1>, vector<16xi32>
      %reduce_min3A_130 = arith.constant true
      %reduce_min3A_131 = vector.broadcast %reduce_min3A_130 : i1 to vector<16xi1>
      %reduce_min3A_132 = arith.constant -2147483648 : i32
      %reduce_min3A_133 = vector.broadcast %reduce_min3A_132 : i32 to vector<16xi32>
      %reduce_min3A_134 = arith.xori %select_n3A_129, %reduce_min3A_133 : vector<16xi32>
      %reduce_min3A_135 = tpu.scan <min>, %reduce_min3A_134 masked %reduce_min3A_131 : vector<16xi32>, vector<16xi1> -> vector<16xi32>
      %reduce_min3A_136 = arith.xori %reduce_min3A_135, %reduce_min3A_133 : vector<16xi32>
      %reduce_min3A_137 = vector.extract %reduce_min3A_136[15] : i32 from vector<16xi32>
      %broadcast_in_dim3A_138 = vector.broadcast %reduce_min3A_137 : i32 to vector<16xi32>
      %eq3A_139 = arith.constant 0 : i32
      %eq3A_140 = vector.broadcast %eq3A_139 : i32 to vector<16xi32>
      %eq3A_141 = arith.cmpi eq, %iota3A, %eq3A_140 : vector<16xi32>
      tpu.vector_store_idx %arg11[%broadcast_in_dim3A_138], %broadcast_in_dim3A_42 masked %eq3A_141 : memref<100000xf32, #tpu.memory_space<vmem>>[vector<16xi32>], vector<16xf32>, vector<16xi1>
      %scan3A_142 = arith.constant 0 : i32
      %scan3A_143 = arith.constant 6250 : i32
      %scan3A_144 = arith.addi %scan3A_142, %scan3A_143 : i32
      %scan3A_145 = arith.constant 1 : i32
      %scan3A_146:2 = scf.for %scan3A_608 = %scan3A_142 to %scan3A_144 step %scan3A_145 iter_args(%scan3A_609 = %broadcast_in_dim3A_42, %scan3A_610 = %broadcast_in_dim3A_46) -> (vector<16xf32>, vector<16xi32>)  : i32 {
        %mul3A_611 = arith.constant 16 : i32
        %mul3A_612 = arith.muli %scan3A_608, %mul3A_611 : i32
        %get3A_613 = arith.index_cast %mul3A_612 : i32 to index
        %get3A_614 = tpu.vector_load %arg11[%get3A_613] {strides = array<i32>} : memref<100000xf32, #tpu.memory_space<vmem>>, vector<16xf32>,
        %gt3A = arith.cmpf ogt, %get3A_614, %scan3A_609 : vector<16xf32>
        %select_n3A_615 = arith.select %gt3A, %get3A_614, %scan3A_609 : vector<16xi1>, vector<16xf32>
        %mul3A_616 = arith.constant 16 : i32
        %mul3A_617 = arith.muli %scan3A_608, %mul3A_616 : i32
        %add3A_618 = vector.broadcast %mul3A_617 : i32 to vector<16xi32>
        %add3A_619 = arith.addi %iota3A, %add3A_618 : vector<16xi32>
        %select_n3A_620 = arith.select %gt3A, %add3A_619, %scan3A_610 : vector<16xi1>, vector<16xi32>
        scf.yield %select_n3A_615, %select_n3A_620 : vector<16xf32>, vector<16xi32>
      }
      %scan3A_147 = arith.constant 6250 : i32
      %reduce_max3A_148 = arith.constant true
      %reduce_max3A_149 = vector.broadcast %reduce_max3A_148 : i1 to vector<16xi1>
      %reduce_max3A_150 = tpu.scan <max>, %scan3A_146#0 masked %reduce_max3A_149 : vector<16xf32>, vector<16xi1> -> vector<16xf32>
      %reduce_max3A_151 = vector.extract %reduce_max3A_150[15] : f32 from vector<16xf32>
      %eq3A_152 = vector.broadcast %reduce_max3A_151 : f32 to vector<16xf32>
      %eq3A_153 = arith.cmpf oeq, %scan3A_146#0, %eq3A_152 : vector<16xf32>
      %jit3A_154 = arith.constant 2147483647 : i32
      %broadcast_in_dim3A_155 = vector.broadcast %jit3A_154 : i32 to vector<16xi32>
      %select_n3A_156 = arith.select %eq3A_153, %scan3A_146#1, %broadcast_in_dim3A_155 : vector<16xi1>, vector<16xi32>
      %reduce_min3A_157 = arith.constant true
      %reduce_min3A_158 = vector.broadcast %reduce_min3A_157 : i1 to vector<16xi1>
      %reduce_min3A_159 = arith.constant -2147483648 : i32
      %reduce_min3A_160 = vector.broadcast %reduce_min3A_159 : i32 to vector<16xi32>
      %reduce_min3A_161 = arith.xori %select_n3A_156, %reduce_min3A_160 : vector<16xi32>
      %reduce_min3A_162 = tpu.scan <min>, %reduce_min3A_161 masked %reduce_min3A_158 : vector<16xi32>, vector<16xi1> -> vector<16xi32>
      %reduce_min3A_163 = arith.xori %reduce_min3A_162, %reduce_min3A_160 : vector<16xi32>
      %reduce_min3A_164 = vector.extract %reduce_min3A_163[15] : i32 from vector<16xi32>
      %broadcast_in_dim3A_165 = vector.broadcast %reduce_min3A_164 : i32 to vector<16xi32>
      %eq3A_166 = arith.constant 0 : i32
      %eq3A_167 = vector.broadcast %eq3A_166 : i32 to vector<16xi32>
      %eq3A_168 = arith.cmpi eq, %iota3A, %eq3A_167 : vector<16xi32>
      tpu.vector_store_idx %arg11[%broadcast_in_dim3A_165], %broadcast_in_dim3A_42 masked %eq3A_168 : memref<100000xf32, #tpu.memory_space<vmem>>[vector<16xi32>], vector<16xf32>, vector<16xi1>
      %scan3A_169 = arith.constant 0 : i32
      %scan3A_170 = arith.constant 6250 : i32
      %scan3A_171 = arith.addi %scan3A_169, %scan3A_170 : i32
      %scan3A_172 = arith.constant 1 : i32
      %scan3A_173:2 = scf.for %scan3A_608 = %scan3A_169 to %scan3A_171 step %scan3A_172 iter_args(%scan3A_609 = %broadcast_in_dim3A_42, %scan3A_610 = %broadcast_in_dim3A_46) -> (vector<16xf32>, vector<16xi32>)  : i32 {
        %mul3A_611 = arith.constant 16 : i32
        %mul3A_612 = arith.muli %scan3A_608, %mul3A_611 : i32
        %get3A_613 = arith.index_cast %mul3A_612 : i32 to index
        %get3A_614 = tpu.vector_load %arg11[%get3A_613] {strides = array<i32>} : memref<100000xf32, #tpu.memory_space<vmem>>, vector<16xf32>,
        %gt3A = arith.cmpf ogt, %get3A_614, %scan3A_609 : vector<16xf32>
        %select_n3A_615 = arith.select %gt3A, %get3A_614, %scan3A_609 : vector<16xi1>, vector<16xf32>
        %mul3A_616 = arith.constant 16 : i32
        %mul3A_617 = arith.muli %scan3A_608, %mul3A_616 : i32
        %add3A_618 = vector.broadcast %mul3A_617 : i32 to vector<16xi32>
        %add3A_619 = arith.addi %iota3A, %add3A_618 : vector<16xi32>
        %select_n3A_620 = arith.select %gt3A, %add3A_619, %scan3A_610 : vector<16xi1>, vector<16xi32>
        scf.yield %select_n3A_615, %select_n3A_620 : vector<16xf32>, vector<16xi32>
      }
      %scan3A_174 = arith.constant 6250 : i32
      %reduce_max3A_175 = arith.constant true
      %reduce_max3A_176 = vector.broadcast %reduce_max3A_175 : i1 to vector<16xi1>
      %reduce_max3A_177 = tpu.scan <max>, %scan3A_173#0 masked %reduce_max3A_176 : vector<16xf32>, vector<16xi1> -> vector<16xf32>
      %reduce_max3A_178 = vector.extract %reduce_max3A_177[15] : f32 from vector<16xf32>
      %eq3A_179 = vector.broadcast %reduce_max3A_178 : f32 to vector<16xf32>
      %eq3A_180 = arith.cmpf oeq, %scan3A_173#0, %eq3A_179 : vector<16xf32>
      %jit3A_181 = arith.constant 2147483647 : i32
      %broadcast_in_dim3A_182 = vector.broadcast %jit3A_181 : i32 to vector<16xi32>
      %select_n3A_183 = arith.select %eq3A_180, %scan3A_173#1, %broadcast_in_dim3A_182 : vector<16xi1>, vector<16xi32>
      %reduce_min3A_184 = arith.constant true
      %reduce_min3A_185 = vector.broadcast %reduce_min3A_184 : i1 to vector<16xi1>
      %reduce_min3A_186 = arith.constant -2147483648 : i32
      %reduce_min3A_187 = vector.broadcast %reduce_min3A_186 : i32 to vector<16xi32>
      %reduce_min3A_188 = arith.xori %select_n3A_183, %reduce_min3A_187 : vector<16xi32>
      %reduce_min3A_189 = tpu.scan <min>, %reduce_min3A_188 masked %reduce_min3A_185 : vector<16xi32>, vector<16xi1> -> vector<16xi32>
      %reduce_min3A_190 = arith.xori %reduce_min3A_189, %reduce_min3A_187 : vector<16xi32>
      %reduce_min3A_191 = vector.extract %reduce_min3A_190[15] : i32 from vector<16xi32>
      %broadcast_in_dim3A_192 = vector.broadcast %reduce_min3A_191 : i32 to vector<16xi32>
      %eq3A_193 = arith.constant 0 : i32
      %eq3A_194 = vector.broadcast %eq3A_193 : i32 to vector<16xi32>
      %eq3A_195 = arith.cmpi eq, %iota3A, %eq3A_194 : vector<16xi32>
      tpu.vector_store_idx %arg11[%broadcast_in_dim3A_192], %broadcast_in_dim3A_42 masked %eq3A_195 : memref<100000xf32, #tpu.memory_space<vmem>>[vector<16xi32>], vector<16xf32>, vector<16xi1>
      %scan3A_196 = arith.constant 0 : i32
      %scan3A_197 = arith.constant 6250 : i32
      %scan3A_198 = arith.addi %scan3A_196, %scan3A_197 : i32
      %scan3A_199 = arith.constant 1 : i32
      %scan3A_200:2 = scf.for %scan3A_608 = %scan3A_196 to %scan3A_198 step %scan3A_199 iter_args(%scan3A_609 = %broadcast_in_dim3A_42, %scan3A_610 = %broadcast_in_dim3A_46) -> (vector<16xf32>, vector<16xi32>)  : i32 {
        %mul3A_611 = arith.constant 16 : i32
        %mul3A_612 = arith.muli %scan3A_608, %mul3A_611 : i32
        %get3A_613 = arith.index_cast %mul3A_612 : i32 to index
        %get3A_614 = tpu.vector_load %arg11[%get3A_613] {strides = array<i32>} : memref<100000xf32, #tpu.memory_space<vmem>>, vector<16xf32>,
        %gt3A = arith.cmpf ogt, %get3A_614, %scan3A_609 : vector<16xf32>
        %select_n3A_615 = arith.select %gt3A, %get3A_614, %scan3A_609 : vector<16xi1>, vector<16xf32>
        %mul3A_616 = arith.constant 16 : i32
        %mul3A_617 = arith.muli %scan3A_608, %mul3A_616 : i32
        %add3A_618 = vector.broadcast %mul3A_617 : i32 to vector<16xi32>
        %add3A_619 = arith.addi %iota3A, %add3A_618 : vector<16xi32>
        %select_n3A_620 = arith.select %gt3A, %add3A_619, %scan3A_610 : vector<16xi1>, vector<16xi32>
        scf.yield %select_n3A_615, %select_n3A_620 : vector<16xf32>, vector<16xi32>
      }
      %scan3A_201 = arith.constant 6250 : i32
      %reduce_max3A_202 = arith.constant true
      %reduce_max3A_203 = vector.broadcast %reduce_max3A_202 : i1 to vector<16xi1>
      %reduce_max3A_204 = tpu.scan <max>, %scan3A_200#0 masked %reduce_max3A_203 : vector<16xf32>, vector<16xi1> -> vector<16xf32>
      %reduce_max3A_205 = vector.extract %reduce_max3A_204[15] : f32 from vector<16xf32>
      %eq3A_206 = vector.broadcast %reduce_max3A_205 : f32 to vector<16xf32>
      %eq3A_207 = arith.cmpf oeq, %scan3A_200#0, %eq3A_206 : vector<16xf32>
      %jit3A_208 = arith.constant 2147483647 : i32
      %broadcast_in_dim3A_209 = vector.broadcast %jit3A_208 : i32 to vector<16xi32>
      %select_n3A_210 = arith.select %eq3A_207, %scan3A_200#1, %broadcast_in_dim3A_209 : vector<16xi1>, vector<16xi32>
      %reduce_min3A_211 = arith.constant true
      %reduce_min3A_212 = vector.broadcast %reduce_min3A_211 : i1 to vector<16xi1>
      %reduce_min3A_213 = arith.constant -2147483648 : i32
      %reduce_min3A_214 = vector.broadcast %reduce_min3A_213 : i32 to vector<16xi32>
      %reduce_min3A_215 = arith.xori %select_n3A_210, %reduce_min3A_214 : vector<16xi32>
      %reduce_min3A_216 = tpu.scan <min>, %reduce_min3A_215 masked %reduce_min3A_212 : vector<16xi32>, vector<16xi1> -> vector<16xi32>
      %reduce_min3A_217 = arith.xori %reduce_min3A_216, %reduce_min3A_214 : vector<16xi32>
      %reduce_min3A_218 = vector.extract %reduce_min3A_217[15] : i32 from vector<16xi32>
      %broadcast_in_dim3A_219 = arith.constant 103 : i32
      %broadcast_in_dim3A_220 = vector.broadcast %broadcast_in_dim3A_219 : i32 to vector<16xi32>
      %eq3A_221 = arith.constant 0 : i32
      %eq3A_222 = vector.broadcast %eq3A_221 : i32 to vector<16xi32>
      %eq3A_223 = arith.cmpi eq, %iota3A, %eq3A_222 : vector<16xi32>
      %broadcast_in_dim3A_224 = vector.broadcast %reduce_min3A_110 : i32 to vector<16xi32>
      %select_n3A_225 = arith.select %eq3A_223, %broadcast_in_dim3A_224, %broadcast_in_dim3A_220 : vector<16xi1>, vector<16xi32>
      %eq3A_226 = arith.constant 1 : i32
      %eq3A_227 = vector.broadcast %eq3A_226 : i32 to vector<16xi32>
      %eq3A_228 = arith.cmpi eq, %iota3A, %eq3A_227 : vector<16xi32>
      %broadcast_in_dim3A_229 = vector.broadcast %reduce_min3A_137 : i32 to vector<16xi32>
      %select_n3A_230 = arith.select %eq3A_228, %broadcast_in_dim3A_229, %select_n3A_225 : vector<16xi1>, vector<16xi32>
      %eq3A_231 = arith.constant 2 : i32
      %eq3A_232 = vector.broadcast %eq3A_231 : i32 to vector<16xi32>
      %eq3A_233 = arith.cmpi eq, %iota3A, %eq3A_232 : vector<16xi32>
      %broadcast_in_dim3A_234 = vector.broadcast %reduce_min3A_164 : i32 to vector<16xi32>
      %select_n3A_235 = arith.select %eq3A_233, %broadcast_in_dim3A_234, %select_n3A_230 : vector<16xi1>, vector<16xi32>
      %eq3A_236 = arith.constant 3 : i32
      %eq3A_237 = vector.broadcast %eq3A_236 : i32 to vector<16xi32>
      %eq3A_238 = arith.cmpi eq, %iota3A, %eq3A_237 : vector<16xi32>
      %broadcast_in_dim3A_239 = vector.broadcast %reduce_min3A_191 : i32 to vector<16xi32>
      %select_n3A_240 = arith.select %eq3A_238, %broadcast_in_dim3A_239, %select_n3A_235 : vector<16xi1>, vector<16xi32>
      %eq3A_241 = arith.constant 4 : i32
      %eq3A_242 = vector.broadcast %eq3A_241 : i32 to vector<16xi32>
      %eq3A_243 = arith.cmpi eq, %iota3A, %eq3A_242 : vector<16xi32>
      %broadcast_in_dim3A_244 = vector.broadcast %reduce_min3A_218 : i32 to vector<16xi32>
      %select_n3A_245 = arith.select %eq3A_243, %broadcast_in_dim3A_244, %select_n3A_240 : vector<16xi1>, vector<16xi32>
      %dma_start3A_246 = arith.constant 0 : i32
      %dma_start3A_247 = arith.constant 0 : i32
      %dma_start3A_248 = tpu.memref_slice %arg4[%dma_start3A_246, %dma_start3A_247] : memref<100000x128xf32, #tpu.memory_space<hbm>> -> memref<100000x128xf32, #tpu.memory_space<hbm>>
      tpu.enqueue_indirect_dma source(%dma_start3A_248 : memref<100000x128xf32, #tpu.memory_space<hbm>>) target(%arg10 : memref<16x128xf32, #tpu.memory_space<vmem>>) offsets(%select_n3A_245 : vector<16xi32>) semaphore(%arg13 : memref<!tpu.dma_semaphore, #tpu.memory_space<semaphore_mem>>)
      %dma_wait3A_249 = arith.constant 0 : i32
      %dma_wait3A_250 = arith.constant 0 : i32
      %dma_wait3A_251 = tpu.memref_slice %arg4[%dma_wait3A_249, %dma_wait3A_250] : memref<100000x128xf32, #tpu.memory_space<hbm>> -> memref<100000x128xf32, #tpu.memory_space<hbm>>
      tpu.wait_indirect_dma semaphore(%arg13 : memref<!tpu.dma_semaphore, #tpu.memory_space<semaphore_mem>>) src(%dma_wait3A_251 : memref<100000x128xf32, #tpu.memory_space<hbm>>) dst(%arg10 : memref<16x128xf32, #tpu.memory_space<vmem>>)
      %add3A_252 = arith.addf %reduce_max3A_99, %reduce_max3A_124 : f32
      %add3A_253 = arith.addf %add3A_252, %reduce_max3A_151 : f32
      %add3A_254 = arith.addf %add3A_253, %reduce_max3A_178 : f32
      %add3A_255 = arith.addf %add3A_254, %reduce_max3A_205 : f32
      %broadcast_in_dim3A_256 = vector.broadcast %add3A_255 : f32 to vector<16xf32>
      %broadcast_in_dim3A_257 = arith.constant 1.000000e+00 : f32
      %broadcast_in_dim3A_258 = vector.broadcast %broadcast_in_dim3A_257 : f32 to vector<16xf32>
      %div3A = arith.divf %broadcast_in_dim3A_258, %broadcast_in_dim3A_256 : vector<16xf32>
      %broadcast_in_dim3A_259 = vector.broadcast %reduce_max3A_99 : f32 to vector<16xf32>
      %mul3A_260 = arith.mulf %broadcast_in_dim3A_259, %div3A : vector<16xf32>
      %broadcast_in_dim3A_261 = vector.broadcast %reduce_max3A_124 : f32 to vector<16xf32>
      %mul3A_262 = arith.mulf %broadcast_in_dim3A_261, %div3A : vector<16xf32>
      %broadcast_in_dim3A_263 = vector.broadcast %reduce_max3A_151 : f32 to vector<16xf32>
      %mul3A_264 = arith.mulf %broadcast_in_dim3A_263, %div3A : vector<16xf32>
      %broadcast_in_dim3A_265 = vector.broadcast %reduce_max3A_178 : f32 to vector<16xf32>
      %mul3A_266 = arith.mulf %broadcast_in_dim3A_265, %div3A : vector<16xf32>
      %broadcast_in_dim3A_267 = vector.broadcast %reduce_max3A_205 : f32 to vector<16xf32>
      %mul3A_268 = arith.mulf %broadcast_in_dim3A_267, %div3A : vector<16xf32>
      %reduce_sum3A = arith.constant true
      %reduce_sum3A_269 = vector.broadcast %reduce_sum3A : i1 to vector<16xi1>
      %reduce_sum3A_270 = tpu.scan <sum>, %scan3A_95#0 masked %reduce_sum3A_269 : vector<16xf32>, vector<16xi1> -> vector<16xf32>
      %reduce_sum3A_271 = vector.extract %reduce_sum3A_270[15] : f32 from vector<16xf32>
      %sub3A = arith.subf %reduce_sum3A_271, %squeeze3A_40 : f32
      %mul3A_272 = arith.mulf %squeeze3A_38, %sub3A : f32
      %broadcast_in_dim3A_273 = vector.broadcast %mul3A_272 : f32 to vector<16xf32>
      %broadcast_in_dim3A_274 = vector.broadcast %squeeze3A_36 : f32 to vector<16xf32>
      %neg3A = arith.constant 0.000000e+00 : f32
      %neg3A_275 = vector.broadcast %neg3A : f32 to vector<16xf32>
      %neg3A_276 = arith.subf %neg3A_275, %broadcast_in_dim3A_273 : vector<16xf32>
      %exp3A = math.exp %neg3A_276 : vector<16xf32>
      %add3A_277 = arith.constant 1.000000e+00 : f32
      %add3A_278 = vector.broadcast %add3A_277 : f32 to vector<16xf32>
      %add3A_279 = arith.addf %add3A_278, %exp3A : vector<16xf32>
      %div3A_280 = arith.divf %broadcast_in_dim3A_274, %add3A_279 : vector<16xf32>
      %get3A_281 = arith.constant 0 : i32
      %get3A_282 = arith.index_cast %get3A_281 : i32 to index
      %get3A_283 = arith.constant 0 : index
      %get3A_284 = tpu.vector_load %arg10[%get3A_282, %get3A_283] {strides = array<i32>} : memref<16x128xf32, #tpu.memory_space<vmem>>, vector<16xf32>,
      %mul3A_285 = arith.mulf %mul3A_260, %get3A_284 : vector<16xf32>
      %get3A_286 = arith.constant 1 : i32
      %get3A_287 = arith.index_cast %get3A_286 : i32 to index
      %get3A_288 = arith.constant 0 : index
      %get3A_289 = tpu.vector_load %arg10[%get3A_287, %get3A_288] {strides = array<i32>} : memref<16x128xf32, #tpu.memory_space<vmem>>, vector<16xf32>,
      %mul3A_290 = arith.mulf %mul3A_262, %get3A_289 : vector<16xf32>
      %add3A_291 = arith.addf %mul3A_285, %mul3A_290 : vector<16xf32>
      %get3A_292 = arith.constant 2 : i32
      %get3A_293 = arith.index_cast %get3A_292 : i32 to index
      %get3A_294 = arith.constant 0 : index
      %get3A_295 = tpu.vector_load %arg10[%get3A_293, %get3A_294] {strides = array<i32>} : memref<16x128xf32, #tpu.memory_space<vmem>>, vector<16xf32>,
      %mul3A_296 = arith.mulf %mul3A_264, %get3A_295 : vector<16xf32>
      %add3A_297 = arith.addf %add3A_291, %mul3A_296 : vector<16xf32>
      %get3A_298 = arith.constant 3 : i32
      %get3A_299 = arith.index_cast %get3A_298 : i32 to index
      %get3A_300 = arith.constant 0 : index
      %get3A_301 = tpu.vector_load %arg10[%get3A_299, %get3A_300] {strides = array<i32>} : memref<16x128xf32, #tpu.memory_space<vmem>>, vector<16xf32>,
      %mul3A_302 = arith.mulf %mul3A_266, %get3A_301 : vector<16xf32>
      %add3A_303 = arith.addf %add3A_297, %mul3A_302 : vector<16xf32>
      %get3A_304 = arith.constant 4 : i32
      %get3A_305 = arith.index_cast %get3A_304 : i32 to index
      %get3A_306 = arith.constant 0 : index
      %get3A_307 = tpu.vector_load %arg10[%get3A_305, %get3A_306] {strides = array<i32>} : memref<16x128xf32, #tpu.memory_space<vmem>>, vector<16xf32>,
      %mul3A_308 = arith.mulf %mul3A_268, %get3A_307 : vector<16xf32>
      %add3A_309 = arith.addf %add3A_303, %mul3A_308 : vector<16xf32>
      %mul3A_310 = arith.mulf %div3A_280, %add3A_309 : vector<16xf32>
      %sub3A_311 = arith.constant 1.000000e+00 : f32
      %sub3A_312 = vector.broadcast %sub3A_311 : f32 to vector<16xf32>
      %sub3A_313 = arith.subf %sub3A_312, %div3A_280 : vector<16xf32>
      %get3A_314 = arith.constant 4 : i32
      %get3A_315 = arith.index_cast %get3A_314 : i32 to index
      %get3A_316 = arith.constant 0 : index
      %get3A_317 = tpu.vector_load %arg9[%get3A_315, %get3A_316] {strides = array<i32>} : memref<16x128xf32, #tpu.memory_space<vmem>>, vector<16xf32>,
      %mul3A_318 = arith.mulf %sub3A_313, %get3A_317 : vector<16xf32>
      %add3A_319 = arith.addf %mul3A_310, %mul3A_318 : vector<16xf32>
      %swap3A = arith.constant 0 : index
      %swap3A_320 = tpu.vector_load %arg12[%swap3A] {strides = array<i32>} : memref<128xf32, #tpu.memory_space<vmem>>, vector<16xf32>,
      tpu.vector_store %arg12[%swap3A], %add3A_319 {strides = array<i32>} : memref<128xf32, #tpu.memory_space<vmem>>, vector<16xf32>,
      %get3A_321 = arith.constant 0 : i32
      %get3A_322 = arith.index_cast %get3A_321 : i32 to index
      %get3A_323 = arith.constant 16 : index
      %get3A_324 = tpu.vector_load %arg10[%get3A_322, %get3A_323] {strides = array<i32>} : memref<16x128xf32, #tpu.memory_space<vmem>>, vector<16xf32>,
      %mul3A_325 = arith.mulf %mul3A_260, %get3A_324 : vector<16xf32>
      %get3A_326 = arith.constant 1 : i32
      %get3A_327 = arith.index_cast %get3A_326 : i32 to index
      %get3A_328 = arith.constant 16 : index
      %get3A_329 = tpu.vector_load %arg10[%get3A_327, %get3A_328] {strides = array<i32>} : memref<16x128xf32, #tpu.memory_space<vmem>>, vector<16xf32>,
      %mul3A_330 = arith.mulf %mul3A_262, %get3A_329 : vector<16xf32>
      %add3A_331 = arith.addf %mul3A_325, %mul3A_330 : vector<16xf32>
      %get3A_332 = arith.constant 2 : i32
      %get3A_333 = arith.index_cast %get3A_332 : i32 to index
      %get3A_334 = arith.constant 16 : index
      %get3A_335 = tpu.vector_load %arg10[%get3A_333, %get3A_334] {strides = array<i32>} : memref<16x128xf32, #tpu.memory_space<vmem>>, vector<16xf32>,
      %mul3A_336 = arith.mulf %mul3A_264, %get3A_335 : vector<16xf32>
      %add3A_337 = arith.addf %add3A_331, %mul3A_336 : vector<16xf32>
      %get3A_338 = arith.constant 3 : i32
      %get3A_339 = arith.index_cast %get3A_338 : i32 to index
      %get3A_340 = arith.constant 16 : index
      %get3A_341 = tpu.vector_load %arg10[%get3A_339, %get3A_340] {strides = array<i32>} : memref<16x128xf32, #tpu.memory_space<vmem>>, vector<16xf32>,
      %mul3A_342 = arith.mulf %mul3A_266, %get3A_341 : vector<16xf32>
      %add3A_343 = arith.addf %add3A_337, %mul3A_342 : vector<16xf32>
      %get3A_344 = arith.constant 4 : i32
      %get3A_345 = arith.index_cast %get3A_344 : i32 to index
      %get3A_346 = arith.constant 16 : index
      %get3A_347 = tpu.vector_load %arg10[%get3A_345, %get3A_346] {strides = array<i32>} : memref<16x128xf32, #tpu.memory_space<vmem>>, vector<16xf32>,
      %mul3A_348 = arith.mulf %mul3A_268, %get3A_347 : vector<16xf32>
      %add3A_349 = arith.addf %add3A_343, %mul3A_348 : vector<16xf32>
      %mul3A_350 = arith.mulf %div3A_280, %add3A_349 : vector<16xf32>
      %sub3A_351 = arith.constant 1.000000e+00 : f32
      %sub3A_352 = vector.broadcast %sub3A_351 : f32 to vector<16xf32>
      %sub3A_353 = arith.subf %sub3A_352, %div3A_280 : vector<16xf32>
      %get3A_354 = arith.constant 4 : i32
      %get3A_355 = arith.index_cast %get3A_354 : i32 to index
      %get3A_356 = arith.constant 16 : index
      %get3A_357 = tpu.vector_load %arg9[%get3A_355, %get3A_356] {strides = array<i32>} : memref<16x128xf32, #tpu.memory_space<vmem>>, vector<16xf32>,
      %mul3A_358 = arith.mulf %sub3A_353, %get3A_357 : vector<16xf32>
      %add3A_359 = arith.addf %mul3A_350, %mul3A_358 : vector<16xf32>
      %swap3A_360 = arith.constant 16 : index
      %swap3A_361 = tpu.vector_load %arg12[%swap3A_360] {strides = array<i32>} : memref<128xf32, #tpu.memory_space<vmem>>, vector<16xf32>,
      tpu.vector_store %arg12[%swap3A_360], %add3A_359 {strides = array<i32>} : memref<128xf32, #tpu.memory_space<vmem>>, vector<16xf32>,
      %get3A_362 = arith.constant 0 : i32
      %get3A_363 = arith.index_cast %get3A_362 : i32 to index
      %get3A_364 = arith.constant 32 : index
      %get3A_365 = tpu.vector_load %arg10[%get3A_363, %get3A_364] {strides = array<i32>} : memref<16x128xf32, #tpu.memory_space<vmem>>, vector<16xf32>,
      %mul3A_366 = arith.mulf %mul3A_260, %get3A_365 : vector<16xf32>
      %get3A_367 = arith.constant 1 : i32
      %get3A_368 = arith.index_cast %get3A_367 : i32 to index
      %get3A_369 = arith.constant 32 : index
      %get3A_370 = tpu.vector_load %arg10[%get3A_368, %get3A_369] {strides = array<i32>} : memref<16x128xf32, #tpu.memory_space<vmem>>, vector<16xf32>,
      %mul3A_371 = arith.mulf %mul3A_262, %get3A_370 : vector<16xf32>
      %add3A_372 = arith.addf %mul3A_366, %mul3A_371 : vector<16xf32>
      %get3A_373 = arith.constant 2 : i32
      %get3A_374 = arith.index_cast %get3A_373 : i32 to index
      %get3A_375 = arith.constant 32 : index
      %get3A_376 = tpu.vector_load %arg10[%get3A_374, %get3A_375] {strides = array<i32>} : memref<16x128xf32, #tpu.memory_space<vmem>>, vector<16xf32>,
      %mul3A_377 = arith.mulf %mul3A_264, %get3A_376 : vector<16xf32>
      %add3A_378 = arith.addf %add3A_372, %mul3A_377 : vector<16xf32>
      %get3A_379 = arith.constant 3 : i32
      %get3A_380 = arith.index_cast %get3A_379 : i32 to index
      %get3A_381 = arith.constant 32 : index
      %get3A_382 = tpu.vector_load %arg10[%get3A_380, %get3A_381] {strides = array<i32>} : memref<16x128xf32, #tpu.memory_space<vmem>>, vector<16xf32>,
      %mul3A_383 = arith.mulf %mul3A_266, %get3A_382 : vector<16xf32>
      %add3A_384 = arith.addf %add3A_378, %mul3A_383 : vector<16xf32>
      %get3A_385 = arith.constant 4 : i32
      %get3A_386 = arith.index_cast %get3A_385 : i32 to index
      %get3A_387 = arith.constant 32 : index
      %get3A_388 = tpu.vector_load %arg10[%get3A_386, %get3A_387] {strides = array<i32>} : memref<16x128xf32, #tpu.memory_space<vmem>>, vector<16xf32>,
      %mul3A_389 = arith.mulf %mul3A_268, %get3A_388 : vector<16xf32>
      %add3A_390 = arith.addf %add3A_384, %mul3A_389 : vector<16xf32>
      %mul3A_391 = arith.mulf %div3A_280, %add3A_390 : vector<16xf32>
      %sub3A_392 = arith.constant 1.000000e+00 : f32
      %sub3A_393 = vector.broadcast %sub3A_392 : f32 to vector<16xf32>
      %sub3A_394 = arith.subf %sub3A_393, %div3A_280 : vector<16xf32>
      %get3A_395 = arith.constant 4 : i32
      %get3A_396 = arith.index_cast %get3A_395 : i32 to index
      %get3A_397 = arith.constant 32 : index
      %get3A_398 = tpu.vector_load %arg9[%get3A_396, %get3A_397] {strides = array<i32>} : memref<16x128xf32, #tpu.memory_space<vmem>>, vector<16xf32>,
      %mul3A_399 = arith.mulf %sub3A_394, %get3A_398 : vector<16xf32>
      %add3A_400 = arith.addf %mul3A_391, %mul3A_399 : vector<16xf32>
      %swap3A_401 = arith.constant 32 : index
      %swap3A_402 = tpu.vector_load %arg12[%swap3A_401] {strides = array<i32>} : memref<128xf32, #tpu.memory_space<vmem>>, vector<16xf32>,
      tpu.vector_store %arg12[%swap3A_401], %add3A_400 {strides = array<i32>} : memref<128xf32, #tpu.memory_space<vmem>>, vector<16xf32>,
      %get3A_403 = arith.constant 0 : i32
      %get3A_404 = arith.index_cast %get3A_403 : i32 to index
      %get3A_405 = arith.constant 48 : index
      %get3A_406 = tpu.vector_load %arg10[%get3A_404, %get3A_405] {strides = array<i32>} : memref<16x128xf32, #tpu.memory_space<vmem>>, vector<16xf32>,
      %mul3A_407 = arith.mulf %mul3A_260, %get3A_406 : vector<16xf32>
      %get3A_408 = arith.constant 1 : i32
      %get3A_409 = arith.index_cast %get3A_408 : i32 to index
      %get3A_410 = arith.constant 48 : index
      %get3A_411 = tpu.vector_load %arg10[%get3A_409, %get3A_410] {strides = array<i32>} : memref<16x128xf32, #tpu.memory_space<vmem>>, vector<16xf32>,
      %mul3A_412 = arith.mulf %mul3A_262, %get3A_411 : vector<16xf32>
      %add3A_413 = arith.addf %mul3A_407, %mul3A_412 : vector<16xf32>
      %get3A_414 = arith.constant 2 : i32
      %get3A_415 = arith.index_cast %get3A_414 : i32 to index
      %get3A_416 = arith.constant 48 : index
      %get3A_417 = tpu.vector_load %arg10[%get3A_415, %get3A_416] {strides = array<i32>} : memref<16x128xf32, #tpu.memory_space<vmem>>, vector<16xf32>,
      %mul3A_418 = arith.mulf %mul3A_264, %get3A_417 : vector<16xf32>
      %add3A_419 = arith.addf %add3A_413, %mul3A_418 : vector<16xf32>
      %get3A_420 = arith.constant 3 : i32
      %get3A_421 = arith.index_cast %get3A_420 : i32 to index
      %get3A_422 = arith.constant 48 : index
      %get3A_423 = tpu.vector_load %arg10[%get3A_421, %get3A_422] {strides = array<i32>} : memref<16x128xf32, #tpu.memory_space<vmem>>, vector<16xf32>,
      %mul3A_424 = arith.mulf %mul3A_266, %get3A_423 : vector<16xf32>
      %add3A_425 = arith.addf %add3A_419, %mul3A_424 : vector<16xf32>
      %get3A_426 = arith.constant 4 : i32
      %get3A_427 = arith.index_cast %get3A_426 : i32 to index
      %get3A_428 = arith.constant 48 : index
      %get3A_429 = tpu.vector_load %arg10[%get3A_427, %get3A_428] {strides = array<i32>} : memref<16x128xf32, #tpu.memory_space<vmem>>, vector<16xf32>,
      %mul3A_430 = arith.mulf %mul3A_268, %get3A_429 : vector<16xf32>
      %add3A_431 = arith.addf %add3A_425, %mul3A_430 : vector<16xf32>
      %mul3A_432 = arith.mulf %div3A_280, %add3A_431 : vector<16xf32>
      %sub3A_433 = arith.constant 1.000000e+00 : f32
      %sub3A_434 = vector.broadcast %sub3A_433 : f32 to vector<16xf32>
      %sub3A_435 = arith.subf %sub3A_434, %div3A_280 : vector<16xf32>
      %get3A_436 = arith.constant 4 : i32
      %get3A_437 = arith.index_cast %get3A_436 : i32 to index
      %get3A_438 = arith.constant 48 : index
      %get3A_439 = tpu.vector_load %arg9[%get3A_437, %get3A_438] {strides = array<i32>} : memref<16x128xf32, #tpu.memory_space<vmem>>, vector<16xf32>,
      %mul3A_440 = arith.mulf %sub3A_435, %get3A_439 : vector<16xf32>
      %add3A_441 = arith.addf %mul3A_432, %mul3A_440 : vector<16xf32>
      %swap3A_442 = arith.constant 48 : index
      %swap3A_443 = tpu.vector_load %arg12[%swap3A_442] {strides = array<i32>} : memref<128xf32, #tpu.memory_space<vmem>>, vector<16xf32>,
      tpu.vector_store %arg12[%swap3A_442], %add3A_441 {strides = array<i32>} : memref<128xf32, #tpu.memory_space<vmem>>, vector<16xf32>,
      %get3A_444 = arith.constant 0 : i32
      %get3A_445 = arith.index_cast %get3A_444 : i32 to index
      %get3A_446 = arith.constant 64 : index
      %get3A_447 = tpu.vector_load %arg10[%get3A_445, %get3A_446] {strides = array<i32>} : memref<16x128xf32, #tpu.memory_space<vmem>>, vector<16xf32>,
      %mul3A_448 = arith.mulf %mul3A_260, %get3A_447 : vector<16xf32>
      %get3A_449 = arith.constant 1 : i32
      %get3A_450 = arith.index_cast %get3A_449 : i32 to index
      %get3A_451 = arith.constant 64 : index
      %get3A_452 = tpu.vector_load %arg10[%get3A_450, %get3A_451] {strides = array<i32>} : memref<16x128xf32, #tpu.memory_space<vmem>>, vector<16xf32>,
      %mul3A_453 = arith.mulf %mul3A_262, %get3A_452 : vector<16xf32>
      %add3A_454 = arith.addf %mul3A_448, %mul3A_453 : vector<16xf32>
      %get3A_455 = arith.constant 2 : i32
      %get3A_456 = arith.index_cast %get3A_455 : i32 to index
      %get3A_457 = arith.constant 64 : index
      %get3A_458 = tpu.vector_load %arg10[%get3A_456, %get3A_457] {strides = array<i32>} : memref<16x128xf32, #tpu.memory_space<vmem>>, vector<16xf32>,
      %mul3A_459 = arith.mulf %mul3A_264, %get3A_458 : vector<16xf32>
      %add3A_460 = arith.addf %add3A_454, %mul3A_459 : vector<16xf32>
      %get3A_461 = arith.constant 3 : i32
      %get3A_462 = arith.index_cast %get3A_461 : i32 to index
      %get3A_463 = arith.constant 64 : index
      %get3A_464 = tpu.vector_load %arg10[%get3A_462, %get3A_463] {strides = array<i32>} : memref<16x128xf32, #tpu.memory_space<vmem>>, vector<16xf32>,
      %mul3A_465 = arith.mulf %mul3A_266, %get3A_464 : vector<16xf32>
      %add3A_466 = arith.addf %add3A_460, %mul3A_465 : vector<16xf32>
      %get3A_467 = arith.constant 4 : i32
      %get3A_468 = arith.index_cast %get3A_467 : i32 to index
      %get3A_469 = arith.constant 64 : index
      %get3A_470 = tpu.vector_load %arg10[%get3A_468, %get3A_469] {strides = array<i32>} : memref<16x128xf32, #tpu.memory_space<vmem>>, vector<16xf32>,
      %mul3A_471 = arith.mulf %mul3A_268, %get3A_470 : vector<16xf32>
      %add3A_472 = arith.addf %add3A_466, %mul3A_471 : vector<16xf32>
      %mul3A_473 = arith.mulf %div3A_280, %add3A_472 : vector<16xf32>
      %sub3A_474 = arith.constant 1.000000e+00 : f32
      %sub3A_475 = vector.broadcast %sub3A_474 : f32 to vector<16xf32>
      %sub3A_476 = arith.subf %sub3A_475, %div3A_280 : vector<16xf32>
      %get3A_477 = arith.constant 4 : i32
      %get3A_478 = arith.index_cast %get3A_477 : i32 to index
      %get3A_479 = arith.constant 64 : index
      %get3A_480 = tpu.vector_load %arg9[%get3A_478, %get3A_479] {strides = array<i32>} : memref<16x128xf32, #tpu.memory_space<vmem>>, vector<16xf32>,
      %mul3A_481 = arith.mulf %sub3A_476, %get3A_480 : vector<16xf32>
      %add3A_482 = arith.addf %mul3A_473, %mul3A_481 : vector<16xf32>
      %swap3A_483 = arith.constant 64 : index
      %swap3A_484 = tpu.vector_load %arg12[%swap3A_483] {strides = array<i32>} : memref<128xf32, #tpu.memory_space<vmem>>, vector<16xf32>,
      tpu.vector_store %arg12[%swap3A_483], %add3A_482 {strides = array<i32>} : memref<128xf32, #tpu.memory_space<vmem>>, vector<16xf32>,
      %get3A_485 = arith.constant 0 : i32
      %get3A_486 = arith.index_cast %get3A_485 : i32 to index
      %get3A_487 = arith.constant 80 : index
      %get3A_488 = tpu.vector_load %arg10[%get3A_486, %get3A_487] {strides = array<i32>} : memref<16x128xf32, #tpu.memory_space<vmem>>, vector<16xf32>,
      %mul3A_489 = arith.mulf %mul3A_260, %get3A_488 : vector<16xf32>
      %get3A_490 = arith.constant 1 : i32
      %get3A_491 = arith.index_cast %get3A_490 : i32 to index
      %get3A_492 = arith.constant 80 : index
      %get3A_493 = tpu.vector_load %arg10[%get3A_491, %get3A_492] {strides = array<i32>} : memref<16x128xf32, #tpu.memory_space<vmem>>, vector<16xf32>,
      %mul3A_494 = arith.mulf %mul3A_262, %get3A_493 : vector<16xf32>
      %add3A_495 = arith.addf %mul3A_489, %mul3A_494 : vector<16xf32>
      %get3A_496 = arith.constant 2 : i32
      %get3A_497 = arith.index_cast %get3A_496 : i32 to index
      %get3A_498 = arith.constant 80 : index
      %get3A_499 = tpu.vector_load %arg10[%get3A_497, %get3A_498] {strides = array<i32>} : memref<16x128xf32, #tpu.memory_space<vmem>>, vector<16xf32>,
      %mul3A_500 = arith.mulf %mul3A_264, %get3A_499 : vector<16xf32>
      %add3A_501 = arith.addf %add3A_495, %mul3A_500 : vector<16xf32>
      %get3A_502 = arith.constant 3 : i32
      %get3A_503 = arith.index_cast %get3A_502 : i32 to index
      %get3A_504 = arith.constant 80 : index
      %get3A_505 = tpu.vector_load %arg10[%get3A_503, %get3A_504] {strides = array<i32>} : memref<16x128xf32, #tpu.memory_space<vmem>>, vector<16xf32>,
      %mul3A_506 = arith.mulf %mul3A_266, %get3A_505 : vector<16xf32>
      %add3A_507 = arith.addf %add3A_501, %mul3A_506 : vector<16xf32>
      %get3A_508 = arith.constant 4 : i32
      %get3A_509 = arith.index_cast %get3A_508 : i32 to index
      %get3A_510 = arith.constant 80 : index
      %get3A_511 = tpu.vector_load %arg10[%get3A_509, %get3A_510] {strides = array<i32>} : memref<16x128xf32, #tpu.memory_space<vmem>>, vector<16xf32>,
      %mul3A_512 = arith.mulf %mul3A_268, %get3A_511 : vector<16xf32>
      %add3A_513 = arith.addf %add3A_507, %mul3A_512 : vector<16xf32>
      %mul3A_514 = arith.mulf %div3A_280, %add3A_513 : vector<16xf32>
      %sub3A_515 = arith.constant 1.000000e+00 : f32
      %sub3A_516 = vector.broadcast %sub3A_515 : f32 to vector<16xf32>
      %sub3A_517 = arith.subf %sub3A_516, %div3A_280 : vector<16xf32>
      %get3A_518 = arith.constant 4 : i32
      %get3A_519 = arith.index_cast %get3A_518 : i32 to index
      %get3A_520 = arith.constant 80 : index
      %get3A_521 = tpu.vector_load %arg9[%get3A_519, %get3A_520] {strides = array<i32>} : memref<16x128xf32, #tpu.memory_space<vmem>>, vector<16xf32>,
      %mul3A_522 = arith.mulf %sub3A_517, %get3A_521 : vector<16xf32>
      %add3A_523 = arith.addf %mul3A_514, %mul3A_522 : vector<16xf32>
      %swap3A_524 = arith.constant 80 : index
      %swap3A_525 = tpu.vector_load %arg12[%swap3A_524] {strides = array<i32>} : memref<128xf32, #tpu.memory_space<vmem>>, vector<16xf32>,
      tpu.vector_store %arg12[%swap3A_524], %add3A_523 {strides = array<i32>} : memref<128xf32, #tpu.memory_space<vmem>>, vector<16xf32>,
      %get3A_526 = arith.constant 0 : i32
      %get3A_527 = arith.index_cast %get3A_526 : i32 to index
      %get3A_528 = arith.constant 96 : index
      %get3A_529 = tpu.vector_load %arg10[%get3A_527, %get3A_528] {strides = array<i32>} : memref<16x128xf32, #tpu.memory_space<vmem>>, vector<16xf32>,
      %mul3A_530 = arith.mulf %mul3A_260, %get3A_529 : vector<16xf32>
      %get3A_531 = arith.constant 1 : i32
      %get3A_532 = arith.index_cast %get3A_531 : i32 to index
      %get3A_533 = arith.constant 96 : index
      %get3A_534 = tpu.vector_load %arg10[%get3A_532, %get3A_533] {strides = array<i32>} : memref<16x128xf32, #tpu.memory_space<vmem>>, vector<16xf32>,
      %mul3A_535 = arith.mulf %mul3A_262, %get3A_534 : vector<16xf32>
      %add3A_536 = arith.addf %mul3A_530, %mul3A_535 : vector<16xf32>
      %get3A_537 = arith.constant 2 : i32
      %get3A_538 = arith.index_cast %get3A_537 : i32 to index
      %get3A_539 = arith.constant 96 : index
      %get3A_540 = tpu.vector_load %arg10[%get3A_538, %get3A_539] {strides = array<i32>} : memref<16x128xf32, #tpu.memory_space<vmem>>, vector<16xf32>,
      %mul3A_541 = arith.mulf %mul3A_264, %get3A_540 : vector<16xf32>
      %add3A_542 = arith.addf %add3A_536, %mul3A_541 : vector<16xf32>
      %get3A_543 = arith.constant 3 : i32
      %get3A_544 = arith.index_cast %get3A_543 : i32 to index
      %get3A_545 = arith.constant 96 : index
      %get3A_546 = tpu.vector_load %arg10[%get3A_544, %get3A_545] {strides = array<i32>} : memref<16x128xf32, #tpu.memory_space<vmem>>, vector<16xf32>,
      %mul3A_547 = arith.mulf %mul3A_266, %get3A_546 : vector<16xf32>
      %add3A_548 = arith.addf %add3A_542, %mul3A_547 : vector<16xf32>
      %get3A_549 = arith.constant 4 : i32
      %get3A_550 = arith.index_cast %get3A_549 : i32 to index
      %get3A_551 = arith.constant 96 : index
      %get3A_552 = tpu.vector_load %arg10[%get3A_550, %get3A_551] {strides = array<i32>} : memref<16x128xf32, #tpu.memory_space<vmem>>, vector<16xf32>,
      %mul3A_553 = arith.mulf %mul3A_268, %get3A_552 : vector<16xf32>
      %add3A_554 = arith.addf %add3A_548, %mul3A_553 : vector<16xf32>
      %mul3A_555 = arith.mulf %div3A_280, %add3A_554 : vector<16xf32>
      %sub3A_556 = arith.constant 1.000000e+00 : f32
      %sub3A_557 = vector.broadcast %sub3A_556 : f32 to vector<16xf32>
      %sub3A_558 = arith.subf %sub3A_557, %div3A_280 : vector<16xf32>
      %get3A_559 = arith.constant 4 : i32
      %get3A_560 = arith.index_cast %get3A_559 : i32 to index
      %get3A_561 = arith.constant 96 : index
      %get3A_562 = tpu.vector_load %arg9[%get3A_560, %get3A_561] {strides = array<i32>} : memref<16x128xf32, #tpu.memory_space<vmem>>, vector<16xf32>,
      %mul3A_563 = arith.mulf %sub3A_558, %get3A_562 : vector<16xf32>
      %add3A_564 = arith.addf %mul3A_555, %mul3A_563 : vector<16xf32>
      %swap3A_565 = arith.constant 96 : index
      %swap3A_566 = tpu.vector_load %arg12[%swap3A_565] {strides = array<i32>} : memref<128xf32, #tpu.memory_space<vmem>>, vector<16xf32>,
      tpu.vector_store %arg12[%swap3A_565], %add3A_564 {strides = array<i32>} : memref<128xf32, #tpu.memory_space<vmem>>, vector<16xf32>,
      %get3A_567 = arith.constant 0 : i32
      %get3A_568 = arith.index_cast %get3A_567 : i32 to index
      %get3A_569 = arith.constant 112 : index
      %get3A_570 = tpu.vector_load %arg10[%get3A_568, %get3A_569] {strides = array<i32>} : memref<16x128xf32, #tpu.memory_space<vmem>>, vector<16xf32>,
      %mul3A_571 = arith.mulf %mul3A_260, %get3A_570 : vector<16xf32>
      %get3A_572 = arith.constant 1 : i32
      %get3A_573 = arith.index_cast %get3A_572 : i32 to index
      %get3A_574 = arith.constant 112 : index
      %get3A_575 = tpu.vector_load %arg10[%get3A_573, %get3A_574] {strides = array<i32>} : memref<16x128xf32, #tpu.memory_space<vmem>>, vector<16xf32>,
      %mul3A_576 = arith.mulf %mul3A_262, %get3A_575 : vector<16xf32>
      %add3A_577 = arith.addf %mul3A_571, %mul3A_576 : vector<16xf32>
      %get3A_578 = arith.constant 2 : i32
      %get3A_579 = arith.index_cast %get3A_578 : i32 to index
      %get3A_580 = arith.constant 112 : index
      %get3A_581 = tpu.vector_load %arg10[%get3A_579, %get3A_580] {strides = array<i32>} : memref<16x128xf32, #tpu.memory_space<vmem>>, vector<16xf32>,
      %mul3A_582 = arith.mulf %mul3A_264, %get3A_581 : vector<16xf32>
      %add3A_583 = arith.addf %add3A_577, %mul3A_582 : vector<16xf32>
      %get3A_584 = arith.constant 3 : i32
      %get3A_585 = arith.index_cast %get3A_584 : i32 to index
      %get3A_586 = arith.constant 112 : index
      %get3A_587 = tpu.vector_load %arg10[%get3A_585, %get3A_586] {strides = array<i32>} : memref<16x128xf32, #tpu.memory_space<vmem>>, vector<16xf32>,
      %mul3A_588 = arith.mulf %mul3A_266, %get3A_587 : vector<16xf32>
      %add3A_589 = arith.addf %add3A_583, %mul3A_588 : vector<16xf32>
      %get3A_590 = arith.constant 4 : i32
      %get3A_591 = arith.index_cast %get3A_590 : i32 to index
      %get3A_592 = arith.constant 112 : index
      %get3A_593 = tpu.vector_load %arg10[%get3A_591, %get3A_592] {strides = array<i32>} : memref<16x128xf32, #tpu.memory_space<vmem>>, vector<16xf32>,
      %mul3A_594 = arith.mulf %mul3A_268, %get3A_593 : vector<16xf32>
      %add3A_595 = arith.addf %add3A_589, %mul3A_594 : vector<16xf32>
      %mul3A_596 = arith.mulf %div3A_280, %add3A_595 : vector<16xf32>
      %sub3A_597 = arith.constant 1.000000e+00 : f32
      %sub3A_598 = vector.broadcast %sub3A_597 : f32 to vector<16xf32>
      %sub3A_599 = arith.subf %sub3A_598, %div3A_280 : vector<16xf32>
      %get3A_600 = arith.constant 4 : i32
      %get3A_601 = arith.index_cast %get3A_600 : i32 to index
      %get3A_602 = arith.constant 112 : index
      %get3A_603 = tpu.vector_load %arg9[%get3A_601, %get3A_602] {strides = array<i32>} : memref<16x128xf32, #tpu.memory_space<vmem>>, vector<16xf32>,
      %mul3A_604 = arith.mulf %sub3A_599, %get3A_603 : vector<16xf32>
      %add3A_605 = arith.addf %mul3A_596, %mul3A_604 : vector<16xf32>
      %swap3A_606 = arith.constant 112 : index
      %swap3A_607 = tpu.vector_load %arg12[%swap3A_606] {strides = array<i32>} : memref<128xf32, #tpu.memory_space<vmem>>, vector<16xf32>,
      tpu.vector_store %arg12[%swap3A_606], %add3A_605 {strides = array<i32>} : memref<128xf32, #tpu.memory_space<vmem>>, vector<16xf32>,
      "tpu.region"() ({
        %run_scoped3A = tpu.sem_alloc : memref<!tpu.dma_semaphore, #tpu.memory_space<semaphore_mem>>
        %dma_start3A_608 = arith.constant 0 : i32
        %dma_start3A_609 = tpu.memref_slice %arg6[%add3A_81, %dma_start3A_608] : memref<128x128xf32, #tpu.memory_space<hbm>> -> memref<1x128xf32, #tpu.memory_space<hbm>>
        %dma_start3A_610 = tpu.memref_squeeze %dma_start3A_609 : memref<1x128xf32, #tpu.memory_space<hbm>> -> memref<128xf32, #tpu.memory_space<hbm>>
        %dma_start3A_611 = arith.constant 0 : i32
        %dma_start3A_612 = tpu.memref_slice %arg6[%add3A_81, %dma_start3A_611] : memref<128x128xf32, #tpu.memory_space<hbm>> -> memref<1x128xf32, #tpu.memory_space<hbm>>
        %dma_start3A_613 = tpu.memref_squeeze %dma_start3A_612 : memref<1x128xf32, #tpu.memory_space<hbm>> -> memref<128xf32, #tpu.memory_space<hbm>>
        tpu.enqueue_dma source(%arg12 : memref<128xf32, #tpu.memory_space<vmem>>) target(%dma_start3A_613 : memref<128xf32, #tpu.memory_space<hbm>>) target_semaphore(%run_scoped3A : memref<!tpu.dma_semaphore, #tpu.memory_space<semaphore_mem>>)
        %dma_wait3A_614 = arith.constant 0 : i32
        %dma_wait3A_615 = tpu.memref_slice %arg6[%add3A_81, %dma_wait3A_614] : memref<128x128xf32, #tpu.memory_space<hbm>> -> memref<1x128xf32, #tpu.memory_space<hbm>>
        %dma_wait3A_616 = tpu.memref_squeeze %dma_wait3A_615 : memref<1x128xf32, #tpu.memory_space<hbm>> -> memref<128xf32, #tpu.memory_space<hbm>>
        %dma_wait3A_617 = arith.constant 0 : i32
        %dma_wait3A_618 = tpu.memref_slice %arg6[%add3A_81, %dma_wait3A_617] : memref<128x128xf32, #tpu.memory_space<hbm>> -> memref<1x128xf32, #tpu.memory_space<hbm>>
        %dma_wait3A_619 = tpu.memref_squeeze %dma_wait3A_618 : memref<1x128xf32, #tpu.memory_space<hbm>> -> memref<128xf32, #tpu.memory_space<hbm>>
        tpu.wait_dma2 semaphore(%run_scoped3A : memref<!tpu.dma_semaphore, #tpu.memory_space<semaphore_mem>>) src(%arg12 : memref<128xf32, #tpu.memory_space<vmem>>) dst(%dma_wait3A_619 : memref<128xf32, #tpu.memory_space<hbm>>)
        tpu.yield
      }) : () -> ()
    } else {
    }
    return
  }
}

</mosaic_0001>

<sc_bundles>
// kernel: kernel.3.cloned.1.call-start
scs
__scs_entry_jumppad:
0x0: {  	(pc) =	sbr.rel $0x88, $3  }
0x1: {  	(tag) =	ssettag $0x0;
	lr =	simm.s32 $0x1  }
0x2: {  	[smem:$0x3F9B] =	sst lr;
	_ =	strace $0xD0000000  }
0x3: {  	_ = 	snop  }
0x4: {  	_ = 	snop  }
0x5: {  	_ = 	snop  }
0x6: {  	_ = 	snop  }
0x7: {  	_ = 	snop  }
__scs_overlays_trampoline_lowered:
0x8: {  	[smem:$0x3FAA] =	sst s0  }
0x9: {  	[smem:$0x3FAB] =	sst s1  }
0xa: {  	[smem:$0x3FAC] =	sst s2  }
0xb: {  	[smem:$0x3FAD] =	sst s3  }
0xc: {  	[smem:$0x3FAE] =	sst s4  }
0xd: {  	[smem:$0x3FAF] =	sst s5  }
0xe: {  	[smem:$0x3FB0] =	sst s6  }
0xf: {  	[smem:$0x3FB1] =	sst s7  }
0x10: {  	[smem:$0x3FB2] =	sst s8  }
0x11: {  	[smem:$0x3FB3] =	sst s9;
	s0 =	simm.s32 @!p0 $0x0  }
0x12: {  	s1 =	sld [smem:$0x3F99];
	s0 =	simm.s32 @p0 $0x1  }
0x13: {  	[smem:$0x3FB4] =	sst s0;
	s0 =	simm.s32 @!p1 $0x0  }
0x14: {  	s2 =	sld [smem:$0x3F98];
	s0 =	simm.s32 @p1 $0x1  }
0x15: {  	[smem:$0x3FB5] =	sst s0;
	s0 =	simm.s32 @!p2 $0x0  }
0x16: {  	s3 =	sld [smem:$0x3FDB];
	s0 =	simm.s32 @p2 $0x1  }
0x17: {  	s4 =	simm.s32 $0x1BF5;
	[smem:$0x3FB7] =	sst s0  }
0x18: {  	s0 =	sld [smem:$0x3F9A];
	_ =	swait.ge [sflag:s4], $0x0  }
0x19: {  	s7 =	sld [smem:$0x3F9B]  }
0x1a: {  	s8 =	sadd.s32 $0xFFFFE003, lr  }
0x1b: {  	s9 =	sadd.s32 $0xFFFFFEF7, lr;
	s5 =	simm.s32 $0xFFFFFFFF;
	p2 =	slt.u32 s8, $0xFFFFF086  }
0x1c: {  	p1 =	slt.u32 s9, $0xF7A;
	s5 =	simm.s32 @!p2 $0x0  }
0x1d: {  	s5 =	simm.s32 @p1 $0x1;
	p0 =	seq.s32 s7, s2  }
0x1e: {  	s7 =	smul.u32 @!p0 $0xF7A, s2;
	p2 =	seq.s32 @!p0 s5, $0x0  }
0x1f: {  	s9 =	smul.u32 $0xF7A, s1;
	s8 =	simm.s32 @!p0 $0x1BF5;
	p2 =	por !p2, p0  }
0x20: {  	[sflag:s8] =	ssyncset.s32 @!p0 $0xFFFFF086;
	s6 =	sadd.s32 @!p0 s3, s7;
	s7 =	simm.s32 @!p0 $0x108  }
0x21: {  	s3 =	sadd.s32 s3, s9;
	s6 =	sadd.s32 @!p0 $0x88, s6;
	s7 =	simm.s32 @p2 $0x1082  }
0x22: {  	[simem:s7], [sflag:s8] =	dma.local @!p0 [hbm:s6], $0xF7A  }
0x23: {  	s9 =	sor.u32 $0xD0000000, s2;
	s6 =	simm.s32 $0x108;
	_ =	swait.ge @!p0 [sflag:s8], $0x0  }
0x24: {  	s3 =	sadd.s32 $0x88, s3;
	s6 =	simm.s32 @!p1 $0x1082;
	[sflag:s4] =	ssyncset.s32 $0xFFFFF086  }
0x25: {  	[simem:s6], [sflag:s4] =	dma.local [hbm:s3], $0xF7A  }
0x26: {  	[smem:$0x3F9B] =	sst s1;
	(tag) =	ssettag s2;
	_ =	strace s9  }
0x27: {  	s1 =	sld [smem:$0x3FAB]  }
0x28: {  	s2 =	sld [smem:$0x3FAC]  }
0x29: {  	s4 =	sld [smem:$0x3FAE]  }
0x2a: {  	p0 =	seq.s32 s5, $0x0;
	s5 =	sld [smem:$0x3FAF]  }
0x2b: {  	s6 =	sld [smem:$0x3FB0]  }
0x2c: {  	s7 =	sld [smem:$0x3FB1]  }
0x2d: {  	s3 =	simm.s32 $0x108;
	s8 =	sld [smem:$0x3FB2]  }
0x2e: {  	s3 =	simm.s32 @!p0 $0x1082;
	s9 =	sld [smem:$0x3FB3]  }
0x2f: {  	lr =	sadd.s32 s0, s3;
	s0 =	sld [smem:$0x3FAA]  }
0x30: {  	s3 =	sld [smem:$0x3FAD]  }
0x31: {  	[smem:$0x3FB6] =	sst s10  }
0x32: {  	s10 =	sld [smem:$0x3FB4];
	_ =	sdelay $0x3  }
0x33: {  	p0 =	seq.s32 s10, $0x1;
	s10 =	sld [smem:$0x3FB6];
	_ =	sdelay $0x3  }
0x34: {  	[smem:$0x3FB6] =	sst s10  }
0x35: {  	s10 =	sld [smem:$0x3FB5];
	_ =	sdelay $0x3  }
0x36: {  	p1 =	seq.s32 s10, $0x1;
	s10 =	sld [smem:$0x3FB6];
	_ =	sdelay $0x3  }
0x37: {  	[smem:$0x3FB6] =	sst s10  }
0x38: {  	s10 =	sld [smem:$0x3FB7]  }
0x39: {  	_ = 	snop;
	(pc) =	sbr.ind lr, $3  }
0x3a: {  	_ = 	snop  }
0x3b: {  	_ = 	snop  }
0x3c: {  	p2 =	seq.s32 s10, $0x1;
	s10 =	sld [smem:$0x3FB6]  }
0x3d: {  	_ =	shalt  }
0x3e: {  	_ =	shalt  }
0x3f: {  	_ =	shalt  }
0x40: {  	_ =	shalt  }
0x41: {  	_ =	shalt  }
0x42: {  	_ =	shalt  }
0x43: {  	_ =	shalt  }
0x44: {  	_ =	shalt  }
0x45: {  	_ =	shalt  }
0x46: {  	_ =	shalt  }
0x47: {  	_ =	shalt  }
0x48: {  	_ =	shalt  }
0x49: {  	_ =	shalt  }
0x4a: {  	_ =	shalt  }
0x4b: {  	_ =	shalt  }
0x4c: {  	_ =	shalt  }
0x4d: {  	_ =	shalt  }
0x4e: {  	_ =	shalt  }
0x4f: {  	_ =	shalt  }
0x50: {  	_ =	shalt  }
0x51: {  	_ =	shalt  }
0x52: {  	_ =	shalt  }
0x53: {  	_ =	shalt  }
0x54: {  	_ =	shalt  }
0x55: {  	_ =	shalt  }
0x56: {  	_ =	shalt  }
0x57: {  	_ =	shalt  }
0x58: {  	_ =	shalt  }
0x59: {  	_ =	shalt  }
0x5a: {  	_ =	shalt  }
0x5b: {  	_ =	shalt  }
0x5c: {  	_ =	shalt  }
0x5d: {  	_ =	shalt  }
0x5e: {  	_ =	shalt  }
0x5f: {  	_ =	shalt  }
0x60: {  	_ =	shalt  }
0x61: {  	_ =	shalt  }
0x62: {  	_ =	shalt  }
0x63: {  	_ =	shalt  }
0x64: {  	_ =	shalt  }
0x65: {  	_ =	shalt  }
0x66: {  	_ =	shalt  }
0x67: {  	_ =	shalt  }
0x68: {  	_ =	shalt  }
0x69: {  	_ =	shalt  }
0x6a: {  	_ =	shalt  }
0x6b: {  	_ =	shalt  }
0x6c: {  	_ =	shalt  }
0x6d: {  	_ =	shalt  }
0x6e: {  	_ =	shalt  }
0x6f: {  	_ =	shalt  }
0x70: {  	_ =	shalt  }
0x71: {  	_ =	shalt  }
0x72: {  	_ =	shalt  }
0x73: {  	_ =	shalt  }
0x74: {  	_ =	shalt  }
0x75: {  	_ =	shalt  }
0x76: {  	_ =	shalt  }
0x77: {  	_ =	shalt  }
0x78: {  	_ =	shalt  }
0x79: {  	_ =	shalt  }
0x7a: {  	_ =	shalt  }
0x7b: {  	_ =	shalt  }
0x7c: {  	_ =	shalt  }
0x7d: {  	_ =	shalt  }
0x7e: {  	_ =	shalt  }
0x7f: {  	_ =	shalt  }
0x80: {  	_ =	shalt  }
0x81: {  	_ =	shalt  }
0x82: {  	_ =	shalt  }
0x83: {  	_ =	shalt  }
0x84: {  	_ =	shalt  }
0x85: {  	_ =	shalt  }
0x86: {  	_ =	shalt  }
0x87: {  	_ =	shalt  }
.Lfunc_end0:
.L_simem_size_0:
called_computation_lowered:
.L_overlay_start_0:
0x88: {  	s2 =	sld [smem:$0x3FD9]  }
0x89: {  	s3 =	sld [smem:$0x3FFE];
	_ =	sdelay $0x1  }
0x8a: {  	s1 =	srdreg.scid  }
0x8b: {  	s0 =	sand.u32 $0x1, s1  }
0x8c: {  	s17 =	sshll.u32 s0, $0xA;
	s2 =	sadd.s32 s3, s2  }
0x8d: {  	s2 =	sadd.s32 s2, s17  }
0x8e: {  	[smem:$0x3FC2] =	sst s2  }
0x8f: {  	_ = 	snop  }
0x90: {  	s2 =	sld [smem:$0x3FC8]  }
0x91: {  	s18 =	sld [smem:$0x3FC7]  }
0x92: {  	s4 =	sld [smem:$0x3FD0];
	(tm) =	ssettm $0x1  }
0x93: {  	s5 =	sld [smem:$0x3FFB];
	_ =	sdelay $0x3  }
0x94: {  	_ =	strace s5  }
0x95: {  	s5 =	sld [smem:$0x3FFC];
	_ =	sdelay $0x3  }
0x96: {  	_ =	strace s5  }
0x97: {  	s5 =	sld [smem:$0x3FFD];
	_ =	sdelay $0x3  }
0x98: {  	_ =	strace s5  }
0x99: {  	_ =	strace $0x8FFFFFFF  }
0x9a: {  	s19 =	sld [smem:$0x3FDB];
	_ =	sdelay $0x1  }
0x9b: {  	s6 =	simm.s32 $_scs_section_size  }
0x9c: {  	s7 =	simm.s32 $_size__tile_overlayer_lowered;
	s8 =	simm.s32 $_tile_overlayer_lowered  }
0x9d: {  	s22 =	simm.s32 $0x1BFF;
	s21 =	sshll.u32 s8, $0x1;
	s5 =	sadd.s32 s6, s19  }
0x9e: {  	s9 =	simm.s32 $0x0;
	s20 =	sshll.u32 s7, $0x1;
	s7 =	sadd.s32 s21, s5  }
0x9f: {  	[timem:s9], [sflag:s22] =	dma.local [hbm:s7], s20  }
0xa0: {  	_ =	swait.ge [sflag:s22], s20  }
0xa1: {  	s6 =	ssub.s32 $0x0, s20;
	[sflag:s22] =	ssyncset.done $0x0  }
0xa2: {  	[sflag:s22] =	ssyncadd.s32 s6;
	_ =	sdelay $0x1  }
0xa3: {  	s23 =	simm.s32 $0x1B8B  }
0xa4: {  	_ =	swait.ge [sflag:s23], $0x1  }
0xa5: {  	[sflag:s23] =	ssyncset.done $0x0  }
0xa6: {  	s25 =	simm.s32 $0x1B8E;
	s24 =	sld [smem:$0x3FFE];
	[sflag:s23] =	ssyncadd.s32 $0xFFFFFFFF  }
0xa7: {  	s26 =	simm.s32 $execute0_lowered;
	[smem:$0x3FD2] =	sst s25  }
0xa8: {  	s7 =	sshll.u32 s26, $0x1;
	_ =	strace $0x80000046;
	[dreg:$0x1] =	wrdreg $0xFFFFFFFF  }
0xa9: {  	s28 =	simm.s32 $_size_execute0_lowered;
	s5 =	sadd.s32 s5, s7;
	[dreg:$0x0] =	wrdreg $0x0  }
0xaa: {  	s7 =	sshll.u32 s28, $0x1;
	[dreg:$0x2] =	wrdreg s5  }
0xab: {  	[dreg:$0x3] =	wrdreg s7  }
0xac: {  	[dreg:$0x4] =	wrdreg $0xC0  }
0xad: {  	_ =	task [dreg:s9], $0x5FFFF  }
0xae: {  	[dreg:$0x1] =	wrdreg $0xFFFFFFFF  }
0xaf: {  	[dreg:$0x0] =	wrdreg $0x60  }
0xb0: {  	[dreg:$0x2] =	wrdreg s24  }
0xb1: {  	[dreg:$0x3] =	wrdreg s2  }
0xb2: {  	[dreg:$0x4] =	wrdreg s18  }
0xb3: {  	[dreg:$0x5] =	wrdreg s4  }
0xb4: {  	[dreg:$0x6] =	wrdreg $0x9  }
0xb5: {  	_ =	task.clear_ibuf [dreg:s9], $0x7FFFF;
	_ =	strace $0x90000046  }
0xb6: {  	s29 =	simm.s32 $0x9;
	_ =	strace $0x80000048  }
0xb7: {  	_ =	swait.ge [sflag:s29], $0x1  }
0xb8: {  	[sflag:s29] =	ssyncadd.s32 $0xFFFFFFFF  }
0xb9: {  	_ =	strace $0x90000048  }
0xba: {  	_ =	sfence  }
0xbb: {  	s30 =	sld [smem:$0x0];
	_ =	sdelay $0x2  }
0xbc: {  	s31 =	sshll.u32 s1, $0xD;
	s1 =	sshrl.u32 s1, $0x2  }
0xbd: {  	s3 =	sand.u32 $0x4000, s31;
	s1 =	sadd.s32 s1, s30  }
0xbe: {  	s0 =	sor.u32 s3, s0;
	s1 =	sshll.u32 s1, $0x11  }
0xbf: {  	s0 =	sor.u32 s1, s0  }
0xc0: {  	s0 =	sadd.s32 $0x8F2B, s0  }
0xc1: {  	[sflag:s0] =	ssyncadd.remote.s32 $0x1  }
0xc2: {  	_ =	sfence.sel $0xFFFF  }
0xc3: {  	[dreg:$0x0] =	wrdreg $0xFFFFFFFF;
	(pc) =	sbr.abs _section_cstart, $3  }
0xc4: {  	[dreg:$0x1] =	wrdreg $0xFFFFFFFF  }
0xc5: {  	_ =	task.clear_ibuf [dreg:s9], $0x2FFFF;
	_ =	strace $0x9FFFFFFF  }
0xc6: {  	(tm) =	ssettm $0x7FFFFFFF  }
0xc7: {  	_ =	shalt  }
tec
execute0_lowered:
.L_overlay_start_1:
0x0: {  	(tag) =	ssettag $0x1  }
0x1: {  	s5 =	rddreg [dreg:$0x0]  }
0x2: {  	s0 =	rddreg [dreg:$0x1]  }
0x3: {  	s1 =	rddreg [dreg:$0x2]  }
0x4: {  	s3 =	rddreg [dreg:$0x3]  }
0x5: {  	s2 =	simm.s32 $0x0;
	s6 =	srdreg.scid;
	s12 =	stileid.u32  }
0x6: {  	s20 =	simm.s32 $0x2;
	s21 =	simm.s32 $0x100;
	[smem:$0x7FF] =	sst s2  }
0x7: {  	s4 =	sadd.s32 $0x800, s5;
	s6 =	sand.u32 $0x1, s6;
	s8 =	sshll.u32 s12, $0x2  }
0x8: {  	s5 =	sadd.s32 $0x600, s5;
	s10 =	sshll.u32 s12, $0x6;
	s12 =	sshll.u32 s12, $0x9  }
0x9: {  	_ =	strace $0x80000047;
	s7 =	ssub.s32 $0x2, s6;
	s6 =	sshll.u32 s6, $0x6  }
0xa: {  	s10 =	sand.u32 $0x40, s10;
	s12 =	sand.u32 $0x200, s12;
	s6 =	sor.u32 s8, s6  }
0xb: {  	s9 =	sshrl.u32 s7, $0x1;
	s10 =	sadd.s32 s3, s10;
	s8 =	sshll.u32 s6, $0x4  }
0xc: {  	s11 =	sshrl.u32 s6, $0x3;
	s17 =	ssub.s32 s7, s9;
	s23 =	sor.u32 $0x1, s6  }
0xd: {  	s26 =	sor.u32 $0x2, s6;
	s18 =	sor.u32 $0x3, s6;
	s14 =	smul.u32 $0xC3800, s11  }
0xe: {  	s8 =	sand.u32 $0x780, s8;
	s11 =	sshll.u32 s11, $0xA;
	s25 =	sshll.u32 s23, $0x7  }
0xf: {  	s15 =	sshll.u32 s26, $0x4;
	s19 =	sshll.u32 s18, $0x7;
	s18 =	sshll.u32 s18, $0x4  }
0x10: {  	s7 =	sadd.s32 s8, s10;
	s24 =	sor.u32 s12, s11;
	s10 =	sshll.u32 s23, $0x4  }
0x11: {  	s8 =	sadd.s32 s3, s8;
	s15 =	sand.u32 $0x60, s15;
	s30 =	sand.u32 $0x380, s19  }
0x12: {  	s18 =	sand.u32 $0x70, s18;
	s19 =	smax.u32 s17, $0x1;
	s23 =	simm.s32 $0x80  }
0x13: {  	s22 =	sor.u32 s12, s14;
	s12 =	sand.u32 $0x280, s25;
	s10 =	sand.u32 $0x50, s10  }
0x14: {  	s25 =	simm.s32 $0x980;
	s9 =	sshrl.u32 s22, $0x3;
	s13 =	sor.u32 s14, s12  }
0x15: {  	s10 =	sadd.s32 s10, s8;
	s12 =	sor.u32 s11, s12;
	s22 =	simm.s32 $0x1  }
0x16: {  	s9 =	sadd.s32 s0, s9;
	s13 =	sshrl.u32 s13, $0x3;
	s12 =	sshrl.u32 s12, $0x3  }
0x17: {  	[dreg:$0x5] =	wrdreg s9;
	s9 =	sshrl.u32 s24, $0x3;
	s13 =	sadd.s32 s0, s13  }
0x18: {  	s12 =	sadd.s32 s3, s12;
	[dreg:$0x6] =	wrdreg s13;
	s13 =	sshll.u32 s26, $0x7  }
0x19: {  	s24 =	simm.s32 $0x400;
	s9 =	sadd.s32 s3, s9;
	s16 =	sand.u32 $0x300, s13  }
0x1a: {  	s26 =	simm.s32 $0x0;
	s13 =	sadd.s32 s15, s8;
	s28 =	sor.u32 s14, s16  }
.Ltmp0:
0x1b: {  	s16 =	sor.u32 s11, s16;
	s14 =	sor.u32 s14, s30;
	(pc) =	sbr.rel .LBB2_1-.Ltmp0, $4  }
0x1c: {  	s11 =	sor.u32 s11, s30;
	s15 =	sshrl.u32 s28, $0x3;
	s29 =	sshrl.u32 s16, $0x3  }
0x1d: {  	vm0 =	vmmov $0xf;
	vm1 =	vmmov $0xffff;
	s14 =	sshrl.u32 s14, $0x3;
	s16 =	sadd.s32 s18, s8;
	s15 =	sadd.s32 s0, s15  }
0x1e: {  	v0 =	vimm.s32 $0x0;
	v1 =	vlaneseq.u32;
	vm2 =	vcmask $0x300;
	s31 =	sshrl.u32 s11, $0x3;
	s0 =	sadd.s32 s0, s14;
	[dreg:$0x7] =	wrdreg s15  }
0x1f: {  	vm3 =	vcmask $0x314;
	vm4 =	vcmask $0x714;
	vm5 =	vcmask $0xB14;
	s18 =	sadd.s32 s3, s31;
	s15 =	sadd.s32 s3, s29;
	[dreg:$0x8] =	wrdreg s0  }
.LBB2_48:
0x20: {  	v16 =	vsel vm6, v18, v16  }
0x21: {  	(xrf0) =	vmax.scan.msk.f32 $0xffff, v16;
	_ =	sdelay $0x5  }
0x22: {  	v51, _, _ =	vpop (xrf0)  }
0x23: {  	v20 =	vbroadcast v51, $0xF  }
0x24: {  	v17 =	vsel vm6, v19, v17  }
0x25: {  	v52 =	vxor.u32 $0x80000000, v17;
	vm6 =	veq.f32 v16, v20  }
0x26: {  	v16 =	vnsel vm6, $0xFFFFFFFF, v52  }
0x27: {  	(xrf0) =	vmin.scan.msk.u32 $0xffff, v16;
	_ =	sdelay $0x1  }
0x28: {  	(v2sf) =	vpush v4, $0xF  }
0x29: {  	(v2sf) =	vpush v10, $0xF  }
0x2a: {  	(v2sf) =	vpush v13, $0xF  }
0x2b: {  	(v2sf) =	vpush v15, $0xF  }
0x2c: {  	(v2sf) =	vpush v51, $0xF;
	v53, _, _ =	vpop (xrf0)  }
0x2d: {  	(v2sf) =	vpush v53, $0xF;
	_ =	sdelay $0x9  }
0x2e: {  	s0 =	spop (v2sf)  }
0x2f: {  	s3 =	spop (v2sf)  }
0x30: {  	s8 =	spop (v2sf)  }
0x31: {  	v54 =	vnsel vm2, $0x67, v6;
	s11 =	spop (v2sf)  }
0x32: {  	v4 =	vsel vm3, v54, v9;
	s14 =	spop (v2sf)  }
0x33: {  	v4 =	vsel vm4, v4, v12;
	s17 =	spop (v2sf)  }
0x34: {  	v4 =	vsel vm5, v4, v14;
	vm6 =	veq.s32 v1, $0x4;
	s17 =	sxor.u32 $0x80000000, s17  }
0x35: {  	v4 =	vsel vm6, s17, v4;
	_ =	sdelay $0x4  }
0x36: {  	[tilespmem:s25], [sflag:$0x1] =	stream.indirect_vreg.gather [hbm4b:s1+s2], $0x80, v4, vm1, $0xb8;
	[tilespmem:$0x19900] =	vst v63  }
0x37: {  	_ =	swait.ge [sflag:s22], $0x800  }
0x38: {  	(xrf2) =	vadd.scan.msk.f32 $0xffff, v7;
	_ =	sdelay $0x9  }
0x39: {  	v55, _, _ =	vpop (xrf2)  }
0x3a: {  	(v2sf) =	vpush v55, $0xF;
	_ =	sdelay $0xa  }
0x3b: {  	s0 =	sadd.f32 s3, s0;
	[sflag:s22] =	ssyncset.done $0x0  }
0x3c: {  	[sflag:s22] =	ssyncadd.s32 $0xFFFFF800  }
0x3d: {  	s0 =	sadd.f32 s8, s0;
	v58 =	vld [tilespmem:$0x980]  }
0x3e: {  	v59 =	vld [tilespmem:$0xA00]  }
0x3f: {  	s0 =	sadd.f32 s11, s0;
	v60 =	vld [tilespmem:$0xA80];
	s30 =	spop (v2sf)  }
0x40: {  	v61 =	vld [tilespmem:$0xB00];
	s17 =	ssub.f32 s30, s29  }
0x41: {  	s0 =	sadd.f32 s14, s0;
	v62 =	vld [tilespmem:$0xB80]  }
0x42: {  	v63 =	vld [tilespmem:$0x990];
	s31 =	smul.f32 s17, s28  }
0x43: {  	v57 =	vmov s0;
	v32 =	vld [tilespmem:$0xA10]  }
0x44: {  	(erf) = vrcp.f32 v57;
	v33 =	vld [tilespmem:$0xA90];
	v56 =	vmov s31  }
0x45: {  	v35 =	vld [tilespmem:$0xB10];
	v4 =	vsub.f32 $0.0e+00, v56  }
0x46: {  	v37 =	vld [tilespmem:$0xB90]  }
0x47: {  	v22 =	vld [tilespmem:$0x9A0];
	v4 =	vmul.f32 $1.442695020e+00, v4  }
0x48: {  	v38 =	vld [tilespmem:$0xA20]  }
0x49: {  	v23 =	vld [tilespmem:$0xAA0];
	v4 =	vbroadcast v4, $0x0  }
0x4a: {  	v24 =	vld [tilespmem:$0xB20]  }
0x4b: {  	v25 =	vld [tilespmem:$0xBA0];
	(erf) = vpow2.f32 v4  }
0x4c: {  	v27 =	vld [tilespmem:$0x9B0]  }
0x4d: {  	v28 =	vld [tilespmem:$0xA30];
	v34 =	vpop (erf)  }
0x4e: {  	v2 =	vbroadcast v2, $0x0;
	v39 =	vld [tilespmem:$0xAB0];
	v3 =	vmul.f32 v34, v3  }
0x4f: {  	v41 =	vld [tilespmem:$0xB30];
	v5 =	vmul.f32 v34, v5;
	v8 =	vmul.f32 v34, v8  }
0x50: {  	v30 =	vld [tilespmem:$0xBB0];
	v11 =	vmul.f32 v34, v11;
	v16 =	vmul.f32 v34, v20  }
0x51: {  	v45 =	vld [tilespmem:$0x9C0];
	v6 =	vmul.f32 v58, v3;
	v40 =	vmul.f32 v60, v8  }
0x52: {  	v47 =	vld [tilespmem:$0xA40];
	v13 =	vmul.f32 v63, v3;
	v14 =	vmul.f32 v32, v5  }
0x53: {  	v50 =	vld [tilespmem:$0xAC0];
	v42 =	vmul.f32 v61, v11;
	v10 =	vmul.f32 v62, v16  }
0x54: {  	v52 =	vld [tilespmem:$0xB40];
	v44 =	vmul.f32 v33, v8;
	v46 =	vmul.f32 v22, v3;
	v36 =	vpop (erf)  }
0x55: {  	v57 =	vld [tilespmem:$0x9D0];
	v48 =	vmul.f32 v27, v3;
	v49 =	vmul.f32 v28, v5;
	v18 =	vadd.f32 $1.000000000e+00, v36  }
0x56: {  	v17 =	vmul.f32 v35, v11;
	v51 =	vmul.f32 v23, v8;
	v58 =	vld [tilespmem:$0xA50]  }
0x57: {  	v60 =	vld [tilespmem:$0xAD0];
	v4 =	vmul.f32 v59, v5;
	(erf) = vrcp.f32 v18  }
0x58: {  	v54 =	vmul.f32 v39, v8;
	v19 =	vmul.f32 v37, v16;
	v62 =	vld [tilespmem:$0xB50]  }
0x59: {  	v7 =	vmul.f32 v41, v11;
	v61 =	vmul.f32 v30, v16;
	v63 =	vld [tilespmem:$0xBD0];
	v4 =	vadd.f32 v4, v6  }
0x5a: {  	v34 =	vmul.f32 v45, v3;
	v13 =	vadd.f32 v14, v13;
	v53 =	vadd.f32 v49, v48;
	v48 =	vld [tilespmem:$0xBF0]  }
0x5b: {  	v30 =	vld [tilespmem:$0x9E0];
	v35 =	vmul.f32 v47, v5;
	v37 =	vmul.f32 v57, v3;
	v4 =	vadd.f32 v40, v4  }
0x5c: {  	v33 =	vld [tilespmem:$0x9F0];
	v39 =	vmul.f32 v50, v8;
	v23 =	vmul.f32 v52, v11;
	v13 =	vadd.f32 v44, v13  }
0x5d: {  	v14 =	vmul.f32 v58, v5;
	v41 =	vmul.f32 v60, v8;
	v40 =	vld [tilespmem:$0xAF0];
	v4 =	vadd.f32 v42, v4  }
0x5e: {  	v44 =	vld [tilespmem:$0xB70];
	v45 =	vmul.f32 v62, v11;
	v13 =	vadd.f32 v17, v13;
	v18 =	vmul.f32 v38, v5  }
0x5f: {  	v58 =	vmul.f32 v48, v16;
	v56 =	vmul.f32 v24, v11;
	v42 =	vld [tilespmem:$0xB60];
	v4 =	vadd.f32 v10, v4  }
0x60: {  	v12 =	vld [tilespmem:$0x380];
	v59 =	vmul.f32 v25, v16;
	v10 =	vadd.f32 v54, v53;
	v6 =	vadd.f32 v18, v46;
	v29 =	vpop (erf)  }
0x61: {  	v21 =	vld [tilespmem:$0x390];
	v13 =	vadd.f32 v19, v13;
	v54 =	vmul.f32 v63, v16;
	v2 =	vmul.f32 v29, v2  }
0x62: {  	v43 =	vld [tilespmem:$0x3B0];
	v49 =	vmul.f32 v40, v8;
	v7 =	vadd.f32 v7, v10;
	v6 =	vadd.f32 v51, v6  }
0x63: {  	v32 =	vld [tilespmem:$0xA60];
	v10 =	vmul.f32 v30, v3;
	v3 =	vmul.f32 v33, v3;
	v24 =	vsub.f32 $1.000000000e+00, v2  }
0x64: {  	v36 =	vld [tilespmem:$0xA70];
	v53 =	vmul.f32 v42, v11;
	v11 =	vmul.f32 v44, v11;
	v6 =	vadd.f32 v56, v6  }
0x65: {  	v7 =	vadd.f32 v61, v7;
	v38 =	vld [tilespmem:$0xAE0];
	v4 =	vmul.f32 v4, v2;
	v12 =	vmul.f32 v12, v24  }
0x66: {  	v55 =	vld [tilespmem:$0xBC0];
	v6 =	vadd.f32 v59, v6;
	v13 =	vmul.f32 v13, v2;
	v21 =	vmul.f32 v21, v24  }
0x67: {  	v46 =	vld [tilespmem:$0xBE0];
	v7 =	vmul.f32 v7, v2;
	v9 =	vmul.f32 v43, v24;
	v4 =	vadd.f32 v4, v12  }
0x68: {  	v43 =	vmul.f32 v32, v5;
	v13 =	vadd.f32 v13, v21;
	v12 =	vadd.f32 v35, v34  }
0x69: {  	v26 =	vld [tilespmem:$0x3A0];
	v5 =	vmul.f32 v36, v5;
	v7 =	vadd.f32 v7, v9;
	v9 =	vadd.f32 v14, v37  }
0x6a: {  	v50 =	vld [tilespmem:$0x3C0];
	v47 =	vmul.f32 v38, v8;
	v10 =	vadd.f32 v43, v10;
	v12 =	vadd.f32 v39, v12  }
0x6b: {  	v51 =	vmul.f32 v55, v16;
	v3 =	vadd.f32 v5, v3;
	v9 =	vadd.f32 v41, v9  }
0x6c: {  	v52 =	vld [tilespmem:$0x3D0];
	v56 =	vmul.f32 v46, v16;
	v10 =	vadd.f32 v47, v10;
	v12 =	vadd.f32 v23, v12  }
0x6d: {  	v55 =	vld [tilespmem:$0x3E0];
	v6 =	vmul.f32 v6, v2;
	v3 =	vadd.f32 v49, v3;
	v9 =	vadd.f32 v45, v9  }
0x6e: {  	v57 =	vld [tilespmem:$0x3F0];
	v31 =	vmul.f32 v26, v24;
	v10 =	vadd.f32 v53, v10;
	v12 =	vadd.f32 v51, v12  }
0x6f: {  	v8 =	vmul.f32 v50, v24;
	v3 =	vadd.f32 v11, v3;
	v5 =	vadd.f32 v54, v9  }
0x70: {  	v6 =	vadd.f32 v6, v31;
	[tilespmem:$0x19880] =	vst v4;
	v10 =	vadd.f32 v56, v10;
	v59 =	vmul.f32 v12, v2  }
0x71: {  	v60 =	vmul.f32 v52, v24;
	[tilespmem:$0x19890] =	vst v13;
	v3 =	vadd.f32 v58, v3;
	v5 =	vmul.f32 v5, v2  }
0x72: {  	v62 =	vmul.f32 v55, v24;
	[tilespmem:$0x198A0] =	vst v6;
	v61 =	vmul.f32 v10, v2;
	v4 =	vadd.f32 v59, v8  }
0x73: {  	[tilespmem:$0x198B0] =	vst v7;
	v2 =	vmul.f32 v3, v2;
	v3 =	vmul.f32 v57, v24;
	v5 =	vadd.f32 v5, v60  }
0x74: {  	v63 =	vadd.f32 v61, v62;
	[tilespmem:$0x198C0] =	vst v4  }
0x75: {  	v2 =	vadd.f32 v2, v3;
	[tilespmem:$0x198D0] =	vst v5  }
0x76: {  	[tilespmem:$0x198E0] =	vst v63  }
0x77: {  	s3 =	smov.u32 s18;
	s0 =	simm.s32 $0x19880;
	[tilespmem:$0x198F0] =	vst v2  }
.LBB2_49:
0x78: {  	s26 =	sadd.s32 $0x1, s26  }
0x79: {  	p0 =	sne.s32 s26, s19  }
.Ltmp1:
0x7a: {  	_ = 	snop;
	(pc) =	sbr.rel @!p0 .LBB2_50-.Ltmp1, $4  }
0x7b: {  	[hbm4b:s3+s2] =	stream.linear.scatter [tilespmem:s0], [sflag:$0x2], $0x80, $0x38;
	[tilespmem:$0x19900] =	vst v63  }
0x7c: {  	_ =	swait.ge [sflag:s20], $0x80  }
0x7d: {  	[sflag:s20] =	ssyncset.done $0x0  }
0x7e: {  	[sflag:s20] =	ssyncadd.s32 $0xFFFFFF80  }
.LBB2_1:
0x7f: {  	[tilespmem:s2], [sflag:$0x2] =	stream.linear.gather [hbm4b:s4+s2], $0x80, $0x38;
	[tilespmem:$0x19900] =	vst v63  }
0x80: {  	_ =	swait.ge [sflag:s20], $0x80  }
0x81: {  	[sflag:s20] =	ssyncset.done $0x0  }
0x82: {  	[sflag:s20] =	ssyncadd.s32 $0xFFFFFF80  }
0x83: {  	[tilespmem:s21], [sflag:$0x2] =	stream.linear.gather [hbm4b:s5+s2], $0x80, $0x38;
	[tilespmem:$0x19900] =	vst v63  }
0x84: {  	_ =	swait.ge [sflag:s20], $0x80  }
0x85: {  	[sflag:s20] =	ssyncset.done $0x0  }
0x86: {  	[sflag:s20] =	ssyncadd.s32 $0xFFFFFF80  }
0x87: {  	v2 =	vld [tilespmem:s6+$0x0];
	_ =	sdelay $0x4  }
0x88: {  	(v2sf) =	vpush v2, $0x0  }
0x89: {  	(v2sf) =	vpush v2, $0x1  }
0x8a: {  	(v2sf) =	vpush v2, $0x2  }
0x8b: {  	(v2sf) =	vpush v2, $0x3;
	_ =	sdelay $0x5  }
0x8c: {  	v2 =	vnsel vm0, $0x67, v2;
	_ =	sdelay $0x3  }
0x8d: {  	s3 =	simm.s32 $0x180  }
0x8e: {  	[tilespmem:s3], [sflag:$0x1] =	stream.indirect_vreg.gather [hbm4b:s1+s2], $0x80, v2, vm1, $0xb8;
	[tilespmem:$0x19900] =	vst v63  }
0x8f: {  	s8 =	spop (v2sf)  }
0x90: {  	s0 =	spop (v2sf)  }
0x91: {  	s31 =	spop (v2sf)  }
0x92: {  	s30 =	spop (v2sf)  }
0x93: {  	_ =	swait.ge [sflag:s22], $0x800  }
0x94: {  	[sflag:s22] =	ssyncset.done $0x0  }
0x95: {  	[sflag:s22] =	ssyncadd.s32 $0xFFFFF800  }
0x96: {  	v2 =	vld [tilespmem:$0x100];
	_ =	sdelay $0x4  }
0x97: {  	(v2sf) =	vpush v2, $0x1  }
0x98: {  	(v2sf) =	vpush v2, $0x2;
	_ =	sdelay $0x9  }
0x99: {  	p0 =	sne.s32 s8, $0x67  }
.Ltmp2:
0x9a: {  	_ = 	snop;
	(pc) =	sbr.rel @p0 .LBB2_13-.Ltmp2, $3  }
0x9b: {  	_ =	sdelay $0x1  }
0x9c: {  	s28 =	spop (v2sf)  }
0x9d: {  	s8 =	smov.u32 s7;
	s29 =	spop (v2sf)  }
0x9e: {  	s3 =	simm.s32 $0x1180;
	s8 =	rddreg [dreg:$0x5]  }
0x9f: {  	[tilespmem:s3], [sflag:$0x2] =	stream.strided.gather [hbm4b:s8+s23], $0x18700, s24, s23, $0x38;
	[tilespmem:$0x19900] =	vst v63  }
0xa0: {  	_ =	swait.ge [sflag:s20], $0x18700  }
0xa1: {  	[sflag:s20] =	ssyncset.done $0x0  }
0xa2: {  	[sflag:s20] =	ssyncadd.s32 $0xFFFE7900  }
0xa3: {  	v6 =	vld [tilespmem:s3+$0x0];
	_ =	sdelay $0x4  }
0xa4: {  	v3 =	vadd.f32 $1.000000010e-10, v6;
	_ =	sdelay $0x1  }
0xa5: {  	v4 =	vand.u32 $0x7FFFFF, v3  }
0xa6: {  	v5 =	vor.u32 $0x3F800000, v4  }
0xa7: {  	s14 =	simm.s32 $0x1190;
	v7 =	vmul.f32 $5.000000000e-01, v5  }
0xa8: {  	v4 =	vld [tilespmem:s14+$0x0];
	vm6 =	vgt.f32 v5, $1.414213540e+00  }
0xa9: {  	v5 =	vsel vm6, v7, v5  }
0xaa: {  	v7 =	vadd.f32 $1.000000000e+00, v5;
	_ =	sdelay $0x1  }
0xab: {  	(erf) = vrcp.f32 v7  }
0xac: {  	v8 =	vadd.f32 $1.000000010e-10, v4  }
0xad: {  	v9 =	vimm.f32 $-Inf;
	s17 =	simm.s32 $0x0  }
0xae: {  	v11 =	vimm.s32 $0x0;
	v12 =	vor.u32 s17, v1;
	v10 =	vand.u32 $0x7FFFFF, v8  }
0xaf: {  	v3 =	vshra.s32 v3, $0x17;
	v13 =	vsel vm6, $0x1, v0;
	v10 =	vor.u32 $0x3F800000, v10  }
0xb0: {  	s21 =	simm.s32 $0x11A0;
	vm6 =	vgt.f32 v6, v9;
	v3 =	vadd.s32 v13, v3;
	v14 =	vmul.f32 $5.000000000e-01, v10  }
0xb1: {  	v9 =	vsel vm6, v6, v9;
	v13 =	vadd.s32 $0xFFFFFF81, v3;
	v3 =	vld [tilespmem:s21+$0x0];
	vm7 =	vgt.f32 v10, $1.414213540e+00  }
0xb2: {  	v11 =	vsel vm6, v12, v11;
	v5 =	vadd.f32 $-1.000000000e+00, v5;
	v10 =	vsel vm7, v14, v10  }
0xb3: {  	s8 =	simm.s32 $0x10;
	v12 =	vcvt.s32.f32 v13;
	vm6 =	vgt.f32 v4, v9;
	v13 =	vadd.f32 $1.000000000e+00, v10  }
0xb4: {  	v9 =	vsel vm6, v4, v9;
	v8 =	vshra.s32 v8, $0x17;
	v14 =	vor.u32 s8, v1;
	v15 =	vpop (erf)  }
0xb5: {  	(erf) = vrcp.f32 v13;
	v13 =	vsel vm7, $0x1, v0;
	v5 =	vmul.f32 v15, v5  }
0xb6: {  	v11 =	vsel vm6, v14, v11;
	v8 =	vadd.s32 v13, v8;
	v13 =	vadd.f32 $1.000000010e-10, v3  }
0xb7: {  	v14 =	vadd.f32 $-1.000000000e+00, v10;
	v8 =	vadd.s32 $0xFFFFFF81, v8;
	v15 =	vmul.f32 v5, v5  }
0xb8: {  	vm6 =	vgt.f32 v3, v9;
	v8 =	vcvt.s32.f32 v8;
	v10 =	vand.u32 $0x7FFFFF, v13  }
0xb9: {  	v17 =	vadd.f32 v5, v5;
	v18 =	vor.u32 $0x3F800000, v10;
	v5 =	vmul.f32 $1.428571490e-01, v15  }
0xba: {  	v19 =	vsel vm6, v3, v9;
	v10 =	vmul.f32 $6.931471820e-01, v8;
	vm7 =	vgt.f32 v18, $1.414213540e+00  }
0xbb: {  	s11 =	simm.s32 $0x20;
	v8 =	vmul.f32 $5.000000000e-01, v18;
	v20 =	vsel vm7, $0x1, v0;
	v9 =	vadd.f32 $2.000000030e-01, v5  }
0xbc: {  	v16 =	vor.u32 s11, v1;
	s14 =	simm.s32 $0x11B0;
	v13 =	vshra.s32 v13, $0x17  }
0xbd: {  	v5 =	vld [tilespmem:s14+$0x0];
	v8 =	vsel vm7, v8, v18;
	v13 =	vadd.s32 v20, v13;
	v9 =	vmul.f32 v9, v15  }
0xbe: {  	v16 =	vsel vm6, v16, v11;
	v18 =	vadd.f32 $1.000000000e+00, v8;
	v11 =	vadd.s32 $0xFFFFFF81, v13;
	v20 =	vpop (erf)  }
0xbf: {  	v13 =	vmul.f32 v20, v14;
	v14 =	vadd.f32 $-1.000000000e+00, v8;
	v8 =	vadd.f32 $3.333333430e-01, v9  }
0xc0: {  	(erf) = vrcp.f32 v18;
	v9 =	vcvt.s32.f32 v11  }
0xc1: {  	s17 =	simm.s32 $0x30;
	v20 =	vmul.f32 v13, v13;
	v11 =	vadd.f32 v13, v13;
	v13 =	vmul.f32 v8, v15  }
0xc2: {  	v12 =	vmul.f32 $6.931471820e-01, v12;
	v18 =	vor.u32 s17, v1;
	v15 =	vadd.f32 $1.000000010e-10, v5  }
0xc3: {  	vm6 =	vgt.f32 v5, v19;
	v21 =	vmul.f32 $1.428571490e-01, v20;
	v13 =	vadd.f32 $1.000000000e+00, v13  }
0xc4: {  	v8 =	vsel vm6, v5, v19;
	v19 =	vand.u32 $0x7FFFFF, v15;
	v15 =	vshra.s32 v15, $0x17  }
0xc5: {  	v19 =	vor.u32 $0x3F800000, v19;
	v21 =	vadd.f32 $2.000000030e-01, v21;
	v17 =	vmul.f32 v13, v17  }
0xc6: {  	vm7 =	vgt.f32 v19, $1.414213540e+00;
	v22 =	vmul.f32 $5.000000000e-01, v19;
	v13 =	vsel vm6, v18, v16  }
0xc7: {  	v16 =	vsel vm7, $0x1, v0;
	v18 =	vmul.f32 v21, v20;
	v62 =	vadd.f32 v17, v12  }
0xc8: {  	s14 =	simm.s32 $0x11C0;
	v12 =	vadd.s32 v16, v15  }
0xc9: {  	v16 =	vsel vm7, v22, v19;
	v63 =	vadd.f32 $3.333333430e-01, v18;
	v18 =	vmul.f32 v62, v6;
	v6 =	vld [tilespmem:s14+$0x0]  }
0xca: {  	v7 =	vimm.f32 $0.0e+00;
	v15 =	vadd.f32 $-1.000000000e+00, v16;
	v16 =	vadd.f32 $1.000000000e+00, v16;
	v17 =	vpop (erf)  }
0xcb: {  	s21 =	simm.s32 $0x40;
	v9 =	vmul.f32 $6.931471820e-01, v9;
	v12 =	vadd.s32 $0xFFFFFF81, v12;
	v19 =	vmul.f32 v17, v14  }
0xcc: {  	s11 =	simm.s32 $0x50;
	s3 =	simm.s32 $0x80;
	v12 =	vcvt.s32.f32 v12;
	v17 =	vor.u32 s21, v1;
	(erf) = vrcp.f32 v16  }
0xcd: {  	s8 =	simm.s32 $0x60;
	s17 =	simm.s32 $0x90;
	s21 =	simm.s32 $0x70;
	v14 =	vmul.f32 v19, v19;
	v16 =	vadd.f32 v19, v19;
	v19 =	vmul.f32 v63, v20  }
.LBB2_3:
0xce: {  	p0 =	sne.s32 s17, $0x18690;
	v20 =	vadd.f32 $1.000000010e-10, v6;
	vm6 =	vgt.f32 v6, v8;
	v12 =	vmul.f32 $6.931471820e-01, v12;
	v21 =	vmovc v6;
	v22 =	vmovc v15  }
0xcf: {  	v8 =	vsel vm6, v21, v8;
	v6 =	vmul.f32 $1.428571490e-01, v14;
	v15 =	vadd.f32 $1.000000000e+00, v19  }
0xd0: {  	v7 =	vadd.f32 v18, v7;
	v19 =	vshra.s32 v20, $0x17;
	v20 =	vand.u32 $0x7FFFFF, v20  }
0xd1: {  	v18 =	vor.u32 $0x3F800000, v20;
	v6 =	vadd.f32 $2.000000030e-01, v6;
	v15 =	vmul.f32 v15, v11;
	v11 =	vmovc v16  }
0xd2: {  	v13 =	vsel vm6, v17, v13;
	vm7 =	vgt.f32 v18, $1.414213540e+00;
	v16 =	vmul.f32 $5.000000000e-01, v18  }
0xd3: {  	s14 =	sadd.s32 $0x10, s14;
	v24 =	vsel vm7, $0x1, v0;
	v20 =	vmul.f32 v6, v14;
	v23 =	vadd.f32 v15, v10;
	v10 =	vmovc v9;
	v9 =	vmovc v12  }
.Ltmp3:
0xd4: {  	v6 =	vld [tilespmem:s14+$0x0];
	v12 =	vadd.s32 v24, v19;
	v16 =	vsel vm7, v16, v18;
	(pc) =	sbr.rel @p0 .LBB2_3-.Ltmp3, $4  }
0xd5: {  	v12 =	vadd.s32 $0xFFFFFF81, v12;
	v15 =	vadd.f32 $-1.000000000e+00, v16;
	v16 =	vadd.f32 $1.000000000e+00, v16;
	v17 =	vpop (erf)  }
0xd6: {  	v19 =	vadd.f32 $3.333333430e-01, v20;
	v12 =	vcvt.s32.f32 v12;
	v22 =	vmul.f32 v17, v22  }
0xd7: {  	v18 =	vmul.f32 v23, v4;
	v4 =	vmovc v3;
	v3 =	vmovc v5;
	v17 =	vor.u32 s11, v1;
	s11 =	smov.u32 s8;
	s8 =	smov.u32 s21;
	s21 =	smov.u32 s3;
	(erf) = vrcp.f32 v16  }
0xd8: {  	v5 =	vmovc v21;
	s3 =	smov.u32 s17;
	s17 =	sadd.s32 $0x10, s17;
	v19 =	vmul.f32 v19, v14;
	v16 =	vadd.f32 v22, v22;
	v14 =	vmul.f32 v22, v22  }
0xd9: {  	v20 =	vadd.f32 $1.000000010e-10, v6;
	_ =	sdelay $0x1  }
0xda: {  	v21 =	vand.u32 $0x7FFFFF, v20  }
0xdb: {  	v21 =	vor.u32 $0x3F800000, v21  }
0xdc: {  	v23 =	vmul.f32 $5.000000000e-01, v21  }
0xdd: {  	vm6 =	vgt.f32 v6, v8;
	v18 =	vadd.f32 v18, v7;
	vm7 =	vgt.f32 v21, $1.414213540e+00  }
0xde: {  	s14 =	sadd.s32 $0x10, s14;
	v44 =	vor.u32 s11, v1;
	v27 =	vor.u32 s8, v1;
	v21 =	vsel vm7, v23, v21  }
0xdf: {  	v22 =	vmul.f32 $1.428571490e-01, v14;
	v41 =	vsel vm6, v6, v8;
	v8 =	vld [tilespmem:s14+$0x0];
	v24 =	vadd.f32 $1.000000000e+00, v21  }
0xe0: {  	v28 =	vor.u32 s21, v1;
	v62 =	vor.u32 s3, v1;
	v19 =	vadd.f32 $1.000000000e+00, v19  }
0xe1: {  	v12 =	vmul.f32 $6.931471820e-01, v12;
	v22 =	vadd.f32 $2.000000030e-01, v22;
	(erf) = vrcp.f32 v24  }
0xe2: {  	v13 =	vsel vm6, v17, v13;
	v20 =	vshra.s32 v20, $0x17;
	v7 =	vmul.f32 v19, v11;
	v43 =	vpop (erf)  }
0xe3: {  	v11 =	vmul.f32 v22, v14;
	v42 =	vsel vm7, $0x1, v0;
	v15 =	vmul.f32 v43, v15  }
0xe4: {  	v10 =	vadd.f32 v7, v10;
	v17 =	vadd.s32 v42, v20;
	v47 =	vadd.f32 $1.000000010e-10, v8  }
0xe5: {  	vm6 =	vgt.f32 v8, v41;
	v7 =	vadd.f32 $3.333333430e-01, v11;
	v45 =	vmul.f32 v15, v15  }
0xe6: {  	s17 =	sadd.s32 $0x10, s14;
	v11 =	vadd.f32 $-1.000000000e+00, v21;
	v4 =	vmul.f32 v10, v4;
	v23 =	vsel vm6, v8, v41  }
0xe7: {  	v48 =	vand.u32 $0x7FFFFF, v47;
	v46 =	vmul.f32 v7, v14;
	v7 =	vld [tilespmem:s17+$0x0];
	v10 =	vmul.f32 $1.428571490e-01, v45  }
0xe8: {  	s11 =	sadd.s32 $0x10, s17;
	v13 =	vsel vm6, v44, v13;
	v39 =	vadd.s32 $0xFFFFFF81, v17;
	v49 =	vor.u32 $0x3F800000, v48  }
0xe9: {  	v51 =	vmul.f32 $5.000000000e-01, v49;
	v14 =	vadd.f32 $1.000000000e+00, v46;
	v50 =	vadd.f32 $2.000000030e-01, v10;
	v10 =	vld [tilespmem:s11+$0x0]  }
0xea: {  	v21 =	vshra.s32 v47, $0x17;
	v4 =	vadd.f32 v4, v18;
	vm7 =	vgt.f32 v49, $1.414213540e+00;
	s11 =	sadd.s32 $0x10, s11;
	v54 =	vpop (erf)  }
0xeb: {  	v14 =	vmul.f32 v14, v16;
	v16 =	vsel vm7, v51, v49;
	v18 =	vmul.f32 v54, v11;
	v11 =	vld [tilespmem:s11+$0x0]  }
0xec: {  	v53 =	vsel vm7, $0x1, v0;
	v25 =	vadd.f32 $1.000000000e+00, v16;
	vm6 =	vgt.f32 v7, v23  }
0xed: {  	v15 =	vadd.f32 v15, v15;
	v21 =	vadd.s32 v53, v21;
	v23 =	vsel vm6, v7, v23  }
0xee: {  	v52 =	vadd.f32 $1.000000010e-10, v7;
	(erf) = vrcp.f32 v25;
	vm8 =	vgt.f32 v10, v23  }
0xef: {  	v13 =	vsel vm6, v27, v13;
	v9 =	vadd.f32 v14, v9;
	v23 =	vsel vm8, v10, v23  }
0xf0: {  	v22 =	vmul.f32 v50, v45;
	v26 =	vand.u32 $0x7FFFFF, v52;
	vm6 =	vgt.f32 v11, v23  }
0xf1: {  	v26 =	vor.u32 $0x3F800000, v26;
	v57 =	vadd.f32 $1.000000010e-10, v10;
	v23 =	vsel vm6, v11, v23  }
0xf2: {  	v21 =	vadd.s32 $0xFFFFFF81, v21;
	v55 =	vmul.f32 $5.000000000e-01, v26;
	v22 =	vadd.f32 $3.333333430e-01, v22;
	(xrf0) =	vmax.scan.msk.f32 $0xffff, v23  }
0xf3: {  	v3 =	vmul.f32 v9, v3;
	vm7 =	vgt.f32 v26, $1.414213540e+00;
	v59 =	vand.u32 $0x7FFFFF, v57  }
0xf4: {  	v25 =	vsel vm7, v55, v26;
	v20 =	vmul.f32 v22, v45;
	v22 =	vor.u32 $0x3F800000, v59  }
0xf5: {  	v16 =	vadd.f32 $-1.000000000e+00, v16;
	v30 =	vadd.f32 $1.000000000e+00, v25;
	v29 =	vmul.f32 $5.000000000e-01, v22  }
0xf6: {  	v56 =	vsel vm7, $0x1, v0;
	v60 =	vadd.f32 v3, v4;
	vm7 =	vgt.f32 v22, $1.414213540e+00  }
0xf7: {  	(erf) = vrcp.f32 v30;
	v61 =	vadd.f32 $1.000000010e-10, v11;
	v22 =	vsel vm7, v29, v22;
	v3 =	vpop (erf)  }
0xf8: {  	v13 =	vsel vm8, v28, v13;
	v20 =	vadd.f32 $1.000000000e+00, v20;
	v29 =	vadd.f32 $1.000000000e+00, v22;
	v4, _, _ =	vpop (xrf0)  }
0xf9: {  	v63 =	vand.u32 $0x7FFFFF, v61;
	v16 =	vmul.f32 v3, v16;
	v3 =	vbroadcast v4, $0xF  }
0xfa: {  	v13 =	vsel vm6, v62, v13;
	(erf) = vrcp.f32 v29;
	v29 =	vor.u32 $0x3F800000, v63  }
0xfb: {  	v13 =	vxor.u32 $0x80000000, v13;
	v32 =	vmul.f32 $5.000000000e-01, v29;
	vm6 =	veq.f32 v23, v3  }
0xfc: {  	v58 =	vmul.f32 v18, v18;
	v13 =	vnsel vm6, $0xFFFFFFFF, v13;
	vm6 =	vgt.f32 v29, $1.414213540e+00  }
0xfd: {  	v21 =	vcvt.s32.f32 v21;
	v15 =	vmul.f32 v20, v15;
	v20 =	vsel vm6, v32, v29;
	(xrf0) =	vmin.scan.msk.u32 $0xffff, v13  }
0xfe: {  	v41 =	vshra.s32 v52, $0x17;
	v9 =	vmul.f32 $1.428571490e-01, v58;
	v35 =	vadd.f32 $1.000000000e+00, v20  }
0xff: {  	v21 =	vmul.f32 $6.931471820e-01, v21;
	v36 =	vadd.f32 $-1.000000000e+00, v25;
	v40 =	vadd.f32 v18, v18  }
0x100: {  	v18 =	vadd.s32 v56, v41;
	v9 =	vadd.f32 $2.000000030e-01, v9;
	v37 =	vpop (erf);
	(erf) = vrcp.f32 v35  }
0x101: {  	v47 =	vshra.s32 v57, $0x17;
	v48 =	vsel vm7, $0x1, v0;
	v33 =	vmul.f32 v16, v16  }
0x102: {  	v12 =	vadd.f32 v15, v12;
	v9 =	vmul.f32 v9, v58;
	v14 =	vmul.f32 v37, v36  }
0x103: {  	v43 =	vadd.f32 $-1.000000000e+00, v22;
	v15 =	vcvt.s32.f32 v39;
	v34 =	vmul.f32 $1.428571490e-01, v33;
	v44, _, _ =	vpop (xrf0)  }
0x104: {  	v9 =	vadd.f32 $3.333333430e-01, v9;
	v42 =	vmul.f32 v14, v14;
	(v2sf) =	vpush v44, $0xF  }
0x105: {  	v5 =	vmul.f32 v12, v5;
	v15 =	vmul.f32 $6.931471820e-01, v15;
	v38 =	vadd.f32 $2.000000030e-01, v34  }
0x106: {  	v22 =	vadd.s32 v48, v47;
	v9 =	vmul.f32 v9, v58;
	v45 =	vpop (erf);
	v46 =	vmul.f32 $1.428571490e-01, v42  }
0x107: {  	v22 =	vadd.s32 $0xFFFFFF81, v22;
	v13 =	vmul.f32 v38, v33;
	v17 =	vmul.f32 v45, v43  }
0x108: {  	v57 =	vcvt.s32.f32 v22;
	v20 =	vadd.f32 $-1.000000000e+00, v20;
	v19 =	vadd.f32 $2.000000030e-01, v46  }
0x109: {  	v9 =	vadd.f32 $1.000000000e+00, v9;
	v13 =	vadd.f32 $3.333333430e-01, v13;
	v51 =	vmul.f32 v17, v17;
	v50 =	vpop (erf)  }
0x10a: {  	v18 =	vadd.s32 $0xFFFFFF81, v18;
	v49 =	vmul.f32 v19, v42;
	v19 =	vmul.f32 v50, v20  }
0x10b: {  	v5 =	vadd.f32 v5, v60;
	v9 =	vmul.f32 v9, v40;
	v13 =	vmul.f32 v13, v33  }
0x10c: {  	v16 =	vadd.f32 v16, v16;
	v53 =	vmul.f32 $1.428571490e-01, v51;
	v54 =	vmul.f32 v19, v19  }
0x10d: {  	v59 =	vmul.f32 $6.931471820e-01, v57;
	v60 =	vshra.s32 v61, $0x17;
	v9 =	vadd.f32 v9, v15  }
0x10e: {  	v13 =	vadd.f32 $1.000000000e+00, v13;
	v55 =	vadd.f32 $2.000000030e-01, v53;
	v56 =	vmul.f32 $1.428571490e-01, v54  }
0x10f: {  	v61 =	vsel vm6, $0x1, v0;
	v6 =	vmul.f32 v9, v6;
	v52 =	vadd.f32 $3.333333430e-01, v49  }
0x110: {  	v9 =	vmul.f32 v13, v16;
	v13 =	vmul.f32 v55, v51;
	v15 =	vadd.f32 $2.000000030e-01, v56  }
0x111: {  	v5 =	vadd.f32 v6, v5;
	v6 =	vcvt.s32.f32 v18;
	v12 =	vmul.f32 v52, v42  }
0x112: {  	v17 =	vadd.f32 v17, v17;
	v13 =	vadd.f32 $3.333333430e-01, v13;
	v15 =	vmul.f32 v15, v54  }
0x113: {  	v58 =	vmul.f32 $6.931471820e-01, v6;
	v6 =	vadd.f32 v14, v14;
	v12 =	vadd.f32 $1.000000000e+00, v12;
	s14 =	spop (v2sf)  }
0x114: {  	v18 =	vadd.s32 v61, v60;
	v13 =	vmul.f32 v13, v51;
	v15 =	vadd.f32 $3.333333430e-01, v15;
	s3 =	sxor.u32 $0x80000000, s14  }
0x115: {  	v9 =	vadd.f32 v9, v21;
	v12 =	vmul.f32 v12, v6;
	v6 =	vmov s3  }
0x116: {  	v18 =	vadd.s32 $0xFFFFFF81, v18;
	v13 =	vadd.f32 $1.000000000e+00, v13;
	v15 =	vmul.f32 v15, v54  }
0x117: {  	v62 =	vcvt.s32.f32 v18;
	v8 =	vmul.f32 v9, v8;
	v9 =	vadd.f32 v12, v58  }
0x118: {  	v63 =	vadd.f32 v19, v19;
	v13 =	vmul.f32 v13, v17;
	v15 =	vadd.f32 $1.000000000e+00, v15  }
0x119: {  	s17 =	simm.s32 $0x1180;
	v8 =	vadd.f32 v8, v5;
	v5 =	vimm.f32 $-Inf;
	v7 =	vmul.f32 v9, v7  }
0x11a: {  	v16 =	vmul.f32 $6.931471820e-01, v62;
	v9 =	vadd.f32 v13, v59;
	v12 =	vmul.f32 v15, v63;
	[tilespmem:v6+s17+$0x0] =	vst.idx.msk $0x1, v5  }
0x11b: {  	v7 =	vadd.f32 v7, v8;
	v8 =	vld [tilespmem:s17+$0x0]  }
0x11c: {  	v9 =	vmul.f32 v9, v10;
	v10 =	vadd.f32 v12, v16;
	_ =	sdelay $0x1  }
0x11d: {  	s21 =	simm.s32 $0x0;
	v7 =	vadd.f32 v9, v7;
	v9 =	vmul.f32 v10, v11  }
0x11e: {  	v11 =	vor.u32 s21, v1  }
0x11f: {  	s8 =	simm.s32 $0x1190;
	s3 =	simm.s32 $0x10;
	v7 =	vadd.f32 v9, v7;
	v9 =	vimm.s32 $0x0;
	vm6 =	vgt.f32 v8, v5  }
.LBB2_5:
0x120: {  	p0 =	sne.s32 s3, $0x18690;
	v5 =	vsel vm6, v8, v5;
	v8 =	vld [tilespmem:s8+$0x0];
	v9 =	vsel vm6, v11, v9;
	s11 =	smov.u32 s3;
	s3 =	sadd.s32 $0x10, s3  }
.Ltmp4:
0x121: {  	(pc) =	sbr.rel @p0 .LBB2_5-.Ltmp4, $2  }
0x122: {  	_ =	sdelay $0x2  }
0x123: {  	s8 =	sadd.s32 $0x10, s8;
	v11 =	vor.u32 s11, v1;
	vm6 =	vgt.f32 v8, v5  }
0x124: {  	v8 =	vsel vm6, v8, v5  }
0x125: {  	(xrf0) =	vmax.scan.msk.f32 $0xffff, v8;
	_ =	sdelay $0x5  }
0x126: {  	v10, _, _ =	vpop (xrf0)  }
0x127: {  	v5 =	vbroadcast v10, $0xF  }
0x128: {  	v9 =	vsel vm6, v11, v9  }
0x129: {  	vm6 =	veq.f32 v8, v5;
	v8 =	vxor.u32 $0x80000000, v9  }
0x12a: {  	v8 =	vnsel vm6, $0xFFFFFFFF, v8  }
0x12b: {  	(xrf0) =	vmin.scan.msk.u32 $0xffff, v8;
	_ =	sdelay $0x5  }
0x12c: {  	v8, _, _ =	vpop (xrf0)  }
0x12d: {  	(v2sf) =	vpush v8, $0xF;
	_ =	sdelay $0xe  }
0x12e: {  	s3 =	spop (v2sf)  }
0x12f: {  	s3 =	sxor.u32 $0x80000000, s3  }
0x130: {  	v9 =	vmov s3;
	_ =	sdelay $0x3  }
0x131: {  	s21 =	simm.s32 $0x1180;
	v8 =	vimm.f32 $-Inf  }
0x132: {  	[tilespmem:v9+s21+$0x0] =	vst.idx.msk $0x1, v8  }
0x133: {  	v12 =	vld [tilespmem:s21+$0x0];
	_ =	sdelay $0x3  }
0x134: {  	s8 =	simm.s32 $0x0  }
0x135: {  	v11 =	vimm.s32 $0x0;
	v14 =	vor.u32 s8, v1;
	s8 =	simm.s32 $0x1190;
	s3 =	simm.s32 $0x10;
	vm6 =	vgt.f32 v12, v8  }
.LBB2_7:
0x136: {  	p0 =	sne.s32 s3, $0x18690;
	v8 =	vsel vm6, v12, v8;
	v12 =	vld [tilespmem:s8+$0x0];
	v11 =	vsel vm6, v14, v11;
	s11 =	smov.u32 s3;
	s3 =	sadd.s32 $0x10, s3  }
.Ltmp5:
0x137: {  	(pc) =	sbr.rel @p0 .LBB2_7-.Ltmp5, $2  }
0x138: {  	_ =	sdelay $0x2  }
0x139: {  	s8 =	sadd.s32 $0x10, s8;
	v14 =	vor.u32 s11, v1;
	vm6 =	vgt.f32 v12, v8  }
0x13a: {  	v12 =	vsel vm6, v12, v8  }
0x13b: {  	(xrf0) =	vmax.scan.msk.f32 $0xffff, v12;
	_ =	sdelay $0x5  }
0x13c: {  	v13, _, _ =	vpop (xrf0)  }
0x13d: {  	v8 =	vbroadcast v13, $0xF  }
0x13e: {  	v11 =	vsel vm6, v14, v11  }
0x13f: {  	v11 =	vxor.u32 $0x80000000, v11;
	vm6 =	veq.f32 v12, v8  }
0x140: {  	v11 =	vnsel vm6, $0xFFFFFFFF, v11  }
0x141: {  	(xrf0) =	vmin.scan.msk.u32 $0xffff, v11;
	_ =	sdelay $0x5  }
0x142: {  	v11, _, _ =	vpop (xrf0)  }
0x143: {  	(v2sf) =	vpush v11, $0xF;
	_ =	sdelay $0xe  }
0x144: {  	s3 =	spop (v2sf)  }
0x145: {  	s3 =	sxor.u32 $0x80000000, s3  }
0x146: {  	v12 =	vmov s3;
	_ =	sdelay $0x3  }
0x147: {  	s21 =	simm.s32 $0x1180;
	v11 =	vimm.f32 $-Inf  }
0x148: {  	[tilespmem:v12+s21+$0x0] =	vst.idx.msk $0x1, v11  }
0x149: {  	v15 =	vld [tilespmem:s21+$0x0];
	_ =	sdelay $0x3  }
0x14a: {  	s8 =	simm.s32 $0x0  }
0x14b: {  	v14 =	vimm.s32 $0x0;
	v16 =	vor.u32 s8, v1;
	s8 =	simm.s32 $0x1190;
	s3 =	simm.s32 $0x10;
	vm6 =	vgt.f32 v15, v11  }
.LBB2_9:
0x14c: {  	p0 =	sne.s32 s3, $0x18690;
	v11 =	vsel vm6, v15, v11;
	v15 =	vld [tilespmem:s8+$0x0];
	v14 =	vsel vm6, v16, v14;
	s11 =	smov.u32 s3;
	s3 =	sadd.s32 $0x10, s3  }
.Ltmp6:
0x14d: {  	(pc) =	sbr.rel @p0 .LBB2_9-.Ltmp6, $2  }
0x14e: {  	_ =	sdelay $0x2  }
0x14f: {  	s8 =	sadd.s32 $0x10, s8;
	v16 =	vor.u32 s11, v1;
	vm6 =	vgt.f32 v15, v11  }
0x150: {  	v17 =	vsel vm6, v15, v11  }
0x151: {  	(xrf0) =	vmax.scan.msk.f32 $0xffff, v17;
	_ =	sdelay $0x5  }
0x152: {  	v15, _, _ =	vpop (xrf0)  }
0x153: {  	v11 =	vbroadcast v15, $0xF  }
0x154: {  	v14 =	vsel vm6, v16, v14  }
0x155: {  	v14 =	vxor.u32 $0x80000000, v14;
	vm6 =	veq.f32 v17, v11  }
0x156: {  	v14 =	vnsel vm6, $0xFFFFFFFF, v14  }
0x157: {  	(xrf0) =	vmin.scan.msk.u32 $0xffff, v14;
	_ =	sdelay $0x5  }
0x158: {  	v14, _, _ =	vpop (xrf0)  }
0x159: {  	(v2sf) =	vpush v14, $0xF;
	_ =	sdelay $0xe  }
0x15a: {  	s3 =	spop (v2sf)  }
0x15b: {  	s3 =	sxor.u32 $0x80000000, s3  }
0x15c: {  	v14 =	vmov s3;
	_ =	sdelay $0x3  }
0x15d: {  	v16 =	vimm.f32 $-Inf;
	s21 =	simm.s32 $0x1180  }
0x15e: {  	[tilespmem:v14+s21+$0x0] =	vst.idx.msk $0x1, v16  }
0x15f: {  	v18 =	vld [tilespmem:s21+$0x0];
	_ =	sdelay $0x3  }
0x160: {  	s8 =	simm.s32 $0x0  }
0x161: {  	v19 =	vor.u32 s8, v1;
	s8 =	simm.s32 $0x1190;
	v17 =	vimm.s32 $0x0;
	s3 =	simm.s32 $0x10;
	vm6 =	vgt.f32 v18, v16  }
.LBB2_11:
0x162: {  	p0 =	sne.s32 s3, $0x18690;
	v16 =	vsel vm6, v18, v16;
	v18 =	vld [tilespmem:s8+$0x0];
	v17 =	vsel vm6, v19, v17;
	s11 =	smov.u32 s3;
	s3 =	sadd.s32 $0x10, s3  }
.Ltmp7:
0x163: {  	(pc) =	sbr.rel @p0 .LBB2_11-.Ltmp7, $2  }
0x164: {  	_ =	sdelay $0x2  }
0x165: {  	s8 =	sadd.s32 $0x10, s8;
	v19 =	vor.u32 s11, v1;
	vm6 =	vgt.f32 v18, v16  }
0x166: {  	v16 =	vsel vm6, v18, v16  }
0x167: {  	(xrf0) =	vmax.scan.msk.f32 $0xffff, v16;
	_ =	sdelay $0x5  }
0x168: {  	v49, _, _ =	vpop (xrf0)  }
0x169: {  	v20 =	vbroadcast v49, $0xF  }
0x16a: {  	v17 =	vsel vm6, v19, v17  }
0x16b: {  	v50 =	vxor.u32 $0x80000000, v17;
	vm6 =	veq.f32 v16, v20  }
0x16c: {  	v16 =	vnsel vm6, $0xFFFFFFFF, v50  }
0x16d: {  	(xrf0) =	vmin.scan.msk.u32 $0xffff, v16;
	_ =	sdelay $0x1  }
0x16e: {  	(v2sf) =	vpush v4, $0xF  }
0x16f: {  	(v2sf) =	vpush v10, $0xF  }
0x170: {  	(v2sf) =	vpush v13, $0xF  }
0x171: {  	(v2sf) =	vpush v15, $0xF  }
0x172: {  	(v2sf) =	vpush v49, $0xF;
	v51, _, _ =	vpop (xrf0)  }
0x173: {  	(v2sf) =	vpush v51, $0xF;
	_ =	sdelay $0x9  }
0x174: {  	s3 =	spop (v2sf)  }
0x175: {  	s8 =	spop (v2sf)  }
0x176: {  	s11 =	spop (v2sf)  }
0x177: {  	v52 =	vnsel vm2, $0x67, v6;
	s14 =	spop (v2sf)  }
0x178: {  	v4 =	vsel vm3, v52, v9;
	s17 =	spop (v2sf)  }
0x179: {  	v4 =	vsel vm4, v4, v12;
	s21 =	spop (v2sf)  }
0x17a: {  	v4 =	vsel vm5, v4, v14;
	vm6 =	veq.s32 v1, $0x4;
	s21 =	sxor.u32 $0x80000000, s21  }
0x17b: {  	v4 =	vsel vm6, s21, v4;
	_ =	sdelay $0x4  }
0x17c: {  	[tilespmem:s25], [sflag:$0x1] =	stream.indirect_vreg.gather [hbm4b:s1+s2], $0x80, v4, vm1, $0xb8;
	[tilespmem:$0x19900] =	vst v63  }
0x17d: {  	_ =	swait.ge [sflag:s22], $0x800  }
0x17e: {  	(xrf2) =	vadd.scan.msk.f32 $0xffff, v7;
	_ =	sdelay $0x9  }
0x17f: {  	v53, _, _ =	vpop (xrf2)  }
0x180: {  	(v2sf) =	vpush v53, $0xF;
	_ =	sdelay $0xa  }
0x181: {  	s3 =	sadd.f32 s8, s3;
	[sflag:s22] =	ssyncset.done $0x0  }
0x182: {  	[sflag:s22] =	ssyncadd.s32 $0xFFFFF800  }
0x183: {  	s3 =	sadd.f32 s11, s3;
	v56 =	vld [tilespmem:$0x980]  }
0x184: {  	v57 =	vld [tilespmem:$0xA00]  }
0x185: {  	s3 =	sadd.f32 s14, s3;
	v58 =	vld [tilespmem:$0xA80];
	s21 =	spop (v2sf)  }
0x186: {  	v59 =	vld [tilespmem:$0xB00];
	s21 =	ssub.f32 s21, s29  }
0x187: {  	s3 =	sadd.f32 s17, s3;
	v60 =	vld [tilespmem:$0xB80]  }
0x188: {  	v61 =	vld [tilespmem:$0x990];
	s21 =	smul.f32 s21, s28  }
0x189: {  	v55 =	vmov s3;
	v62 =	vld [tilespmem:$0xA10]  }
0x18a: {  	(erf) = vrcp.f32 v55;
	v63 =	vld [tilespmem:$0xA90];
	v54 =	vmov s21  }
0x18b: {  	v34 =	vld [tilespmem:$0xB10];
	v4 =	vsub.f32 $0.0e+00, v54  }
0x18c: {  	v36 =	vld [tilespmem:$0xB90]  }
0x18d: {  	v22 =	vld [tilespmem:$0x9A0];
	v4 =	vmul.f32 $1.442695020e+00, v4  }
0x18e: {  	v37 =	vld [tilespmem:$0xA20]  }
0x18f: {  	v23 =	vld [tilespmem:$0xAA0];
	v4 =	vbroadcast v4, $0x0  }
0x190: {  	v24 =	vld [tilespmem:$0xB20]  }
0x191: {  	v25 =	vld [tilespmem:$0xBA0];
	(erf) = vpow2.f32 v4  }
0x192: {  	v27 =	vld [tilespmem:$0x9B0]  }
0x193: {  	v29 =	vbroadcast v2, $0x0;
	v28 =	vld [tilespmem:$0xA30];
	v33 =	vpop (erf)  }
0x194: {  	v38 =	vld [tilespmem:$0xAB0];
	v3 =	vmul.f32 v33, v3;
	v5 =	vmul.f32 v33, v5  }
0x195: {  	v40 =	vld [tilespmem:$0xB30];
	v8 =	vmul.f32 v33, v8;
	v11 =	vmul.f32 v33, v11  }
0x196: {  	v31 =	vld [tilespmem:$0xBB0];
	v16 =	vmul.f32 v33, v20;
	v6 =	vmul.f32 v56, v3  }
0x197: {  	v44 =	vld [tilespmem:$0x9C0];
	v39 =	vmul.f32 v58, v8;
	v13 =	vmul.f32 v61, v3  }
0x198: {  	v46 =	vld [tilespmem:$0xA40];
	v14 =	vmul.f32 v62, v5;
	v41 =	vmul.f32 v59, v11  }
0x199: {  	v49 =	vld [tilespmem:$0xAC0];
	v10 =	vmul.f32 v60, v16;
	v43 =	vmul.f32 v63, v8  }
0x19a: {  	v51 =	vld [tilespmem:$0xB40];
	v45 =	vmul.f32 v22, v3;
	v47 =	vmul.f32 v27, v3;
	v35 =	vpop (erf)  }
0x19b: {  	v32 =	vld [tilespmem:$0x9F0];
	v48 =	vmul.f32 v28, v5;
	v17 =	vmul.f32 v34, v11;
	v18 =	vadd.f32 $1.000000000e+00, v35  }
0x19c: {  	v50 =	vmul.f32 v23, v8;
	v53 =	vmul.f32 v38, v8;
	v56 =	vld [tilespmem:$0x9D0]  }
0x19d: {  	v59 =	vld [tilespmem:$0xAD0];
	v4 =	vmul.f32 v57, v5;
	(erf) = vrcp.f32 v18  }
0x19e: {  	v55 =	vmul.f32 v24, v11;
	v19 =	vmul.f32 v36, v16;
	v61 =	vld [tilespmem:$0xB50]  }
0x19f: {  	v7 =	vmul.f32 v40, v11;
	v58 =	vmul.f32 v25, v16;
	v62 =	vld [tilespmem:$0xBD0];
	v4 =	vadd.f32 v4, v6  }
0x1a0: {  	v60 =	vmul.f32 v31, v16;
	v33 =	vmul.f32 v44, v3;
	v13 =	vadd.f32 v14, v13;
	v57 =	vld [tilespmem:$0xA50]  }
0x1a1: {  	v34 =	vmul.f32 v46, v5;
	v52 =	vadd.f32 v48, v47;
	v47 =	vld [tilespmem:$0xBF0];
	v4 =	vadd.f32 v39, v4  }
0x1a2: {  	v63 =	vld [tilespmem:$0x9E0];
	v38 =	vmul.f32 v49, v8;
	v23 =	vmul.f32 v51, v11;
	v13 =	vadd.f32 v43, v13  }
0x1a3: {  	v36 =	vmul.f32 v56, v3;
	v40 =	vmul.f32 v59, v8;
	v39 =	vld [tilespmem:$0xAF0];
	v4 =	vadd.f32 v41, v4  }
0x1a4: {  	v43 =	vld [tilespmem:$0xB70];
	v44 =	vmul.f32 v61, v11;
	v18 =	vmul.f32 v37, v5  }
0x1a5: {  	v13 =	vadd.f32 v17, v13;
	v14 =	vmul.f32 v57, v5;
	v41 =	vld [tilespmem:$0xB60];
	v4 =	vadd.f32 v10, v4  }
0x1a6: {  	v12 =	vld [tilespmem:$0x380];
	v57 =	vmul.f32 v47, v16;
	v10 =	vadd.f32 v53, v52;
	v6 =	vadd.f32 v18, v45;
	v30 =	vpop (erf)  }
0x1a7: {  	v21 =	vld [tilespmem:$0x390];
	v13 =	vadd.f32 v19, v13;
	v53 =	vmul.f32 v62, v16;
	v29 =	vmul.f32 v30, v29  }
0x1a8: {  	v42 =	vld [tilespmem:$0x3B0];
	v48 =	vmul.f32 v39, v8;
	v7 =	vadd.f32 v7, v10;
	v6 =	vadd.f32 v50, v6  }
0x1a9: {  	v31 =	vld [tilespmem:$0xA60];
	v10 =	vmul.f32 v63, v3;
	v3 =	vmul.f32 v32, v3;
	v24 =	vsub.f32 $1.000000000e+00, v29  }
0x1aa: {  	v35 =	vld [tilespmem:$0xA70];
	v52 =	vmul.f32 v41, v11;
	v11 =	vmul.f32 v43, v11;
	v6 =	vadd.f32 v55, v6  }
0x1ab: {  	v7 =	vadd.f32 v60, v7;
	v37 =	vld [tilespmem:$0xAE0];
	v4 =	vmul.f32 v4, v29;
	v12 =	vmul.f32 v12, v24  }
0x1ac: {  	v54 =	vld [tilespmem:$0xBC0];
	v6 =	vadd.f32 v58, v6;
	v13 =	vmul.f32 v13, v29;
	v21 =	vmul.f32 v21, v24  }
0x1ad: {  	v45 =	vld [tilespmem:$0xBE0];
	v7 =	vmul.f32 v7, v29;
	v9 =	vmul.f32 v42, v24;
	v4 =	vadd.f32 v4, v12  }
0x1ae: {  	v42 =	vmul.f32 v31, v5;
	v13 =	vadd.f32 v13, v21;
	v12 =	vadd.f32 v34, v33  }
0x1af: {  	v26 =	vld [tilespmem:$0x3A0];
	v5 =	vmul.f32 v35, v5;
	v7 =	vadd.f32 v7, v9;
	v9 =	vadd.f32 v14, v36  }
0x1b0: {  	v49 =	vld [tilespmem:$0x3C0];
	v46 =	vmul.f32 v37, v8;
	v10 =	vadd.f32 v42, v10;
	v12 =	vadd.f32 v38, v12  }
0x1b1: {  	v50 =	vmul.f32 v54, v16;
	v3 =	vadd.f32 v5, v3;
	v9 =	vadd.f32 v40, v9  }
0x1b2: {  	v51 =	vld [tilespmem:$0x3D0];
	v55 =	vmul.f32 v45, v16;
	v10 =	vadd.f32 v46, v10;
	v12 =	vadd.f32 v23, v12  }
0x1b3: {  	v54 =	vld [tilespmem:$0x3E0];
	v6 =	vmul.f32 v6, v29;
	v3 =	vadd.f32 v48, v3;
	v9 =	vadd.f32 v44, v9  }
0x1b4: {  	v56 =	vld [tilespmem:$0x3F0];
	v30 =	vmul.f32 v26, v24;
	v10 =	vadd.f32 v52, v10;
	v12 =	vadd.f32 v50, v12  }
0x1b5: {  	v8 =	vmul.f32 v49, v24;
	v3 =	vadd.f32 v11, v3;
	v5 =	vadd.f32 v53, v9  }
0x1b6: {  	v6 =	vadd.f32 v6, v30;
	[tilespmem:$0x19880] =	vst v4;
	v10 =	vadd.f32 v55, v10;
	v58 =	vmul.f32 v12, v29  }
0x1b7: {  	v59 =	vmul.f32 v51, v24;
	[tilespmem:$0x19890] =	vst v13;
	v3 =	vadd.f32 v57, v3;
	v5 =	vmul.f32 v5, v29  }
0x1b8: {  	v61 =	vmul.f32 v54, v24;
	[tilespmem:$0x198A0] =	vst v6;
	v60 =	vmul.f32 v10, v29;
	v4 =	vadd.f32 v58, v8  }
0x1b9: {  	v62 =	vmul.f32 v56, v24;
	[tilespmem:$0x198B0] =	vst v7;
	v3 =	vmul.f32 v3, v29;
	v5 =	vadd.f32 v5, v59  }
0x1ba: {  	v63 =	vadd.f32 v60, v61;
	[tilespmem:$0x198C0] =	vst v4  }
0x1bb: {  	v3 =	vadd.f32 v3, v62;
	[tilespmem:$0x198D0] =	vst v5  }
0x1bc: {  	[tilespmem:$0x198E0] =	vst v63  }
0x1bd: {  	s8 =	smov.u32 s9;
	s3 =	simm.s32 $0x19880;
	s21 =	simm.s32 $0x100;
	[tilespmem:$0x198F0] =	vst v3  }
.LBB2_13:
0x1be: {  	p0 =	sne.s32 s0, $0x67  }
.Ltmp8:
0x1bf: {  	_ = 	snop;
	(pc) =	sbr.rel @p0 .LBB2_25-.Ltmp8, $4  }
0x1c0: {  	[hbm4b:s8+s2] =	stream.linear.scatter [tilespmem:s3], [sflag:$0x2], $0x80, $0x38;
	[tilespmem:$0x19900] =	vst v63  }
0x1c1: {  	_ =	swait.ge [sflag:s20], $0x80  }
0x1c2: {  	[sflag:s20] =	ssyncset.done $0x0  }
0x1c3: {  	s0 =	simm.s32 $0x200;
	s3 =	smov.u32 s10;
	[sflag:s20] =	ssyncadd.s32 $0xFFFFFF80  }
0x1c4: {  	s0 =	simm.s32 $0x1180;
	s3 =	rddreg [dreg:$0x6]  }
0x1c5: {  	[tilespmem:s0], [sflag:$0x2] =	stream.strided.gather [hbm4b:s3+s23], $0x18700, s24, s23, $0x38;
	[tilespmem:$0x19900] =	vst v63  }
0x1c6: {  	_ =	swait.ge [sflag:s20], $0x18700  }
0x1c7: {  	[sflag:s20] =	ssyncset.done $0x0  }
0x1c8: {  	[sflag:s20] =	ssyncadd.s32 $0xFFFE7900  }
0x1c9: {  	v6 =	vld [tilespmem:s0+$0x0];
	_ =	sdelay $0x4  }
0x1ca: {  	v3 =	vadd.f32 $1.000000010e-10, v6;
	_ =	sdelay $0x1  }
0x1cb: {  	v4 =	vand.u32 $0x7FFFFF, v3  }
0x1cc: {  	v5 =	vor.u32 $0x3F800000, v4  }
0x1cd: {  	s11 =	simm.s32 $0x1190;
	v7 =	vmul.f32 $5.000000000e-01, v5  }
0x1ce: {  	v4 =	vld [tilespmem:s11+$0x0];
	vm6 =	vgt.f32 v5, $1.414213540e+00  }
0x1cf: {  	v5 =	vsel vm6, v7, v5  }
0x1d0: {  	v7 =	vadd.f32 $1.000000000e+00, v5;
	_ =	sdelay $0x1  }
0x1d1: {  	(erf) = vrcp.f32 v7  }
0x1d2: {  	v8 =	vadd.f32 $1.000000010e-10, v4  }
0x1d3: {  	v9 =	vimm.f32 $-Inf;
	s14 =	simm.s32 $0x0  }
0x1d4: {  	v11 =	vimm.s32 $0x0;
	v12 =	vor.u32 s14, v1;
	v10 =	vand.u32 $0x7FFFFF, v8  }
0x1d5: {  	v3 =	vshra.s32 v3, $0x17;
	v13 =	vsel vm6, $0x1, v0;
	v10 =	vor.u32 $0x3F800000, v10  }
0x1d6: {  	s17 =	simm.s32 $0x11A0;
	vm6 =	vgt.f32 v6, v9;
	v3 =	vadd.s32 v13, v3;
	v14 =	vmul.f32 $5.000000000e-01, v10  }
0x1d7: {  	v9 =	vsel vm6, v6, v9;
	v13 =	vadd.s32 $0xFFFFFF81, v3;
	v3 =	vld [tilespmem:s17+$0x0];
	vm7 =	vgt.f32 v10, $1.414213540e+00  }
0x1d8: {  	v11 =	vsel vm6, v12, v11;
	v5 =	vadd.f32 $-1.000000000e+00, v5;
	v10 =	vsel vm7, v14, v10  }
0x1d9: {  	s3 =	simm.s32 $0x10;
	v12 =	vcvt.s32.f32 v13;
	vm6 =	vgt.f32 v4, v9;
	v13 =	vadd.f32 $1.000000000e+00, v10  }
0x1da: {  	v9 =	vsel vm6, v4, v9;
	v8 =	vshra.s32 v8, $0x17;
	v14 =	vor.u32 s3, v1;
	v15 =	vpop (erf)  }
0x1db: {  	(erf) = vrcp.f32 v13;
	v13 =	vsel vm7, $0x1, v0;
	v5 =	vmul.f32 v15, v5  }
0x1dc: {  	v11 =	vsel vm6, v14, v11;
	v8 =	vadd.s32 v13, v8;
	v13 =	vadd.f32 $1.000000010e-10, v3  }
0x1dd: {  	v14 =	vadd.f32 $-1.000000000e+00, v10;
	v8 =	vadd.s32 $0xFFFFFF81, v8;
	v15 =	vmul.f32 v5, v5  }
0x1de: {  	vm6 =	vgt.f32 v3, v9;
	v8 =	vcvt.s32.f32 v8;
	v10 =	vand.u32 $0x7FFFFF, v13  }
0x1df: {  	v17 =	vadd.f32 v5, v5;
	v18 =	vor.u32 $0x3F800000, v10;
	v5 =	vmul.f32 $1.428571490e-01, v15  }
0x1e0: {  	v19 =	vsel vm6, v3, v9;
	v10 =	vmul.f32 $6.931471820e-01, v8;
	vm7 =	vgt.f32 v18, $1.414213540e+00  }
0x1e1: {  	s8 =	simm.s32 $0x20;
	v8 =	vmul.f32 $5.000000000e-01, v18;
	v20 =	vsel vm7, $0x1, v0;
	v9 =	vadd.f32 $2.000000030e-01, v5  }
0x1e2: {  	v16 =	vor.u32 s8, v1;
	s11 =	simm.s32 $0x11B0;
	v13 =	vshra.s32 v13, $0x17  }
0x1e3: {  	v5 =	vld [tilespmem:s11+$0x0];
	v8 =	vsel vm7, v8, v18;
	v13 =	vadd.s32 v20, v13;
	v9 =	vmul.f32 v9, v15  }
0x1e4: {  	v16 =	vsel vm6, v16, v11;
	v18 =	vadd.f32 $1.000000000e+00, v8;
	v11 =	vadd.s32 $0xFFFFFF81, v13;
	v20 =	vpop (erf)  }
0x1e5: {  	v13 =	vmul.f32 v20, v14;
	v14 =	vadd.f32 $-1.000000000e+00, v8;
	v8 =	vadd.f32 $3.333333430e-01, v9  }
0x1e6: {  	(erf) = vrcp.f32 v18;
	v9 =	vcvt.s32.f32 v11  }
0x1e7: {  	s14 =	simm.s32 $0x30;
	v20 =	vmul.f32 v13, v13;
	v11 =	vadd.f32 v13, v13;
	v13 =	vmul.f32 v8, v15  }
0x1e8: {  	v12 =	vmul.f32 $6.931471820e-01, v12;
	v18 =	vor.u32 s14, v1;
	v15 =	vadd.f32 $1.000000010e-10, v5  }
0x1e9: {  	vm6 =	vgt.f32 v5, v19;
	v21 =	vmul.f32 $1.428571490e-01, v20;
	v13 =	vadd.f32 $1.000000000e+00, v13  }
0x1ea: {  	v8 =	vsel vm6, v5, v19;
	v19 =	vand.u32 $0x7FFFFF, v15;
	v15 =	vshra.s32 v15, $0x17  }
0x1eb: {  	v19 =	vor.u32 $0x3F800000, v19;
	v21 =	vadd.f32 $2.000000030e-01, v21;
	v17 =	vmul.f32 v13, v17  }
0x1ec: {  	vm7 =	vgt.f32 v19, $1.414213540e+00;
	v22 =	vmul.f32 $5.000000000e-01, v19;
	v13 =	vsel vm6, v18, v16  }
0x1ed: {  	v16 =	vsel vm7, $0x1, v0;
	v18 =	vmul.f32 v21, v20;
	v62 =	vadd.f32 v17, v12  }
0x1ee: {  	s14 =	simm.s32 $0x11C0;
	v12 =	vadd.s32 v16, v15  }
0x1ef: {  	v16 =	vsel vm7, v22, v19;
	v63 =	vadd.f32 $3.333333430e-01, v18;
	v18 =	vmul.f32 v62, v6;
	v6 =	vld [tilespmem:s14+$0x0]  }
0x1f0: {  	v7 =	vimm.f32 $0.0e+00;
	v15 =	vadd.f32 $-1.000000000e+00, v16;
	v16 =	vadd.f32 $1.000000000e+00, v16;
	v17 =	vpop (erf)  }
0x1f1: {  	s17 =	simm.s32 $0x40;
	v9 =	vmul.f32 $6.931471820e-01, v9;
	v12 =	vadd.s32 $0xFFFFFF81, v12;
	v19 =	vmul.f32 v17, v14  }
0x1f2: {  	s8 =	simm.s32 $0x60;
	s0 =	simm.s32 $0x80;
	v12 =	vcvt.s32.f32 v12;
	v17 =	vor.u32 s17, v1;
	(erf) = vrcp.f32 v16  }
0x1f3: {  	s3 =	simm.s32 $0x70;
	s11 =	simm.s32 $0x50;
	s17 =	simm.s32 $0x90;
	v14 =	vmul.f32 v19, v19;
	v16 =	vadd.f32 v19, v19;
	v19 =	vmul.f32 v63, v20  }
.LBB2_15:
0x1f4: {  	p0 =	sne.s32 s17, $0x18690;
	v20 =	vadd.f32 $1.000000010e-10, v6;
	vm6 =	vgt.f32 v6, v8;
	v12 =	vmul.f32 $6.931471820e-01, v12;
	v21 =	vmovc v6;
	v22 =	vmovc v15  }
0x1f5: {  	v8 =	vsel vm6, v21, v8;
	v6 =	vmul.f32 $1.428571490e-01, v14;
	v15 =	vadd.f32 $1.000000000e+00, v19  }
0x1f6: {  	v7 =	vadd.f32 v18, v7;
	v19 =	vshra.s32 v20, $0x17;
	v20 =	vand.u32 $0x7FFFFF, v20  }
0x1f7: {  	v18 =	vor.u32 $0x3F800000, v20;
	v6 =	vadd.f32 $2.000000030e-01, v6;
	v15 =	vmul.f32 v15, v11;
	v11 =	vmovc v16  }
0x1f8: {  	v13 =	vsel vm6, v17, v13;
	vm7 =	vgt.f32 v18, $1.414213540e+00;
	v16 =	vmul.f32 $5.000000000e-01, v18  }
0x1f9: {  	s14 =	sadd.s32 $0x10, s14;
	v24 =	vsel vm7, $0x1, v0;
	v20 =	vmul.f32 v6, v14;
	v23 =	vadd.f32 v15, v10;
	v10 =	vmovc v9;
	v9 =	vmovc v12  }
.Ltmp9:
0x1fa: {  	v6 =	vld [tilespmem:s14+$0x0];
	v12 =	vadd.s32 v24, v19;
	v16 =	vsel vm7, v16, v18;
	(pc) =	sbr.rel @p0 .LBB2_15-.Ltmp9, $4  }
0x1fb: {  	v12 =	vadd.s32 $0xFFFFFF81, v12;
	v15 =	vadd.f32 $-1.000000000e+00, v16;
	v16 =	vadd.f32 $1.000000000e+00, v16;
	v17 =	vpop (erf)  }
0x1fc: {  	v19 =	vadd.f32 $3.333333430e-01, v20;
	v12 =	vcvt.s32.f32 v12;
	v22 =	vmul.f32 v17, v22  }
0x1fd: {  	v18 =	vmul.f32 v23, v4;
	v4 =	vmovc v3;
	v3 =	vmovc v5;
	v17 =	vor.u32 s11, v1;
	s11 =	smov.u32 s8;
	s8 =	smov.u32 s3;
	s3 =	smov.u32 s0;
	(erf) = vrcp.f32 v16  }
0x1fe: {  	v5 =	vmovc v21;
	s0 =	smov.u32 s17;
	s17 =	sadd.s32 $0x10, s17;
	v19 =	vmul.f32 v19, v14;
	v16 =	vadd.f32 v22, v22;
	v14 =	vmul.f32 v22, v22  }
0x1ff: {  	v20 =	vadd.f32 $1.000000010e-10, v6;
	_ =	sdelay $0x1  }
0x200: {  	v21 =	vand.u32 $0x7FFFFF, v20  }
0x201: {  	v21 =	vor.u32 $0x3F800000, v21  }
0x202: {  	v23 =	vmul.f32 $5.000000000e-01, v21  }
0x203: {  	vm6 =	vgt.f32 v6, v8;
	v18 =	vadd.f32 v18, v7;
	vm7 =	vgt.f32 v21, $1.414213540e+00  }
0x204: {  	s14 =	sadd.s32 $0x10, s14;
	v44 =	vor.u32 s11, v1;
	v27 =	vor.u32 s8, v1;
	v21 =	vsel vm7, v23, v21  }
0x205: {  	v22 =	vmul.f32 $1.428571490e-01, v14;
	v41 =	vsel vm6, v6, v8;
	v8 =	vld [tilespmem:s14+$0x0];
	v24 =	vadd.f32 $1.000000000e+00, v21  }
0x206: {  	v28 =	vor.u32 s3, v1;
	v62 =	vor.u32 s0, v1;
	v19 =	vadd.f32 $1.000000000e+00, v19  }
0x207: {  	v12 =	vmul.f32 $6.931471820e-01, v12;
	v22 =	vadd.f32 $2.000000030e-01, v22;
	(erf) = vrcp.f32 v24  }
0x208: {  	v13 =	vsel vm6, v17, v13;
	v20 =	vshra.s32 v20, $0x17;
	v7 =	vmul.f32 v19, v11;
	v43 =	vpop (erf)  }
0x209: {  	v11 =	vmul.f32 v22, v14;
	v42 =	vsel vm7, $0x1, v0;
	v15 =	vmul.f32 v43, v15  }
0x20a: {  	v10 =	vadd.f32 v7, v10;
	v17 =	vadd.s32 v42, v20;
	v47 =	vadd.f32 $1.000000010e-10, v8  }
0x20b: {  	vm6 =	vgt.f32 v8, v41;
	v7 =	vadd.f32 $3.333333430e-01, v11;
	v45 =	vmul.f32 v15, v15  }
0x20c: {  	s17 =	sadd.s32 $0x10, s14;
	v11 =	vadd.f32 $-1.000000000e+00, v21;
	v4 =	vmul.f32 v10, v4;
	v23 =	vsel vm6, v8, v41  }
0x20d: {  	v48 =	vand.u32 $0x7FFFFF, v47;
	v46 =	vmul.f32 v7, v14;
	v7 =	vld [tilespmem:s17+$0x0];
	v10 =	vmul.f32 $1.428571490e-01, v45  }
0x20e: {  	s11 =	sadd.s32 $0x10, s17;
	v13 =	vsel vm6, v44, v13;
	v39 =	vadd.s32 $0xFFFFFF81, v17;
	v49 =	vor.u32 $0x3F800000, v48  }
0x20f: {  	v51 =	vmul.f32 $5.000000000e-01, v49;
	v14 =	vadd.f32 $1.000000000e+00, v46;
	v50 =	vadd.f32 $2.000000030e-01, v10;
	v10 =	vld [tilespmem:s11+$0x0]  }
0x210: {  	v21 =	vshra.s32 v47, $0x17;
	v4 =	vadd.f32 v4, v18;
	vm7 =	vgt.f32 v49, $1.414213540e+00;
	s11 =	sadd.s32 $0x10, s11;
	v54 =	vpop (erf)  }
0x211: {  	v14 =	vmul.f32 v14, v16;
	v16 =	vsel vm7, v51, v49;
	v18 =	vmul.f32 v54, v11;
	v11 =	vld [tilespmem:s11+$0x0]  }
0x212: {  	v53 =	vsel vm7, $0x1, v0;
	v25 =	vadd.f32 $1.000000000e+00, v16;
	vm6 =	vgt.f32 v7, v23  }
0x213: {  	v15 =	vadd.f32 v15, v15;
	v21 =	vadd.s32 v53, v21;
	v23 =	vsel vm6, v7, v23  }
0x214: {  	v52 =	vadd.f32 $1.000000010e-10, v7;
	(erf) = vrcp.f32 v25;
	vm8 =	vgt.f32 v10, v23  }
0x215: {  	v13 =	vsel vm6, v27, v13;
	v9 =	vadd.f32 v14, v9;
	v23 =	vsel vm8, v10, v23  }
0x216: {  	v22 =	vmul.f32 v50, v45;
	v26 =	vand.u32 $0x7FFFFF, v52;
	vm6 =	vgt.f32 v11, v23  }
0x217: {  	v26 =	vor.u32 $0x3F800000, v26;
	v57 =	vadd.f32 $1.000000010e-10, v10;
	v23 =	vsel vm6, v11, v23  }
0x218: {  	v21 =	vadd.s32 $0xFFFFFF81, v21;
	v55 =	vmul.f32 $5.000000000e-01, v26;
	v22 =	vadd.f32 $3.333333430e-01, v22;
	(xrf0) =	vmax.scan.msk.f32 $0xffff, v23  }
0x219: {  	v3 =	vmul.f32 v9, v3;
	vm7 =	vgt.f32 v26, $1.414213540e+00;
	v59 =	vand.u32 $0x7FFFFF, v57  }
0x21a: {  	v25 =	vsel vm7, v55, v26;
	v20 =	vmul.f32 v22, v45;
	v22 =	vor.u32 $0x3F800000, v59  }
0x21b: {  	v16 =	vadd.f32 $-1.000000000e+00, v16;
	v30 =	vadd.f32 $1.000000000e+00, v25;
	v29 =	vmul.f32 $5.000000000e-01, v22  }
0x21c: {  	v56 =	vsel vm7, $0x1, v0;
	v60 =	vadd.f32 v3, v4;
	vm7 =	vgt.f32 v22, $1.414213540e+00  }
0x21d: {  	(erf) = vrcp.f32 v30;
	v61 =	vadd.f32 $1.000000010e-10, v11;
	v22 =	vsel vm7, v29, v22;
	v3 =	vpop (erf)  }
0x21e: {  	v13 =	vsel vm8, v28, v13;
	v20 =	vadd.f32 $1.000000000e+00, v20;
	v29 =	vadd.f32 $1.000000000e+00, v22;
	v4, _, _ =	vpop (xrf0)  }
0x21f: {  	v63 =	vand.u32 $0x7FFFFF, v61;
	v16 =	vmul.f32 v3, v16;
	v3 =	vbroadcast v4, $0xF  }
0x220: {  	v13 =	vsel vm6, v62, v13;
	(erf) = vrcp.f32 v29;
	v29 =	vor.u32 $0x3F800000, v63  }
0x221: {  	v13 =	vxor.u32 $0x80000000, v13;
	v32 =	vmul.f32 $5.000000000e-01, v29;
	vm6 =	veq.f32 v23, v3  }
0x222: {  	v58 =	vmul.f32 v18, v18;
	v13 =	vnsel vm6, $0xFFFFFFFF, v13;
	vm6 =	vgt.f32 v29, $1.414213540e+00  }
0x223: {  	v21 =	vcvt.s32.f32 v21;
	v15 =	vmul.f32 v20, v15;
	v20 =	vsel vm6, v32, v29;
	(xrf0) =	vmin.scan.msk.u32 $0xffff, v13  }
0x224: {  	v41 =	vshra.s32 v52, $0x17;
	v9 =	vmul.f32 $1.428571490e-01, v58;
	v35 =	vadd.f32 $1.000000000e+00, v20  }
0x225: {  	v21 =	vmul.f32 $6.931471820e-01, v21;
	v36 =	vadd.f32 $-1.000000000e+00, v25;
	v40 =	vadd.f32 v18, v18  }
0x226: {  	v18 =	vadd.s32 v56, v41;
	v9 =	vadd.f32 $2.000000030e-01, v9;
	v37 =	vpop (erf);
	(erf) = vrcp.f32 v35  }
0x227: {  	v47 =	vshra.s32 v57, $0x17;
	v48 =	vsel vm7, $0x1, v0;
	v33 =	vmul.f32 v16, v16  }
0x228: {  	v12 =	vadd.f32 v15, v12;
	v9 =	vmul.f32 v9, v58;
	v14 =	vmul.f32 v37, v36  }
0x229: {  	v43 =	vadd.f32 $-1.000000000e+00, v22;
	v15 =	vcvt.s32.f32 v39;
	v34 =	vmul.f32 $1.428571490e-01, v33;
	v44, _, _ =	vpop (xrf0)  }
0x22a: {  	v9 =	vadd.f32 $3.333333430e-01, v9;
	v42 =	vmul.f32 v14, v14;
	(v2sf) =	vpush v44, $0xF  }
0x22b: {  	v5 =	vmul.f32 v12, v5;
	v15 =	vmul.f32 $6.931471820e-01, v15;
	v38 =	vadd.f32 $2.000000030e-01, v34  }
0x22c: {  	v22 =	vadd.s32 v48, v47;
	v9 =	vmul.f32 v9, v58;
	v45 =	vpop (erf);
	v46 =	vmul.f32 $1.428571490e-01, v42  }
0x22d: {  	v22 =	vadd.s32 $0xFFFFFF81, v22;
	v13 =	vmul.f32 v38, v33;
	v17 =	vmul.f32 v45, v43  }
0x22e: {  	v57 =	vcvt.s32.f32 v22;
	v20 =	vadd.f32 $-1.000000000e+00, v20;
	v19 =	vadd.f32 $2.000000030e-01, v46  }
0x22f: {  	v9 =	vadd.f32 $1.000000000e+00, v9;
	v13 =	vadd.f32 $3.333333430e-01, v13;
	v51 =	vmul.f32 v17, v17;
	v50 =	vpop (erf)  }
0x230: {  	v18 =	vadd.s32 $0xFFFFFF81, v18;
	v49 =	vmul.f32 v19, v42;
	v19 =	vmul.f32 v50, v20  }
0x231: {  	v5 =	vadd.f32 v5, v60;
	v9 =	vmul.f32 v9, v40;
	v13 =	vmul.f32 v13, v33  }
0x232: {  	v16 =	vadd.f32 v16, v16;
	v53 =	vmul.f32 $1.428571490e-01, v51;
	v54 =	vmul.f32 v19, v19  }
0x233: {  	v59 =	vmul.f32 $6.931471820e-01, v57;
	v60 =	vshra.s32 v61, $0x17;
	v9 =	vadd.f32 v9, v15  }
0x234: {  	v13 =	vadd.f32 $1.000000000e+00, v13;
	v55 =	vadd.f32 $2.000000030e-01, v53;
	v56 =	vmul.f32 $1.428571490e-01, v54  }
0x235: {  	v61 =	vsel vm6, $0x1, v0;
	v6 =	vmul.f32 v9, v6;
	v52 =	vadd.f32 $3.333333430e-01, v49  }
0x236: {  	v9 =	vmul.f32 v13, v16;
	v13 =	vmul.f32 v55, v51;
	v15 =	vadd.f32 $2.000000030e-01, v56  }
0x237: {  	v5 =	vadd.f32 v6, v5;
	v6 =	vcvt.s32.f32 v18;
	v12 =	vmul.f32 v52, v42  }
0x238: {  	v17 =	vadd.f32 v17, v17;
	v13 =	vadd.f32 $3.333333430e-01, v13;
	v15 =	vmul.f32 v15, v54  }
0x239: {  	v58 =	vmul.f32 $6.931471820e-01, v6;
	v6 =	vadd.f32 v14, v14;
	v12 =	vadd.f32 $1.000000000e+00, v12;
	s11 =	spop (v2sf)  }
0x23a: {  	v18 =	vadd.s32 v61, v60;
	v13 =	vmul.f32 v13, v51;
	v15 =	vadd.f32 $3.333333430e-01, v15;
	s0 =	sxor.u32 $0x80000000, s11  }
0x23b: {  	v9 =	vadd.f32 v9, v21;
	v12 =	vmul.f32 v12, v6;
	v6 =	vmov s0  }
0x23c: {  	v18 =	vadd.s32 $0xFFFFFF81, v18;
	v13 =	vadd.f32 $1.000000000e+00, v13;
	v15 =	vmul.f32 v15, v54  }
0x23d: {  	v62 =	vcvt.s32.f32 v18;
	v8 =	vmul.f32 v9, v8;
	v9 =	vadd.f32 v12, v58  }
0x23e: {  	v63 =	vadd.f32 v19, v19;
	v13 =	vmul.f32 v13, v17;
	v15 =	vadd.f32 $1.000000000e+00, v15  }
0x23f: {  	s14 =	simm.s32 $0x1180;
	v8 =	vadd.f32 v8, v5;
	v5 =	vimm.f32 $-Inf;
	v7 =	vmul.f32 v9, v7  }
0x240: {  	v16 =	vmul.f32 $6.931471820e-01, v62;
	v9 =	vadd.f32 v13, v59;
	v12 =	vmul.f32 v15, v63;
	[tilespmem:v6+s14+$0x0] =	vst.idx.msk $0x1, v5  }
0x241: {  	v7 =	vadd.f32 v7, v8;
	v8 =	vld [tilespmem:s14+$0x0]  }
0x242: {  	v9 =	vmul.f32 v9, v10;
	v10 =	vadd.f32 v12, v16;
	_ =	sdelay $0x1  }
0x243: {  	s17 =	simm.s32 $0x0;
	v7 =	vadd.f32 v9, v7;
	v9 =	vmul.f32 v10, v11  }
0x244: {  	v11 =	vor.u32 s17, v1  }
0x245: {  	s3 =	simm.s32 $0x1190;
	s0 =	simm.s32 $0x10;
	v7 =	vadd.f32 v9, v7;
	v9 =	vimm.s32 $0x0;
	vm6 =	vgt.f32 v8, v5  }
.LBB2_17:
0x246: {  	p0 =	sne.s32 s0, $0x18690;
	v5 =	vsel vm6, v8, v5;
	v8 =	vld [tilespmem:s3+$0x0];
	v9 =	vsel vm6, v11, v9;
	s8 =	smov.u32 s0;
	s0 =	sadd.s32 $0x10, s0  }
.Ltmp10:
0x247: {  	(pc) =	sbr.rel @p0 .LBB2_17-.Ltmp10, $2  }
0x248: {  	_ =	sdelay $0x2  }
0x249: {  	s3 =	sadd.s32 $0x10, s3;
	v11 =	vor.u32 s8, v1;
	vm6 =	vgt.f32 v8, v5  }
0x24a: {  	v8 =	vsel vm6, v8, v5  }
0x24b: {  	(xrf0) =	vmax.scan.msk.f32 $0xffff, v8;
	_ =	sdelay $0x5  }
0x24c: {  	v10, _, _ =	vpop (xrf0)  }
0x24d: {  	v5 =	vbroadcast v10, $0xF  }
0x24e: {  	v9 =	vsel vm6, v11, v9  }
0x24f: {  	vm6 =	veq.f32 v8, v5;
	v8 =	vxor.u32 $0x80000000, v9  }
0x250: {  	v8 =	vnsel vm6, $0xFFFFFFFF, v8  }
0x251: {  	(xrf0) =	vmin.scan.msk.u32 $0xffff, v8;
	_ =	sdelay $0x5  }
0x252: {  	v8, _, _ =	vpop (xrf0)  }
0x253: {  	(v2sf) =	vpush v8, $0xF;
	_ =	sdelay $0xe  }
0x254: {  	s0 =	spop (v2sf)  }
0x255: {  	s0 =	sxor.u32 $0x80000000, s0  }
0x256: {  	v9 =	vmov s0;
	_ =	sdelay $0x3  }
0x257: {  	s17 =	simm.s32 $0x1180;
	v8 =	vimm.f32 $-Inf  }
0x258: {  	[tilespmem:v9+s17+$0x0] =	vst.idx.msk $0x1, v8  }
0x259: {  	v12 =	vld [tilespmem:s17+$0x0];
	_ =	sdelay $0x3  }
0x25a: {  	s3 =	simm.s32 $0x0  }
0x25b: {  	v11 =	vimm.s32 $0x0;
	v14 =	vor.u32 s3, v1;
	s3 =	simm.s32 $0x1190;
	s0 =	simm.s32 $0x10;
	vm6 =	vgt.f32 v12, v8  }
.LBB2_19:
0x25c: {  	p0 =	sne.s32 s0, $0x18690;
	v8 =	vsel vm6, v12, v8;
	v12 =	vld [tilespmem:s3+$0x0];
	v11 =	vsel vm6, v14, v11;
	s8 =	smov.u32 s0;
	s0 =	sadd.s32 $0x10, s0  }
.Ltmp11:
0x25d: {  	(pc) =	sbr.rel @p0 .LBB2_19-.Ltmp11, $2  }
0x25e: {  	_ =	sdelay $0x2  }
0x25f: {  	s3 =	sadd.s32 $0x10, s3;
	v14 =	vor.u32 s8, v1;
	vm6 =	vgt.f32 v12, v8  }
0x260: {  	v12 =	vsel vm6, v12, v8  }
0x261: {  	(xrf0) =	vmax.scan.msk.f32 $0xffff, v12;
	_ =	sdelay $0x5  }
0x262: {  	v13, _, _ =	vpop (xrf0)  }
0x263: {  	v8 =	vbroadcast v13, $0xF  }
0x264: {  	v11 =	vsel vm6, v14, v11  }
0x265: {  	v11 =	vxor.u32 $0x80000000, v11;
	vm6 =	veq.f32 v12, v8  }
0x266: {  	v11 =	vnsel vm6, $0xFFFFFFFF, v11  }
0x267: {  	(xrf0) =	vmin.scan.msk.u32 $0xffff, v11;
	_ =	sdelay $0x5  }
0x268: {  	v11, _, _ =	vpop (xrf0)  }
0x269: {  	(v2sf) =	vpush v11, $0xF;
	_ =	sdelay $0xe  }
0x26a: {  	s0 =	spop (v2sf)  }
0x26b: {  	s0 =	sxor.u32 $0x80000000, s0  }
0x26c: {  	v12 =	vmov s0;
	_ =	sdelay $0x3  }
0x26d: {  	s17 =	simm.s32 $0x1180;
	v11 =	vimm.f32 $-Inf  }
0x26e: {  	[tilespmem:v12+s17+$0x0] =	vst.idx.msk $0x1, v11  }
0x26f: {  	v15 =	vld [tilespmem:s17+$0x0];
	_ =	sdelay $0x3  }
0x270: {  	s3 =	simm.s32 $0x0  }
0x271: {  	v14 =	vimm.s32 $0x0;
	v16 =	vor.u32 s3, v1;
	s3 =	simm.s32 $0x1190;
	s0 =	simm.s32 $0x10;
	vm6 =	vgt.f32 v15, v11  }
.LBB2_21:
0x272: {  	p0 =	sne.s32 s0, $0x18690;
	v11 =	vsel vm6, v15, v11;
	v15 =	vld [tilespmem:s3+$0x0];
	v14 =	vsel vm6, v16, v14;
	s8 =	smov.u32 s0;
	s0 =	sadd.s32 $0x10, s0  }
.Ltmp12:
0x273: {  	(pc) =	sbr.rel @p0 .LBB2_21-.Ltmp12, $2  }
0x274: {  	_ =	sdelay $0x2  }
0x275: {  	s3 =	sadd.s32 $0x10, s3;
	v16 =	vor.u32 s8, v1;
	vm6 =	vgt.f32 v15, v11  }
0x276: {  	v17 =	vsel vm6, v15, v11  }
0x277: {  	(xrf0) =	vmax.scan.msk.f32 $0xffff, v17;
	_ =	sdelay $0x5  }
0x278: {  	v15, _, _ =	vpop (xrf0)  }
0x279: {  	v11 =	vbroadcast v15, $0xF  }
0x27a: {  	v14 =	vsel vm6, v16, v14  }
0x27b: {  	v14 =	vxor.u32 $0x80000000, v14;
	vm6 =	veq.f32 v17, v11  }
0x27c: {  	v14 =	vnsel vm6, $0xFFFFFFFF, v14  }
0x27d: {  	(xrf0) =	vmin.scan.msk.u32 $0xffff, v14;
	_ =	sdelay $0x5  }
0x27e: {  	v14, _, _ =	vpop (xrf0)  }
0x27f: {  	(v2sf) =	vpush v14, $0xF;
	_ =	sdelay $0xe  }
0x280: {  	s0 =	spop (v2sf)  }
0x281: {  	s0 =	sxor.u32 $0x80000000, s0  }
0x282: {  	v14 =	vmov s0;
	_ =	sdelay $0x3  }
0x283: {  	v16 =	vimm.f32 $-Inf;
	s17 =	simm.s32 $0x1180  }
0x284: {  	[tilespmem:v14+s17+$0x0] =	vst.idx.msk $0x1, v16  }
0x285: {  	v18 =	vld [tilespmem:s17+$0x0];
	_ =	sdelay $0x3  }
0x286: {  	s3 =	simm.s32 $0x0  }
0x287: {  	v19 =	vor.u32 s3, v1;
	s3 =	simm.s32 $0x1190;
	v17 =	vimm.s32 $0x0;
	s0 =	simm.s32 $0x10;
	vm6 =	vgt.f32 v18, v16  }
.LBB2_23:
0x288: {  	p0 =	sne.s32 s0, $0x18690;
	v16 =	vsel vm6, v18, v16;
	v18 =	vld [tilespmem:s3+$0x0];
	v17 =	vsel vm6, v19, v17;
	s8 =	smov.u32 s0;
	s0 =	sadd.s32 $0x10, s0  }
.Ltmp13:
0x289: {  	(pc) =	sbr.rel @p0 .LBB2_23-.Ltmp13, $2  }
0x28a: {  	_ =	sdelay $0x2  }
0x28b: {  	s3 =	sadd.s32 $0x10, s3;
	v19 =	vor.u32 s8, v1;
	vm6 =	vgt.f32 v18, v16  }
0x28c: {  	v16 =	vsel vm6, v18, v16  }
0x28d: {  	(xrf0) =	vmax.scan.msk.f32 $0xffff, v16;
	_ =	sdelay $0x5  }
0x28e: {  	v49, _, _ =	vpop (xrf0)  }
0x28f: {  	v20 =	vbroadcast v49, $0xF  }
0x290: {  	v17 =	vsel vm6, v19, v17  }
0x291: {  	v50 =	vxor.u32 $0x80000000, v17;
	vm6 =	veq.f32 v16, v20  }
0x292: {  	v16 =	vnsel vm6, $0xFFFFFFFF, v50  }
0x293: {  	(xrf0) =	vmin.scan.msk.u32 $0xffff, v16;
	_ =	sdelay $0x1  }
0x294: {  	(v2sf) =	vpush v4, $0xF  }
0x295: {  	(v2sf) =	vpush v10, $0xF  }
0x296: {  	(v2sf) =	vpush v13, $0xF  }
0x297: {  	(v2sf) =	vpush v15, $0xF  }
0x298: {  	(v2sf) =	vpush v49, $0xF;
	v51, _, _ =	vpop (xrf0)  }
0x299: {  	(v2sf) =	vpush v51, $0xF;
	_ =	sdelay $0x9  }
0x29a: {  	s0 =	spop (v2sf)  }
0x29b: {  	s3 =	spop (v2sf)  }
0x29c: {  	s8 =	spop (v2sf)  }
0x29d: {  	v52 =	vnsel vm2, $0x67, v6;
	s11 =	spop (v2sf)  }
0x29e: {  	v4 =	vsel vm3, v52, v9;
	s14 =	spop (v2sf)  }
0x29f: {  	v4 =	vsel vm4, v4, v12;
	s17 =	spop (v2sf)  }
0x2a0: {  	v4 =	vsel vm5, v4, v14;
	vm6 =	veq.s32 v1, $0x4;
	s17 =	sxor.u32 $0x80000000, s17  }
0x2a1: {  	v4 =	vsel vm6, s17, v4;
	_ =	sdelay $0x4  }
0x2a2: {  	[tilespmem:s25], [sflag:$0x1] =	stream.indirect_vreg.gather [hbm4b:s1+s2], $0x80, v4, vm1, $0xb8;
	[tilespmem:$0x19900] =	vst v63  }
0x2a3: {  	_ =	swait.ge [sflag:s22], $0x800  }
0x2a4: {  	(xrf2) =	vadd.scan.msk.f32 $0xffff, v7;
	_ =	sdelay $0x9  }
0x2a5: {  	v53, _, _ =	vpop (xrf2)  }
0x2a6: {  	(v2sf) =	vpush v53, $0xF;
	_ =	sdelay $0xa  }
0x2a7: {  	s0 =	sadd.f32 s3, s0;
	[sflag:s22] =	ssyncset.done $0x0  }
0x2a8: {  	[sflag:s22] =	ssyncadd.s32 $0xFFFFF800  }
0x2a9: {  	s0 =	sadd.f32 s8, s0;
	v56 =	vld [tilespmem:$0x980]  }
0x2aa: {  	v57 =	vld [tilespmem:$0xA00]  }
0x2ab: {  	s0 =	sadd.f32 s11, s0;
	v58 =	vld [tilespmem:$0xA80];
	s17 =	spop (v2sf)  }
0x2ac: {  	v59 =	vld [tilespmem:$0xB00];
	s17 =	ssub.f32 s17, s29  }
0x2ad: {  	s0 =	sadd.f32 s14, s0;
	v60 =	vld [tilespmem:$0xB80]  }
0x2ae: {  	v61 =	vld [tilespmem:$0x990];
	s17 =	smul.f32 s17, s28  }
0x2af: {  	v55 =	vmov s0;
	v62 =	vld [tilespmem:$0xA10]  }
0x2b0: {  	(erf) = vrcp.f32 v55;
	v63 =	vld [tilespmem:$0xA90];
	v54 =	vmov s17  }
0x2b1: {  	v34 =	vld [tilespmem:$0xB10];
	v4 =	vsub.f32 $0.0e+00, v54  }
0x2b2: {  	v36 =	vld [tilespmem:$0xB90]  }
0x2b3: {  	v22 =	vld [tilespmem:$0x9A0];
	v4 =	vmul.f32 $1.442695020e+00, v4  }
0x2b4: {  	v37 =	vld [tilespmem:$0xA20]  }
0x2b5: {  	v23 =	vld [tilespmem:$0xAA0];
	v4 =	vbroadcast v4, $0x0  }
0x2b6: {  	v24 =	vld [tilespmem:$0xB20]  }
0x2b7: {  	v25 =	vld [tilespmem:$0xBA0];
	(erf) = vpow2.f32 v4  }
0x2b8: {  	v27 =	vld [tilespmem:$0x9B0]  }
0x2b9: {  	v29 =	vbroadcast v2, $0x0;
	v28 =	vld [tilespmem:$0xA30];
	v33 =	vpop (erf)  }
0x2ba: {  	v38 =	vld [tilespmem:$0xAB0];
	v3 =	vmul.f32 v33, v3;
	v5 =	vmul.f32 v33, v5  }
0x2bb: {  	v40 =	vld [tilespmem:$0xB30];
	v8 =	vmul.f32 v33, v8;
	v11 =	vmul.f32 v33, v11  }
0x2bc: {  	v31 =	vld [tilespmem:$0xBB0];
	v16 =	vmul.f32 v33, v20;
	v6 =	vmul.f32 v56, v3  }
0x2bd: {  	v44 =	vld [tilespmem:$0x9C0];
	v39 =	vmul.f32 v58, v8;
	v13 =	vmul.f32 v61, v3  }
0x2be: {  	v46 =	vld [tilespmem:$0xA40];
	v14 =	vmul.f32 v62, v5;
	v41 =	vmul.f32 v59, v11  }
0x2bf: {  	v49 =	vld [tilespmem:$0xAC0];
	v10 =	vmul.f32 v60, v16;
	v43 =	vmul.f32 v63, v8  }
0x2c0: {  	v51 =	vld [tilespmem:$0xB40];
	v45 =	vmul.f32 v22, v3;
	v47 =	vmul.f32 v27, v3;
	v35 =	vpop (erf)  }
0x2c1: {  	v32 =	vld [tilespmem:$0x9F0];
	v48 =	vmul.f32 v28, v5;
	v17 =	vmul.f32 v34, v11;
	v18 =	vadd.f32 $1.000000000e+00, v35  }
0x2c2: {  	v50 =	vmul.f32 v23, v8;
	v53 =	vmul.f32 v38, v8;
	v56 =	vld [tilespmem:$0x9D0]  }
0x2c3: {  	v59 =	vld [tilespmem:$0xAD0];
	v4 =	vmul.f32 v57, v5;
	(erf) = vrcp.f32 v18  }
0x2c4: {  	v55 =	vmul.f32 v24, v11;
	v19 =	vmul.f32 v36, v16;
	v61 =	vld [tilespmem:$0xB50]  }
0x2c5: {  	v7 =	vmul.f32 v40, v11;
	v58 =	vmul.f32 v25, v16;
	v62 =	vld [tilespmem:$0xBD0];
	v4 =	vadd.f32 v4, v6  }
0x2c6: {  	v60 =	vmul.f32 v31, v16;
	v33 =	vmul.f32 v44, v3;
	v13 =	vadd.f32 v14, v13;
	v57 =	vld [tilespmem:$0xA50]  }
0x2c7: {  	v34 =	vmul.f32 v46, v5;
	v52 =	vadd.f32 v48, v47;
	v47 =	vld [tilespmem:$0xBF0];
	v4 =	vadd.f32 v39, v4  }
0x2c8: {  	v63 =	vld [tilespmem:$0x9E0];
	v38 =	vmul.f32 v49, v8;
	v23 =	vmul.f32 v51, v11;
	v13 =	vadd.f32 v43, v13  }
0x2c9: {  	v36 =	vmul.f32 v56, v3;
	v40 =	vmul.f32 v59, v8;
	v39 =	vld [tilespmem:$0xAF0];
	v4 =	vadd.f32 v41, v4  }
0x2ca: {  	v43 =	vld [tilespmem:$0xB70];
	v44 =	vmul.f32 v61, v11;
	v18 =	vmul.f32 v37, v5  }
0x2cb: {  	v13 =	vadd.f32 v17, v13;
	v14 =	vmul.f32 v57, v5;
	v41 =	vld [tilespmem:$0xB60];
	v4 =	vadd.f32 v10, v4  }
0x2cc: {  	v12 =	vld [tilespmem:$0x380];
	v57 =	vmul.f32 v47, v16;
	v10 =	vadd.f32 v53, v52;
	v6 =	vadd.f32 v18, v45;
	v30 =	vpop (erf)  }
0x2cd: {  	v21 =	vld [tilespmem:$0x390];
	v13 =	vadd.f32 v19, v13;
	v53 =	vmul.f32 v62, v16;
	v29 =	vmul.f32 v30, v29  }
0x2ce: {  	v42 =	vld [tilespmem:$0x3B0];
	v48 =	vmul.f32 v39, v8;
	v7 =	vadd.f32 v7, v10;
	v6 =	vadd.f32 v50, v6  }
0x2cf: {  	v31 =	vld [tilespmem:$0xA60];
	v10 =	vmul.f32 v63, v3;
	v3 =	vmul.f32 v32, v3;
	v24 =	vsub.f32 $1.000000000e+00, v29  }
0x2d0: {  	v35 =	vld [tilespmem:$0xA70];
	v52 =	vmul.f32 v41, v11;
	v11 =	vmul.f32 v43, v11;
	v6 =	vadd.f32 v55, v6  }
0x2d1: {  	v7 =	vadd.f32 v60, v7;
	v37 =	vld [tilespmem:$0xAE0];
	v4 =	vmul.f32 v4, v29;
	v12 =	vmul.f32 v12, v24  }
0x2d2: {  	v54 =	vld [tilespmem:$0xBC0];
	v6 =	vadd.f32 v58, v6;
	v13 =	vmul.f32 v13, v29;
	v21 =	vmul.f32 v21, v24  }
0x2d3: {  	v45 =	vld [tilespmem:$0xBE0];
	v7 =	vmul.f32 v7, v29;
	v9 =	vmul.f32 v42, v24;
	v4 =	vadd.f32 v4, v12  }
0x2d4: {  	v42 =	vmul.f32 v31, v5;
	v13 =	vadd.f32 v13, v21;
	v12 =	vadd.f32 v34, v33  }
0x2d5: {  	v26 =	vld [tilespmem:$0x3A0];
	v5 =	vmul.f32 v35, v5;
	v7 =	vadd.f32 v7, v9;
	v9 =	vadd.f32 v14, v36  }
0x2d6: {  	v49 =	vld [tilespmem:$0x3C0];
	v46 =	vmul.f32 v37, v8;
	v10 =	vadd.f32 v42, v10;
	v12 =	vadd.f32 v38, v12  }
0x2d7: {  	v50 =	vmul.f32 v54, v16;
	v3 =	vadd.f32 v5, v3;
	v9 =	vadd.f32 v40, v9  }
0x2d8: {  	v51 =	vld [tilespmem:$0x3D0];
	v55 =	vmul.f32 v45, v16;
	v10 =	vadd.f32 v46, v10;
	v12 =	vadd.f32 v23, v12  }
0x2d9: {  	v54 =	vld [tilespmem:$0x3E0];
	v6 =	vmul.f32 v6, v29;
	v3 =	vadd.f32 v48, v3;
	v9 =	vadd.f32 v44, v9  }
0x2da: {  	v56 =	vld [tilespmem:$0x3F0];
	v30 =	vmul.f32 v26, v24;
	v10 =	vadd.f32 v52, v10;
	v12 =	vadd.f32 v50, v12  }
0x2db: {  	v8 =	vmul.f32 v49, v24;
	v3 =	vadd.f32 v11, v3;
	v5 =	vadd.f32 v53, v9  }
0x2dc: {  	v6 =	vadd.f32 v6, v30;
	[tilespmem:$0x19880] =	vst v4;
	v10 =	vadd.f32 v55, v10;
	v58 =	vmul.f32 v12, v29  }
0x2dd: {  	v59 =	vmul.f32 v51, v24;
	[tilespmem:$0x19890] =	vst v13;
	v3 =	vadd.f32 v57, v3;
	v5 =	vmul.f32 v5, v29  }
0x2de: {  	v61 =	vmul.f32 v54, v24;
	[tilespmem:$0x198A0] =	vst v6;
	v60 =	vmul.f32 v10, v29;
	v4 =	vadd.f32 v58, v8  }
0x2df: {  	v62 =	vmul.f32 v56, v24;
	[tilespmem:$0x198B0] =	vst v7;
	v3 =	vmul.f32 v3, v29;
	v5 =	vadd.f32 v5, v59  }
0x2e0: {  	v63 =	vadd.f32 v60, v61;
	[tilespmem:$0x198C0] =	vst v4  }
0x2e1: {  	v3 =	vadd.f32 v3, v62;
	[tilespmem:$0x198D0] =	vst v5  }
0x2e2: {  	[tilespmem:$0x198E0] =	vst v63  }
0x2e3: {  	s3 =	smov.u32 s12;
	s0 =	simm.s32 $0x19880;
	[tilespmem:$0x198F0] =	vst v3  }
.LBB2_25:
0x2e4: {  	p0 =	sne.s32 s31, $0x67  }
.Ltmp14:
0x2e5: {  	_ = 	snop;
	(pc) =	sbr.rel @p0 .LBB2_37-.Ltmp14, $4  }
0x2e6: {  	[hbm4b:s3+s2] =	stream.linear.scatter [tilespmem:s0], [sflag:$0x2], $0x80, $0x38;
	[tilespmem:$0x19900] =	vst v63  }
0x2e7: {  	_ =	swait.ge [sflag:s20], $0x80  }
0x2e8: {  	[sflag:s20] =	ssyncset.done $0x0  }
0x2e9: {  	s0 =	simm.s32 $0x280;
	s3 =	smov.u32 s13;
	[sflag:s20] =	ssyncadd.s32 $0xFFFFFF80  }
0x2ea: {  	s0 =	simm.s32 $0x1180;
	s3 =	rddreg [dreg:$0x7]  }
0x2eb: {  	[tilespmem:s0], [sflag:$0x2] =	stream.strided.gather [hbm4b:s3+s23], $0x18700, s24, s23, $0x38;
	[tilespmem:$0x19900] =	vst v63  }
0x2ec: {  	_ =	swait.ge [sflag:s20], $0x18700  }
0x2ed: {  	[sflag:s20] =	ssyncset.done $0x0  }
0x2ee: {  	[sflag:s20] =	ssyncadd.s32 $0xFFFE7900  }
0x2ef: {  	v6 =	vld [tilespmem:s0+$0x0];
	_ =	sdelay $0x4  }
0x2f0: {  	v3 =	vadd.f32 $1.000000010e-10, v6;
	_ =	sdelay $0x1  }
0x2f1: {  	v4 =	vand.u32 $0x7FFFFF, v3  }
0x2f2: {  	v5 =	vor.u32 $0x3F800000, v4  }
0x2f3: {  	s17 =	simm.s32 $0x1190;
	v7 =	vmul.f32 $5.000000000e-01, v5  }
0x2f4: {  	v4 =	vld [tilespmem:s17+$0x0];
	vm6 =	vgt.f32 v5, $1.414213540e+00  }
0x2f5: {  	v5 =	vsel vm6, v7, v5  }
0x2f6: {  	v7 =	vadd.f32 $1.000000000e+00, v5;
	_ =	sdelay $0x1  }
0x2f7: {  	(erf) = vrcp.f32 v7  }
0x2f8: {  	v8 =	vadd.f32 $1.000000010e-10, v4  }
0x2f9: {  	v9 =	vimm.f32 $-Inf;
	s31 =	simm.s32 $0x0  }
0x2fa: {  	v11 =	vimm.s32 $0x0;
	v12 =	vor.u32 s31, v1;
	v10 =	vand.u32 $0x7FFFFF, v8  }
0x2fb: {  	v3 =	vshra.s32 v3, $0x17;
	v13 =	vsel vm6, $0x1, v0;
	v10 =	vor.u32 $0x3F800000, v10  }
0x2fc: {  	s3 =	simm.s32 $0x11A0;
	vm6 =	vgt.f32 v6, v9;
	v3 =	vadd.s32 v13, v3;
	v14 =	vmul.f32 $5.000000000e-01, v10  }
0x2fd: {  	v9 =	vsel vm6, v6, v9;
	v13 =	vadd.s32 $0xFFFFFF81, v3;
	v3 =	vld [tilespmem:s3+$0x0];
	vm7 =	vgt.f32 v10, $1.414213540e+00  }
0x2fe: {  	v11 =	vsel vm6, v12, v11;
	v5 =	vadd.f32 $-1.000000000e+00, v5;
	v10 =	vsel vm7, v14, v10  }
0x2ff: {  	s8 =	simm.s32 $0x10;
	v12 =	vcvt.s32.f32 v13;
	vm6 =	vgt.f32 v4, v9;
	v13 =	vadd.f32 $1.000000000e+00, v10  }
0x300: {  	v9 =	vsel vm6, v4, v9;
	v8 =	vshra.s32 v8, $0x17;
	v14 =	vor.u32 s8, v1;
	v15 =	vpop (erf)  }
0x301: {  	(erf) = vrcp.f32 v13;
	v13 =	vsel vm7, $0x1, v0;
	v5 =	vmul.f32 v15, v5  }
0x302: {  	v11 =	vsel vm6, v14, v11;
	v8 =	vadd.s32 v13, v8;
	v13 =	vadd.f32 $1.000000010e-10, v3  }
0x303: {  	v14 =	vadd.f32 $-1.000000000e+00, v10;
	v8 =	vadd.s32 $0xFFFFFF81, v8;
	v15 =	vmul.f32 v5, v5  }
0x304: {  	vm6 =	vgt.f32 v3, v9;
	v8 =	vcvt.s32.f32 v8;
	v10 =	vand.u32 $0x7FFFFF, v13  }
0x305: {  	v17 =	vadd.f32 v5, v5;
	v18 =	vor.u32 $0x3F800000, v10;
	v5 =	vmul.f32 $1.428571490e-01, v15  }
0x306: {  	v19 =	vsel vm6, v3, v9;
	v10 =	vmul.f32 $6.931471820e-01, v8;
	vm7 =	vgt.f32 v18, $1.414213540e+00  }
0x307: {  	s11 =	simm.s32 $0x20;
	v8 =	vmul.f32 $5.000000000e-01, v18;
	v20 =	vsel vm7, $0x1, v0;
	v9 =	vadd.f32 $2.000000030e-01, v5  }
0x308: {  	s14 =	simm.s32 $0x11B0;
	v16 =	vor.u32 s11, v1;
	v13 =	vshra.s32 v13, $0x17  }
0x309: {  	v5 =	vld [tilespmem:s14+$0x0];
	v8 =	vsel vm7, v8, v18;
	v13 =	vadd.s32 v20, v13;
	v9 =	vmul.f32 v9, v15  }
0x30a: {  	v16 =	vsel vm6, v16, v11;
	v18 =	vadd.f32 $1.000000000e+00, v8;
	v11 =	vadd.s32 $0xFFFFFF81, v13;
	v20 =	vpop (erf)  }
0x30b: {  	v13 =	vmul.f32 v20, v14;
	v14 =	vadd.f32 $-1.000000000e+00, v8;
	v8 =	vadd.f32 $3.333333430e-01, v9  }
0x30c: {  	(erf) = vrcp.f32 v18;
	v9 =	vcvt.s32.f32 v11  }
0x30d: {  	s17 =	simm.s32 $0x30;
	v20 =	vmul.f32 v13, v13;
	v11 =	vadd.f32 v13, v13;
	v13 =	vmul.f32 v8, v15  }
0x30e: {  	v12 =	vmul.f32 $6.931471820e-01, v12;
	v18 =	vor.u32 s17, v1;
	v15 =	vadd.f32 $1.000000010e-10, v5  }
0x30f: {  	vm6 =	vgt.f32 v5, v19;
	v21 =	vmul.f32 $1.428571490e-01, v20;
	v13 =	vadd.f32 $1.000000000e+00, v13  }
0x310: {  	v8 =	vsel vm6, v5, v19;
	v19 =	vand.u32 $0x7FFFFF, v15;
	v15 =	vshra.s32 v15, $0x17  }
0x311: {  	v19 =	vor.u32 $0x3F800000, v19;
	v21 =	vadd.f32 $2.000000030e-01, v21;
	v17 =	vmul.f32 v13, v17  }
0x312: {  	vm7 =	vgt.f32 v19, $1.414213540e+00;
	v22 =	vmul.f32 $5.000000000e-01, v19;
	v13 =	vsel vm6, v18, v16  }
0x313: {  	v16 =	vsel vm7, $0x1, v0;
	v18 =	vmul.f32 v21, v20;
	v62 =	vadd.f32 v17, v12  }
0x314: {  	s14 =	simm.s32 $0x11C0;
	v12 =	vadd.s32 v16, v15  }
0x315: {  	v16 =	vsel vm7, v22, v19;
	v63 =	vadd.f32 $3.333333430e-01, v18;
	v18 =	vmul.f32 v62, v6;
	v6 =	vld [tilespmem:s14+$0x0]  }
0x316: {  	v7 =	vimm.f32 $0.0e+00;
	v15 =	vadd.f32 $-1.000000000e+00, v16;
	v16 =	vadd.f32 $1.000000000e+00, v16;
	v17 =	vpop (erf)  }
0x317: {  	s31 =	simm.s32 $0x40;
	v9 =	vmul.f32 $6.931471820e-01, v9;
	v12 =	vadd.s32 $0xFFFFFF81, v12;
	v19 =	vmul.f32 v17, v14  }
0x318: {  	s11 =	simm.s32 $0x50;
	s0 =	simm.s32 $0x80;
	v12 =	vcvt.s32.f32 v12;
	v17 =	vor.u32 s31, v1;
	(erf) = vrcp.f32 v16  }
0x319: {  	s3 =	simm.s32 $0x70;
	s8 =	simm.s32 $0x60;
	s17 =	simm.s32 $0x90;
	v14 =	vmul.f32 v19, v19;
	v16 =	vadd.f32 v19, v19;
	v19 =	vmul.f32 v63, v20  }
.LBB2_27:
0x31a: {  	p0 =	sne.s32 s17, $0x18690;
	v20 =	vadd.f32 $1.000000010e-10, v6;
	vm6 =	vgt.f32 v6, v8;
	v12 =	vmul.f32 $6.931471820e-01, v12;
	v21 =	vmovc v6;
	v22 =	vmovc v15  }
0x31b: {  	v8 =	vsel vm6, v21, v8;
	v6 =	vmul.f32 $1.428571490e-01, v14;
	v15 =	vadd.f32 $1.000000000e+00, v19  }
0x31c: {  	v7 =	vadd.f32 v18, v7;
	v19 =	vshra.s32 v20, $0x17;
	v20 =	vand.u32 $0x7FFFFF, v20  }
0x31d: {  	v18 =	vor.u32 $0x3F800000, v20;
	v6 =	vadd.f32 $2.000000030e-01, v6;
	v15 =	vmul.f32 v15, v11;
	v11 =	vmovc v16  }
0x31e: {  	v13 =	vsel vm6, v17, v13;
	vm7 =	vgt.f32 v18, $1.414213540e+00;
	v16 =	vmul.f32 $5.000000000e-01, v18  }
0x31f: {  	s14 =	sadd.s32 $0x10, s14;
	v24 =	vsel vm7, $0x1, v0;
	v20 =	vmul.f32 v6, v14;
	v23 =	vadd.f32 v15, v10;
	v10 =	vmovc v9;
	v9 =	vmovc v12  }
.Ltmp15:
0x320: {  	v6 =	vld [tilespmem:s14+$0x0];
	v12 =	vadd.s32 v24, v19;
	v16 =	vsel vm7, v16, v18;
	(pc) =	sbr.rel @p0 .LBB2_27-.Ltmp15, $4  }
0x321: {  	v12 =	vadd.s32 $0xFFFFFF81, v12;
	v15 =	vadd.f32 $-1.000000000e+00, v16;
	v16 =	vadd.f32 $1.000000000e+00, v16;
	v17 =	vpop (erf)  }
0x322: {  	v19 =	vadd.f32 $3.333333430e-01, v20;
	v12 =	vcvt.s32.f32 v12;
	v22 =	vmul.f32 v17, v22  }
0x323: {  	v18 =	vmul.f32 v23, v4;
	v4 =	vmovc v3;
	v3 =	vmovc v5;
	v17 =	vor.u32 s11, v1;
	s11 =	smov.u32 s8;
	s8 =	smov.u32 s3;
	s3 =	smov.u32 s0;
	(erf) = vrcp.f32 v16  }
0x324: {  	v5 =	vmovc v21;
	s0 =	smov.u32 s17;
	s17 =	sadd.s32 $0x10, s17;
	v19 =	vmul.f32 v19, v14;
	v16 =	vadd.f32 v22, v22;
	v14 =	vmul.f32 v22, v22  }
0x325: {  	v20 =	vadd.f32 $1.000000010e-10, v6;
	_ =	sdelay $0x1  }
0x326: {  	v21 =	vand.u32 $0x7FFFFF, v20  }
0x327: {  	v21 =	vor.u32 $0x3F800000, v21  }
0x328: {  	v23 =	vmul.f32 $5.000000000e-01, v21  }
0x329: {  	vm6 =	vgt.f32 v6, v8;
	v18 =	vadd.f32 v18, v7;
	vm7 =	vgt.f32 v21, $1.414213540e+00  }
0x32a: {  	s14 =	sadd.s32 $0x10, s14;
	v44 =	vor.u32 s11, v1;
	v27 =	vor.u32 s8, v1;
	v21 =	vsel vm7, v23, v21  }
0x32b: {  	v22 =	vmul.f32 $1.428571490e-01, v14;
	v41 =	vsel vm6, v6, v8;
	v8 =	vld [tilespmem:s14+$0x0];
	v24 =	vadd.f32 $1.000000000e+00, v21  }
0x32c: {  	v28 =	vor.u32 s3, v1;
	v62 =	vor.u32 s0, v1;
	v19 =	vadd.f32 $1.000000000e+00, v19  }
0x32d: {  	v12 =	vmul.f32 $6.931471820e-01, v12;
	v22 =	vadd.f32 $2.000000030e-01, v22;
	(erf) = vrcp.f32 v24  }
0x32e: {  	v13 =	vsel vm6, v17, v13;
	v20 =	vshra.s32 v20, $0x17;
	v7 =	vmul.f32 v19, v11;
	v43 =	vpop (erf)  }
0x32f: {  	v11 =	vmul.f32 v22, v14;
	v42 =	vsel vm7, $0x1, v0;
	v15 =	vmul.f32 v43, v15  }
0x330: {  	v10 =	vadd.f32 v7, v10;
	v17 =	vadd.s32 v42, v20;
	v47 =	vadd.f32 $1.000000010e-10, v8  }
0x331: {  	vm6 =	vgt.f32 v8, v41;
	v7 =	vadd.f32 $3.333333430e-01, v11;
	v45 =	vmul.f32 v15, v15  }
0x332: {  	s31 =	sadd.s32 $0x10, s14;
	v11 =	vadd.f32 $-1.000000000e+00, v21;
	v4 =	vmul.f32 v10, v4;
	v23 =	vsel vm6, v8, v41  }
0x333: {  	v48 =	vand.u32 $0x7FFFFF, v47;
	v46 =	vmul.f32 v7, v14;
	v7 =	vld [tilespmem:s31+$0x0];
	v10 =	vmul.f32 $1.428571490e-01, v45  }
0x334: {  	s11 =	sadd.s32 $0x10, s31;
	v13 =	vsel vm6, v44, v13;
	v39 =	vadd.s32 $0xFFFFFF81, v17;
	v49 =	vor.u32 $0x3F800000, v48  }
0x335: {  	v51 =	vmul.f32 $5.000000000e-01, v49;
	v14 =	vadd.f32 $1.000000000e+00, v46;
	v50 =	vadd.f32 $2.000000030e-01, v10;
	v10 =	vld [tilespmem:s11+$0x0]  }
0x336: {  	v21 =	vshra.s32 v47, $0x17;
	v4 =	vadd.f32 v4, v18;
	vm7 =	vgt.f32 v49, $1.414213540e+00;
	s11 =	sadd.s32 $0x10, s11;
	v54 =	vpop (erf)  }
0x337: {  	v14 =	vmul.f32 v14, v16;
	v16 =	vsel vm7, v51, v49;
	v18 =	vmul.f32 v54, v11;
	v11 =	vld [tilespmem:s11+$0x0]  }
0x338: {  	v53 =	vsel vm7, $0x1, v0;
	v25 =	vadd.f32 $1.000000000e+00, v16;
	vm6 =	vgt.f32 v7, v23  }
0x339: {  	v15 =	vadd.f32 v15, v15;
	v21 =	vadd.s32 v53, v21;
	v23 =	vsel vm6, v7, v23  }
0x33a: {  	v52 =	vadd.f32 $1.000000010e-10, v7;
	(erf) = vrcp.f32 v25;
	vm8 =	vgt.f32 v10, v23  }
0x33b: {  	v13 =	vsel vm6, v27, v13;
	v9 =	vadd.f32 v14, v9;
	v23 =	vsel vm8, v10, v23  }
0x33c: {  	v22 =	vmul.f32 v50, v45;
	v26 =	vand.u32 $0x7FFFFF, v52;
	vm6 =	vgt.f32 v11, v23  }
0x33d: {  	v26 =	vor.u32 $0x3F800000, v26;
	v57 =	vadd.f32 $1.000000010e-10, v10;
	v23 =	vsel vm6, v11, v23  }
0x33e: {  	v21 =	vadd.s32 $0xFFFFFF81, v21;
	v55 =	vmul.f32 $5.000000000e-01, v26;
	v22 =	vadd.f32 $3.333333430e-01, v22;
	(xrf0) =	vmax.scan.msk.f32 $0xffff, v23  }
0x33f: {  	v3 =	vmul.f32 v9, v3;
	vm7 =	vgt.f32 v26, $1.414213540e+00;
	v59 =	vand.u32 $0x7FFFFF, v57  }
0x340: {  	v25 =	vsel vm7, v55, v26;
	v20 =	vmul.f32 v22, v45;
	v22 =	vor.u32 $0x3F800000, v59  }
0x341: {  	v16 =	vadd.f32 $-1.000000000e+00, v16;
	v30 =	vadd.f32 $1.000000000e+00, v25;
	v29 =	vmul.f32 $5.000000000e-01, v22  }
0x342: {  	v56 =	vsel vm7, $0x1, v0;
	v60 =	vadd.f32 v3, v4;
	vm7 =	vgt.f32 v22, $1.414213540e+00  }
0x343: {  	(erf) = vrcp.f32 v30;
	v61 =	vadd.f32 $1.000000010e-10, v11;
	v22 =	vsel vm7, v29, v22;
	v3 =	vpop (erf)  }
0x344: {  	v13 =	vsel vm8, v28, v13;
	v20 =	vadd.f32 $1.000000000e+00, v20;
	v29 =	vadd.f32 $1.000000000e+00, v22;
	v4, _, _ =	vpop (xrf0)  }
0x345: {  	v63 =	vand.u32 $0x7FFFFF, v61;
	v16 =	vmul.f32 v3, v16;
	v3 =	vbroadcast v4, $0xF  }
0x346: {  	v13 =	vsel vm6, v62, v13;
	(erf) = vrcp.f32 v29;
	v29 =	vor.u32 $0x3F800000, v63  }
0x347: {  	v13 =	vxor.u32 $0x80000000, v13;
	v32 =	vmul.f32 $5.000000000e-01, v29;
	vm6 =	veq.f32 v23, v3  }
0x348: {  	v58 =	vmul.f32 v18, v18;
	v13 =	vnsel vm6, $0xFFFFFFFF, v13;
	vm6 =	vgt.f32 v29, $1.414213540e+00  }
0x349: {  	v21 =	vcvt.s32.f32 v21;
	v15 =	vmul.f32 v20, v15;
	v20 =	vsel vm6, v32, v29;
	(xrf0) =	vmin.scan.msk.u32 $0xffff, v13  }
0x34a: {  	v41 =	vshra.s32 v52, $0x17;
	v9 =	vmul.f32 $1.428571490e-01, v58;
	v35 =	vadd.f32 $1.000000000e+00, v20  }
0x34b: {  	v21 =	vmul.f32 $6.931471820e-01, v21;
	v36 =	vadd.f32 $-1.000000000e+00, v25;
	v40 =	vadd.f32 v18, v18  }
0x34c: {  	v18 =	vadd.s32 v56, v41;
	v9 =	vadd.f32 $2.000000030e-01, v9;
	v37 =	vpop (erf);
	(erf) = vrcp.f32 v35  }
0x34d: {  	v47 =	vshra.s32 v57, $0x17;
	v48 =	vsel vm7, $0x1, v0;
	v33 =	vmul.f32 v16, v16  }
0x34e: {  	v12 =	vadd.f32 v15, v12;
	v9 =	vmul.f32 v9, v58;
	v14 =	vmul.f32 v37, v36  }
0x34f: {  	v43 =	vadd.f32 $-1.000000000e+00, v22;
	v15 =	vcvt.s32.f32 v39;
	v34 =	vmul.f32 $1.428571490e-01, v33;
	v44, _, _ =	vpop (xrf0)  }
0x350: {  	v9 =	vadd.f32 $3.333333430e-01, v9;
	v42 =	vmul.f32 v14, v14;
	(v2sf) =	vpush v44, $0xF  }
0x351: {  	v5 =	vmul.f32 v12, v5;
	v15 =	vmul.f32 $6.931471820e-01, v15;
	v38 =	vadd.f32 $2.000000030e-01, v34  }
0x352: {  	v22 =	vadd.s32 v48, v47;
	v9 =	vmul.f32 v9, v58;
	v45 =	vpop (erf);
	v46 =	vmul.f32 $1.428571490e-01, v42  }
0x353: {  	v22 =	vadd.s32 $0xFFFFFF81, v22;
	v13 =	vmul.f32 v38, v33;
	v17 =	vmul.f32 v45, v43  }
0x354: {  	v57 =	vcvt.s32.f32 v22;
	v20 =	vadd.f32 $-1.000000000e+00, v20;
	v19 =	vadd.f32 $2.000000030e-01, v46  }
0x355: {  	v9 =	vadd.f32 $1.000000000e+00, v9;
	v13 =	vadd.f32 $3.333333430e-01, v13;
	v51 =	vmul.f32 v17, v17;
	v50 =	vpop (erf)  }
0x356: {  	v18 =	vadd.s32 $0xFFFFFF81, v18;
	v49 =	vmul.f32 v19, v42;
	v19 =	vmul.f32 v50, v20  }
0x357: {  	v5 =	vadd.f32 v5, v60;
	v9 =	vmul.f32 v9, v40;
	v13 =	vmul.f32 v13, v33  }
0x358: {  	v16 =	vadd.f32 v16, v16;
	v53 =	vmul.f32 $1.428571490e-01, v51;
	v54 =	vmul.f32 v19, v19  }
0x359: {  	v59 =	vmul.f32 $6.931471820e-01, v57;
	v60 =	vshra.s32 v61, $0x17;
	v9 =	vadd.f32 v9, v15  }
0x35a: {  	v13 =	vadd.f32 $1.000000000e+00, v13;
	v55 =	vadd.f32 $2.000000030e-01, v53;
	v56 =	vmul.f32 $1.428571490e-01, v54  }
0x35b: {  	v61 =	vsel vm6, $0x1, v0;
	v6 =	vmul.f32 v9, v6;
	v52 =	vadd.f32 $3.333333430e-01, v49  }
0x35c: {  	v9 =	vmul.f32 v13, v16;
	v13 =	vmul.f32 v55, v51;
	v15 =	vadd.f32 $2.000000030e-01, v56  }
0x35d: {  	v5 =	vadd.f32 v6, v5;
	v6 =	vcvt.s32.f32 v18;
	v12 =	vmul.f32 v52, v42  }
0x35e: {  	v17 =	vadd.f32 v17, v17;
	v13 =	vadd.f32 $3.333333430e-01, v13;
	v15 =	vmul.f32 v15, v54  }
0x35f: {  	v58 =	vmul.f32 $6.931471820e-01, v6;
	v6 =	vadd.f32 v14, v14;
	v12 =	vadd.f32 $1.000000000e+00, v12;
	s14 =	spop (v2sf)  }
0x360: {  	v18 =	vadd.s32 v61, v60;
	v13 =	vmul.f32 v13, v51;
	v15 =	vadd.f32 $3.333333430e-01, v15;
	s0 =	sxor.u32 $0x80000000, s14  }
0x361: {  	v9 =	vadd.f32 v9, v21;
	v12 =	vmul.f32 v12, v6;
	v6 =	vmov s0  }
0x362: {  	v18 =	vadd.s32 $0xFFFFFF81, v18;
	v13 =	vadd.f32 $1.000000000e+00, v13;
	v15 =	vmul.f32 v15, v54  }
0x363: {  	v62 =	vcvt.s32.f32 v18;
	v8 =	vmul.f32 v9, v8;
	v9 =	vadd.f32 v12, v58  }
0x364: {  	v63 =	vadd.f32 v19, v19;
	v13 =	vmul.f32 v13, v17;
	v15 =	vadd.f32 $1.000000000e+00, v15  }
0x365: {  	s17 =	simm.s32 $0x1180;
	v8 =	vadd.f32 v8, v5;
	v5 =	vimm.f32 $-Inf;
	v7 =	vmul.f32 v9, v7  }
0x366: {  	v16 =	vmul.f32 $6.931471820e-01, v62;
	v9 =	vadd.f32 v13, v59;
	v12 =	vmul.f32 v15, v63;
	[tilespmem:v6+s17+$0x0] =	vst.idx.msk $0x1, v5  }
0x367: {  	v7 =	vadd.f32 v7, v8;
	v8 =	vld [tilespmem:s17+$0x0]  }
0x368: {  	v9 =	vmul.f32 v9, v10;
	v10 =	vadd.f32 v12, v16;
	_ =	sdelay $0x1  }
0x369: {  	s31 =	simm.s32 $0x0;
	v7 =	vadd.f32 v9, v7;
	v9 =	vmul.f32 v10, v11  }
0x36a: {  	v11 =	vor.u32 s31, v1  }
0x36b: {  	s3 =	simm.s32 $0x1190;
	s0 =	simm.s32 $0x10;
	v7 =	vadd.f32 v9, v7;
	v9 =	vimm.s32 $0x0;
	vm6 =	vgt.f32 v8, v5  }
.LBB2_29:
0x36c: {  	p0 =	sne.s32 s0, $0x18690;
	v5 =	vsel vm6, v8, v5;
	v8 =	vld [tilespmem:s3+$0x0];
	v9 =	vsel vm6, v11, v9;
	s8 =	smov.u32 s0;
	s0 =	sadd.s32 $0x10, s0  }
.Ltmp16:
0x36d: {  	(pc) =	sbr.rel @p0 .LBB2_29-.Ltmp16, $2  }
0x36e: {  	_ =	sdelay $0x2  }
0x36f: {  	s3 =	sadd.s32 $0x10, s3;
	v11 =	vor.u32 s8, v1;
	vm6 =	vgt.f32 v8, v5  }
0x370: {  	v8 =	vsel vm6, v8, v5  }
0x371: {  	(xrf0) =	vmax.scan.msk.f32 $0xffff, v8;
	_ =	sdelay $0x5  }
0x372: {  	v10, _, _ =	vpop (xrf0)  }
0x373: {  	v5 =	vbroadcast v10, $0xF  }
0x374: {  	v9 =	vsel vm6, v11, v9  }
0x375: {  	vm6 =	veq.f32 v8, v5;
	v8 =	vxor.u32 $0x80000000, v9  }
0x376: {  	v8 =	vnsel vm6, $0xFFFFFFFF, v8  }
0x377: {  	(xrf0) =	vmin.scan.msk.u32 $0xffff, v8;
	_ =	sdelay $0x5  }
0x378: {  	v8, _, _ =	vpop (xrf0)  }
0x379: {  	(v2sf) =	vpush v8, $0xF;
	_ =	sdelay $0xe  }
0x37a: {  	s0 =	spop (v2sf)  }
0x37b: {  	s0 =	sxor.u32 $0x80000000, s0  }
0x37c: {  	v9 =	vmov s0;
	_ =	sdelay $0x3  }
0x37d: {  	s31 =	simm.s32 $0x1180;
	v8 =	vimm.f32 $-Inf  }
0x37e: {  	[tilespmem:v9+s31+$0x0] =	vst.idx.msk $0x1, v8  }
0x37f: {  	v12 =	vld [tilespmem:s31+$0x0];
	_ =	sdelay $0x3  }
0x380: {  	s3 =	simm.s32 $0x0  }
0x381: {  	v11 =	vimm.s32 $0x0;
	v14 =	vor.u32 s3, v1;
	s3 =	simm.s32 $0x1190;
	s0 =	simm.s32 $0x10;
	vm6 =	vgt.f32 v12, v8  }
.LBB2_31:
0x382: {  	p0 =	sne.s32 s0, $0x18690;
	v8 =	vsel vm6, v12, v8;
	v12 =	vld [tilespmem:s3+$0x0];
	v11 =	vsel vm6, v14, v11;
	s8 =	smov.u32 s0;
	s0 =	sadd.s32 $0x10, s0  }
.Ltmp17:
0x383: {  	(pc) =	sbr.rel @p0 .LBB2_31-.Ltmp17, $2  }
0x384: {  	_ =	sdelay $0x2  }
0x385: {  	s3 =	sadd.s32 $0x10, s3;
	v14 =	vor.u32 s8, v1;
	vm6 =	vgt.f32 v12, v8  }
0x386: {  	v12 =	vsel vm6, v12, v8  }
0x387: {  	(xrf0) =	vmax.scan.msk.f32 $0xffff, v12;
	_ =	sdelay $0x5  }
0x388: {  	v13, _, _ =	vpop (xrf0)  }
0x389: {  	v8 =	vbroadcast v13, $0xF  }
0x38a: {  	v11 =	vsel vm6, v14, v11  }
0x38b: {  	v11 =	vxor.u32 $0x80000000, v11;
	vm6 =	veq.f32 v12, v8  }
0x38c: {  	v11 =	vnsel vm6, $0xFFFFFFFF, v11  }
0x38d: {  	(xrf0) =	vmin.scan.msk.u32 $0xffff, v11;
	_ =	sdelay $0x5  }
0x38e: {  	v11, _, _ =	vpop (xrf0)  }
0x38f: {  	(v2sf) =	vpush v11, $0xF;
	_ =	sdelay $0xe  }
0x390: {  	s0 =	spop (v2sf)  }
0x391: {  	s0 =	sxor.u32 $0x80000000, s0  }
0x392: {  	v12 =	vmov s0;
	_ =	sdelay $0x3  }
0x393: {  	s31 =	simm.s32 $0x1180;
	v11 =	vimm.f32 $-Inf  }
0x394: {  	[tilespmem:v12+s31+$0x0] =	vst.idx.msk $0x1, v11  }
0x395: {  	v15 =	vld [tilespmem:s31+$0x0];
	_ =	sdelay $0x3  }
0x396: {  	s3 =	simm.s32 $0x0  }
0x397: {  	v14 =	vimm.s32 $0x0;
	v16 =	vor.u32 s3, v1;
	s3 =	simm.s32 $0x1190;
	s0 =	simm.s32 $0x10;
	vm6 =	vgt.f32 v15, v11  }
.LBB2_33:
0x398: {  	p0 =	sne.s32 s0, $0x18690;
	v11 =	vsel vm6, v15, v11;
	v15 =	vld [tilespmem:s3+$0x0];
	v14 =	vsel vm6, v16, v14;
	s8 =	smov.u32 s0;
	s0 =	sadd.s32 $0x10, s0  }
.Ltmp18:
0x399: {  	(pc) =	sbr.rel @p0 .LBB2_33-.Ltmp18, $2  }
0x39a: {  	_ =	sdelay $0x2  }
0x39b: {  	s3 =	sadd.s32 $0x10, s3;
	v16 =	vor.u32 s8, v1;
	vm6 =	vgt.f32 v15, v11  }
0x39c: {  	v17 =	vsel vm6, v15, v11  }
0x39d: {  	(xrf0) =	vmax.scan.msk.f32 $0xffff, v17;
	_ =	sdelay $0x5  }
0x39e: {  	v15, _, _ =	vpop (xrf0)  }
0x39f: {  	v11 =	vbroadcast v15, $0xF  }
0x3a0: {  	v14 =	vsel vm6, v16, v14  }
0x3a1: {  	v14 =	vxor.u32 $0x80000000, v14;
	vm6 =	veq.f32 v17, v11  }
0x3a2: {  	v14 =	vnsel vm6, $0xFFFFFFFF, v14  }
0x3a3: {  	(xrf0) =	vmin.scan.msk.u32 $0xffff, v14;
	_ =	sdelay $0x5  }
0x3a4: {  	v14, _, _ =	vpop (xrf0)  }
0x3a5: {  	(v2sf) =	vpush v14, $0xF;
	_ =	sdelay $0xe  }
0x3a6: {  	s0 =	spop (v2sf)  }
0x3a7: {  	s0 =	sxor.u32 $0x80000000, s0  }
0x3a8: {  	v14 =	vmov s0;
	_ =	sdelay $0x3  }
0x3a9: {  	v16 =	vimm.f32 $-Inf;
	s31 =	simm.s32 $0x1180  }
0x3aa: {  	[tilespmem:v14+s31+$0x0] =	vst.idx.msk $0x1, v16  }
0x3ab: {  	v18 =	vld [tilespmem:s31+$0x0];
	_ =	sdelay $0x3  }
0x3ac: {  	s3 =	simm.s32 $0x0  }
0x3ad: {  	v19 =	vor.u32 s3, v1;
	s3 =	simm.s32 $0x1190;
	v17 =	vimm.s32 $0x0;
	s0 =	simm.s32 $0x10;
	vm6 =	vgt.f32 v18, v16  }
.LBB2_35:
0x3ae: {  	p0 =	sne.s32 s0, $0x18690;
	v16 =	vsel vm6, v18, v16;
	v18 =	vld [tilespmem:s3+$0x0];
	v17 =	vsel vm6, v19, v17;
	s8 =	smov.u32 s0;
	s0 =	sadd.s32 $0x10, s0  }
.Ltmp19:
0x3af: {  	(pc) =	sbr.rel @p0 .LBB2_35-.Ltmp19, $2  }
0x3b0: {  	_ =	sdelay $0x2  }
0x3b1: {  	s3 =	sadd.s32 $0x10, s3;
	v19 =	vor.u32 s8, v1;
	vm6 =	vgt.f32 v18, v16  }
0x3b2: {  	v16 =	vsel vm6, v18, v16  }
0x3b3: {  	(xrf0) =	vmax.scan.msk.f32 $0xffff, v16;
	_ =	sdelay $0x5  }
0x3b4: {  	v49, _, _ =	vpop (xrf0)  }
0x3b5: {  	v20 =	vbroadcast v49, $0xF  }
0x3b6: {  	v17 =	vsel vm6, v19, v17  }
0x3b7: {  	v50 =	vxor.u32 $0x80000000, v17;
	vm6 =	veq.f32 v16, v20  }
0x3b8: {  	v16 =	vnsel vm6, $0xFFFFFFFF, v50  }
0x3b9: {  	(xrf0) =	vmin.scan.msk.u32 $0xffff, v16;
	_ =	sdelay $0x1  }
0x3ba: {  	(v2sf) =	vpush v4, $0xF  }
0x3bb: {  	(v2sf) =	vpush v10, $0xF  }
0x3bc: {  	(v2sf) =	vpush v13, $0xF  }
0x3bd: {  	(v2sf) =	vpush v15, $0xF  }
0x3be: {  	(v2sf) =	vpush v49, $0xF;
	v51, _, _ =	vpop (xrf0)  }
0x3bf: {  	(v2sf) =	vpush v51, $0xF;
	_ =	sdelay $0x9  }
0x3c0: {  	s0 =	spop (v2sf)  }
0x3c1: {  	s3 =	spop (v2sf)  }
0x3c2: {  	s8 =	spop (v2sf)  }
0x3c3: {  	v52 =	vnsel vm2, $0x67, v6;
	s11 =	spop (v2sf)  }
0x3c4: {  	v4 =	vsel vm3, v52, v9;
	s14 =	spop (v2sf)  }
0x3c5: {  	v4 =	vsel vm4, v4, v12;
	s17 =	spop (v2sf)  }
0x3c6: {  	v4 =	vsel vm5, v4, v14;
	vm6 =	veq.s32 v1, $0x4;
	s17 =	sxor.u32 $0x80000000, s17  }
0x3c7: {  	v4 =	vsel vm6, s17, v4;
	_ =	sdelay $0x4  }
0x3c8: {  	[tilespmem:s25], [sflag:$0x1] =	stream.indirect_vreg.gather [hbm4b:s1+s2], $0x80, v4, vm1, $0xb8;
	[tilespmem:$0x19900] =	vst v63  }
0x3c9: {  	_ =	swait.ge [sflag:s22], $0x800  }
0x3ca: {  	(xrf2) =	vadd.scan.msk.f32 $0xffff, v7;
	_ =	sdelay $0x9  }
0x3cb: {  	v53, _, _ =	vpop (xrf2)  }
0x3cc: {  	(v2sf) =	vpush v53, $0xF;
	_ =	sdelay $0xa  }
0x3cd: {  	s0 =	sadd.f32 s3, s0;
	[sflag:s22] =	ssyncset.done $0x0  }
0x3ce: {  	[sflag:s22] =	ssyncadd.s32 $0xFFFFF800  }
0x3cf: {  	s0 =	sadd.f32 s8, s0;
	v56 =	vld [tilespmem:$0x980]  }
0x3d0: {  	v57 =	vld [tilespmem:$0xA00]  }
0x3d1: {  	s0 =	sadd.f32 s11, s0;
	v58 =	vld [tilespmem:$0xA80];
	s31 =	spop (v2sf)  }
0x3d2: {  	v59 =	vld [tilespmem:$0xB00];
	s17 =	ssub.f32 s31, s29  }
0x3d3: {  	s0 =	sadd.f32 s14, s0;
	v60 =	vld [tilespmem:$0xB80]  }
0x3d4: {  	v61 =	vld [tilespmem:$0x990];
	s31 =	smul.f32 s17, s28  }
0x3d5: {  	v55 =	vmov s0;
	v62 =	vld [tilespmem:$0xA10]  }
0x3d6: {  	(erf) = vrcp.f32 v55;
	v63 =	vld [tilespmem:$0xA90];
	v54 =	vmov s31  }
0x3d7: {  	v34 =	vld [tilespmem:$0xB10];
	v4 =	vsub.f32 $0.0e+00, v54  }
0x3d8: {  	v36 =	vld [tilespmem:$0xB90]  }
0x3d9: {  	v22 =	vld [tilespmem:$0x9A0];
	v4 =	vmul.f32 $1.442695020e+00, v4  }
0x3da: {  	v37 =	vld [tilespmem:$0xA20]  }
0x3db: {  	v23 =	vld [tilespmem:$0xAA0];
	v4 =	vbroadcast v4, $0x0  }
0x3dc: {  	v24 =	vld [tilespmem:$0xB20]  }
0x3dd: {  	v25 =	vld [tilespmem:$0xBA0];
	(erf) = vpow2.f32 v4  }
0x3de: {  	v27 =	vld [tilespmem:$0x9B0]  }
0x3df: {  	v29 =	vbroadcast v2, $0x0;
	v28 =	vld [tilespmem:$0xA30];
	v33 =	vpop (erf)  }
0x3e0: {  	v38 =	vld [tilespmem:$0xAB0];
	v3 =	vmul.f32 v33, v3;
	v5 =	vmul.f32 v33, v5  }
0x3e1: {  	v40 =	vld [tilespmem:$0xB30];
	v8 =	vmul.f32 v33, v8;
	v11 =	vmul.f32 v33, v11  }
0x3e2: {  	v31 =	vld [tilespmem:$0xBB0];
	v16 =	vmul.f32 v33, v20;
	v6 =	vmul.f32 v56, v3  }
0x3e3: {  	v44 =	vld [tilespmem:$0x9C0];
	v39 =	vmul.f32 v58, v8;
	v13 =	vmul.f32 v61, v3  }
0x3e4: {  	v46 =	vld [tilespmem:$0xA40];
	v14 =	vmul.f32 v62, v5;
	v41 =	vmul.f32 v59, v11  }
0x3e5: {  	v49 =	vld [tilespmem:$0xAC0];
	v10 =	vmul.f32 v60, v16;
	v43 =	vmul.f32 v63, v8  }
0x3e6: {  	v51 =	vld [tilespmem:$0xB40];
	v45 =	vmul.f32 v22, v3;
	v47 =	vmul.f32 v27, v3;
	v35 =	vpop (erf)  }
0x3e7: {  	v32 =	vld [tilespmem:$0x9F0];
	v48 =	vmul.f32 v28, v5;
	v17 =	vmul.f32 v34, v11;
	v18 =	vadd.f32 $1.000000000e+00, v35  }
0x3e8: {  	v50 =	vmul.f32 v23, v8;
	v53 =	vmul.f32 v38, v8;
	v56 =	vld [tilespmem:$0x9D0]  }
0x3e9: {  	v59 =	vld [tilespmem:$0xAD0];
	v4 =	vmul.f32 v57, v5;
	(erf) = vrcp.f32 v18  }
0x3ea: {  	v55 =	vmul.f32 v24, v11;
	v19 =	vmul.f32 v36, v16;
	v61 =	vld [tilespmem:$0xB50]  }
0x3eb: {  	v7 =	vmul.f32 v40, v11;
	v58 =	vmul.f32 v25, v16;
	v62 =	vld [tilespmem:$0xBD0];
	v4 =	vadd.f32 v4, v6  }
0x3ec: {  	v60 =	vmul.f32 v31, v16;
	v33 =	vmul.f32 v44, v3;
	v13 =	vadd.f32 v14, v13;
	v57 =	vld [tilespmem:$0xA50]  }
0x3ed: {  	v34 =	vmul.f32 v46, v5;
	v52 =	vadd.f32 v48, v47;
	v47 =	vld [tilespmem:$0xBF0];
	v4 =	vadd.f32 v39, v4  }
0x3ee: {  	v63 =	vld [tilespmem:$0x9E0];
	v38 =	vmul.f32 v49, v8;
	v23 =	vmul.f32 v51, v11;
	v13 =	vadd.f32 v43, v13  }
0x3ef: {  	v36 =	vmul.f32 v56, v3;
	v40 =	vmul.f32 v59, v8;
	v39 =	vld [tilespmem:$0xAF0];
	v4 =	vadd.f32 v41, v4  }
0x3f0: {  	v43 =	vld [tilespmem:$0xB70];
	v44 =	vmul.f32 v61, v11;
	v18 =	vmul.f32 v37, v5  }
0x3f1: {  	v13 =	vadd.f32 v17, v13;
	v14 =	vmul.f32 v57, v5;
	v41 =	vld [tilespmem:$0xB60];
	v4 =	vadd.f32 v10, v4  }
0x3f2: {  	v12 =	vld [tilespmem:$0x380];
	v57 =	vmul.f32 v47, v16;
	v10 =	vadd.f32 v53, v52;
	v6 =	vadd.f32 v18, v45;
	v30 =	vpop (erf)  }
0x3f3: {  	v21 =	vld [tilespmem:$0x390];
	v13 =	vadd.f32 v19, v13;
	v53 =	vmul.f32 v62, v16;
	v29 =	vmul.f32 v30, v29  }
0x3f4: {  	v42 =	vld [tilespmem:$0x3B0];
	v48 =	vmul.f32 v39, v8;
	v7 =	vadd.f32 v7, v10;
	v6 =	vadd.f32 v50, v6  }
0x3f5: {  	v31 =	vld [tilespmem:$0xA60];
	v10 =	vmul.f32 v63, v3;
	v3 =	vmul.f32 v32, v3;
	v24 =	vsub.f32 $1.000000000e+00, v29  }
0x3f6: {  	v35 =	vld [tilespmem:$0xA70];
	v52 =	vmul.f32 v41, v11;
	v11 =	vmul.f32 v43, v11;
	v6 =	vadd.f32 v55, v6  }
0x3f7: {  	v7 =	vadd.f32 v60, v7;
	v37 =	vld [tilespmem:$0xAE0];
	v4 =	vmul.f32 v4, v29;
	v12 =	vmul.f32 v12, v24  }
0x3f8: {  	v54 =	vld [tilespmem:$0xBC0];
	v6 =	vadd.f32 v58, v6;
	v13 =	vmul.f32 v13, v29;
	v21 =	vmul.f32 v21, v24  }
0x3f9: {  	v45 =	vld [tilespmem:$0xBE0];
	v7 =	vmul.f32 v7, v29;
	v9 =	vmul.f32 v42, v24;
	v4 =	vadd.f32 v4, v12  }
0x3fa: {  	v42 =	vmul.f32 v31, v5;
	v13 =	vadd.f32 v13, v21;
	v12 =	vadd.f32 v34, v33  }
0x3fb: {  	v26 =	vld [tilespmem:$0x3A0];
	v5 =	vmul.f32 v35, v5;
	v7 =	vadd.f32 v7, v9;
	v9 =	vadd.f32 v14, v36  }
0x3fc: {  	v49 =	vld [tilespmem:$0x3C0];
	v46 =	vmul.f32 v37, v8;
	v10 =	vadd.f32 v42, v10;
	v12 =	vadd.f32 v38, v12  }
0x3fd: {  	v50 =	vmul.f32 v54, v16;
	v3 =	vadd.f32 v5, v3;
	v9 =	vadd.f32 v40, v9  }
0x3fe: {  	v51 =	vld [tilespmem:$0x3D0];
	v55 =	vmul.f32 v45, v16;
	v10 =	vadd.f32 v46, v10;
	v12 =	vadd.f32 v23, v12  }
0x3ff: {  	v54 =	vld [tilespmem:$0x3E0];
	v6 =	vmul.f32 v6, v29;
	v3 =	vadd.f32 v48, v3;
	v9 =	vadd.f32 v44, v9  }
0x400: {  	v56 =	vld [tilespmem:$0x3F0];
	v30 =	vmul.f32 v26, v24;
	v10 =	vadd.f32 v52, v10;
	v12 =	vadd.f32 v50, v12  }
0x401: {  	v8 =	vmul.f32 v49, v24;
	v3 =	vadd.f32 v11, v3;
	v5 =	vadd.f32 v53, v9  }
0x402: {  	v6 =	vadd.f32 v6, v30;
	[tilespmem:$0x19880] =	vst v4;
	v10 =	vadd.f32 v55, v10;
	v58 =	vmul.f32 v12, v29  }
0x403: {  	v59 =	vmul.f32 v51, v24;
	[tilespmem:$0x19890] =	vst v13;
	v3 =	vadd.f32 v57, v3;
	v5 =	vmul.f32 v5, v29  }
0x404: {  	v61 =	vmul.f32 v54, v24;
	[tilespmem:$0x198A0] =	vst v6;
	v60 =	vmul.f32 v10, v29;
	v4 =	vadd.f32 v58, v8  }
0x405: {  	v62 =	vmul.f32 v56, v24;
	[tilespmem:$0x198B0] =	vst v7;
	v3 =	vmul.f32 v3, v29;
	v5 =	vadd.f32 v5, v59  }
0x406: {  	v63 =	vadd.f32 v60, v61;
	[tilespmem:$0x198C0] =	vst v4  }
0x407: {  	v3 =	vadd.f32 v3, v62;
	[tilespmem:$0x198D0] =	vst v5  }
0x408: {  	[tilespmem:$0x198E0] =	vst v63  }
0x409: {  	s3 =	smov.u32 s15;
	s0 =	simm.s32 $0x19880;
	[tilespmem:$0x198F0] =	vst v3  }
.LBB2_37:
0x40a: {  	p0 =	sne.s32 s30, $0x67  }
.Ltmp20:
0x40b: {  	_ = 	snop;
	(pc) =	sbr.rel @p0 .LBB2_49-.Ltmp20, $4  }
0x40c: {  	[hbm4b:s3+s2] =	stream.linear.scatter [tilespmem:s0], [sflag:$0x2], $0x80, $0x38;
	[tilespmem:$0x19900] =	vst v63  }
0x40d: {  	_ =	swait.ge [sflag:s20], $0x80  }
0x40e: {  	[sflag:s20] =	ssyncset.done $0x0  }
0x40f: {  	s0 =	simm.s32 $0x300;
	s3 =	smov.u32 s16;
	[sflag:s20] =	ssyncadd.s32 $0xFFFFFF80  }
0x410: {  	s0 =	simm.s32 $0x1180;
	s3 =	rddreg [dreg:$0x8]  }
0x411: {  	[tilespmem:s0], [sflag:$0x2] =	stream.strided.gather [hbm4b:s3+s23], $0x18700, s24, s23, $0x38;
	[tilespmem:$0x19900] =	vst v63  }
0x412: {  	_ =	swait.ge [sflag:s20], $0x18700  }
0x413: {  	[sflag:s20] =	ssyncset.done $0x0  }
0x414: {  	[sflag:s20] =	ssyncadd.s32 $0xFFFE7900  }
0x415: {  	v6 =	vld [tilespmem:s0+$0x0];
	_ =	sdelay $0x4  }
0x416: {  	v3 =	vadd.f32 $1.000000010e-10, v6;
	_ =	sdelay $0x1  }
0x417: {  	v4 =	vand.u32 $0x7FFFFF, v3  }
0x418: {  	v5 =	vor.u32 $0x3F800000, v4  }
0x419: {  	s31 =	simm.s32 $0x1190;
	v7 =	vmul.f32 $5.000000000e-01, v5  }
0x41a: {  	v4 =	vld [tilespmem:s31+$0x0];
	vm6 =	vgt.f32 v5, $1.414213540e+00  }
0x41b: {  	v5 =	vsel vm6, v7, v5  }
0x41c: {  	v7 =	vadd.f32 $1.000000000e+00, v5;
	_ =	sdelay $0x1  }
0x41d: {  	(erf) = vrcp.f32 v7  }
0x41e: {  	v8 =	vadd.f32 $1.000000010e-10, v4  }
0x41f: {  	v9 =	vimm.f32 $-Inf;
	s3 =	simm.s32 $0x0  }
0x420: {  	v11 =	vimm.s32 $0x0;
	v12 =	vor.u32 s3, v1;
	v10 =	vand.u32 $0x7FFFFF, v8  }
0x421: {  	v3 =	vshra.s32 v3, $0x17;
	v13 =	vsel vm6, $0x1, v0;
	v10 =	vor.u32 $0x3F800000, v10  }
0x422: {  	s8 =	simm.s32 $0x11A0;
	vm6 =	vgt.f32 v6, v9;
	v3 =	vadd.s32 v13, v3;
	v14 =	vmul.f32 $5.000000000e-01, v10  }
0x423: {  	v9 =	vsel vm6, v6, v9;
	v13 =	vadd.s32 $0xFFFFFF81, v3;
	v3 =	vld [tilespmem:s8+$0x0];
	vm7 =	vgt.f32 v10, $1.414213540e+00  }
0x424: {  	v11 =	vsel vm6, v12, v11;
	v5 =	vadd.f32 $-1.000000000e+00, v5;
	v10 =	vsel vm7, v14, v10  }
0x425: {  	s11 =	simm.s32 $0x10;
	v12 =	vcvt.s32.f32 v13;
	vm6 =	vgt.f32 v4, v9;
	v13 =	vadd.f32 $1.000000000e+00, v10  }
0x426: {  	v9 =	vsel vm6, v4, v9;
	v8 =	vshra.s32 v8, $0x17;
	v14 =	vor.u32 s11, v1;
	v15 =	vpop (erf)  }
0x427: {  	(erf) = vrcp.f32 v13;
	v13 =	vsel vm7, $0x1, v0;
	v5 =	vmul.f32 v15, v5  }
0x428: {  	v11 =	vsel vm6, v14, v11;
	v8 =	vadd.s32 v13, v8;
	v13 =	vadd.f32 $1.000000010e-10, v3  }
0x429: {  	v14 =	vadd.f32 $-1.000000000e+00, v10;
	v8 =	vadd.s32 $0xFFFFFF81, v8;
	v15 =	vmul.f32 v5, v5  }
0x42a: {  	vm6 =	vgt.f32 v3, v9;
	v8 =	vcvt.s32.f32 v8;
	v10 =	vand.u32 $0x7FFFFF, v13  }
0x42b: {  	v17 =	vadd.f32 v5, v5;
	v18 =	vor.u32 $0x3F800000, v10;
	v5 =	vmul.f32 $1.428571490e-01, v15  }
0x42c: {  	v19 =	vsel vm6, v3, v9;
	v10 =	vmul.f32 $6.931471820e-01, v8;
	vm7 =	vgt.f32 v18, $1.414213540e+00  }
0x42d: {  	s14 =	simm.s32 $0x20;
	v8 =	vmul.f32 $5.000000000e-01, v18;
	v20 =	vsel vm7, $0x1, v0;
	v9 =	vadd.f32 $2.000000030e-01, v5  }
0x42e: {  	s17 =	simm.s32 $0x11B0;
	v16 =	vor.u32 s14, v1;
	v13 =	vshra.s32 v13, $0x17  }
0x42f: {  	v5 =	vld [tilespmem:s17+$0x0];
	v8 =	vsel vm7, v8, v18;
	v13 =	vadd.s32 v20, v13;
	v9 =	vmul.f32 v9, v15  }
0x430: {  	v16 =	vsel vm6, v16, v11;
	v18 =	vadd.f32 $1.000000000e+00, v8;
	v11 =	vadd.s32 $0xFFFFFF81, v13;
	v20 =	vpop (erf)  }
0x431: {  	v13 =	vmul.f32 v20, v14;
	v14 =	vadd.f32 $-1.000000000e+00, v8;
	v8 =	vadd.f32 $3.333333430e-01, v9  }
0x432: {  	(erf) = vrcp.f32 v18;
	v9 =	vcvt.s32.f32 v11  }
0x433: {  	s30 =	simm.s32 $0x30;
	v20 =	vmul.f32 v13, v13;
	v11 =	vadd.f32 v13, v13;
	v13 =	vmul.f32 v8, v15  }
0x434: {  	v12 =	vmul.f32 $6.931471820e-01, v12;
	v18 =	vor.u32 s30, v1;
	v15 =	vadd.f32 $1.000000010e-10, v5  }
0x435: {  	vm6 =	vgt.f32 v5, v19;
	v21 =	vmul.f32 $1.428571490e-01, v20;
	v13 =	vadd.f32 $1.000000000e+00, v13  }
0x436: {  	v8 =	vsel vm6, v5, v19;
	v19 =	vand.u32 $0x7FFFFF, v15;
	v15 =	vshra.s32 v15, $0x17  }
0x437: {  	v19 =	vor.u32 $0x3F800000, v19;
	v21 =	vadd.f32 $2.000000030e-01, v21;
	v17 =	vmul.f32 v13, v17  }
0x438: {  	vm7 =	vgt.f32 v19, $1.414213540e+00;
	v22 =	vmul.f32 $5.000000000e-01, v19;
	v13 =	vsel vm6, v18, v16  }
0x439: {  	v16 =	vsel vm7, $0x1, v0;
	v18 =	vmul.f32 v21, v20;
	v62 =	vadd.f32 v17, v12  }
0x43a: {  	s14 =	simm.s32 $0x11C0;
	v12 =	vadd.s32 v16, v15  }
0x43b: {  	v16 =	vsel vm7, v22, v19;
	v63 =	vadd.f32 $3.333333430e-01, v18;
	v18 =	vmul.f32 v62, v6;
	v6 =	vld [tilespmem:s14+$0x0]  }
0x43c: {  	v7 =	vimm.f32 $0.0e+00;
	v15 =	vadd.f32 $-1.000000000e+00, v16;
	v16 =	vadd.f32 $1.000000000e+00, v16;
	v17 =	vpop (erf)  }
0x43d: {  	s31 =	simm.s32 $0x40;
	v9 =	vmul.f32 $6.931471820e-01, v9;
	v12 =	vadd.s32 $0xFFFFFF81, v12;
	v19 =	vmul.f32 v17, v14  }
0x43e: {  	s3 =	simm.s32 $0x70;
	s0 =	simm.s32 $0x80;
	v12 =	vcvt.s32.f32 v12;
	v17 =	vor.u32 s31, v1;
	(erf) = vrcp.f32 v16  }
0x43f: {  	s8 =	simm.s32 $0x60;
	s11 =	simm.s32 $0x50;
	s17 =	simm.s32 $0x90;
	v14 =	vmul.f32 v19, v19;
	v16 =	vadd.f32 v19, v19;
	v19 =	vmul.f32 v63, v20  }
.LBB2_39:
0x440: {  	p0 =	sne.s32 s17, $0x18690;
	v20 =	vadd.f32 $1.000000010e-10, v6;
	vm6 =	vgt.f32 v6, v8;
	v12 =	vmul.f32 $6.931471820e-01, v12;
	v21 =	vmovc v6;
	v22 =	vmovc v15  }
0x441: {  	v8 =	vsel vm6, v21, v8;
	v6 =	vmul.f32 $1.428571490e-01, v14;
	v15 =	vadd.f32 $1.000000000e+00, v19  }
0x442: {  	v7 =	vadd.f32 v18, v7;
	v19 =	vshra.s32 v20, $0x17;
	v20 =	vand.u32 $0x7FFFFF, v20  }
0x443: {  	v18 =	vor.u32 $0x3F800000, v20;
	v6 =	vadd.f32 $2.000000030e-01, v6;
	v15 =	vmul.f32 v15, v11;
	v11 =	vmovc v16  }
0x444: {  	v13 =	vsel vm6, v17, v13;
	vm7 =	vgt.f32 v18, $1.414213540e+00;
	v16 =	vmul.f32 $5.000000000e-01, v18  }
0x445: {  	s14 =	sadd.s32 $0x10, s14;
	v24 =	vsel vm7, $0x1, v0;
	v20 =	vmul.f32 v6, v14;
	v23 =	vadd.f32 v15, v10;
	v10 =	vmovc v9;
	v9 =	vmovc v12  }
.Ltmp21:
0x446: {  	v6 =	vld [tilespmem:s14+$0x0];
	v12 =	vadd.s32 v24, v19;
	v16 =	vsel vm7, v16, v18;
	(pc) =	sbr.rel @p0 .LBB2_39-.Ltmp21, $4  }
0x447: {  	v12 =	vadd.s32 $0xFFFFFF81, v12;
	v15 =	vadd.f32 $-1.000000000e+00, v16;
	v16 =	vadd.f32 $1.000000000e+00, v16;
	v17 =	vpop (erf)  }
0x448: {  	v19 =	vadd.f32 $3.333333430e-01, v20;
	v12 =	vcvt.s32.f32 v12;
	v22 =	vmul.f32 v17, v22  }
0x449: {  	v18 =	vmul.f32 v23, v4;
	v4 =	vmovc v3;
	v3 =	vmovc v5;
	v17 =	vor.u32 s11, v1;
	s11 =	smov.u32 s8;
	s8 =	smov.u32 s3;
	s3 =	smov.u32 s0;
	(erf) = vrcp.f32 v16  }
0x44a: {  	v5 =	vmovc v21;
	s0 =	smov.u32 s17;
	s17 =	sadd.s32 $0x10, s17;
	v19 =	vmul.f32 v19, v14;
	v16 =	vadd.f32 v22, v22;
	v14 =	vmul.f32 v22, v22  }
0x44b: {  	v20 =	vadd.f32 $1.000000010e-10, v6;
	_ =	sdelay $0x1  }
0x44c: {  	v21 =	vand.u32 $0x7FFFFF, v20  }
0x44d: {  	v21 =	vor.u32 $0x3F800000, v21  }
0x44e: {  	v23 =	vmul.f32 $5.000000000e-01, v21  }
0x44f: {  	vm6 =	vgt.f32 v6, v8;
	v18 =	vadd.f32 v18, v7;
	vm7 =	vgt.f32 v21, $1.414213540e+00  }
0x450: {  	s14 =	sadd.s32 $0x10, s14;
	v44 =	vor.u32 s11, v1;
	v27 =	vor.u32 s8, v1;
	v21 =	vsel vm7, v23, v21  }
0x451: {  	v22 =	vmul.f32 $1.428571490e-01, v14;
	v41 =	vsel vm6, v6, v8;
	v8 =	vld [tilespmem:s14+$0x0];
	v24 =	vadd.f32 $1.000000000e+00, v21  }
0x452: {  	v28 =	vor.u32 s3, v1;
	v62 =	vor.u32 s0, v1;
	v19 =	vadd.f32 $1.000000000e+00, v19  }
0x453: {  	v12 =	vmul.f32 $6.931471820e-01, v12;
	v22 =	vadd.f32 $2.000000030e-01, v22;
	(erf) = vrcp.f32 v24  }
0x454: {  	v13 =	vsel vm6, v17, v13;
	v20 =	vshra.s32 v20, $0x17;
	v7 =	vmul.f32 v19, v11;
	v43 =	vpop (erf)  }
0x455: {  	v11 =	vmul.f32 v22, v14;
	v42 =	vsel vm7, $0x1, v0;
	v15 =	vmul.f32 v43, v15  }
0x456: {  	v10 =	vadd.f32 v7, v10;
	v17 =	vadd.s32 v42, v20;
	v47 =	vadd.f32 $1.000000010e-10, v8  }
0x457: {  	vm6 =	vgt.f32 v8, v41;
	v7 =	vadd.f32 $3.333333430e-01, v11;
	v45 =	vmul.f32 v15, v15  }
0x458: {  	s14 =	sadd.s32 $0x10, s14;
	v11 =	vadd.f32 $-1.000000000e+00, v21;
	v4 =	vmul.f32 v10, v4;
	v23 =	vsel vm6, v8, v41  }
0x459: {  	v48 =	vand.u32 $0x7FFFFF, v47;
	v46 =	vmul.f32 v7, v14;
	v7 =	vld [tilespmem:s14+$0x0];
	v10 =	vmul.f32 $1.428571490e-01, v45  }
0x45a: {  	s11 =	sadd.s32 $0x10, s14;
	v13 =	vsel vm6, v44, v13;
	v39 =	vadd.s32 $0xFFFFFF81, v17;
	v49 =	vor.u32 $0x3F800000, v48  }
0x45b: {  	v51 =	vmul.f32 $5.000000000e-01, v49;
	v14 =	vadd.f32 $1.000000000e+00, v46;
	v50 =	vadd.f32 $2.000000030e-01, v10;
	v10 =	vld [tilespmem:s11+$0x0]  }
0x45c: {  	v21 =	vshra.s32 v47, $0x17;
	v4 =	vadd.f32 v4, v18;
	vm7 =	vgt.f32 v49, $1.414213540e+00;
	s11 =	sadd.s32 $0x10, s11;
	v54 =	vpop (erf)  }
0x45d: {  	v14 =	vmul.f32 v14, v16;
	v16 =	vsel vm7, v51, v49;
	v18 =	vmul.f32 v54, v11;
	v11 =	vld [tilespmem:s11+$0x0]  }
0x45e: {  	v53 =	vsel vm7, $0x1, v0;
	v25 =	vadd.f32 $1.000000000e+00, v16;
	vm6 =	vgt.f32 v7, v23  }
0x45f: {  	v15 =	vadd.f32 v15, v15;
	v21 =	vadd.s32 v53, v21;
	v23 =	vsel vm6, v7, v23  }
0x460: {  	v52 =	vadd.f32 $1.000000010e-10, v7;
	(erf) = vrcp.f32 v25;
	vm8 =	vgt.f32 v10, v23  }
0x461: {  	v13 =	vsel vm6, v27, v13;
	v9 =	vadd.f32 v14, v9;
	v23 =	vsel vm8, v10, v23  }
0x462: {  	v22 =	vmul.f32 v50, v45;
	v26 =	vand.u32 $0x7FFFFF, v52;
	vm6 =	vgt.f32 v11, v23  }
0x463: {  	v26 =	vor.u32 $0x3F800000, v26;
	v57 =	vadd.f32 $1.000000010e-10, v10;
	v23 =	vsel vm6, v11, v23  }
0x464: {  	v21 =	vadd.s32 $0xFFFFFF81, v21;
	v55 =	vmul.f32 $5.000000000e-01, v26;
	v22 =	vadd.f32 $3.333333430e-01, v22;
	(xrf0) =	vmax.scan.msk.f32 $0xffff, v23  }
0x465: {  	v3 =	vmul.f32 v9, v3;
	vm7 =	vgt.f32 v26, $1.414213540e+00;
	v59 =	vand.u32 $0x7FFFFF, v57  }
0x466: {  	v25 =	vsel vm7, v55, v26;
	v20 =	vmul.f32 v22, v45;
	v22 =	vor.u32 $0x3F800000, v59  }
0x467: {  	v16 =	vadd.f32 $-1.000000000e+00, v16;
	v30 =	vadd.f32 $1.000000000e+00, v25;
	v29 =	vmul.f32 $5.000000000e-01, v22  }
0x468: {  	v56 =	vsel vm7, $0x1, v0;
	v60 =	vadd.f32 v3, v4;
	vm7 =	vgt.f32 v22, $1.414213540e+00  }
0x469: {  	(erf) = vrcp.f32 v30;
	v61 =	vadd.f32 $1.000000010e-10, v11;
	v22 =	vsel vm7, v29, v22;
	v3 =	vpop (erf)  }
0x46a: {  	v13 =	vsel vm8, v28, v13;
	v20 =	vadd.f32 $1.000000000e+00, v20;
	v29 =	vadd.f32 $1.000000000e+00, v22;
	v4, _, _ =	vpop (xrf0)  }
0x46b: {  	v63 =	vand.u32 $0x7FFFFF, v61;
	v16 =	vmul.f32 v3, v16;
	v3 =	vbroadcast v4, $0xF  }
0x46c: {  	v13 =	vsel vm6, v62, v13;
	(erf) = vrcp.f32 v29;
	v29 =	vor.u32 $0x3F800000, v63  }
0x46d: {  	v13 =	vxor.u32 $0x80000000, v13;
	v32 =	vmul.f32 $5.000000000e-01, v29;
	vm6 =	veq.f32 v23, v3  }
0x46e: {  	v58 =	vmul.f32 v18, v18;
	v13 =	vnsel vm6, $0xFFFFFFFF, v13;
	vm6 =	vgt.f32 v29, $1.414213540e+00  }
0x46f: {  	v21 =	vcvt.s32.f32 v21;
	v15 =	vmul.f32 v20, v15;
	v20 =	vsel vm6, v32, v29;
	(xrf0) =	vmin.scan.msk.u32 $0xffff, v13  }
0x470: {  	v41 =	vshra.s32 v52, $0x17;
	v9 =	vmul.f32 $1.428571490e-01, v58;
	v35 =	vadd.f32 $1.000000000e+00, v20  }
0x471: {  	v21 =	vmul.f32 $6.931471820e-01, v21;
	v36 =	vadd.f32 $-1.000000000e+00, v25;
	v40 =	vadd.f32 v18, v18  }
0x472: {  	v18 =	vadd.s32 v56, v41;
	v9 =	vadd.f32 $2.000000030e-01, v9;
	v37 =	vpop (erf);
	(erf) = vrcp.f32 v35  }
0x473: {  	v47 =	vshra.s32 v57, $0x17;
	v48 =	vsel vm7, $0x1, v0;
	v33 =	vmul.f32 v16, v16  }
0x474: {  	v12 =	vadd.f32 v15, v12;
	v9 =	vmul.f32 v9, v58;
	v14 =	vmul.f32 v37, v36  }
0x475: {  	v43 =	vadd.f32 $-1.000000000e+00, v22;
	v15 =	vcvt.s32.f32 v39;
	v34 =	vmul.f32 $1.428571490e-01, v33;
	v44, _, _ =	vpop (xrf0)  }
0x476: {  	v9 =	vadd.f32 $3.333333430e-01, v9;
	v42 =	vmul.f32 v14, v14;
	(v2sf) =	vpush v44, $0xF  }
0x477: {  	v5 =	vmul.f32 v12, v5;
	v15 =	vmul.f32 $6.931471820e-01, v15;
	v38 =	vadd.f32 $2.000000030e-01, v34  }
0x478: {  	v22 =	vadd.s32 v48, v47;
	v9 =	vmul.f32 v9, v58;
	v45 =	vpop (erf);
	v46 =	vmul.f32 $1.428571490e-01, v42  }
0x479: {  	v22 =	vadd.s32 $0xFFFFFF81, v22;
	v13 =	vmul.f32 v38, v33;
	v17 =	vmul.f32 v45, v43  }
0x47a: {  	v57 =	vcvt.s32.f32 v22;
	v20 =	vadd.f32 $-1.000000000e+00, v20;
	v19 =	vadd.f32 $2.000000030e-01, v46  }
0x47b: {  	v9 =	vadd.f32 $1.000000000e+00, v9;
	v13 =	vadd.f32 $3.333333430e-01, v13;
	v51 =	vmul.f32 v17, v17;
	v50 =	vpop (erf)  }
0x47c: {  	v18 =	vadd.s32 $0xFFFFFF81, v18;
	v49 =	vmul.f32 v19, v42;
	v19 =	vmul.f32 v50, v20  }
0x47d: {  	v5 =	vadd.f32 v5, v60;
	v9 =	vmul.f32 v9, v40;
	v13 =	vmul.f32 v13, v33  }
0x47e: {  	v16 =	vadd.f32 v16, v16;
	v53 =	vmul.f32 $1.428571490e-01, v51;
	v54 =	vmul.f32 v19, v19  }
0x47f: {  	v59 =	vmul.f32 $6.931471820e-01, v57;
	v60 =	vshra.s32 v61, $0x17;
	v9 =	vadd.f32 v9, v15  }
0x480: {  	v13 =	vadd.f32 $1.000000000e+00, v13;
	v55 =	vadd.f32 $2.000000030e-01, v53;
	v56 =	vmul.f32 $1.428571490e-01, v54  }
0x481: {  	v61 =	vsel vm6, $0x1, v0;
	v6 =	vmul.f32 v9, v6;
	v52 =	vadd.f32 $3.333333430e-01, v49  }
0x482: {  	v9 =	vmul.f32 v13, v16;
	v13 =	vmul.f32 v55, v51;
	v15 =	vadd.f32 $2.000000030e-01, v56  }
0x483: {  	v5 =	vadd.f32 v6, v5;
	v6 =	vcvt.s32.f32 v18;
	v12 =	vmul.f32 v52, v42  }
0x484: {  	v17 =	vadd.f32 v17, v17;
	v13 =	vadd.f32 $3.333333430e-01, v13;
	v15 =	vmul.f32 v15, v54  }
0x485: {  	v58 =	vmul.f32 $6.931471820e-01, v6;
	v6 =	vadd.f32 v14, v14;
	v12 =	vadd.f32 $1.000000000e+00, v12;
	s17 =	spop (v2sf)  }
0x486: {  	v18 =	vadd.s32 v61, v60;
	v13 =	vmul.f32 v13, v51;
	v15 =	vadd.f32 $3.333333430e-01, v15;
	s0 =	sxor.u32 $0x80000000, s17  }
0x487: {  	v9 =	vadd.f32 v9, v21;
	v12 =	vmul.f32 v12, v6;
	v6 =	vmov s0  }
0x488: {  	v18 =	vadd.s32 $0xFFFFFF81, v18;
	v13 =	vadd.f32 $1.000000000e+00, v13;
	v15 =	vmul.f32 v15, v54  }
0x489: {  	v62 =	vcvt.s32.f32 v18;
	v8 =	vmul.f32 v9, v8;
	v9 =	vadd.f32 v12, v58  }
0x48a: {  	v63 =	vadd.f32 v19, v19;
	v13 =	vmul.f32 v13, v17;
	v15 =	vadd.f32 $1.000000000e+00, v15  }
0x48b: {  	s30 =	simm.s32 $0x1180;
	v8 =	vadd.f32 v8, v5;
	v5 =	vimm.f32 $-Inf;
	v7 =	vmul.f32 v9, v7  }
0x48c: {  	v16 =	vmul.f32 $6.931471820e-01, v62;
	v9 =	vadd.f32 v13, v59;
	v12 =	vmul.f32 v15, v63;
	[tilespmem:v6+s30+$0x0] =	vst.idx.msk $0x1, v5  }
0x48d: {  	v7 =	vadd.f32 v7, v8;
	v8 =	vld [tilespmem:s30+$0x0]  }
0x48e: {  	v9 =	vmul.f32 v9, v10;
	v10 =	vadd.f32 v12, v16;
	_ =	sdelay $0x1  }
0x48f: {  	s31 =	simm.s32 $0x0;
	v7 =	vadd.f32 v9, v7;
	v9 =	vmul.f32 v10, v11  }
0x490: {  	v11 =	vor.u32 s31, v1  }
0x491: {  	s3 =	simm.s32 $0x1190;
	s0 =	simm.s32 $0x10;
	v7 =	vadd.f32 v9, v7;
	v9 =	vimm.s32 $0x0;
	vm6 =	vgt.f32 v8, v5  }
.LBB2_41:
0x492: {  	p0 =	sne.s32 s0, $0x18690;
	v5 =	vsel vm6, v8, v5;
	v8 =	vld [tilespmem:s3+$0x0];
	v9 =	vsel vm6, v11, v9;
	s8 =	smov.u32 s0;
	s0 =	sadd.s32 $0x10, s0  }
.Ltmp22:
0x493: {  	(pc) =	sbr.rel @p0 .LBB2_41-.Ltmp22, $2  }
0x494: {  	_ =	sdelay $0x2  }
0x495: {  	s3 =	sadd.s32 $0x10, s3;
	v11 =	vor.u32 s8, v1;
	vm6 =	vgt.f32 v8, v5  }
0x496: {  	v8 =	vsel vm6, v8, v5  }
0x497: {  	(xrf0) =	vmax.scan.msk.f32 $0xffff, v8;
	_ =	sdelay $0x5  }
0x498: {  	v10, _, _ =	vpop (xrf0)  }
0x499: {  	v5 =	vbroadcast v10, $0xF  }
0x49a: {  	v9 =	vsel vm6, v11, v9  }
0x49b: {  	vm6 =	veq.f32 v8, v5;
	v8 =	vxor.u32 $0x80000000, v9  }
0x49c: {  	v8 =	vnsel vm6, $0xFFFFFFFF, v8  }
0x49d: {  	(xrf0) =	vmin.scan.msk.u32 $0xffff, v8;
	_ =	sdelay $0x5  }
0x49e: {  	v8, _, _ =	vpop (xrf0)  }
0x49f: {  	(v2sf) =	vpush v8, $0xF;
	_ =	sdelay $0xe  }
0x4a0: {  	s0 =	spop (v2sf)  }
0x4a1: {  	s0 =	sxor.u32 $0x80000000, s0  }
0x4a2: {  	v9 =	vmov s0;
	_ =	sdelay $0x3  }
0x4a3: {  	s31 =	simm.s32 $0x1180;
	v8 =	vimm.f32 $-Inf  }
0x4a4: {  	[tilespmem:v9+s31+$0x0] =	vst.idx.msk $0x1, v8  }
0x4a5: {  	v12 =	vld [tilespmem:s31+$0x0];
	_ =	sdelay $0x3  }
0x4a6: {  	s3 =	simm.s32 $0x0  }
0x4a7: {  	v11 =	vimm.s32 $0x0;
	v14 =	vor.u32 s3, v1;
	s3 =	simm.s32 $0x1190;
	s0 =	simm.s32 $0x10;
	vm6 =	vgt.f32 v12, v8  }
.LBB2_43:
0x4a8: {  	p0 =	sne.s32 s0, $0x18690;
	v8 =	vsel vm6, v12, v8;
	v12 =	vld [tilespmem:s3+$0x0];
	v11 =	vsel vm6, v14, v11;
	s8 =	smov.u32 s0;
	s0 =	sadd.s32 $0x10, s0  }
.Ltmp23:
0x4a9: {  	(pc) =	sbr.rel @p0 .LBB2_43-.Ltmp23, $2  }
0x4aa: {  	_ =	sdelay $0x2  }
0x4ab: {  	s3 =	sadd.s32 $0x10, s3;
	v14 =	vor.u32 s8, v1;
	vm6 =	vgt.f32 v12, v8  }
0x4ac: {  	v12 =	vsel vm6, v12, v8  }
0x4ad: {  	(xrf0) =	vmax.scan.msk.f32 $0xffff, v12;
	_ =	sdelay $0x5  }
0x4ae: {  	v13, _, _ =	vpop (xrf0)  }
0x4af: {  	v8 =	vbroadcast v13, $0xF  }
0x4b0: {  	v11 =	vsel vm6, v14, v11  }
0x4b1: {  	v11 =	vxor.u32 $0x80000000, v11;
	vm6 =	veq.f32 v12, v8  }
0x4b2: {  	v11 =	vnsel vm6, $0xFFFFFFFF, v11  }
0x4b3: {  	(xrf0) =	vmin.scan.msk.u32 $0xffff, v11;
	_ =	sdelay $0x5  }
0x4b4: {  	v11, _, _ =	vpop (xrf0)  }
0x4b5: {  	(v2sf) =	vpush v11, $0xF;
	_ =	sdelay $0xe  }
0x4b6: {  	s0 =	spop (v2sf)  }
0x4b7: {  	s0 =	sxor.u32 $0x80000000, s0  }
0x4b8: {  	v12 =	vmov s0;
	_ =	sdelay $0x3  }
0x4b9: {  	s31 =	simm.s32 $0x1180;
	v11 =	vimm.f32 $-Inf  }
0x4ba: {  	[tilespmem:v12+s31+$0x0] =	vst.idx.msk $0x1, v11  }
0x4bb: {  	v15 =	vld [tilespmem:s31+$0x0];
	_ =	sdelay $0x3  }
0x4bc: {  	s3 =	simm.s32 $0x0  }
0x4bd: {  	v14 =	vimm.s32 $0x0;
	v16 =	vor.u32 s3, v1;
	s3 =	simm.s32 $0x1190;
	s0 =	simm.s32 $0x10;
	vm6 =	vgt.f32 v15, v11  }
.LBB2_45:
0x4be: {  	p0 =	sne.s32 s0, $0x18690;
	v11 =	vsel vm6, v15, v11;
	v15 =	vld [tilespmem:s3+$0x0];
	v14 =	vsel vm6, v16, v14;
	s8 =	smov.u32 s0;
	s0 =	sadd.s32 $0x10, s0  }
.Ltmp24:
0x4bf: {  	(pc) =	sbr.rel @p0 .LBB2_45-.Ltmp24, $2  }
0x4c0: {  	_ =	sdelay $0x2  }
0x4c1: {  	s3 =	sadd.s32 $0x10, s3;
	v16 =	vor.u32 s8, v1;
	vm6 =	vgt.f32 v15, v11  }
0x4c2: {  	v17 =	vsel vm6, v15, v11  }
0x4c3: {  	(xrf0) =	vmax.scan.msk.f32 $0xffff, v17;
	_ =	sdelay $0x5  }
0x4c4: {  	v15, _, _ =	vpop (xrf0)  }
0x4c5: {  	v11 =	vbroadcast v15, $0xF  }
0x4c6: {  	v14 =	vsel vm6, v16, v14  }
0x4c7: {  	v14 =	vxor.u32 $0x80000000, v14;
	vm6 =	veq.f32 v17, v11  }
0x4c8: {  	v14 =	vnsel vm6, $0xFFFFFFFF, v14  }
0x4c9: {  	(xrf0) =	vmin.scan.msk.u32 $0xffff, v14;
	_ =	sdelay $0x5  }
0x4ca: {  	v14, _, _ =	vpop (xrf0)  }
0x4cb: {  	(v2sf) =	vpush v14, $0xF;
	_ =	sdelay $0xe  }
0x4cc: {  	s0 =	spop (v2sf)  }
0x4cd: {  	s0 =	sxor.u32 $0x80000000, s0  }
0x4ce: {  	v14 =	vmov s0;
	_ =	sdelay $0x3  }
0x4cf: {  	v16 =	vimm.f32 $-Inf;
	s31 =	simm.s32 $0x1180  }
0x4d0: {  	[tilespmem:v14+s31+$0x0] =	vst.idx.msk $0x1, v16  }
0x4d1: {  	v18 =	vld [tilespmem:s31+$0x0];
	_ =	sdelay $0x3  }
0x4d2: {  	s3 =	simm.s32 $0x0  }
0x4d3: {  	v19 =	vor.u32 s3, v1;
	s3 =	simm.s32 $0x1190;
	v17 =	vimm.s32 $0x0;
	s0 =	simm.s32 $0x10;
	vm6 =	vgt.f32 v18, v16  }
.LBB2_47:
0x4d4: {  	p0 =	sne.s32 s0, $0x18690;
	v16 =	vsel vm6, v18, v16;
	v18 =	vld [tilespmem:s3+$0x0];
	v17 =	vsel vm6, v19, v17;
	s8 =	smov.u32 s0;
	s0 =	sadd.s32 $0x10, s0  }
.Ltmp25:
0x4d5: {  	(pc) =	sbr.rel @p0 .LBB2_47-.Ltmp25, $2  }
0x4d6: {  	_ =	sdelay $0x2  }
0x4d7: {  	s3 =	sadd.s32 $0x10, s3;
	v19 =	vor.u32 s8, v1;
	vm6 =	vgt.f32 v18, v16  }
.Ltmp26:
0x4d8: {  	_ = 	snop;
	(pc) =	sbr.rel .LBB2_48-.Ltmp26, $1  }
0x4d9: {  	_ =	sdelay $0x3  }
.LBB2_50:
0x4da: {  	_ =	sfence.sel $0x180000  }
0x4db: {  	[bflag:$0x0] =	sbarrier.arrive $0xFFFF  }
0x4dc: {  	_ =	strace $0x90000047  }
0x4dd: {  	s0 =	stileid.u32;
	[bflag:$0x2] =	sbarrier.arrive $0xFFFF  }
0x4de: {  	p0 =	sne.s32 s0, $0x0;
	s0 =	rddreg [dreg:$0x4]  }
0x4df: {  	s0 =	sadd.s32 @!p0 $0x100000, s0  }
0x4e0: {  	[sflag:s0] =	ssyncadd.tile.s32 @!p0 $0x1;
	_ =	shalt  }
.Lfunc_end2:
_tile_overlayer_lowered:
.L_overlay_start_2:
0x4e1: {  	(tag) =	ssettag $0x2  }
0x4e2: {  	s0 =	rddreg [dreg:$0x0];
	s2 =	stileid.u32  }
0x4e3: {  	s1 =	rddreg [dreg:$0x1];
	p0 =	sne.s32 s2, $0x0  }
0x4e4: {  	s3 =	rddreg [dreg:$0x2];
	[bflag:$0x3] =	sbarrier.arrive $0xFFFF;
	s2 =	simm.s32 @!p0 $0x1C02  }
0x4e5: {  	[timem:s3], [sflag:s2] =	dma.local @!p0 [hbm:s0], s1  }
0x4e6: {  	s0 =	simm.s32 @!p0 $0x2  }
0x4e7: {  	_ =	swait.ge @!p0 [sflag:s0], s1  }
0x4e8: {  	s1 =	ssub.s32 @!p0 $0x0, s1;
	[sflag:s0] =	ssyncset.done @!p0 $0x0  }
0x4e9: {  	[sflag:s0] =	ssyncadd.s32 @!p0 s1  }
0x4ea: {  	[bflag:$0x3] =	sbarrier.arrive $0xFFFF  }
0x4eb: {  	_ =	shalt  }

</sc_bundles>
